<compile_context>
chip_gen: v7x
topology: tpu7x:2x2x1
jax: 0.10.2.dev20260603
libtpu: 0.0.44.dev20260713+nightly
codegen_flags: <defaults>
</compile_context>

<pallas_src>
import functools

import jax
import jax.numpy as jnp
from jax import lax
from jax.experimental import pallas as pl
from jax.experimental.pallas import tpu as pltpu
from jax.experimental.pallas import tpu_sc as plsc

B = 16384
K = 64
GAMMA = 1.0
NC, NS = 2, 16
NW = NC * NS
CH = B // NW
GCH = 128
NG = CH // GCH
L = 16


def _rsqrt16(x):
    xc = jnp.maximum(x, jnp.float32(1e-30))
    i = plsc.bitcast(xc, jnp.int32)
    i = jnp.int32(0x5F3759DF) - (i >> 1)
    y = plsc.bitcast(i, jnp.float32)
    half = jnp.float32(0.5) * xc
    for _ in range(3):
        y = y * (jnp.float32(1.5) - half * y * y)
    return y


def _make_kernel():
    mesh = plsc.VectorSubcoreMesh(core_axis_name="c", subcore_axis_name="s")
    f32 = jnp.float32

    @functools.partial(
        pl.kernel,
        mesh=mesh,
        compiler_params=pltpu.CompilerParams(
            needs_layout_passes=False, use_tc_tiling_on_sc=False),
        out_type=[
            jax.ShapeDtypeStruct((B,), f32),
            jax.ShapeDtypeStruct((B,), f32),
            jax.ShapeDtypeStruct((B,), f32),
        ],
        scratch_types=[
            pltpu.VMEM((NG, GCH), jnp.int32),
            pltpu.VMEM((NG, GCH), jnp.int32),
            pltpu.VMEM((NG, GCH), jnp.int32),
            pltpu.VMEM((CH, K), f32),
            pltpu.VMEM((CH, K), f32),
            pltpu.VMEM((CH, K), f32),
            pltpu.VMEM((L * L,), f32),
            pltpu.VMEM((CH,), f32),
            pltpu.VMEM((CH,), f32),
            pltpu.VMEM((CH,), f32),
            pltpu.SemaphoreType.DMA,
            pltpu.SemaphoreType.DMA,
            pltpu.SemaphoreType.DMA,
        ],
    )
    def trans_e(h_hbm, l_hbm, t_hbm, ent_hbm, rel_hbm,
                loss_hbm, dtr_hbm, dco_hbm,
                idx_h, idx_l, idx_t, rows_h, rows_l, rows_t,
                tbuf, dist_tr, dist_co, loss_v, sem_h, sem_l, sem_t):
        wid = lax.axis_index("s") * NC + lax.axis_index("c")
        iota = lax.iota(jnp.int32, L)

        def one_batch(batch, dist_out):
            irow = batch * (B // GCH) + wid * NG
            pltpu.sync_copy(h_hbm.at[pl.ds(irow, NG)], idx_h)
            pltpu.sync_copy(l_hbm.at[pl.ds(irow, NG)], idx_l)
            pltpu.sync_copy(t_hbm.at[pl.ds(irow, NG)], idx_t)
            copies = []
            for j in range(NG):
                sl = pl.ds(j * GCH, GCH)
                copies.append(pltpu.async_copy(
                    ent_hbm.at[idx_h.at[j]], rows_h.at[sl], sem_h))
                copies.append(pltpu.async_copy(
                    rel_hbm.at[idx_l.at[j]], rows_l.at[sl], sem_l))
                copies.append(pltpu.async_copy(
                    ent_hbm.at[idx_t.at[j]], rows_t.at[sl], sem_t))
            for c in copies:
                c.wait()

            def group(g, _):
                base = g * L
                for j in range(L):
                    row = base + j
                    acc = None
                    for c in range(K // L):
                        cs = pl.ds(c * L, L)
                        d = rows_h[row, cs] + rows_l[row, cs] - rows_t[row, cs]
                        sq = d * d
                        acc = sq if acc is None else acc + sq
                    tbuf[pl.ds(j * L, L)] = acc
                s = None
                for c in range(L):
                    col = plsc.load_gather(tbuf, [iota * L + c])
                    s = col if s is None else s + col
                dist_out[pl.ds(base, L)] = s * _rsqrt16(s)
                return 0

            lax.fori_loop(0, CH // L, group, 0)

        one_batch(0, dist_tr)
        one_batch(1, dist_co)

        def loss_group(g, _):
            sl = pl.ds(g * L, L)
            loss_v[sl] = jnp.maximum(
                jnp.float32(0.0), dist_tr[sl] - dist_co[sl] + jnp.float32(GAMMA))
            return 0

        lax.fori_loop(0, CH // L, loss_group, 0)

        out = pl.ds(wid * CH, CH)
        pltpu.sync_copy(loss_v, loss_hbm.at[out])
        pltpu.sync_copy(dist_tr, dtr_hbm.at[out])
        pltpu.sync_copy(dist_co, dco_hbm.at[out])

    return trans_e


_TRANS_E = _make_kernel()


@jax.jit
def kernel(training_triplets, corrupted_triplets, entities_embedding,
           relations_embedding):
    cols = []
    for c in range(3):
        col = jnp.concatenate(
            [training_triplets[:, c], corrupted_triplets[:, c]])
        cols.append(col.reshape(2 * B // GCH, GCH))
    h_idx, l_idx, t_idx = cols
    loss, dist_tr, dist_co = _TRANS_E(
        h_idx, l_idx, t_idx, entities_embedding, relations_embedding)
    return (loss, dist_tr, dist_co)

# --- scband reference (transcript-rebuilt; emitter-appended) ---
"""Pipeline reference for scband-trans-e-85349590106423 (READ-ONLY COPY).

The authoritative reference and input builder live on the scoring server;
editing this copy changes nothing except your own understanding.
"""

import jax, jax.numpy as jnp
import numpy as np

NUM_ENTITIES = 1000000
NUM_RELATIONS = 1000000
K = 64
P = 2
GAMMA = 1.0
B = 16384


def setup_inputs(seed: int = 0) -> dict:
    key = jax.random.key(seed)
    k1, k2, k3, k4 = jax.random.split(key, 4)
    unif_range = 6.0 / np.sqrt(K)
    relations_embedding = jax.random.uniform(
        k1, (NUM_RELATIONS, K), minval=-unif_range, maxval=unif_range, dtype=jnp.float32
    )
    relations_embedding = relations_embedding / jnp.linalg.norm(
        relations_embedding, axis=1, keepdims=True
    )
    entities_embedding = jax.random.uniform(
        k2, (NUM_ENTITIES, K), minval=-unif_range, maxval=unif_range, dtype=jnp.float32
    )
    training_triplets = jax.random.randint(k3, (B, 3), 0, NUM_ENTITIES, dtype=jnp.int32)
    corrupted_triplets = jax.random.randint(k4, (B, 3), 0, NUM_ENTITIES, dtype=jnp.int32)
    return {
        "training_triplets": training_triplets,
        "corrupted_triplets": corrupted_triplets,
        "entities_embedding": entities_embedding,
        "relations_embedding": relations_embedding,
    }


def reference(training_triplets, corrupted_triplets, entities_embedding, relations_embedding):
    def interaction(triplets):
        h = triplets[:, 0]
        l = triplets[:, 1]
        t = triplets[:, 2]
        d = (
            jnp.take(entities_embedding, h, axis=0)
            + jnp.take(relations_embedding, l, axis=0)
            - jnp.take(entities_embedding, t, axis=0)
        )
        return jnp.linalg.norm(d, ord=P, axis=1)

    training_distances = interaction(training_triplets)
    corrupted_distances = interaction(corrupted_triplets)
    # MarginRankingLoss with target=-1, reduction='none':
    # loss = max(0, -y*(x1-x2) + margin) = max(0, (x1-x2) + gamma)
    loss = jnp.maximum(0.0, (training_distances - corrupted_distances) + GAMMA)
    return (loss, training_distances, corrupted_distances)

if __name__ == "__main__":
    import jax
    _d = setup_inputs()
    print(jax.jit(kernel)(*tuple(_d.values())))

</pallas_src>

<mosaic_0001>
#map = affine_map<(d0, d1) -> (0, 0)>
#map1 = affine_map<(d0, d1) -> (0)>
module attributes {stable_mosaic.version = 14 : i64} {
  func.func @trans_e(%arg0: i32, %arg1: i32, %arg2: memref<256x128xi32, #tpu.memory_space<hbm>>, %arg3: memref<256x128xi32, #tpu.memory_space<hbm>>, %arg4: memref<256x128xi32, #tpu.memory_space<hbm>>, %arg5: memref<1000000x64xf32, #tpu.memory_space<hbm>>, %arg6: memref<1000000x64xf32, #tpu.memory_space<hbm>>, %arg7: memref<16384xf32, #tpu.memory_space<hbm>>, %arg8: memref<16384xf32, #tpu.memory_space<hbm>>, %arg9: memref<16384xf32, #tpu.memory_space<hbm>>, %arg10: memref<4x128xi32, #tpu.memory_space<vmem>>, %arg11: memref<4x128xi32, #tpu.memory_space<vmem>>, %arg12: memref<4x128xi32, #tpu.memory_space<vmem>>, %arg13: memref<512x64xf32, #tpu.memory_space<vmem>>, %arg14: memref<512x64xf32, #tpu.memory_space<vmem>>, %arg15: memref<512x64xf32, #tpu.memory_space<vmem>>, %arg16: memref<256xf32, #tpu.memory_space<vmem>>, %arg17: memref<512xf32, #tpu.memory_space<vmem>>, %arg18: memref<512xf32, #tpu.memory_space<vmem>>, %arg19: memref<512xf32, #tpu.memory_space<vmem>>, %arg20: memref<!tpu.dma_semaphore, #tpu.memory_space<semaphore_mem>>, %arg21: memref<!tpu.dma_semaphore, #tpu.memory_space<semaphore_mem>>, %arg22: memref<!tpu.dma_semaphore, #tpu.memory_space<semaphore_mem>>) attributes {dimension_semantics = [#tpu.dimension_semantics<core_parallel>, #tpu.dimension_semantics<subcore_parallel>], iteration_bounds = array<i64: 2, 16>, scalar_prefetch = 0 : i64, scratch_operands = 13 : i64, tpu.core_type = #tpu.core_type<sc_vector_subcore>, window_params = [{transform_indices = #map}, {transform_indices = #map}, {transform_indices = #map}, {transform_indices = #map}, {transform_indices = #map}, {transform_indices = #map1}, {transform_indices = #map1}, {transform_indices = #map1}]} {
    %mul3A = arith.constant 2 : i32
    %mul3A_0 = arith.muli %arg1, %mul3A : i32
    %add3A = arith.addi %mul3A_0, %arg0 : i32
    %iota3A = tpu.iota {dimensions = array<i32: 0>} : vector<16xi32>
    %mul3A_1 = arith.constant 4 : i32
    %mul3A_2 = arith.muli %add3A, %mul3A_1 : i32
    %add3A_3 = arith.constant 0 : i32
    %add3A_4 = arith.addi %add3A_3, %mul3A_2 : i32
    "tpu.region"() ({
      %run_scoped3A = tpu.sem_alloc : memref<!tpu.dma_semaphore, #tpu.memory_space<semaphore_mem>>
      %dma_start3A_509 = arith.constant 0 : i32
      %dma_start3A_510 = tpu.memref_slice %arg2[%add3A_4, %dma_start3A_509] : memref<256x128xi32, #tpu.memory_space<hbm>> -> memref<4x128xi32, #tpu.memory_space<hbm>>
      %dma_start3A_511 = arith.constant 0 : i32
      %dma_start3A_512 = tpu.memref_slice %arg2[%add3A_4, %dma_start3A_511] : memref<256x128xi32, #tpu.memory_space<hbm>> -> memref<4x128xi32, #tpu.memory_space<hbm>>
      tpu.enqueue_dma source(%dma_start3A_512 : memref<4x128xi32, #tpu.memory_space<hbm>>) target(%arg10 : memref<4x128xi32, #tpu.memory_space<vmem>>) target_semaphore(%run_scoped3A : memref<!tpu.dma_semaphore, #tpu.memory_space<semaphore_mem>>)
      %dma_wait3A_513 = arith.constant 0 : i32
      %dma_wait3A_514 = tpu.memref_slice %arg2[%add3A_4, %dma_wait3A_513] : memref<256x128xi32, #tpu.memory_space<hbm>> -> memref<4x128xi32, #tpu.memory_space<hbm>>
      %dma_wait3A_515 = arith.constant 0 : i32
      %dma_wait3A_516 = tpu.memref_slice %arg2[%add3A_4, %dma_wait3A_515] : memref<256x128xi32, #tpu.memory_space<hbm>> -> memref<4x128xi32, #tpu.memory_space<hbm>>
      tpu.wait_dma2 semaphore(%run_scoped3A : memref<!tpu.dma_semaphore, #tpu.memory_space<semaphore_mem>>) src(%dma_wait3A_516 : memref<4x128xi32, #tpu.memory_space<hbm>>) dst(%arg10 : memref<4x128xi32, #tpu.memory_space<vmem>>)
      tpu.yield
    }) : () -> ()
    "tpu.region"() ({
      %run_scoped3A = tpu.sem_alloc : memref<!tpu.dma_semaphore, #tpu.memory_space<semaphore_mem>>
      %dma_start3A_509 = arith.constant 0 : i32
      %dma_start3A_510 = tpu.memref_slice %arg3[%add3A_4, %dma_start3A_509] : memref<256x128xi32, #tpu.memory_space<hbm>> -> memref<4x128xi32, #tpu.memory_space<hbm>>
      %dma_start3A_511 = arith.constant 0 : i32
      %dma_start3A_512 = tpu.memref_slice %arg3[%add3A_4, %dma_start3A_511] : memref<256x128xi32, #tpu.memory_space<hbm>> -> memref<4x128xi32, #tpu.memory_space<hbm>>
      tpu.enqueue_dma source(%dma_start3A_512 : memref<4x128xi32, #tpu.memory_space<hbm>>) target(%arg11 : memref<4x128xi32, #tpu.memory_space<vmem>>) target_semaphore(%run_scoped3A : memref<!tpu.dma_semaphore, #tpu.memory_space<semaphore_mem>>)
      %dma_wait3A_513 = arith.constant 0 : i32
      %dma_wait3A_514 = tpu.memref_slice %arg3[%add3A_4, %dma_wait3A_513] : memref<256x128xi32, #tpu.memory_space<hbm>> -> memref<4x128xi32, #tpu.memory_space<hbm>>
      %dma_wait3A_515 = arith.constant 0 : i32
      %dma_wait3A_516 = tpu.memref_slice %arg3[%add3A_4, %dma_wait3A_515] : memref<256x128xi32, #tpu.memory_space<hbm>> -> memref<4x128xi32, #tpu.memory_space<hbm>>
      tpu.wait_dma2 semaphore(%run_scoped3A : memref<!tpu.dma_semaphore, #tpu.memory_space<semaphore_mem>>) src(%dma_wait3A_516 : memref<4x128xi32, #tpu.memory_space<hbm>>) dst(%arg11 : memref<4x128xi32, #tpu.memory_space<vmem>>)
      tpu.yield
    }) : () -> ()
    "tpu.region"() ({
      %run_scoped3A = tpu.sem_alloc : memref<!tpu.dma_semaphore, #tpu.memory_space<semaphore_mem>>
      %dma_start3A_509 = arith.constant 0 : i32
      %dma_start3A_510 = tpu.memref_slice %arg4[%add3A_4, %dma_start3A_509] : memref<256x128xi32, #tpu.memory_space<hbm>> -> memref<4x128xi32, #tpu.memory_space<hbm>>
      %dma_start3A_511 = arith.constant 0 : i32
      %dma_start3A_512 = tpu.memref_slice %arg4[%add3A_4, %dma_start3A_511] : memref<256x128xi32, #tpu.memory_space<hbm>> -> memref<4x128xi32, #tpu.memory_space<hbm>>
      tpu.enqueue_dma source(%dma_start3A_512 : memref<4x128xi32, #tpu.memory_space<hbm>>) target(%arg12 : memref<4x128xi32, #tpu.memory_space<vmem>>) target_semaphore(%run_scoped3A : memref<!tpu.dma_semaphore, #tpu.memory_space<semaphore_mem>>)
      %dma_wait3A_513 = arith.constant 0 : i32
      %dma_wait3A_514 = tpu.memref_slice %arg4[%add3A_4, %dma_wait3A_513] : memref<256x128xi32, #tpu.memory_space<hbm>> -> memref<4x128xi32, #tpu.memory_space<hbm>>
      %dma_wait3A_515 = arith.constant 0 : i32
      %dma_wait3A_516 = tpu.memref_slice %arg4[%add3A_4, %dma_wait3A_515] : memref<256x128xi32, #tpu.memory_space<hbm>> -> memref<4x128xi32, #tpu.memory_space<hbm>>
      tpu.wait_dma2 semaphore(%run_scoped3A : memref<!tpu.dma_semaphore, #tpu.memory_space<semaphore_mem>>) src(%dma_wait3A_516 : memref<4x128xi32, #tpu.memory_space<hbm>>) dst(%arg12 : memref<4x128xi32, #tpu.memory_space<vmem>>)
      tpu.yield
    }) : () -> ()
    %dma_start3A = arith.constant 0 : i32
    %dma_start3A_5 = arith.constant 0 : i32
    %dma_start3A_6 = arith.constant 0 : i32
    %dma_start3A_7 = tpu.memref_slice %arg13[%dma_start3A_5, %dma_start3A_6] : memref<512x64xf32, #tpu.memory_space<vmem>> -> memref<128x64xf32, #tpu.memory_space<vmem>>
    %dma_start3A_8 = arith.constant 0 : i32
    %dma_start3A_9 = tpu.memref_slice %arg10[%dma_start3A, %dma_start3A_8] : memref<4x128xi32, #tpu.memory_space<vmem>> -> memref<1x128xi32, #tpu.memory_space<vmem>>
    %dma_start3A_10 = tpu.memref_squeeze %dma_start3A_9 : memref<1x128xi32, #tpu.memory_space<vmem>> -> memref<128xi32, #tpu.memory_space<vmem>>
    %dma_start3A_11 = arith.constant 0 : i32
    %dma_start3A_12 = arith.constant 0 : i32
    %dma_start3A_13 = tpu.memref_slice %arg5[%dma_start3A_11, %dma_start3A_12] : memref<1000000x64xf32, #tpu.memory_space<hbm>> -> memref<1000000x64xf32, #tpu.memory_space<hbm>>
    tpu.enqueue_indirect_dma source(%dma_start3A_13 : memref<1000000x64xf32, #tpu.memory_space<hbm>>) target(%dma_start3A_7 : memref<128x64xf32, #tpu.memory_space<vmem>>) offsets(%dma_start3A_10 : memref<128xi32, #tpu.memory_space<vmem>>) semaphore(%arg20 : memref<!tpu.dma_semaphore, #tpu.memory_space<semaphore_mem>>)
    %dma_start3A_14 = arith.constant 0 : i32
    %dma_start3A_15 = arith.constant 0 : i32
    %dma_start3A_16 = arith.constant 0 : i32
    %dma_start3A_17 = tpu.memref_slice %arg14[%dma_start3A_15, %dma_start3A_16] : memref<512x64xf32, #tpu.memory_space<vmem>> -> memref<128x64xf32, #tpu.memory_space<vmem>>
    %dma_start3A_18 = arith.constant 0 : i32
    %dma_start3A_19 = tpu.memref_slice %arg11[%dma_start3A_14, %dma_start3A_18] : memref<4x128xi32, #tpu.memory_space<vmem>> -> memref<1x128xi32, #tpu.memory_space<vmem>>
    %dma_start3A_20 = tpu.memref_squeeze %dma_start3A_19 : memref<1x128xi32, #tpu.memory_space<vmem>> -> memref<128xi32, #tpu.memory_space<vmem>>
    %dma_start3A_21 = arith.constant 0 : i32
    %dma_start3A_22 = arith.constant 0 : i32
    %dma_start3A_23 = tpu.memref_slice %arg6[%dma_start3A_21, %dma_start3A_22] : memref<1000000x64xf32, #tpu.memory_space<hbm>> -> memref<1000000x64xf32, #tpu.memory_space<hbm>>
    tpu.enqueue_indirect_dma source(%dma_start3A_23 : memref<1000000x64xf32, #tpu.memory_space<hbm>>) target(%dma_start3A_17 : memref<128x64xf32, #tpu.memory_space<vmem>>) offsets(%dma_start3A_20 : memref<128xi32, #tpu.memory_space<vmem>>) semaphore(%arg21 : memref<!tpu.dma_semaphore, #tpu.memory_space<semaphore_mem>>)
    %dma_start3A_24 = arith.constant 0 : i32
    %dma_start3A_25 = arith.constant 0 : i32
    %dma_start3A_26 = arith.constant 0 : i32
    %dma_start3A_27 = tpu.memref_slice %arg15[%dma_start3A_25, %dma_start3A_26] : memref<512x64xf32, #tpu.memory_space<vmem>> -> memref<128x64xf32, #tpu.memory_space<vmem>>
    %dma_start3A_28 = arith.constant 0 : i32
    %dma_start3A_29 = tpu.memref_slice %arg12[%dma_start3A_24, %dma_start3A_28] : memref<4x128xi32, #tpu.memory_space<vmem>> -> memref<1x128xi32, #tpu.memory_space<vmem>>
    %dma_start3A_30 = tpu.memref_squeeze %dma_start3A_29 : memref<1x128xi32, #tpu.memory_space<vmem>> -> memref<128xi32, #tpu.memory_space<vmem>>
    %dma_start3A_31 = arith.constant 0 : i32
    %dma_start3A_32 = arith.constant 0 : i32
    %dma_start3A_33 = tpu.memref_slice %arg5[%dma_start3A_31, %dma_start3A_32] : memref<1000000x64xf32, #tpu.memory_space<hbm>> -> memref<1000000x64xf32, #tpu.memory_space<hbm>>
    tpu.enqueue_indirect_dma source(%dma_start3A_33 : memref<1000000x64xf32, #tpu.memory_space<hbm>>) target(%dma_start3A_27 : memref<128x64xf32, #tpu.memory_space<vmem>>) offsets(%dma_start3A_30 : memref<128xi32, #tpu.memory_space<vmem>>) semaphore(%arg22 : memref<!tpu.dma_semaphore, #tpu.memory_space<semaphore_mem>>)
    %dma_start3A_34 = arith.constant 1 : i32
    %dma_start3A_35 = arith.constant 128 : i32
    %dma_start3A_36 = arith.constant 0 : i32
    %dma_start3A_37 = tpu.memref_slice %arg13[%dma_start3A_35, %dma_start3A_36] : memref<512x64xf32, #tpu.memory_space<vmem>> -> memref<128x64xf32, #tpu.memory_space<vmem>>
    %dma_start3A_38 = arith.constant 0 : i32
    %dma_start3A_39 = tpu.memref_slice %arg10[%dma_start3A_34, %dma_start3A_38] : memref<4x128xi32, #tpu.memory_space<vmem>> -> memref<1x128xi32, #tpu.memory_space<vmem>>
    %dma_start3A_40 = tpu.memref_squeeze %dma_start3A_39 : memref<1x128xi32, #tpu.memory_space<vmem>> -> memref<128xi32, #tpu.memory_space<vmem>>
    %dma_start3A_41 = arith.constant 0 : i32
    %dma_start3A_42 = arith.constant 0 : i32
    %dma_start3A_43 = tpu.memref_slice %arg5[%dma_start3A_41, %dma_start3A_42] : memref<1000000x64xf32, #tpu.memory_space<hbm>> -> memref<1000000x64xf32, #tpu.memory_space<hbm>>
    tpu.enqueue_indirect_dma source(%dma_start3A_43 : memref<1000000x64xf32, #tpu.memory_space<hbm>>) target(%dma_start3A_37 : memref<128x64xf32, #tpu.memory_space<vmem>>) offsets(%dma_start3A_40 : memref<128xi32, #tpu.memory_space<vmem>>) semaphore(%arg20 : memref<!tpu.dma_semaphore, #tpu.memory_space<semaphore_mem>>)
    %dma_start3A_44 = arith.constant 1 : i32
    %dma_start3A_45 = arith.constant 128 : i32
    %dma_start3A_46 = arith.constant 0 : i32
    %dma_start3A_47 = tpu.memref_slice %arg14[%dma_start3A_45, %dma_start3A_46] : memref<512x64xf32, #tpu.memory_space<vmem>> -> memref<128x64xf32, #tpu.memory_space<vmem>>
    %dma_start3A_48 = arith.constant 0 : i32
    %dma_start3A_49 = tpu.memref_slice %arg11[%dma_start3A_44, %dma_start3A_48] : memref<4x128xi32, #tpu.memory_space<vmem>> -> memref<1x128xi32, #tpu.memory_space<vmem>>
    %dma_start3A_50 = tpu.memref_squeeze %dma_start3A_49 : memref<1x128xi32, #tpu.memory_space<vmem>> -> memref<128xi32, #tpu.memory_space<vmem>>
    %dma_start3A_51 = arith.constant 0 : i32
    %dma_start3A_52 = arith.constant 0 : i32
    %dma_start3A_53 = tpu.memref_slice %arg6[%dma_start3A_51, %dma_start3A_52] : memref<1000000x64xf32, #tpu.memory_space<hbm>> -> memref<1000000x64xf32, #tpu.memory_space<hbm>>
    tpu.enqueue_indirect_dma source(%dma_start3A_53 : memref<1000000x64xf32, #tpu.memory_space<hbm>>) target(%dma_start3A_47 : memref<128x64xf32, #tpu.memory_space<vmem>>) offsets(%dma_start3A_50 : memref<128xi32, #tpu.memory_space<vmem>>) semaphore(%arg21 : memref<!tpu.dma_semaphore, #tpu.memory_space<semaphore_mem>>)
    %dma_start3A_54 = arith.constant 1 : i32
    %dma_start3A_55 = arith.constant 128 : i32
    %dma_start3A_56 = arith.constant 0 : i32
    %dma_start3A_57 = tpu.memref_slice %arg15[%dma_start3A_55, %dma_start3A_56] : memref<512x64xf32, #tpu.memory_space<vmem>> -> memref<128x64xf32, #tpu.memory_space<vmem>>
    %dma_start3A_58 = arith.constant 0 : i32
    %dma_start3A_59 = tpu.memref_slice %arg12[%dma_start3A_54, %dma_start3A_58] : memref<4x128xi32, #tpu.memory_space<vmem>> -> memref<1x128xi32, #tpu.memory_space<vmem>>
    %dma_start3A_60 = tpu.memref_squeeze %dma_start3A_59 : memref<1x128xi32, #tpu.memory_space<vmem>> -> memref<128xi32, #tpu.memory_space<vmem>>
    %dma_start3A_61 = arith.constant 0 : i32
    %dma_start3A_62 = arith.constant 0 : i32
    %dma_start3A_63 = tpu.memref_slice %arg5[%dma_start3A_61, %dma_start3A_62] : memref<1000000x64xf32, #tpu.memory_space<hbm>> -> memref<1000000x64xf32, #tpu.memory_space<hbm>>
    tpu.enqueue_indirect_dma source(%dma_start3A_63 : memref<1000000x64xf32, #tpu.memory_space<hbm>>) target(%dma_start3A_57 : memref<128x64xf32, #tpu.memory_space<vmem>>) offsets(%dma_start3A_60 : memref<128xi32, #tpu.memory_space<vmem>>) semaphore(%arg22 : memref<!tpu.dma_semaphore, #tpu.memory_space<semaphore_mem>>)
    %dma_start3A_64 = arith.constant 2 : i32
    %dma_start3A_65 = arith.constant 256 : i32
    %dma_start3A_66 = arith.constant 0 : i32
    %dma_start3A_67 = tpu.memref_slice %arg13[%dma_start3A_65, %dma_start3A_66] : memref<512x64xf32, #tpu.memory_space<vmem>> -> memref<128x64xf32, #tpu.memory_space<vmem>>
    %dma_start3A_68 = arith.constant 0 : i32
    %dma_start3A_69 = tpu.memref_slice %arg10[%dma_start3A_64, %dma_start3A_68] : memref<4x128xi32, #tpu.memory_space<vmem>> -> memref<1x128xi32, #tpu.memory_space<vmem>>
    %dma_start3A_70 = tpu.memref_squeeze %dma_start3A_69 : memref<1x128xi32, #tpu.memory_space<vmem>> -> memref<128xi32, #tpu.memory_space<vmem>>
    %dma_start3A_71 = arith.constant 0 : i32
    %dma_start3A_72 = arith.constant 0 : i32
    %dma_start3A_73 = tpu.memref_slice %arg5[%dma_start3A_71, %dma_start3A_72] : memref<1000000x64xf32, #tpu.memory_space<hbm>> -> memref<1000000x64xf32, #tpu.memory_space<hbm>>
    tpu.enqueue_indirect_dma source(%dma_start3A_73 : memref<1000000x64xf32, #tpu.memory_space<hbm>>) target(%dma_start3A_67 : memref<128x64xf32, #tpu.memory_space<vmem>>) offsets(%dma_start3A_70 : memref<128xi32, #tpu.memory_space<vmem>>) semaphore(%arg20 : memref<!tpu.dma_semaphore, #tpu.memory_space<semaphore_mem>>)
    %dma_start3A_74 = arith.constant 2 : i32
    %dma_start3A_75 = arith.constant 256 : i32
    %dma_start3A_76 = arith.constant 0 : i32
    %dma_start3A_77 = tpu.memref_slice %arg14[%dma_start3A_75, %dma_start3A_76] : memref<512x64xf32, #tpu.memory_space<vmem>> -> memref<128x64xf32, #tpu.memory_space<vmem>>
    %dma_start3A_78 = arith.constant 0 : i32
    %dma_start3A_79 = tpu.memref_slice %arg11[%dma_start3A_74, %dma_start3A_78] : memref<4x128xi32, #tpu.memory_space<vmem>> -> memref<1x128xi32, #tpu.memory_space<vmem>>
    %dma_start3A_80 = tpu.memref_squeeze %dma_start3A_79 : memref<1x128xi32, #tpu.memory_space<vmem>> -> memref<128xi32, #tpu.memory_space<vmem>>
    %dma_start3A_81 = arith.constant 0 : i32
    %dma_start3A_82 = arith.constant 0 : i32
    %dma_start3A_83 = tpu.memref_slice %arg6[%dma_start3A_81, %dma_start3A_82] : memref<1000000x64xf32, #tpu.memory_space<hbm>> -> memref<1000000x64xf32, #tpu.memory_space<hbm>>
    tpu.enqueue_indirect_dma source(%dma_start3A_83 : memref<1000000x64xf32, #tpu.memory_space<hbm>>) target(%dma_start3A_77 : memref<128x64xf32, #tpu.memory_space<vmem>>) offsets(%dma_start3A_80 : memref<128xi32, #tpu.memory_space<vmem>>) semaphore(%arg21 : memref<!tpu.dma_semaphore, #tpu.memory_space<semaphore_mem>>)
    %dma_start3A_84 = arith.constant 2 : i32
    %dma_start3A_85 = arith.constant 256 : i32
    %dma_start3A_86 = arith.constant 0 : i32
    %dma_start3A_87 = tpu.memref_slice %arg15[%dma_start3A_85, %dma_start3A_86] : memref<512x64xf32, #tpu.memory_space<vmem>> -> memref<128x64xf32, #tpu.memory_space<vmem>>
    %dma_start3A_88 = arith.constant 0 : i32
    %dma_start3A_89 = tpu.memref_slice %arg12[%dma_start3A_84, %dma_start3A_88] : memref<4x128xi32, #tpu.memory_space<vmem>> -> memref<1x128xi32, #tpu.memory_space<vmem>>
    %dma_start3A_90 = tpu.memref_squeeze %dma_start3A_89 : memref<1x128xi32, #tpu.memory_space<vmem>> -> memref<128xi32, #tpu.memory_space<vmem>>
    %dma_start3A_91 = arith.constant 0 : i32
    %dma_start3A_92 = arith.constant 0 : i32
    %dma_start3A_93 = tpu.memref_slice %arg5[%dma_start3A_91, %dma_start3A_92] : memref<1000000x64xf32, #tpu.memory_space<hbm>> -> memref<1000000x64xf32, #tpu.memory_space<hbm>>
    tpu.enqueue_indirect_dma source(%dma_start3A_93 : memref<1000000x64xf32, #tpu.memory_space<hbm>>) target(%dma_start3A_87 : memref<128x64xf32, #tpu.memory_space<vmem>>) offsets(%dma_start3A_90 : memref<128xi32, #tpu.memory_space<vmem>>) semaphore(%arg22 : memref<!tpu.dma_semaphore, #tpu.memory_space<semaphore_mem>>)
    %dma_start3A_94 = arith.constant 3 : i32
    %dma_start3A_95 = arith.constant 384 : i32
    %dma_start3A_96 = arith.constant 0 : i32
    %dma_start3A_97 = tpu.memref_slice %arg13[%dma_start3A_95, %dma_start3A_96] : memref<512x64xf32, #tpu.memory_space<vmem>> -> memref<128x64xf32, #tpu.memory_space<vmem>>
    %dma_start3A_98 = arith.constant 0 : i32
    %dma_start3A_99 = tpu.memref_slice %arg10[%dma_start3A_94, %dma_start3A_98] : memref<4x128xi32, #tpu.memory_space<vmem>> -> memref<1x128xi32, #tpu.memory_space<vmem>>
    %dma_start3A_100 = tpu.memref_squeeze %dma_start3A_99 : memref<1x128xi32, #tpu.memory_space<vmem>> -> memref<128xi32, #tpu.memory_space<vmem>>
    %dma_start3A_101 = arith.constant 0 : i32
    %dma_start3A_102 = arith.constant 0 : i32
    %dma_start3A_103 = tpu.memref_slice %arg5[%dma_start3A_101, %dma_start3A_102] : memref<1000000x64xf32, #tpu.memory_space<hbm>> -> memref<1000000x64xf32, #tpu.memory_space<hbm>>
    tpu.enqueue_indirect_dma source(%dma_start3A_103 : memref<1000000x64xf32, #tpu.memory_space<hbm>>) target(%dma_start3A_97 : memref<128x64xf32, #tpu.memory_space<vmem>>) offsets(%dma_start3A_100 : memref<128xi32, #tpu.memory_space<vmem>>) semaphore(%arg20 : memref<!tpu.dma_semaphore, #tpu.memory_space<semaphore_mem>>)
    %dma_start3A_104 = arith.constant 3 : i32
    %dma_start3A_105 = arith.constant 384 : i32
    %dma_start3A_106 = arith.constant 0 : i32
    %dma_start3A_107 = tpu.memref_slice %arg14[%dma_start3A_105, %dma_start3A_106] : memref<512x64xf32, #tpu.memory_space<vmem>> -> memref<128x64xf32, #tpu.memory_space<vmem>>
    %dma_start3A_108 = arith.constant 0 : i32
    %dma_start3A_109 = tpu.memref_slice %arg11[%dma_start3A_104, %dma_start3A_108] : memref<4x128xi32, #tpu.memory_space<vmem>> -> memref<1x128xi32, #tpu.memory_space<vmem>>
    %dma_start3A_110 = tpu.memref_squeeze %dma_start3A_109 : memref<1x128xi32, #tpu.memory_space<vmem>> -> memref<128xi32, #tpu.memory_space<vmem>>
    %dma_start3A_111 = arith.constant 0 : i32
    %dma_start3A_112 = arith.constant 0 : i32
    %dma_start3A_113 = tpu.memref_slice %arg6[%dma_start3A_111, %dma_start3A_112] : memref<1000000x64xf32, #tpu.memory_space<hbm>> -> memref<1000000x64xf32, #tpu.memory_space<hbm>>
    tpu.enqueue_indirect_dma source(%dma_start3A_113 : memref<1000000x64xf32, #tpu.memory_space<hbm>>) target(%dma_start3A_107 : memref<128x64xf32, #tpu.memory_space<vmem>>) offsets(%dma_start3A_110 : memref<128xi32, #tpu.memory_space<vmem>>) semaphore(%arg21 : memref<!tpu.dma_semaphore, #tpu.memory_space<semaphore_mem>>)
    %dma_start3A_114 = arith.constant 3 : i32
    %dma_start3A_115 = arith.constant 384 : i32
    %dma_start3A_116 = arith.constant 0 : i32
    %dma_start3A_117 = tpu.memref_slice %arg15[%dma_start3A_115, %dma_start3A_116] : memref<512x64xf32, #tpu.memory_space<vmem>> -> memref<128x64xf32, #tpu.memory_space<vmem>>
    %dma_start3A_118 = arith.constant 0 : i32
    %dma_start3A_119 = tpu.memref_slice %arg12[%dma_start3A_114, %dma_start3A_118] : memref<4x128xi32, #tpu.memory_space<vmem>> -> memref<1x128xi32, #tpu.memory_space<vmem>>
    %dma_start3A_120 = tpu.memref_squeeze %dma_start3A_119 : memref<1x128xi32, #tpu.memory_space<vmem>> -> memref<128xi32, #tpu.memory_space<vmem>>
    %dma_start3A_121 = arith.constant 0 : i32
    %dma_start3A_122 = arith.constant 0 : i32
    %dma_start3A_123 = tpu.memref_slice %arg5[%dma_start3A_121, %dma_start3A_122] : memref<1000000x64xf32, #tpu.memory_space<hbm>> -> memref<1000000x64xf32, #tpu.memory_space<hbm>>
    tpu.enqueue_indirect_dma source(%dma_start3A_123 : memref<1000000x64xf32, #tpu.memory_space<hbm>>) target(%dma_start3A_117 : memref<128x64xf32, #tpu.memory_space<vmem>>) offsets(%dma_start3A_120 : memref<128xi32, #tpu.memory_space<vmem>>) semaphore(%arg22 : memref<!tpu.dma_semaphore, #tpu.memory_space<semaphore_mem>>)
    %dma_wait3A = arith.constant 0 : i32
    %dma_wait3A_124 = arith.constant 0 : i32
    %dma_wait3A_125 = arith.constant 0 : i32
    %dma_wait3A_126 = tpu.memref_slice %arg13[%dma_wait3A_124, %dma_wait3A_125] : memref<512x64xf32, #tpu.memory_space<vmem>> -> memref<128x64xf32, #tpu.memory_space<vmem>>
    %dma_wait3A_127 = arith.constant 0 : i32
    %dma_wait3A_128 = tpu.memref_slice %arg10[%dma_wait3A, %dma_wait3A_127] : memref<4x128xi32, #tpu.memory_space<vmem>> -> memref<1x128xi32, #tpu.memory_space<vmem>>
    %dma_wait3A_129 = tpu.memref_squeeze %dma_wait3A_128 : memref<1x128xi32, #tpu.memory_space<vmem>> -> memref<128xi32, #tpu.memory_space<vmem>>
    %dma_wait3A_130 = arith.constant 0 : i32
    %dma_wait3A_131 = arith.constant 0 : i32
    %dma_wait3A_132 = tpu.memref_slice %arg5[%dma_wait3A_130, %dma_wait3A_131] : memref<1000000x64xf32, #tpu.memory_space<hbm>> -> memref<1000000x64xf32, #tpu.memory_space<hbm>>
    tpu.wait_indirect_dma semaphore(%arg20 : memref<!tpu.dma_semaphore, #tpu.memory_space<semaphore_mem>>) src(%dma_wait3A_132 : memref<1000000x64xf32, #tpu.memory_space<hbm>>) dst(%dma_wait3A_126 : memref<128x64xf32, #tpu.memory_space<vmem>>)
    %dma_wait3A_133 = arith.constant 0 : i32
    %dma_wait3A_134 = arith.constant 0 : i32
    %dma_wait3A_135 = arith.constant 0 : i32
    %dma_wait3A_136 = tpu.memref_slice %arg14[%dma_wait3A_134, %dma_wait3A_135] : memref<512x64xf32, #tpu.memory_space<vmem>> -> memref<128x64xf32, #tpu.memory_space<vmem>>
    %dma_wait3A_137 = arith.constant 0 : i32
    %dma_wait3A_138 = tpu.memref_slice %arg11[%dma_wait3A_133, %dma_wait3A_137] : memref<4x128xi32, #tpu.memory_space<vmem>> -> memref<1x128xi32, #tpu.memory_space<vmem>>
    %dma_wait3A_139 = tpu.memref_squeeze %dma_wait3A_138 : memref<1x128xi32, #tpu.memory_space<vmem>> -> memref<128xi32, #tpu.memory_space<vmem>>
    %dma_wait3A_140 = arith.constant 0 : i32
    %dma_wait3A_141 = arith.constant 0 : i32
    %dma_wait3A_142 = tpu.memref_slice %arg6[%dma_wait3A_140, %dma_wait3A_141] : memref<1000000x64xf32, #tpu.memory_space<hbm>> -> memref<1000000x64xf32, #tpu.memory_space<hbm>>
    tpu.wait_indirect_dma semaphore(%arg21 : memref<!tpu.dma_semaphore, #tpu.memory_space<semaphore_mem>>) src(%dma_wait3A_142 : memref<1000000x64xf32, #tpu.memory_space<hbm>>) dst(%dma_wait3A_136 : memref<128x64xf32, #tpu.memory_space<vmem>>)
    %dma_wait3A_143 = arith.constant 0 : i32
    %dma_wait3A_144 = arith.constant 0 : i32
    %dma_wait3A_145 = arith.constant 0 : i32
    %dma_wait3A_146 = tpu.memref_slice %arg15[%dma_wait3A_144, %dma_wait3A_145] : memref<512x64xf32, #tpu.memory_space<vmem>> -> memref<128x64xf32, #tpu.memory_space<vmem>>
    %dma_wait3A_147 = arith.constant 0 : i32
    %dma_wait3A_148 = tpu.memref_slice %arg12[%dma_wait3A_143, %dma_wait3A_147] : memref<4x128xi32, #tpu.memory_space<vmem>> -> memref<1x128xi32, #tpu.memory_space<vmem>>
    %dma_wait3A_149 = tpu.memref_squeeze %dma_wait3A_148 : memref<1x128xi32, #tpu.memory_space<vmem>> -> memref<128xi32, #tpu.memory_space<vmem>>
    %dma_wait3A_150 = arith.constant 0 : i32
    %dma_wait3A_151 = arith.constant 0 : i32
    %dma_wait3A_152 = tpu.memref_slice %arg5[%dma_wait3A_150, %dma_wait3A_151] : memref<1000000x64xf32, #tpu.memory_space<hbm>> -> memref<1000000x64xf32, #tpu.memory_space<hbm>>
    tpu.wait_indirect_dma semaphore(%arg22 : memref<!tpu.dma_semaphore, #tpu.memory_space<semaphore_mem>>) src(%dma_wait3A_152 : memref<1000000x64xf32, #tpu.memory_space<hbm>>) dst(%dma_wait3A_146 : memref<128x64xf32, #tpu.memory_space<vmem>>)
    %dma_wait3A_153 = arith.constant 1 : i32
    %dma_wait3A_154 = arith.constant 128 : i32
    %dma_wait3A_155 = arith.constant 0 : i32
    %dma_wait3A_156 = tpu.memref_slice %arg13[%dma_wait3A_154, %dma_wait3A_155] : memref<512x64xf32, #tpu.memory_space<vmem>> -> memref<128x64xf32, #tpu.memory_space<vmem>>
    %dma_wait3A_157 = arith.constant 0 : i32
    %dma_wait3A_158 = tpu.memref_slice %arg10[%dma_wait3A_153, %dma_wait3A_157] : memref<4x128xi32, #tpu.memory_space<vmem>> -> memref<1x128xi32, #tpu.memory_space<vmem>>
    %dma_wait3A_159 = tpu.memref_squeeze %dma_wait3A_158 : memref<1x128xi32, #tpu.memory_space<vmem>> -> memref<128xi32, #tpu.memory_space<vmem>>
    %dma_wait3A_160 = arith.constant 0 : i32
    %dma_wait3A_161 = arith.constant 0 : i32
    %dma_wait3A_162 = tpu.memref_slice %arg5[%dma_wait3A_160, %dma_wait3A_161] : memref<1000000x64xf32, #tpu.memory_space<hbm>> -> memref<1000000x64xf32, #tpu.memory_space<hbm>>
    tpu.wait_indirect_dma semaphore(%arg20 : memref<!tpu.dma_semaphore, #tpu.memory_space<semaphore_mem>>) src(%dma_wait3A_162 : memref<1000000x64xf32, #tpu.memory_space<hbm>>) dst(%dma_wait3A_156 : memref<128x64xf32, #tpu.memory_space<vmem>>)
    %dma_wait3A_163 = arith.constant 1 : i32
    %dma_wait3A_164 = arith.constant 128 : i32
    %dma_wait3A_165 = arith.constant 0 : i32
    %dma_wait3A_166 = tpu.memref_slice %arg14[%dma_wait3A_164, %dma_wait3A_165] : memref<512x64xf32, #tpu.memory_space<vmem>> -> memref<128x64xf32, #tpu.memory_space<vmem>>
    %dma_wait3A_167 = arith.constant 0 : i32
    %dma_wait3A_168 = tpu.memref_slice %arg11[%dma_wait3A_163, %dma_wait3A_167] : memref<4x128xi32, #tpu.memory_space<vmem>> -> memref<1x128xi32, #tpu.memory_space<vmem>>
    %dma_wait3A_169 = tpu.memref_squeeze %dma_wait3A_168 : memref<1x128xi32, #tpu.memory_space<vmem>> -> memref<128xi32, #tpu.memory_space<vmem>>
    %dma_wait3A_170 = arith.constant 0 : i32
    %dma_wait3A_171 = arith.constant 0 : i32
    %dma_wait3A_172 = tpu.memref_slice %arg6[%dma_wait3A_170, %dma_wait3A_171] : memref<1000000x64xf32, #tpu.memory_space<hbm>> -> memref<1000000x64xf32, #tpu.memory_space<hbm>>
    tpu.wait_indirect_dma semaphore(%arg21 : memref<!tpu.dma_semaphore, #tpu.memory_space<semaphore_mem>>) src(%dma_wait3A_172 : memref<1000000x64xf32, #tpu.memory_space<hbm>>) dst(%dma_wait3A_166 : memref<128x64xf32, #tpu.memory_space<vmem>>)
    %dma_wait3A_173 = arith.constant 1 : i32
    %dma_wait3A_174 = arith.constant 128 : i32
    %dma_wait3A_175 = arith.constant 0 : i32
    %dma_wait3A_176 = tpu.memref_slice %arg15[%dma_wait3A_174, %dma_wait3A_175] : memref<512x64xf32, #tpu.memory_space<vmem>> -> memref<128x64xf32, #tpu.memory_space<vmem>>
    %dma_wait3A_177 = arith.constant 0 : i32
    %dma_wait3A_178 = tpu.memref_slice %arg12[%dma_wait3A_173, %dma_wait3A_177] : memref<4x128xi32, #tpu.memory_space<vmem>> -> memref<1x128xi32, #tpu.memory_space<vmem>>
    %dma_wait3A_179 = tpu.memref_squeeze %dma_wait3A_178 : memref<1x128xi32, #tpu.memory_space<vmem>> -> memref<128xi32, #tpu.memory_space<vmem>>
    %dma_wait3A_180 = arith.constant 0 : i32
    %dma_wait3A_181 = arith.constant 0 : i32
    %dma_wait3A_182 = tpu.memref_slice %arg5[%dma_wait3A_180, %dma_wait3A_181] : memref<1000000x64xf32, #tpu.memory_space<hbm>> -> memref<1000000x64xf32, #tpu.memory_space<hbm>>
    tpu.wait_indirect_dma semaphore(%arg22 : memref<!tpu.dma_semaphore, #tpu.memory_space<semaphore_mem>>) src(%dma_wait3A_182 : memref<1000000x64xf32, #tpu.memory_space<hbm>>) dst(%dma_wait3A_176 : memref<128x64xf32, #tpu.memory_space<vmem>>)
    %dma_wait3A_183 = arith.constant 2 : i32
    %dma_wait3A_184 = arith.constant 256 : i32
    %dma_wait3A_185 = arith.constant 0 : i32
    %dma_wait3A_186 = tpu.memref_slice %arg13[%dma_wait3A_184, %dma_wait3A_185] : memref<512x64xf32, #tpu.memory_space<vmem>> -> memref<128x64xf32, #tpu.memory_space<vmem>>
    %dma_wait3A_187 = arith.constant 0 : i32
    %dma_wait3A_188 = tpu.memref_slice %arg10[%dma_wait3A_183, %dma_wait3A_187] : memref<4x128xi32, #tpu.memory_space<vmem>> -> memref<1x128xi32, #tpu.memory_space<vmem>>
    %dma_wait3A_189 = tpu.memref_squeeze %dma_wait3A_188 : memref<1x128xi32, #tpu.memory_space<vmem>> -> memref<128xi32, #tpu.memory_space<vmem>>
    %dma_wait3A_190 = arith.constant 0 : i32
    %dma_wait3A_191 = arith.constant 0 : i32
    %dma_wait3A_192 = tpu.memref_slice %arg5[%dma_wait3A_190, %dma_wait3A_191] : memref<1000000x64xf32, #tpu.memory_space<hbm>> -> memref<1000000x64xf32, #tpu.memory_space<hbm>>
    tpu.wait_indirect_dma semaphore(%arg20 : memref<!tpu.dma_semaphore, #tpu.memory_space<semaphore_mem>>) src(%dma_wait3A_192 : memref<1000000x64xf32, #tpu.memory_space<hbm>>) dst(%dma_wait3A_186 : memref<128x64xf32, #tpu.memory_space<vmem>>)
    %dma_wait3A_193 = arith.constant 2 : i32
    %dma_wait3A_194 = arith.constant 256 : i32
    %dma_wait3A_195 = arith.constant 0 : i32
    %dma_wait3A_196 = tpu.memref_slice %arg14[%dma_wait3A_194, %dma_wait3A_195] : memref<512x64xf32, #tpu.memory_space<vmem>> -> memref<128x64xf32, #tpu.memory_space<vmem>>
    %dma_wait3A_197 = arith.constant 0 : i32
    %dma_wait3A_198 = tpu.memref_slice %arg11[%dma_wait3A_193, %dma_wait3A_197] : memref<4x128xi32, #tpu.memory_space<vmem>> -> memref<1x128xi32, #tpu.memory_space<vmem>>
    %dma_wait3A_199 = tpu.memref_squeeze %dma_wait3A_198 : memref<1x128xi32, #tpu.memory_space<vmem>> -> memref<128xi32, #tpu.memory_space<vmem>>
    %dma_wait3A_200 = arith.constant 0 : i32
    %dma_wait3A_201 = arith.constant 0 : i32
    %dma_wait3A_202 = tpu.memref_slice %arg6[%dma_wait3A_200, %dma_wait3A_201] : memref<1000000x64xf32, #tpu.memory_space<hbm>> -> memref<1000000x64xf32, #tpu.memory_space<hbm>>
    tpu.wait_indirect_dma semaphore(%arg21 : memref<!tpu.dma_semaphore, #tpu.memory_space<semaphore_mem>>) src(%dma_wait3A_202 : memref<1000000x64xf32, #tpu.memory_space<hbm>>) dst(%dma_wait3A_196 : memref<128x64xf32, #tpu.memory_space<vmem>>)
    %dma_wait3A_203 = arith.constant 2 : i32
    %dma_wait3A_204 = arith.constant 256 : i32
    %dma_wait3A_205 = arith.constant 0 : i32
    %dma_wait3A_206 = tpu.memref_slice %arg15[%dma_wait3A_204, %dma_wait3A_205] : memref<512x64xf32, #tpu.memory_space<vmem>> -> memref<128x64xf32, #tpu.memory_space<vmem>>
    %dma_wait3A_207 = arith.constant 0 : i32
    %dma_wait3A_208 = tpu.memref_slice %arg12[%dma_wait3A_203, %dma_wait3A_207] : memref<4x128xi32, #tpu.memory_space<vmem>> -> memref<1x128xi32, #tpu.memory_space<vmem>>
    %dma_wait3A_209 = tpu.memref_squeeze %dma_wait3A_208 : memref<1x128xi32, #tpu.memory_space<vmem>> -> memref<128xi32, #tpu.memory_space<vmem>>
    %dma_wait3A_210 = arith.constant 0 : i32
    %dma_wait3A_211 = arith.constant 0 : i32
    %dma_wait3A_212 = tpu.memref_slice %arg5[%dma_wait3A_210, %dma_wait3A_211] : memref<1000000x64xf32, #tpu.memory_space<hbm>> -> memref<1000000x64xf32, #tpu.memory_space<hbm>>
    tpu.wait_indirect_dma semaphore(%arg22 : memref<!tpu.dma_semaphore, #tpu.memory_space<semaphore_mem>>) src(%dma_wait3A_212 : memref<1000000x64xf32, #tpu.memory_space<hbm>>) dst(%dma_wait3A_206 : memref<128x64xf32, #tpu.memory_space<vmem>>)
    %dma_wait3A_213 = arith.constant 3 : i32
    %dma_wait3A_214 = arith.constant 384 : i32
    %dma_wait3A_215 = arith.constant 0 : i32
    %dma_wait3A_216 = tpu.memref_slice %arg13[%dma_wait3A_214, %dma_wait3A_215] : memref<512x64xf32, #tpu.memory_space<vmem>> -> memref<128x64xf32, #tpu.memory_space<vmem>>
    %dma_wait3A_217 = arith.constant 0 : i32
    %dma_wait3A_218 = tpu.memref_slice %arg10[%dma_wait3A_213, %dma_wait3A_217] : memref<4x128xi32, #tpu.memory_space<vmem>> -> memref<1x128xi32, #tpu.memory_space<vmem>>
    %dma_wait3A_219 = tpu.memref_squeeze %dma_wait3A_218 : memref<1x128xi32, #tpu.memory_space<vmem>> -> memref<128xi32, #tpu.memory_space<vmem>>
    %dma_wait3A_220 = arith.constant 0 : i32
    %dma_wait3A_221 = arith.constant 0 : i32
    %dma_wait3A_222 = tpu.memref_slice %arg5[%dma_wait3A_220, %dma_wait3A_221] : memref<1000000x64xf32, #tpu.memory_space<hbm>> -> memref<1000000x64xf32, #tpu.memory_space<hbm>>
    tpu.wait_indirect_dma semaphore(%arg20 : memref<!tpu.dma_semaphore, #tpu.memory_space<semaphore_mem>>) src(%dma_wait3A_222 : memref<1000000x64xf32, #tpu.memory_space<hbm>>) dst(%dma_wait3A_216 : memref<128x64xf32, #tpu.memory_space<vmem>>)
    %dma_wait3A_223 = arith.constant 3 : i32
    %dma_wait3A_224 = arith.constant 384 : i32
    %dma_wait3A_225 = arith.constant 0 : i32
    %dma_wait3A_226 = tpu.memref_slice %arg14[%dma_wait3A_224, %dma_wait3A_225] : memref<512x64xf32, #tpu.memory_space<vmem>> -> memref<128x64xf32, #tpu.memory_space<vmem>>
    %dma_wait3A_227 = arith.constant 0 : i32
    %dma_wait3A_228 = tpu.memref_slice %arg11[%dma_wait3A_223, %dma_wait3A_227] : memref<4x128xi32, #tpu.memory_space<vmem>> -> memref<1x128xi32, #tpu.memory_space<vmem>>
    %dma_wait3A_229 = tpu.memref_squeeze %dma_wait3A_228 : memref<1x128xi32, #tpu.memory_space<vmem>> -> memref<128xi32, #tpu.memory_space<vmem>>
    %dma_wait3A_230 = arith.constant 0 : i32
    %dma_wait3A_231 = arith.constant 0 : i32
    %dma_wait3A_232 = tpu.memref_slice %arg6[%dma_wait3A_230, %dma_wait3A_231] : memref<1000000x64xf32, #tpu.memory_space<hbm>> -> memref<1000000x64xf32, #tpu.memory_space<hbm>>
    tpu.wait_indirect_dma semaphore(%arg21 : memref<!tpu.dma_semaphore, #tpu.memory_space<semaphore_mem>>) src(%dma_wait3A_232 : memref<1000000x64xf32, #tpu.memory_space<hbm>>) dst(%dma_wait3A_226 : memref<128x64xf32, #tpu.memory_space<vmem>>)
    %dma_wait3A_233 = arith.constant 3 : i32
    %dma_wait3A_234 = arith.constant 384 : i32
    %dma_wait3A_235 = arith.constant 0 : i32
    %dma_wait3A_236 = tpu.memref_slice %arg15[%dma_wait3A_234, %dma_wait3A_235] : memref<512x64xf32, #tpu.memory_space<vmem>> -> memref<128x64xf32, #tpu.memory_space<vmem>>
    %dma_wait3A_237 = arith.constant 0 : i32
    %dma_wait3A_238 = tpu.memref_slice %arg12[%dma_wait3A_233, %dma_wait3A_237] : memref<4x128xi32, #tpu.memory_space<vmem>> -> memref<1x128xi32, #tpu.memory_space<vmem>>
    %dma_wait3A_239 = tpu.memref_squeeze %dma_wait3A_238 : memref<1x128xi32, #tpu.memory_space<vmem>> -> memref<128xi32, #tpu.memory_space<vmem>>
    %dma_wait3A_240 = arith.constant 0 : i32
    %dma_wait3A_241 = arith.constant 0 : i32
    %dma_wait3A_242 = tpu.memref_slice %arg5[%dma_wait3A_240, %dma_wait3A_241] : memref<1000000x64xf32, #tpu.memory_space<hbm>> -> memref<1000000x64xf32, #tpu.memory_space<hbm>>
    tpu.wait_indirect_dma semaphore(%arg22 : memref<!tpu.dma_semaphore, #tpu.memory_space<semaphore_mem>>) src(%dma_wait3A_242 : memref<1000000x64xf32, #tpu.memory_space<hbm>>) dst(%dma_wait3A_236 : memref<128x64xf32, #tpu.memory_space<vmem>>)
    %scan3A = arith.constant 0 : i32
    %scan3A_243 = arith.constant 0 : i32
    %scan3A_244 = arith.constant 32 : i32
    %scan3A_245 = arith.addi %scan3A_243, %scan3A_244 : i32
    %scan3A_246 = arith.constant 1 : i32
    %scan3A_247 = scf.for %scan3A_509 = %scan3A_243 to %scan3A_245 step %scan3A_246 iter_args(%scan3A_510 = %scan3A) -> (i32)  : i32 {
      %mul3A_511 = arith.constant 16 : i32
      %mul3A_512 = arith.muli %scan3A_509, %mul3A_511 : i32
      %add3A_513 = arith.constant 0 : i32
      %add3A_514 = arith.addi %mul3A_512, %add3A_513 : i32
      %get3A = arith.index_cast %add3A_514 : i32 to index
      %get3A_515 = arith.constant 0 : index
      %get3A_516 = tpu.vector_load %arg13[%get3A, %get3A_515] {strides = array<i32>} : memref<512x64xf32, #tpu.memory_space<vmem>>, vector<16xf32>,
      %get3A_517 = arith.index_cast %add3A_514 : i32 to index
      %get3A_518 = arith.constant 0 : index
      %get3A_519 = tpu.vector_load %arg14[%get3A_517, %get3A_518] {strides = array<i32>} : memref<512x64xf32, #tpu.memory_space<vmem>>, vector<16xf32>,
      %add3A_520 = arith.addf %get3A_516, %get3A_519 : vector<16xf32>
      %get3A_521 = arith.index_cast %add3A_514 : i32 to index
      %get3A_522 = arith.constant 0 : index
      %get3A_523 = tpu.vector_load %arg15[%get3A_521, %get3A_522] {strides = array<i32>} : memref<512x64xf32, #tpu.memory_space<vmem>>, vector<16xf32>,
      %sub3A = arith.subf %add3A_520, %get3A_523 : vector<16xf32>
      %mul3A_524 = arith.mulf %sub3A, %sub3A : vector<16xf32>
      %get3A_525 = arith.index_cast %add3A_514 : i32 to index
      %get3A_526 = arith.constant 16 : index
      %get3A_527 = tpu.vector_load %arg13[%get3A_525, %get3A_526] {strides = array<i32>} : memref<512x64xf32, #tpu.memory_space<vmem>>, vector<16xf32>,
      %get3A_528 = arith.index_cast %add3A_514 : i32 to index
      %get3A_529 = arith.constant 16 : index
      %get3A_530 = tpu.vector_load %arg14[%get3A_528, %get3A_529] {strides = array<i32>} : memref<512x64xf32, #tpu.memory_space<vmem>>, vector<16xf32>,
      %add3A_531 = arith.addf %get3A_527, %get3A_530 : vector<16xf32>
      %get3A_532 = arith.index_cast %add3A_514 : i32 to index
      %get3A_533 = arith.constant 16 : index
      %get3A_534 = tpu.vector_load %arg15[%get3A_532, %get3A_533] {strides = array<i32>} : memref<512x64xf32, #tpu.memory_space<vmem>>, vector<16xf32>,
      %sub3A_535 = arith.subf %add3A_531, %get3A_534 : vector<16xf32>
      %mul3A_536 = arith.mulf %sub3A_535, %sub3A_535 : vector<16xf32>
      %add3A_537 = arith.addf %mul3A_524, %mul3A_536 : vector<16xf32>
      %get3A_538 = arith.index_cast %add3A_514 : i32 to index
      %get3A_539 = arith.constant 32 : index
      %get3A_540 = tpu.vector_load %arg13[%get3A_538, %get3A_539] {strides = array<i32>} : memref<512x64xf32, #tpu.memory_space<vmem>>, vector<16xf32>,
      %get3A_541 = arith.index_cast %add3A_514 : i32 to index
      %get3A_542 = arith.constant 32 : index
      %get3A_543 = tpu.vector_load %arg14[%get3A_541, %get3A_542] {strides = array<i32>} : memref<512x64xf32, #tpu.memory_space<vmem>>, vector<16xf32>,
      %add3A_544 = arith.addf %get3A_540, %get3A_543 : vector<16xf32>
      %get3A_545 = arith.index_cast %add3A_514 : i32 to index
      %get3A_546 = arith.constant 32 : index
      %get3A_547 = tpu.vector_load %arg15[%get3A_545, %get3A_546] {strides = array<i32>} : memref<512x64xf32, #tpu.memory_space<vmem>>, vector<16xf32>,
      %sub3A_548 = arith.subf %add3A_544, %get3A_547 : vector<16xf32>
      %mul3A_549 = arith.mulf %sub3A_548, %sub3A_548 : vector<16xf32>
      %add3A_550 = arith.addf %add3A_537, %mul3A_549 : vector<16xf32>
      %get3A_551 = arith.index_cast %add3A_514 : i32 to index
      %get3A_552 = arith.constant 48 : index
      %get3A_553 = tpu.vector_load %arg13[%get3A_551, %get3A_552] {strides = array<i32>} : memref<512x64xf32, #tpu.memory_space<vmem>>, vector<16xf32>,
      %get3A_554 = arith.index_cast %add3A_514 : i32 to index
      %get3A_555 = arith.constant 48 : index
      %get3A_556 = tpu.vector_load %arg14[%get3A_554, %get3A_555] {strides = array<i32>} : memref<512x64xf32, #tpu.memory_space<vmem>>, vector<16xf32>,
      %add3A_557 = arith.addf %get3A_553, %get3A_556 : vector<16xf32>
      %get3A_558 = arith.index_cast %add3A_514 : i32 to index
      %get3A_559 = arith.constant 48 : index
      %get3A_560 = tpu.vector_load %arg15[%get3A_558, %get3A_559] {strides = array<i32>} : memref<512x64xf32, #tpu.memory_space<vmem>>, vector<16xf32>,
      %sub3A_561 = arith.subf %add3A_557, %get3A_560 : vector<16xf32>
      %mul3A_562 = arith.mulf %sub3A_561, %sub3A_561 : vector<16xf32>
      %add3A_563 = arith.addf %add3A_550, %mul3A_562 : vector<16xf32>
      %swap3A = arith.constant 0 : index
      %swap3A_564 = tpu.vector_load %arg16[%swap3A] {strides = array<i32>} : memref<256xf32, #tpu.memory_space<vmem>>, vector<16xf32>,
      tpu.vector_store %arg16[%swap3A], %add3A_563 {strides = array<i32>} : memref<256xf32, #tpu.memory_space<vmem>>, vector<16xf32>,
      %add3A_565 = arith.constant 1 : i32
      %add3A_566 = arith.addi %mul3A_512, %add3A_565 : i32
      %get3A_567 = arith.index_cast %add3A_566 : i32 to index
      %get3A_568 = arith.constant 0 : index
      %get3A_569 = tpu.vector_load %arg13[%get3A_567, %get3A_568] {strides = array<i32>} : memref<512x64xf32, #tpu.memory_space<vmem>>, vector<16xf32>,
      %get3A_570 = arith.index_cast %add3A_566 : i32 to index
      %get3A_571 = arith.constant 0 : index
      %get3A_572 = tpu.vector_load %arg14[%get3A_570, %get3A_571] {strides = array<i32>} : memref<512x64xf32, #tpu.memory_space<vmem>>, vector<16xf32>,
      %add3A_573 = arith.addf %get3A_569, %get3A_572 : vector<16xf32>
      %get3A_574 = arith.index_cast %add3A_566 : i32 to index
      %get3A_575 = arith.constant 0 : index
      %get3A_576 = tpu.vector_load %arg15[%get3A_574, %get3A_575] {strides = array<i32>} : memref<512x64xf32, #tpu.memory_space<vmem>>, vector<16xf32>,
      %sub3A_577 = arith.subf %add3A_573, %get3A_576 : vector<16xf32>
      %mul3A_578 = arith.mulf %sub3A_577, %sub3A_577 : vector<16xf32>
      %get3A_579 = arith.index_cast %add3A_566 : i32 to index
      %get3A_580 = arith.constant 16 : index
      %get3A_581 = tpu.vector_load %arg13[%get3A_579, %get3A_580] {strides = array<i32>} : memref<512x64xf32, #tpu.memory_space<vmem>>, vector<16xf32>,
      %get3A_582 = arith.index_cast %add3A_566 : i32 to index
      %get3A_583 = arith.constant 16 : index
      %get3A_584 = tpu.vector_load %arg14[%get3A_582, %get3A_583] {strides = array<i32>} : memref<512x64xf32, #tpu.memory_space<vmem>>, vector<16xf32>,
      %add3A_585 = arith.addf %get3A_581, %get3A_584 : vector<16xf32>
      %get3A_586 = arith.index_cast %add3A_566 : i32 to index
      %get3A_587 = arith.constant 16 : index
      %get3A_588 = tpu.vector_load %arg15[%get3A_586, %get3A_587] {strides = array<i32>} : memref<512x64xf32, #tpu.memory_space<vmem>>, vector<16xf32>,
      %sub3A_589 = arith.subf %add3A_585, %get3A_588 : vector<16xf32>
      %mul3A_590 = arith.mulf %sub3A_589, %sub3A_589 : vector<16xf32>
      %add3A_591 = arith.addf %mul3A_578, %mul3A_590 : vector<16xf32>
      %get3A_592 = arith.index_cast %add3A_566 : i32 to index
      %get3A_593 = arith.constant 32 : index
      %get3A_594 = tpu.vector_load %arg13[%get3A_592, %get3A_593] {strides = array<i32>} : memref<512x64xf32, #tpu.memory_space<vmem>>, vector<16xf32>,
      %get3A_595 = arith.index_cast %add3A_566 : i32 to index
      %get3A_596 = arith.constant 32 : index
      %get3A_597 = tpu.vector_load %arg14[%get3A_595, %get3A_596] {strides = array<i32>} : memref<512x64xf32, #tpu.memory_space<vmem>>, vector<16xf32>,
      %add3A_598 = arith.addf %get3A_594, %get3A_597 : vector<16xf32>
      %get3A_599 = arith.index_cast %add3A_566 : i32 to index
      %get3A_600 = arith.constant 32 : index
      %get3A_601 = tpu.vector_load %arg15[%get3A_599, %get3A_600] {strides = array<i32>} : memref<512x64xf32, #tpu.memory_space<vmem>>, vector<16xf32>,
      %sub3A_602 = arith.subf %add3A_598, %get3A_601 : vector<16xf32>
      %mul3A_603 = arith.mulf %sub3A_602, %sub3A_602 : vector<16xf32>
      %add3A_604 = arith.addf %add3A_591, %mul3A_603 : vector<16xf32>
      %get3A_605 = arith.index_cast %add3A_566 : i32 to index
      %get3A_606 = arith.constant 48 : index
      %get3A_607 = tpu.vector_load %arg13[%get3A_605, %get3A_606] {strides = array<i32>} : memref<512x64xf32, #tpu.memory_space<vmem>>, vector<16xf32>,
      %get3A_608 = arith.index_cast %add3A_566 : i32 to index
      %get3A_609 = arith.constant 48 : index
      %get3A_610 = tpu.vector_load %arg14[%get3A_608, %get3A_609] {strides = array<i32>} : memref<512x64xf32, #tpu.memory_space<vmem>>, vector<16xf32>,
      %add3A_611 = arith.addf %get3A_607, %get3A_610 : vector<16xf32>
      %get3A_612 = arith.index_cast %add3A_566 : i32 to index
      %get3A_613 = arith.constant 48 : index
      %get3A_614 = tpu.vector_load %arg15[%get3A_612, %get3A_613] {strides = array<i32>} : memref<512x64xf32, #tpu.memory_space<vmem>>, vector<16xf32>,
      %sub3A_615 = arith.subf %add3A_611, %get3A_614 : vector<16xf32>
      %mul3A_616 = arith.mulf %sub3A_615, %sub3A_615 : vector<16xf32>
      %add3A_617 = arith.addf %add3A_604, %mul3A_616 : vector<16xf32>
      %swap3A_618 = arith.constant 16 : index
      %swap3A_619 = tpu.vector_load %arg16[%swap3A_618] {strides = array<i32>} : memref<256xf32, #tpu.memory_space<vmem>>, vector<16xf32>,
      tpu.vector_store %arg16[%swap3A_618], %add3A_617 {strides = array<i32>} : memref<256xf32, #tpu.memory_space<vmem>>, vector<16xf32>,
      %add3A_620 = arith.constant 2 : i32
      %add3A_621 = arith.addi %mul3A_512, %add3A_620 : i32
      %get3A_622 = arith.index_cast %add3A_621 : i32 to index
      %get3A_623 = arith.constant 0 : index
      %get3A_624 = tpu.vector_load %arg13[%get3A_622, %get3A_623] {strides = array<i32>} : memref<512x64xf32, #tpu.memory_space<vmem>>, vector<16xf32>,
      %get3A_625 = arith.index_cast %add3A_621 : i32 to index
      %get3A_626 = arith.constant 0 : index
      %get3A_627 = tpu.vector_load %arg14[%get3A_625, %get3A_626] {strides = array<i32>} : memref<512x64xf32, #tpu.memory_space<vmem>>, vector<16xf32>,
      %add3A_628 = arith.addf %get3A_624, %get3A_627 : vector<16xf32>
      %get3A_629 = arith.index_cast %add3A_621 : i32 to index
      %get3A_630 = arith.constant 0 : index
      %get3A_631 = tpu.vector_load %arg15[%get3A_629, %get3A_630] {strides = array<i32>} : memref<512x64xf32, #tpu.memory_space<vmem>>, vector<16xf32>,
      %sub3A_632 = arith.subf %add3A_628, %get3A_631 : vector<16xf32>
      %mul3A_633 = arith.mulf %sub3A_632, %sub3A_632 : vector<16xf32>
      %get3A_634 = arith.index_cast %add3A_621 : i32 to index
      %get3A_635 = arith.constant 16 : index
      %get3A_636 = tpu.vector_load %arg13[%get3A_634, %get3A_635] {strides = array<i32>} : memref<512x64xf32, #tpu.memory_space<vmem>>, vector<16xf32>,
      %get3A_637 = arith.index_cast %add3A_621 : i32 to index
      %get3A_638 = arith.constant 16 : index
      %get3A_639 = tpu.vector_load %arg14[%get3A_637, %get3A_638] {strides = array<i32>} : memref<512x64xf32, #tpu.memory_space<vmem>>, vector<16xf32>,
      %add3A_640 = arith.addf %get3A_636, %get3A_639 : vector<16xf32>
      %get3A_641 = arith.index_cast %add3A_621 : i32 to index
      %get3A_642 = arith.constant 16 : index
      %get3A_643 = tpu.vector_load %arg15[%get3A_641, %get3A_642] {strides = array<i32>} : memref<512x64xf32, #tpu.memory_space<vmem>>, vector<16xf32>,
      %sub3A_644 = arith.subf %add3A_640, %get3A_643 : vector<16xf32>
      %mul3A_645 = arith.mulf %sub3A_644, %sub3A_644 : vector<16xf32>
      %add3A_646 = arith.addf %mul3A_633, %mul3A_645 : vector<16xf32>
      %get3A_647 = arith.index_cast %add3A_621 : i32 to index
      %get3A_648 = arith.constant 32 : index
      %get3A_649 = tpu.vector_load %arg13[%get3A_647, %get3A_648] {strides = array<i32>} : memref<512x64xf32, #tpu.memory_space<vmem>>, vector<16xf32>,
      %get3A_650 = arith.index_cast %add3A_621 : i32 to index
      %get3A_651 = arith.constant 32 : index
      %get3A_652 = tpu.vector_load %arg14[%get3A_650, %get3A_651] {strides = array<i32>} : memref<512x64xf32, #tpu.memory_space<vmem>>, vector<16xf32>,
      %add3A_653 = arith.addf %get3A_649, %get3A_652 : vector<16xf32>
      %get3A_654 = arith.index_cast %add3A_621 : i32 to index
      %get3A_655 = arith.constant 32 : index
      %get3A_656 = tpu.vector_load %arg15[%get3A_654, %get3A_655] {strides = array<i32>} : memref<512x64xf32, #tpu.memory_space<vmem>>, vector<16xf32>,
      %sub3A_657 = arith.subf %add3A_653, %get3A_656 : vector<16xf32>
      %mul3A_658 = arith.mulf %sub3A_657, %sub3A_657 : vector<16xf32>
      %add3A_659 = arith.addf %add3A_646, %mul3A_658 : vector<16xf32>
      %get3A_660 = arith.index_cast %add3A_621 : i32 to index
      %get3A_661 = arith.constant 48 : index
      %get3A_662 = tpu.vector_load %arg13[%get3A_660, %get3A_661] {strides = array<i32>} : memref<512x64xf32, #tpu.memory_space<vmem>>, vector<16xf32>,
      %get3A_663 = arith.index_cast %add3A_621 : i32 to index
      %get3A_664 = arith.constant 48 : index
      %get3A_665 = tpu.vector_load %arg14[%get3A_663, %get3A_664] {strides = array<i32>} : memref<512x64xf32, #tpu.memory_space<vmem>>, vector<16xf32>,
      %add3A_666 = arith.addf %get3A_662, %get3A_665 : vector<16xf32>
      %get3A_667 = arith.index_cast %add3A_621 : i32 to index
      %get3A_668 = arith.constant 48 : index
      %get3A_669 = tpu.vector_load %arg15[%get3A_667, %get3A_668] {strides = array<i32>} : memref<512x64xf32, #tpu.memory_space<vmem>>, vector<16xf32>,
      %sub3A_670 = arith.subf %add3A_666, %get3A_669 : vector<16xf32>
      %mul3A_671 = arith.mulf %sub3A_670, %sub3A_670 : vector<16xf32>
      %add3A_672 = arith.addf %add3A_659, %mul3A_671 : vector<16xf32>
      %swap3A_673 = arith.constant 32 : index
      %swap3A_674 = tpu.vector_load %arg16[%swap3A_673] {strides = array<i32>} : memref<256xf32, #tpu.memory_space<vmem>>, vector<16xf32>,
      tpu.vector_store %arg16[%swap3A_673], %add3A_672 {strides = array<i32>} : memref<256xf32, #tpu.memory_space<vmem>>, vector<16xf32>,
      %add3A_675 = arith.constant 3 : i32
      %add3A_676 = arith.addi %mul3A_512, %add3A_675 : i32
      %get3A_677 = arith.index_cast %add3A_676 : i32 to index
      %get3A_678 = arith.constant 0 : index
      %get3A_679 = tpu.vector_load %arg13[%get3A_677, %get3A_678] {strides = array<i32>} : memref<512x64xf32, #tpu.memory_space<vmem>>, vector<16xf32>,
      %get3A_680 = arith.index_cast %add3A_676 : i32 to index
      %get3A_681 = arith.constant 0 : index
      %get3A_682 = tpu.vector_load %arg14[%get3A_680, %get3A_681] {strides = array<i32>} : memref<512x64xf32, #tpu.memory_space<vmem>>, vector<16xf32>,
      %add3A_683 = arith.addf %get3A_679, %get3A_682 : vector<16xf32>
      %get3A_684 = arith.index_cast %add3A_676 : i32 to index
      %get3A_685 = arith.constant 0 : index
      %get3A_686 = tpu.vector_load %arg15[%get3A_684, %get3A_685] {strides = array<i32>} : memref<512x64xf32, #tpu.memory_space<vmem>>, vector<16xf32>,
      %sub3A_687 = arith.subf %add3A_683, %get3A_686 : vector<16xf32>
      %mul3A_688 = arith.mulf %sub3A_687, %sub3A_687 : vector<16xf32>
      %get3A_689 = arith.index_cast %add3A_676 : i32 to index
      %get3A_690 = arith.constant 16 : index
      %get3A_691 = tpu.vector_load %arg13[%get3A_689, %get3A_690] {strides = array<i32>} : memref<512x64xf32, #tpu.memory_space<vmem>>, vector<16xf32>,
      %get3A_692 = arith.index_cast %add3A_676 : i32 to index
      %get3A_693 = arith.constant 16 : index
      %get3A_694 = tpu.vector_load %arg14[%get3A_692, %get3A_693] {strides = array<i32>} : memref<512x64xf32, #tpu.memory_space<vmem>>, vector<16xf32>,
      %add3A_695 = arith.addf %get3A_691, %get3A_694 : vector<16xf32>
      %get3A_696 = arith.index_cast %add3A_676 : i32 to index
      %get3A_697 = arith.constant 16 : index
      %get3A_698 = tpu.vector_load %arg15[%get3A_696, %get3A_697] {strides = array<i32>} : memref<512x64xf32, #tpu.memory_space<vmem>>, vector<16xf32>,
      %sub3A_699 = arith.subf %add3A_695, %get3A_698 : vector<16xf32>
      %mul3A_700 = arith.mulf %sub3A_699, %sub3A_699 : vector<16xf32>
      %add3A_701 = arith.addf %mul3A_688, %mul3A_700 : vector<16xf32>
      %get3A_702 = arith.index_cast %add3A_676 : i32 to index
      %get3A_703 = arith.constant 32 : index
      %get3A_704 = tpu.vector_load %arg13[%get3A_702, %get3A_703] {strides = array<i32>} : memref<512x64xf32, #tpu.memory_space<vmem>>, vector<16xf32>,
      %get3A_705 = arith.index_cast %add3A_676 : i32 to index
      %get3A_706 = arith.constant 32 : index
      %get3A_707 = tpu.vector_load %arg14[%get3A_705, %get3A_706] {strides = array<i32>} : memref<512x64xf32, #tpu.memory_space<vmem>>, vector<16xf32>,
      %add3A_708 = arith.addf %get3A_704, %get3A_707 : vector<16xf32>
      %get3A_709 = arith.index_cast %add3A_676 : i32 to index
      %get3A_710 = arith.constant 32 : index
      %get3A_711 = tpu.vector_load %arg15[%get3A_709, %get3A_710] {strides = array<i32>} : memref<512x64xf32, #tpu.memory_space<vmem>>, vector<16xf32>,
      %sub3A_712 = arith.subf %add3A_708, %get3A_711 : vector<16xf32>
      %mul3A_713 = arith.mulf %sub3A_712, %sub3A_712 : vector<16xf32>
      %add3A_714 = arith.addf %add3A_701, %mul3A_713 : vector<16xf32>
      %get3A_715 = arith.index_cast %add3A_676 : i32 to index
      %get3A_716 = arith.constant 48 : index
      %get3A_717 = tpu.vector_load %arg13[%get3A_715, %get3A_716] {strides = array<i32>} : memref<512x64xf32, #tpu.memory_space<vmem>>, vector<16xf32>,
      %get3A_718 = arith.index_cast %add3A_676 : i32 to index
      %get3A_719 = arith.constant 48 : index
      %get3A_720 = tpu.vector_load %arg14[%get3A_718, %get3A_719] {strides = array<i32>} : memref<512x64xf32, #tpu.memory_space<vmem>>, vector<16xf32>,
      %add3A_721 = arith.addf %get3A_717, %get3A_720 : vector<16xf32>
      %get3A_722 = arith.index_cast %add3A_676 : i32 to index
      %get3A_723 = arith.constant 48 : index
      %get3A_724 = tpu.vector_load %arg15[%get3A_722, %get3A_723] {strides = array<i32>} : memref<512x64xf32, #tpu.memory_space<vmem>>, vector<16xf32>,
      %sub3A_725 = arith.subf %add3A_721, %get3A_724 : vector<16xf32>
      %mul3A_726 = arith.mulf %sub3A_725, %sub3A_725 : vector<16xf32>
      %add3A_727 = arith.addf %add3A_714, %mul3A_726 : vector<16xf32>
      %swap3A_728 = arith.constant 48 : index
      %swap3A_729 = tpu.vector_load %arg16[%swap3A_728] {strides = array<i32>} : memref<256xf32, #tpu.memory_space<vmem>>, vector<16xf32>,
      tpu.vector_store %arg16[%swap3A_728], %add3A_727 {strides = array<i32>} : memref<256xf32, #tpu.memory_space<vmem>>, vector<16xf32>,
      %add3A_730 = arith.constant 4 : i32
      %add3A_731 = arith.addi %mul3A_512, %add3A_730 : i32
      %get3A_732 = arith.index_cast %add3A_731 : i32 to index
      %get3A_733 = arith.constant 0 : index
      %get3A_734 = tpu.vector_load %arg13[%get3A_732, %get3A_733] {strides = array<i32>} : memref<512x64xf32, #tpu.memory_space<vmem>>, vector<16xf32>,
      %get3A_735 = arith.index_cast %add3A_731 : i32 to index
      %get3A_736 = arith.constant 0 : index
      %get3A_737 = tpu.vector_load %arg14[%get3A_735, %get3A_736] {strides = array<i32>} : memref<512x64xf32, #tpu.memory_space<vmem>>, vector<16xf32>,
      %add3A_738 = arith.addf %get3A_734, %get3A_737 : vector<16xf32>
      %get3A_739 = arith.index_cast %add3A_731 : i32 to index
      %get3A_740 = arith.constant 0 : index
      %get3A_741 = tpu.vector_load %arg15[%get3A_739, %get3A_740] {strides = array<i32>} : memref<512x64xf32, #tpu.memory_space<vmem>>, vector<16xf32>,
      %sub3A_742 = arith.subf %add3A_738, %get3A_741 : vector<16xf32>
      %mul3A_743 = arith.mulf %sub3A_742, %sub3A_742 : vector<16xf32>
      %get3A_744 = arith.index_cast %add3A_731 : i32 to index
      %get3A_745 = arith.constant 16 : index
      %get3A_746 = tpu.vector_load %arg13[%get3A_744, %get3A_745] {strides = array<i32>} : memref<512x64xf32, #tpu.memory_space<vmem>>, vector<16xf32>,
      %get3A_747 = arith.index_cast %add3A_731 : i32 to index
      %get3A_748 = arith.constant 16 : index
      %get3A_749 = tpu.vector_load %arg14[%get3A_747, %get3A_748] {strides = array<i32>} : memref<512x64xf32, #tpu.memory_space<vmem>>, vector<16xf32>,
      %add3A_750 = arith.addf %get3A_746, %get3A_749 : vector<16xf32>
      %get3A_751 = arith.index_cast %add3A_731 : i32 to index
      %get3A_752 = arith.constant 16 : index
      %get3A_753 = tpu.vector_load %arg15[%get3A_751, %get3A_752] {strides = array<i32>} : memref<512x64xf32, #tpu.memory_space<vmem>>, vector<16xf32>,
      %sub3A_754 = arith.subf %add3A_750, %get3A_753 : vector<16xf32>
      %mul3A_755 = arith.mulf %sub3A_754, %sub3A_754 : vector<16xf32>
      %add3A_756 = arith.addf %mul3A_743, %mul3A_755 : vector<16xf32>
      %get3A_757 = arith.index_cast %add3A_731 : i32 to index
      %get3A_758 = arith.constant 32 : index
      %get3A_759 = tpu.vector_load %arg13[%get3A_757, %get3A_758] {strides = array<i32>} : memref<512x64xf32, #tpu.memory_space<vmem>>, vector<16xf32>,
      %get3A_760 = arith.index_cast %add3A_731 : i32 to index
      %get3A_761 = arith.constant 32 : index
      %get3A_762 = tpu.vector_load %arg14[%get3A_760, %get3A_761] {strides = array<i32>} : memref<512x64xf32, #tpu.memory_space<vmem>>, vector<16xf32>,
      %add3A_763 = arith.addf %get3A_759, %get3A_762 : vector<16xf32>
      %get3A_764 = arith.index_cast %add3A_731 : i32 to index
      %get3A_765 = arith.constant 32 : index
      %get3A_766 = tpu.vector_load %arg15[%get3A_764, %get3A_765] {strides = array<i32>} : memref<512x64xf32, #tpu.memory_space<vmem>>, vector<16xf32>,
      %sub3A_767 = arith.subf %add3A_763, %get3A_766 : vector<16xf32>
      %mul3A_768 = arith.mulf %sub3A_767, %sub3A_767 : vector<16xf32>
      %add3A_769 = arith.addf %add3A_756, %mul3A_768 : vector<16xf32>
      %get3A_770 = arith.index_cast %add3A_731 : i32 to index
      %get3A_771 = arith.constant 48 : index
      %get3A_772 = tpu.vector_load %arg13[%get3A_770, %get3A_771] {strides = array<i32>} : memref<512x64xf32, #tpu.memory_space<vmem>>, vector<16xf32>,
      %get3A_773 = arith.index_cast %add3A_731 : i32 to index
      %get3A_774 = arith.constant 48 : index
      %get3A_775 = tpu.vector_load %arg14[%get3A_773, %get3A_774] {strides = array<i32>} : memref<512x64xf32, #tpu.memory_space<vmem>>, vector<16xf32>,
      %add3A_776 = arith.addf %get3A_772, %get3A_775 : vector<16xf32>
      %get3A_777 = arith.index_cast %add3A_731 : i32 to index
      %get3A_778 = arith.constant 48 : index
      %get3A_779 = tpu.vector_load %arg15[%get3A_777, %get3A_778] {strides = array<i32>} : memref<512x64xf32, #tpu.memory_space<vmem>>, vector<16xf32>,
      %sub3A_780 = arith.subf %add3A_776, %get3A_779 : vector<16xf32>
      %mul3A_781 = arith.mulf %sub3A_780, %sub3A_780 : vector<16xf32>
      %add3A_782 = arith.addf %add3A_769, %mul3A_781 : vector<16xf32>
      %swap3A_783 = arith.constant 64 : index
      %swap3A_784 = tpu.vector_load %arg16[%swap3A_783] {strides = array<i32>} : memref<256xf32, #tpu.memory_space<vmem>>, vector<16xf32>,
      tpu.vector_store %arg16[%swap3A_783], %add3A_782 {strides = array<i32>} : memref<256xf32, #tpu.memory_space<vmem>>, vector<16xf32>,
      %add3A_785 = arith.constant 5 : i32
      %add3A_786 = arith.addi %mul3A_512, %add3A_785 : i32
      %get3A_787 = arith.index_cast %add3A_786 : i32 to index
      %get3A_788 = arith.constant 0 : index
      %get3A_789 = tpu.vector_load %arg13[%get3A_787, %get3A_788] {strides = array<i32>} : memref<512x64xf32, #tpu.memory_space<vmem>>, vector<16xf32>,
      %get3A_790 = arith.index_cast %add3A_786 : i32 to index
      %get3A_791 = arith.constant 0 : index
      %get3A_792 = tpu.vector_load %arg14[%get3A_790, %get3A_791] {strides = array<i32>} : memref<512x64xf32, #tpu.memory_space<vmem>>, vector<16xf32>,
      %add3A_793 = arith.addf %get3A_789, %get3A_792 : vector<16xf32>
      %get3A_794 = arith.index_cast %add3A_786 : i32 to index
      %get3A_795 = arith.constant 0 : index
      %get3A_796 = tpu.vector_load %arg15[%get3A_794, %get3A_795] {strides = array<i32>} : memref<512x64xf32, #tpu.memory_space<vmem>>, vector<16xf32>,
      %sub3A_797 = arith.subf %add3A_793, %get3A_796 : vector<16xf32>
      %mul3A_798 = arith.mulf %sub3A_797, %sub3A_797 : vector<16xf32>
      %get3A_799 = arith.index_cast %add3A_786 : i32 to index
      %get3A_800 = arith.constant 16 : index
      %get3A_801 = tpu.vector_load %arg13[%get3A_799, %get3A_800] {strides = array<i32>} : memref<512x64xf32, #tpu.memory_space<vmem>>, vector<16xf32>,
      %get3A_802 = arith.index_cast %add3A_786 : i32 to index
      %get3A_803 = arith.constant 16 : index
      %get3A_804 = tpu.vector_load %arg14[%get3A_802, %get3A_803] {strides = array<i32>} : memref<512x64xf32, #tpu.memory_space<vmem>>, vector<16xf32>,
      %add3A_805 = arith.addf %get3A_801, %get3A_804 : vector<16xf32>
      %get3A_806 = arith.index_cast %add3A_786 : i32 to index
      %get3A_807 = arith.constant 16 : index
      %get3A_808 = tpu.vector_load %arg15[%get3A_806, %get3A_807] {strides = array<i32>} : memref<512x64xf32, #tpu.memory_space<vmem>>, vector<16xf32>,
      %sub3A_809 = arith.subf %add3A_805, %get3A_808 : vector<16xf32>
      %mul3A_810 = arith.mulf %sub3A_809, %sub3A_809 : vector<16xf32>
      %add3A_811 = arith.addf %mul3A_798, %mul3A_810 : vector<16xf32>
      %get3A_812 = arith.index_cast %add3A_786 : i32 to index
      %get3A_813 = arith.constant 32 : index
      %get3A_814 = tpu.vector_load %arg13[%get3A_812, %get3A_813] {strides = array<i32>} : memref<512x64xf32, #tpu.memory_space<vmem>>, vector<16xf32>,
      %get3A_815 = arith.index_cast %add3A_786 : i32 to index
      %get3A_816 = arith.constant 32 : index
      %get3A_817 = tpu.vector_load %arg14[%get3A_815, %get3A_816] {strides = array<i32>} : memref<512x64xf32, #tpu.memory_space<vmem>>, vector<16xf32>,
      %add3A_818 = arith.addf %get3A_814, %get3A_817 : vector<16xf32>
      %get3A_819 = arith.index_cast %add3A_786 : i32 to index
      %get3A_820 = arith.constant 32 : index
      %get3A_821 = tpu.vector_load %arg15[%get3A_819, %get3A_820] {strides = array<i32>} : memref<512x64xf32, #tpu.memory_space<vmem>>, vector<16xf32>,
      %sub3A_822 = arith.subf %add3A_818, %get3A_821 : vector<16xf32>
      %mul3A_823 = arith.mulf %sub3A_822, %sub3A_822 : vector<16xf32>
      %add3A_824 = arith.addf %add3A_811, %mul3A_823 : vector<16xf32>
      %get3A_825 = arith.index_cast %add3A_786 : i32 to index
      %get3A_826 = arith.constant 48 : index
      %get3A_827 = tpu.vector_load %arg13[%get3A_825, %get3A_826] {strides = array<i32>} : memref<512x64xf32, #tpu.memory_space<vmem>>, vector<16xf32>,
      %get3A_828 = arith.index_cast %add3A_786 : i32 to index
      %get3A_829 = arith.constant 48 : index
      %get3A_830 = tpu.vector_load %arg14[%get3A_828, %get3A_829] {strides = array<i32>} : memref<512x64xf32, #tpu.memory_space<vmem>>, vector<16xf32>,
      %add3A_831 = arith.addf %get3A_827, %get3A_830 : vector<16xf32>
      %get3A_832 = arith.index_cast %add3A_786 : i32 to index
      %get3A_833 = arith.constant 48 : index
      %get3A_834 = tpu.vector_load %arg15[%get3A_832, %get3A_833] {strides = array<i32>} : memref<512x64xf32, #tpu.memory_space<vmem>>, vector<16xf32>,
      %sub3A_835 = arith.subf %add3A_831, %get3A_834 : vector<16xf32>
      %mul3A_836 = arith.mulf %sub3A_835, %sub3A_835 : vector<16xf32>
      %add3A_837 = arith.addf %add3A_824, %mul3A_836 : vector<16xf32>
      %swap3A_838 = arith.constant 80 : index
      %swap3A_839 = tpu.vector_load %arg16[%swap3A_838] {strides = array<i32>} : memref<256xf32, #tpu.memory_space<vmem>>, vector<16xf32>,
      tpu.vector_store %arg16[%swap3A_838], %add3A_837 {strides = array<i32>} : memref<256xf32, #tpu.memory_space<vmem>>, vector<16xf32>,
      %add3A_840 = arith.constant 6 : i32
      %add3A_841 = arith.addi %mul3A_512, %add3A_840 : i32
      %get3A_842 = arith.index_cast %add3A_841 : i32 to index
      %get3A_843 = arith.constant 0 : index
      %get3A_844 = tpu.vector_load %arg13[%get3A_842, %get3A_843] {strides = array<i32>} : memref<512x64xf32, #tpu.memory_space<vmem>>, vector<16xf32>,
      %get3A_845 = arith.index_cast %add3A_841 : i32 to index
      %get3A_846 = arith.constant 0 : index
      %get3A_847 = tpu.vector_load %arg14[%get3A_845, %get3A_846] {strides = array<i32>} : memref<512x64xf32, #tpu.memory_space<vmem>>, vector<16xf32>,
      %add3A_848 = arith.addf %get3A_844, %get3A_847 : vector<16xf32>
      %get3A_849 = arith.index_cast %add3A_841 : i32 to index
      %get3A_850 = arith.constant 0 : index
      %get3A_851 = tpu.vector_load %arg15[%get3A_849, %get3A_850] {strides = array<i32>} : memref<512x64xf32, #tpu.memory_space<vmem>>, vector<16xf32>,
      %sub3A_852 = arith.subf %add3A_848, %get3A_851 : vector<16xf32>
      %mul3A_853 = arith.mulf %sub3A_852, %sub3A_852 : vector<16xf32>
      %get3A_854 = arith.index_cast %add3A_841 : i32 to index
      %get3A_855 = arith.constant 16 : index
      %get3A_856 = tpu.vector_load %arg13[%get3A_854, %get3A_855] {strides = array<i32>} : memref<512x64xf32, #tpu.memory_space<vmem>>, vector<16xf32>,
      %get3A_857 = arith.index_cast %add3A_841 : i32 to index
      %get3A_858 = arith.constant 16 : index
      %get3A_859 = tpu.vector_load %arg14[%get3A_857, %get3A_858] {strides = array<i32>} : memref<512x64xf32, #tpu.memory_space<vmem>>, vector<16xf32>,
      %add3A_860 = arith.addf %get3A_856, %get3A_859 : vector<16xf32>
      %get3A_861 = arith.index_cast %add3A_841 : i32 to index
      %get3A_862 = arith.constant 16 : index
      %get3A_863 = tpu.vector_load %arg15[%get3A_861, %get3A_862] {strides = array<i32>} : memref<512x64xf32, #tpu.memory_space<vmem>>, vector<16xf32>,
      %sub3A_864 = arith.subf %add3A_860, %get3A_863 : vector<16xf32>
      %mul3A_865 = arith.mulf %sub3A_864, %sub3A_864 : vector<16xf32>
      %add3A_866 = arith.addf %mul3A_853, %mul3A_865 : vector<16xf32>
      %get3A_867 = arith.index_cast %add3A_841 : i32 to index
      %get3A_868 = arith.constant 32 : index
      %get3A_869 = tpu.vector_load %arg13[%get3A_867, %get3A_868] {strides = array<i32>} : memref<512x64xf32, #tpu.memory_space<vmem>>, vector<16xf32>,
      %get3A_870 = arith.index_cast %add3A_841 : i32 to index
      %get3A_871 = arith.constant 32 : index
      %get3A_872 = tpu.vector_load %arg14[%get3A_870, %get3A_871] {strides = array<i32>} : memref<512x64xf32, #tpu.memory_space<vmem>>, vector<16xf32>,
      %add3A_873 = arith.addf %get3A_869, %get3A_872 : vector<16xf32>
      %get3A_874 = arith.index_cast %add3A_841 : i32 to index
      %get3A_875 = arith.constant 32 : index
      %get3A_876 = tpu.vector_load %arg15[%get3A_874, %get3A_875] {strides = array<i32>} : memref<512x64xf32, #tpu.memory_space<vmem>>, vector<16xf32>,
      %sub3A_877 = arith.subf %add3A_873, %get3A_876 : vector<16xf32>
      %mul3A_878 = arith.mulf %sub3A_877, %sub3A_877 : vector<16xf32>
      %add3A_879 = arith.addf %add3A_866, %mul3A_878 : vector<16xf32>
      %get3A_880 = arith.index_cast %add3A_841 : i32 to index
      %get3A_881 = arith.constant 48 : index
      %get3A_882 = tpu.vector_load %arg13[%get3A_880, %get3A_881] {strides = array<i32>} : memref<512x64xf32, #tpu.memory_space<vmem>>, vector<16xf32>,
      %get3A_883 = arith.index_cast %add3A_841 : i32 to index
      %get3A_884 = arith.constant 48 : index
      %get3A_885 = tpu.vector_load %arg14[%get3A_883, %get3A_884] {strides = array<i32>} : memref<512x64xf32, #tpu.memory_space<vmem>>, vector<16xf32>,
      %add3A_886 = arith.addf %get3A_882, %get3A_885 : vector<16xf32>
      %get3A_887 = arith.index_cast %add3A_841 : i32 to index
      %get3A_888 = arith.constant 48 : index
      %get3A_889 = tpu.vector_load %arg15[%get3A_887, %get3A_888] {strides = array<i32>} : memref<512x64xf32, #tpu.memory_space<vmem>>, vector<16xf32>,
      %sub3A_890 = arith.subf %add3A_886, %get3A_889 : vector<16xf32>
      %mul3A_891 = arith.mulf %sub3A_890, %sub3A_890 : vector<16xf32>
      %add3A_892 = arith.addf %add3A_879, %mul3A_891 : vector<16xf32>
      %swap3A_893 = arith.constant 96 : index
      %swap3A_894 = tpu.vector_load %arg16[%swap3A_893] {strides = array<i32>} : memref<256xf32, #tpu.memory_space<vmem>>, vector<16xf32>,
      tpu.vector_store %arg16[%swap3A_893], %add3A_892 {strides = array<i32>} : memref<256xf32, #tpu.memory_space<vmem>>, vector<16xf32>,
      %add3A_895 = arith.constant 7 : i32
      %add3A_896 = arith.addi %mul3A_512, %add3A_895 : i32
      %get3A_897 = arith.index_cast %add3A_896 : i32 to index
      %get3A_898 = arith.constant 0 : index
      %get3A_899 = tpu.vector_load %arg13[%get3A_897, %get3A_898] {strides = array<i32>} : memref<512x64xf32, #tpu.memory_space<vmem>>, vector<16xf32>,
      %get3A_900 = arith.index_cast %add3A_896 : i32 to index
      %get3A_901 = arith.constant 0 : index
      %get3A_902 = tpu.vector_load %arg14[%get3A_900, %get3A_901] {strides = array<i32>} : memref<512x64xf32, #tpu.memory_space<vmem>>, vector<16xf32>,
      %add3A_903 = arith.addf %get3A_899, %get3A_902 : vector<16xf32>
      %get3A_904 = arith.index_cast %add3A_896 : i32 to index
      %get3A_905 = arith.constant 0 : index
      %get3A_906 = tpu.vector_load %arg15[%get3A_904, %get3A_905] {strides = array<i32>} : memref<512x64xf32, #tpu.memory_space<vmem>>, vector<16xf32>,
      %sub3A_907 = arith.subf %add3A_903, %get3A_906 : vector<16xf32>
      %mul3A_908 = arith.mulf %sub3A_907, %sub3A_907 : vector<16xf32>
      %get3A_909 = arith.index_cast %add3A_896 : i32 to index
      %get3A_910 = arith.constant 16 : index
      %get3A_911 = tpu.vector_load %arg13[%get3A_909, %get3A_910] {strides = array<i32>} : memref<512x64xf32, #tpu.memory_space<vmem>>, vector<16xf32>,
      %get3A_912 = arith.index_cast %add3A_896 : i32 to index
      %get3A_913 = arith.constant 16 : index
      %get3A_914 = tpu.vector_load %arg14[%get3A_912, %get3A_913] {strides = array<i32>} : memref<512x64xf32, #tpu.memory_space<vmem>>, vector<16xf32>,
      %add3A_915 = arith.addf %get3A_911, %get3A_914 : vector<16xf32>
      %get3A_916 = arith.index_cast %add3A_896 : i32 to index
      %get3A_917 = arith.constant 16 : index
      %get3A_918 = tpu.vector_load %arg15[%get3A_916, %get3A_917] {strides = array<i32>} : memref<512x64xf32, #tpu.memory_space<vmem>>, vector<16xf32>,
      %sub3A_919 = arith.subf %add3A_915, %get3A_918 : vector<16xf32>
      %mul3A_920 = arith.mulf %sub3A_919, %sub3A_919 : vector<16xf32>
      %add3A_921 = arith.addf %mul3A_908, %mul3A_920 : vector<16xf32>
      %get3A_922 = arith.index_cast %add3A_896 : i32 to index
      %get3A_923 = arith.constant 32 : index
      %get3A_924 = tpu.vector_load %arg13[%get3A_922, %get3A_923] {strides = array<i32>} : memref<512x64xf32, #tpu.memory_space<vmem>>, vector<16xf32>,
      %get3A_925 = arith.index_cast %add3A_896 : i32 to index
      %get3A_926 = arith.constant 32 : index
      %get3A_927 = tpu.vector_load %arg14[%get3A_925, %get3A_926] {strides = array<i32>} : memref<512x64xf32, #tpu.memory_space<vmem>>, vector<16xf32>,
      %add3A_928 = arith.addf %get3A_924, %get3A_927 : vector<16xf32>
      %get3A_929 = arith.index_cast %add3A_896 : i32 to index
      %get3A_930 = arith.constant 32 : index
      %get3A_931 = tpu.vector_load %arg15[%get3A_929, %get3A_930] {strides = array<i32>} : memref<512x64xf32, #tpu.memory_space<vmem>>, vector<16xf32>,
      %sub3A_932 = arith.subf %add3A_928, %get3A_931 : vector<16xf32>
      %mul3A_933 = arith.mulf %sub3A_932, %sub3A_932 : vector<16xf32>
      %add3A_934 = arith.addf %add3A_921, %mul3A_933 : vector<16xf32>
      %get3A_935 = arith.index_cast %add3A_896 : i32 to index
      %get3A_936 = arith.constant 48 : index
      %get3A_937 = tpu.vector_load %arg13[%get3A_935, %get3A_936] {strides = array<i32>} : memref<512x64xf32, #tpu.memory_space<vmem>>, vector<16xf32>,
      %get3A_938 = arith.index_cast %add3A_896 : i32 to index
      %get3A_939 = arith.constant 48 : index
      %get3A_940 = tpu.vector_load %arg14[%get3A_938, %get3A_939] {strides = array<i32>} : memref<512x64xf32, #tpu.memory_space<vmem>>, vector<16xf32>,
      %add3A_941 = arith.addf %get3A_937, %get3A_940 : vector<16xf32>
      %get3A_942 = arith.index_cast %add3A_896 : i32 to index
      %get3A_943 = arith.constant 48 : index
      %get3A_944 = tpu.vector_load %arg15[%get3A_942, %get3A_943] {strides = array<i32>} : memref<512x64xf32, #tpu.memory_space<vmem>>, vector<16xf32>,
      %sub3A_945 = arith.subf %add3A_941, %get3A_944 : vector<16xf32>
      %mul3A_946 = arith.mulf %sub3A_945, %sub3A_945 : vector<16xf32>
      %add3A_947 = arith.addf %add3A_934, %mul3A_946 : vector<16xf32>
      %swap3A_948 = arith.constant 112 : index
      %swap3A_949 = tpu.vector_load %arg16[%swap3A_948] {strides = array<i32>} : memref<256xf32, #tpu.memory_space<vmem>>, vector<16xf32>,
      tpu.vector_store %arg16[%swap3A_948], %add3A_947 {strides = array<i32>} : memref<256xf32, #tpu.memory_space<vmem>>, vector<16xf32>,
      %add3A_950 = arith.constant 8 : i32
      %add3A_951 = arith.addi %mul3A_512, %add3A_950 : i32
      %get3A_952 = arith.index_cast %add3A_951 : i32 to index
      %get3A_953 = arith.constant 0 : index
      %get3A_954 = tpu.vector_load %arg13[%get3A_952, %get3A_953] {strides = array<i32>} : memref<512x64xf32, #tpu.memory_space<vmem>>, vector<16xf32>,
      %get3A_955 = arith.index_cast %add3A_951 : i32 to index
      %get3A_956 = arith.constant 0 : index
      %get3A_957 = tpu.vector_load %arg14[%get3A_955, %get3A_956] {strides = array<i32>} : memref<512x64xf32, #tpu.memory_space<vmem>>, vector<16xf32>,
      %add3A_958 = arith.addf %get3A_954, %get3A_957 : vector<16xf32>
      %get3A_959 = arith.index_cast %add3A_951 : i32 to index
      %get3A_960 = arith.constant 0 : index
      %get3A_961 = tpu.vector_load %arg15[%get3A_959, %get3A_960] {strides = array<i32>} : memref<512x64xf32, #tpu.memory_space<vmem>>, vector<16xf32>,
      %sub3A_962 = arith.subf %add3A_958, %get3A_961 : vector<16xf32>
      %mul3A_963 = arith.mulf %sub3A_962, %sub3A_962 : vector<16xf32>
      %get3A_964 = arith.index_cast %add3A_951 : i32 to index
      %get3A_965 = arith.constant 16 : index
      %get3A_966 = tpu.vector_load %arg13[%get3A_964, %get3A_965] {strides = array<i32>} : memref<512x64xf32, #tpu.memory_space<vmem>>, vector<16xf32>,
      %get3A_967 = arith.index_cast %add3A_951 : i32 to index
      %get3A_968 = arith.constant 16 : index
      %get3A_969 = tpu.vector_load %arg14[%get3A_967, %get3A_968] {strides = array<i32>} : memref<512x64xf32, #tpu.memory_space<vmem>>, vector<16xf32>,
      %add3A_970 = arith.addf %get3A_966, %get3A_969 : vector<16xf32>
      %get3A_971 = arith.index_cast %add3A_951 : i32 to index
      %get3A_972 = arith.constant 16 : index
      %get3A_973 = tpu.vector_load %arg15[%get3A_971, %get3A_972] {strides = array<i32>} : memref<512x64xf32, #tpu.memory_space<vmem>>, vector<16xf32>,
      %sub3A_974 = arith.subf %add3A_970, %get3A_973 : vector<16xf32>
      %mul3A_975 = arith.mulf %sub3A_974, %sub3A_974 : vector<16xf32>
      %add3A_976 = arith.addf %mul3A_963, %mul3A_975 : vector<16xf32>
      %get3A_977 = arith.index_cast %add3A_951 : i32 to index
      %get3A_978 = arith.constant 32 : index
      %get3A_979 = tpu.vector_load %arg13[%get3A_977, %get3A_978] {strides = array<i32>} : memref<512x64xf32, #tpu.memory_space<vmem>>, vector<16xf32>,
      %get3A_980 = arith.index_cast %add3A_951 : i32 to index
      %get3A_981 = arith.constant 32 : index
      %get3A_982 = tpu.vector_load %arg14[%get3A_980, %get3A_981] {strides = array<i32>} : memref<512x64xf32, #tpu.memory_space<vmem>>, vector<16xf32>,
      %add3A_983 = arith.addf %get3A_979, %get3A_982 : vector<16xf32>
      %get3A_984 = arith.index_cast %add3A_951 : i32 to index
      %get3A_985 = arith.constant 32 : index
      %get3A_986 = tpu.vector_load %arg15[%get3A_984, %get3A_985] {strides = array<i32>} : memref<512x64xf32, #tpu.memory_space<vmem>>, vector<16xf32>,
      %sub3A_987 = arith.subf %add3A_983, %get3A_986 : vector<16xf32>
      %mul3A_988 = arith.mulf %sub3A_987, %sub3A_987 : vector<16xf32>
      %add3A_989 = arith.addf %add3A_976, %mul3A_988 : vector<16xf32>
      %get3A_990 = arith.index_cast %add3A_951 : i32 to index
      %get3A_991 = arith.constant 48 : index
      %get3A_992 = tpu.vector_load %arg13[%get3A_990, %get3A_991] {strides = array<i32>} : memref<512x64xf32, #tpu.memory_space<vmem>>, vector<16xf32>,
      %get3A_993 = arith.index_cast %add3A_951 : i32 to index
      %get3A_994 = arith.constant 48 : index
      %get3A_995 = tpu.vector_load %arg14[%get3A_993, %get3A_994] {strides = array<i32>} : memref<512x64xf32, #tpu.memory_space<vmem>>, vector<16xf32>,
      %add3A_996 = arith.addf %get3A_992, %get3A_995 : vector<16xf32>
      %get3A_997 = arith.index_cast %add3A_951 : i32 to index
      %get3A_998 = arith.constant 48 : index
      %get3A_999 = tpu.vector_load %arg15[%get3A_997, %get3A_998] {strides = array<i32>} : memref<512x64xf32, #tpu.memory_space<vmem>>, vector<16xf32>,
      %sub3A_1000 = arith.subf %add3A_996, %get3A_999 : vector<16xf32>
      %mul3A_1001 = arith.mulf %sub3A_1000, %sub3A_1000 : vector<16xf32>
      %add3A_1002 = arith.addf %add3A_989, %mul3A_1001 : vector<16xf32>
      %swap3A_1003 = arith.constant 128 : index
      %swap3A_1004 = tpu.vector_load %arg16[%swap3A_1003] {strides = array<i32>} : memref<256xf32, #tpu.memory_space<vmem>>, vector<16xf32>,
      tpu.vector_store %arg16[%swap3A_1003], %add3A_1002 {strides = array<i32>} : memref<256xf32, #tpu.memory_space<vmem>>, vector<16xf32>,
      %add3A_1005 = arith.constant 9 : i32
      %add3A_1006 = arith.addi %mul3A_512, %add3A_1005 : i32
      %get3A_1007 = arith.index_cast %add3A_1006 : i32 to index
      %get3A_1008 = arith.constant 0 : index
      %get3A_1009 = tpu.vector_load %arg13[%get3A_1007, %get3A_1008] {strides = array<i32>} : memref<512x64xf32, #tpu.memory_space<vmem>>, vector<16xf32>,
      %get3A_1010 = arith.index_cast %add3A_1006 : i32 to index
      %get3A_1011 = arith.constant 0 : index
      %get3A_1012 = tpu.vector_load %arg14[%get3A_1010, %get3A_1011] {strides = array<i32>} : memref<512x64xf32, #tpu.memory_space<vmem>>, vector<16xf32>,
      %add3A_1013 = arith.addf %get3A_1009, %get3A_1012 : vector<16xf32>
      %get3A_1014 = arith.index_cast %add3A_1006 : i32 to index
      %get3A_1015 = arith.constant 0 : index
      %get3A_1016 = tpu.vector_load %arg15[%get3A_1014, %get3A_1015] {strides = array<i32>} : memref<512x64xf32, #tpu.memory_space<vmem>>, vector<16xf32>,
      %sub3A_1017 = arith.subf %add3A_1013, %get3A_1016 : vector<16xf32>
      %mul3A_1018 = arith.mulf %sub3A_1017, %sub3A_1017 : vector<16xf32>
      %get3A_1019 = arith.index_cast %add3A_1006 : i32 to index
      %get3A_1020 = arith.constant 16 : index
      %get3A_1021 = tpu.vector_load %arg13[%get3A_1019, %get3A_1020] {strides = array<i32>} : memref<512x64xf32, #tpu.memory_space<vmem>>, vector<16xf32>,
      %get3A_1022 = arith.index_cast %add3A_1006 : i32 to index
      %get3A_1023 = arith.constant 16 : index
      %get3A_1024 = tpu.vector_load %arg14[%get3A_1022, %get3A_1023] {strides = array<i32>} : memref<512x64xf32, #tpu.memory_space<vmem>>, vector<16xf32>,
      %add3A_1025 = arith.addf %get3A_1021, %get3A_1024 : vector<16xf32>
      %get3A_1026 = arith.index_cast %add3A_1006 : i32 to index
      %get3A_1027 = arith.constant 16 : index
      %get3A_1028 = tpu.vector_load %arg15[%get3A_1026, %get3A_1027] {strides = array<i32>} : memref<512x64xf32, #tpu.memory_space<vmem>>, vector<16xf32>,
      %sub3A_1029 = arith.subf %add3A_1025, %get3A_1028 : vector<16xf32>
      %mul3A_1030 = arith.mulf %sub3A_1029, %sub3A_1029 : vector<16xf32>
      %add3A_1031 = arith.addf %mul3A_1018, %mul3A_1030 : vector<16xf32>
      %get3A_1032 = arith.index_cast %add3A_1006 : i32 to index
      %get3A_1033 = arith.constant 32 : index
      %get3A_1034 = tpu.vector_load %arg13[%get3A_1032, %get3A_1033] {strides = array<i32>} : memref<512x64xf32, #tpu.memory_space<vmem>>, vector<16xf32>,
      %get3A_1035 = arith.index_cast %add3A_1006 : i32 to index
      %get3A_1036 = arith.constant 32 : index
      %get3A_1037 = tpu.vector_load %arg14[%get3A_1035, %get3A_1036] {strides = array<i32>} : memref<512x64xf32, #tpu.memory_space<vmem>>, vector<16xf32>,
      %add3A_1038 = arith.addf %get3A_1034, %get3A_1037 : vector<16xf32>
      %get3A_1039 = arith.index_cast %add3A_1006 : i32 to index
      %get3A_1040 = arith.constant 32 : index
      %get3A_1041 = tpu.vector_load %arg15[%get3A_1039, %get3A_1040] {strides = array<i32>} : memref<512x64xf32, #tpu.memory_space<vmem>>, vector<16xf32>,
      %sub3A_1042 = arith.subf %add3A_1038, %get3A_1041 : vector<16xf32>
      %mul3A_1043 = arith.mulf %sub3A_1042, %sub3A_1042 : vector<16xf32>
      %add3A_1044 = arith.addf %add3A_1031, %mul3A_1043 : vector<16xf32>
      %get3A_1045 = arith.index_cast %add3A_1006 : i32 to index
      %get3A_1046 = arith.constant 48 : index
      %get3A_1047 = tpu.vector_load %arg13[%get3A_1045, %get3A_1046] {strides = array<i32>} : memref<512x64xf32, #tpu.memory_space<vmem>>, vector<16xf32>,
      %get3A_1048 = arith.index_cast %add3A_1006 : i32 to index
      %get3A_1049 = arith.constant 48 : index
      %get3A_1050 = tpu.vector_load %arg14[%get3A_1048, %get3A_1049] {strides = array<i32>} : memref<512x64xf32, #tpu.memory_space<vmem>>, vector<16xf32>,
      %add3A_1051 = arith.addf %get3A_1047, %get3A_1050 : vector<16xf32>
      %get3A_1052 = arith.index_cast %add3A_1006 : i32 to index
      %get3A_1053 = arith.constant 48 : index
      %get3A_1054 = tpu.vector_load %arg15[%get3A_1052, %get3A_1053] {strides = array<i32>} : memref<512x64xf32, #tpu.memory_space<vmem>>, vector<16xf32>,
      %sub3A_1055 = arith.subf %add3A_1051, %get3A_1054 : vector<16xf32>
      %mul3A_1056 = arith.mulf %sub3A_1055, %sub3A_1055 : vector<16xf32>
      %add3A_1057 = arith.addf %add3A_1044, %mul3A_1056 : vector<16xf32>
      %swap3A_1058 = arith.constant 144 : index
      %swap3A_1059 = tpu.vector_load %arg16[%swap3A_1058] {strides = array<i32>} : memref<256xf32, #tpu.memory_space<vmem>>, vector<16xf32>,
      tpu.vector_store %arg16[%swap3A_1058], %add3A_1057 {strides = array<i32>} : memref<256xf32, #tpu.memory_space<vmem>>, vector<16xf32>,
      %add3A_1060 = arith.constant 10 : i32
      %add3A_1061 = arith.addi %mul3A_512, %add3A_1060 : i32
      %get3A_1062 = arith.index_cast %add3A_1061 : i32 to index
      %get3A_1063 = arith.constant 0 : index
      %get3A_1064 = tpu.vector_load %arg13[%get3A_1062, %get3A_1063] {strides = array<i32>} : memref<512x64xf32, #tpu.memory_space<vmem>>, vector<16xf32>,
      %get3A_1065 = arith.index_cast %add3A_1061 : i32 to index
      %get3A_1066 = arith.constant 0 : index
      %get3A_1067 = tpu.vector_load %arg14[%get3A_1065, %get3A_1066] {strides = array<i32>} : memref<512x64xf32, #tpu.memory_space<vmem>>, vector<16xf32>,
      %add3A_1068 = arith.addf %get3A_1064, %get3A_1067 : vector<16xf32>
      %get3A_1069 = arith.index_cast %add3A_1061 : i32 to index
      %get3A_1070 = arith.constant 0 : index
      %get3A_1071 = tpu.vector_load %arg15[%get3A_1069, %get3A_1070] {strides = array<i32>} : memref<512x64xf32, #tpu.memory_space<vmem>>, vector<16xf32>,
      %sub3A_1072 = arith.subf %add3A_1068, %get3A_1071 : vector<16xf32>
      %mul3A_1073 = arith.mulf %sub3A_1072, %sub3A_1072 : vector<16xf32>
      %get3A_1074 = arith.index_cast %add3A_1061 : i32 to index
      %get3A_1075 = arith.constant 16 : index
      %get3A_1076 = tpu.vector_load %arg13[%get3A_1074, %get3A_1075] {strides = array<i32>} : memref<512x64xf32, #tpu.memory_space<vmem>>, vector<16xf32>,
      %get3A_1077 = arith.index_cast %add3A_1061 : i32 to index
      %get3A_1078 = arith.constant 16 : index
      %get3A_1079 = tpu.vector_load %arg14[%get3A_1077, %get3A_1078] {strides = array<i32>} : memref<512x64xf32, #tpu.memory_space<vmem>>, vector<16xf32>,
      %add3A_1080 = arith.addf %get3A_1076, %get3A_1079 : vector<16xf32>
      %get3A_1081 = arith.index_cast %add3A_1061 : i32 to index
      %get3A_1082 = arith.constant 16 : index
      %get3A_1083 = tpu.vector_load %arg15[%get3A_1081, %get3A_1082] {strides = array<i32>} : memref<512x64xf32, #tpu.memory_space<vmem>>, vector<16xf32>,
      %sub3A_1084 = arith.subf %add3A_1080, %get3A_1083 : vector<16xf32>
      %mul3A_1085 = arith.mulf %sub3A_1084, %sub3A_1084 : vector<16xf32>
      %add3A_1086 = arith.addf %mul3A_1073, %mul3A_1085 : vector<16xf32>
      %get3A_1087 = arith.index_cast %add3A_1061 : i32 to index
      %get3A_1088 = arith.constant 32 : index
      %get3A_1089 = tpu.vector_load %arg13[%get3A_1087, %get3A_1088] {strides = array<i32>} : memref<512x64xf32, #tpu.memory_space<vmem>>, vector<16xf32>,
      %get3A_1090 = arith.index_cast %add3A_1061 : i32 to index
      %get3A_1091 = arith.constant 32 : index
      %get3A_1092 = tpu.vector_load %arg14[%get3A_1090, %get3A_1091] {strides = array<i32>} : memref<512x64xf32, #tpu.memory_space<vmem>>, vector<16xf32>,
      %add3A_1093 = arith.addf %get3A_1089, %get3A_1092 : vector<16xf32>
      %get3A_1094 = arith.index_cast %add3A_1061 : i32 to index
      %get3A_1095 = arith.constant 32 : index
      %get3A_1096 = tpu.vector_load %arg15[%get3A_1094, %get3A_1095] {strides = array<i32>} : memref<512x64xf32, #tpu.memory_space<vmem>>, vector<16xf32>,
      %sub3A_1097 = arith.subf %add3A_1093, %get3A_1096 : vector<16xf32>
      %mul3A_1098 = arith.mulf %sub3A_1097, %sub3A_1097 : vector<16xf32>
      %add3A_1099 = arith.addf %add3A_1086, %mul3A_1098 : vector<16xf32>
      %get3A_1100 = arith.index_cast %add3A_1061 : i32 to index
      %get3A_1101 = arith.constant 48 : index
      %get3A_1102 = tpu.vector_load %arg13[%get3A_1100, %get3A_1101] {strides = array<i32>} : memref<512x64xf32, #tpu.memory_space<vmem>>, vector<16xf32>,
      %get3A_1103 = arith.index_cast %add3A_1061 : i32 to index
      %get3A_1104 = arith.constant 48 : index
      %get3A_1105 = tpu.vector_load %arg14[%get3A_1103, %get3A_1104] {strides = array<i32>} : memref<512x64xf32, #tpu.memory_space<vmem>>, vector<16xf32>,
      %add3A_1106 = arith.addf %get3A_1102, %get3A_1105 : vector<16xf32>
      %get3A_1107 = arith.index_cast %add3A_1061 : i32 to index
      %get3A_1108 = arith.constant 48 : index
      %get3A_1109 = tpu.vector_load %arg15[%get3A_1107, %get3A_1108] {strides = array<i32>} : memref<512x64xf32, #tpu.memory_space<vmem>>, vector<16xf32>,
      %sub3A_1110 = arith.subf %add3A_1106, %get3A_1109 : vector<16xf32>
      %mul3A_1111 = arith.mulf %sub3A_1110, %sub3A_1110 : vector<16xf32>
      %add3A_1112 = arith.addf %add3A_1099, %mul3A_1111 : vector<16xf32>
      %swap3A_1113 = arith.constant 160 : index
      %swap3A_1114 = tpu.vector_load %arg16[%swap3A_1113] {strides = array<i32>} : memref<256xf32, #tpu.memory_space<vmem>>, vector<16xf32>,
      tpu.vector_store %arg16[%swap3A_1113], %add3A_1112 {strides = array<i32>} : memref<256xf32, #tpu.memory_space<vmem>>, vector<16xf32>,
      %add3A_1115 = arith.constant 11 : i32
      %add3A_1116 = arith.addi %mul3A_512, %add3A_1115 : i32
      %get3A_1117 = arith.index_cast %add3A_1116 : i32 to index
      %get3A_1118 = arith.constant 0 : index
      %get3A_1119 = tpu.vector_load %arg13[%get3A_1117, %get3A_1118] {strides = array<i32>} : memref<512x64xf32, #tpu.memory_space<vmem>>, vector<16xf32>,
      %get3A_1120 = arith.index_cast %add3A_1116 : i32 to index
      %get3A_1121 = arith.constant 0 : index
      %get3A_1122 = tpu.vector_load %arg14[%get3A_1120, %get3A_1121] {strides = array<i32>} : memref<512x64xf32, #tpu.memory_space<vmem>>, vector<16xf32>,
      %add3A_1123 = arith.addf %get3A_1119, %get3A_1122 : vector<16xf32>
      %get3A_1124 = arith.index_cast %add3A_1116 : i32 to index
      %get3A_1125 = arith.constant 0 : index
      %get3A_1126 = tpu.vector_load %arg15[%get3A_1124, %get3A_1125] {strides = array<i32>} : memref<512x64xf32, #tpu.memory_space<vmem>>, vector<16xf32>,
      %sub3A_1127 = arith.subf %add3A_1123, %get3A_1126 : vector<16xf32>
      %mul3A_1128 = arith.mulf %sub3A_1127, %sub3A_1127 : vector<16xf32>
      %get3A_1129 = arith.index_cast %add3A_1116 : i32 to index
      %get3A_1130 = arith.constant 16 : index
      %get3A_1131 = tpu.vector_load %arg13[%get3A_1129, %get3A_1130] {strides = array<i32>} : memref<512x64xf32, #tpu.memory_space<vmem>>, vector<16xf32>,
      %get3A_1132 = arith.index_cast %add3A_1116 : i32 to index
      %get3A_1133 = arith.constant 16 : index
      %get3A_1134 = tpu.vector_load %arg14[%get3A_1132, %get3A_1133] {strides = array<i32>} : memref<512x64xf32, #tpu.memory_space<vmem>>, vector<16xf32>,
      %add3A_1135 = arith.addf %get3A_1131, %get3A_1134 : vector<16xf32>
      %get3A_1136 = arith.index_cast %add3A_1116 : i32 to index
      %get3A_1137 = arith.constant 16 : index
      %get3A_1138 = tpu.vector_load %arg15[%get3A_1136, %get3A_1137] {strides = array<i32>} : memref<512x64xf32, #tpu.memory_space<vmem>>, vector<16xf32>,
      %sub3A_1139 = arith.subf %add3A_1135, %get3A_1138 : vector<16xf32>
      %mul3A_1140 = arith.mulf %sub3A_1139, %sub3A_1139 : vector<16xf32>
      %add3A_1141 = arith.addf %mul3A_1128, %mul3A_1140 : vector<16xf32>
      %get3A_1142 = arith.index_cast %add3A_1116 : i32 to index
      %get3A_1143 = arith.constant 32 : index
      %get3A_1144 = tpu.vector_load %arg13[%get3A_1142, %get3A_1143] {strides = array<i32>} : memref<512x64xf32, #tpu.memory_space<vmem>>, vector<16xf32>,
      %get3A_1145 = arith.index_cast %add3A_1116 : i32 to index
      %get3A_1146 = arith.constant 32 : index
      %get3A_1147 = tpu.vector_load %arg14[%get3A_1145, %get3A_1146] {strides = array<i32>} : memref<512x64xf32, #tpu.memory_space<vmem>>, vector<16xf32>,
      %add3A_1148 = arith.addf %get3A_1144, %get3A_1147 : vector<16xf32>
      %get3A_1149 = arith.index_cast %add3A_1116 : i32 to index
      %get3A_1150 = arith.constant 32 : index
      %get3A_1151 = tpu.vector_load %arg15[%get3A_1149, %get3A_1150] {strides = array<i32>} : memref<512x64xf32, #tpu.memory_space<vmem>>, vector<16xf32>,
      %sub3A_1152 = arith.subf %add3A_1148, %get3A_1151 : vector<16xf32>
      %mul3A_1153 = arith.mulf %sub3A_1152, %sub3A_1152 : vector<16xf32>
      %add3A_1154 = arith.addf %add3A_1141, %mul3A_1153 : vector<16xf32>
      %get3A_1155 = arith.index_cast %add3A_1116 : i32 to index
      %get3A_1156 = arith.constant 48 : index
      %get3A_1157 = tpu.vector_load %arg13[%get3A_1155, %get3A_1156] {strides = array<i32>} : memref<512x64xf32, #tpu.memory_space<vmem>>, vector<16xf32>,
      %get3A_1158 = arith.index_cast %add3A_1116 : i32 to index
      %get3A_1159 = arith.constant 48 : index
      %get3A_1160 = tpu.vector_load %arg14[%get3A_1158, %get3A_1159] {strides = array<i32>} : memref<512x64xf32, #tpu.memory_space<vmem>>, vector<16xf32>,
      %add3A_1161 = arith.addf %get3A_1157, %get3A_1160 : vector<16xf32>
      %get3A_1162 = arith.index_cast %add3A_1116 : i32 to index
      %get3A_1163 = arith.constant 48 : index
      %get3A_1164 = tpu.vector_load %arg15[%get3A_1162, %get3A_1163] {strides = array<i32>} : memref<512x64xf32, #tpu.memory_space<vmem>>, vector<16xf32>,
      %sub3A_1165 = arith.subf %add3A_1161, %get3A_1164 : vector<16xf32>
      %mul3A_1166 = arith.mulf %sub3A_1165, %sub3A_1165 : vector<16xf32>
      %add3A_1167 = arith.addf %add3A_1154, %mul3A_1166 : vector<16xf32>
      %swap3A_1168 = arith.constant 176 : index
      %swap3A_1169 = tpu.vector_load %arg16[%swap3A_1168] {strides = array<i32>} : memref<256xf32, #tpu.memory_space<vmem>>, vector<16xf32>,
      tpu.vector_store %arg16[%swap3A_1168], %add3A_1167 {strides = array<i32>} : memref<256xf32, #tpu.memory_space<vmem>>, vector<16xf32>,
      %add3A_1170 = arith.constant 12 : i32
      %add3A_1171 = arith.addi %mul3A_512, %add3A_1170 : i32
      %get3A_1172 = arith.index_cast %add3A_1171 : i32 to index
      %get3A_1173 = arith.constant 0 : index
      %get3A_1174 = tpu.vector_load %arg13[%get3A_1172, %get3A_1173] {strides = array<i32>} : memref<512x64xf32, #tpu.memory_space<vmem>>, vector<16xf32>,
      %get3A_1175 = arith.index_cast %add3A_1171 : i32 to index
      %get3A_1176 = arith.constant 0 : index
      %get3A_1177 = tpu.vector_load %arg14[%get3A_1175, %get3A_1176] {strides = array<i32>} : memref<512x64xf32, #tpu.memory_space<vmem>>, vector<16xf32>,
      %add3A_1178 = arith.addf %get3A_1174, %get3A_1177 : vector<16xf32>
      %get3A_1179 = arith.index_cast %add3A_1171 : i32 to index
      %get3A_1180 = arith.constant 0 : index
      %get3A_1181 = tpu.vector_load %arg15[%get3A_1179, %get3A_1180] {strides = array<i32>} : memref<512x64xf32, #tpu.memory_space<vmem>>, vector<16xf32>,
      %sub3A_1182 = arith.subf %add3A_1178, %get3A_1181 : vector<16xf32>
      %mul3A_1183 = arith.mulf %sub3A_1182, %sub3A_1182 : vector<16xf32>
      %get3A_1184 = arith.index_cast %add3A_1171 : i32 to index
      %get3A_1185 = arith.constant 16 : index
      %get3A_1186 = tpu.vector_load %arg13[%get3A_1184, %get3A_1185] {strides = array<i32>} : memref<512x64xf32, #tpu.memory_space<vmem>>, vector<16xf32>,
      %get3A_1187 = arith.index_cast %add3A_1171 : i32 to index
      %get3A_1188 = arith.constant 16 : index
      %get3A_1189 = tpu.vector_load %arg14[%get3A_1187, %get3A_1188] {strides = array<i32>} : memref<512x64xf32, #tpu.memory_space<vmem>>, vector<16xf32>,
      %add3A_1190 = arith.addf %get3A_1186, %get3A_1189 : vector<16xf32>
      %get3A_1191 = arith.index_cast %add3A_1171 : i32 to index
      %get3A_1192 = arith.constant 16 : index
      %get3A_1193 = tpu.vector_load %arg15[%get3A_1191, %get3A_1192] {strides = array<i32>} : memref<512x64xf32, #tpu.memory_space<vmem>>, vector<16xf32>,
      %sub3A_1194 = arith.subf %add3A_1190, %get3A_1193 : vector<16xf32>
      %mul3A_1195 = arith.mulf %sub3A_1194, %sub3A_1194 : vector<16xf32>
      %add3A_1196 = arith.addf %mul3A_1183, %mul3A_1195 : vector<16xf32>
      %get3A_1197 = arith.index_cast %add3A_1171 : i32 to index
      %get3A_1198 = arith.constant 32 : index
      %get3A_1199 = tpu.vector_load %arg13[%get3A_1197, %get3A_1198] {strides = array<i32>} : memref<512x64xf32, #tpu.memory_space<vmem>>, vector<16xf32>,
      %get3A_1200 = arith.index_cast %add3A_1171 : i32 to index
      %get3A_1201 = arith.constant 32 : index
      %get3A_1202 = tpu.vector_load %arg14[%get3A_1200, %get3A_1201] {strides = array<i32>} : memref<512x64xf32, #tpu.memory_space<vmem>>, vector<16xf32>,
      %add3A_1203 = arith.addf %get3A_1199, %get3A_1202 : vector<16xf32>
      %get3A_1204 = arith.index_cast %add3A_1171 : i32 to index
      %get3A_1205 = arith.constant 32 : index
      %get3A_1206 = tpu.vector_load %arg15[%get3A_1204, %get3A_1205] {strides = array<i32>} : memref<512x64xf32, #tpu.memory_space<vmem>>, vector<16xf32>,
      %sub3A_1207 = arith.subf %add3A_1203, %get3A_1206 : vector<16xf32>
      %mul3A_1208 = arith.mulf %sub3A_1207, %sub3A_1207 : vector<16xf32>
      %add3A_1209 = arith.addf %add3A_1196, %mul3A_1208 : vector<16xf32>
      %get3A_1210 = arith.index_cast %add3A_1171 : i32 to index
      %get3A_1211 = arith.constant 48 : index
      %get3A_1212 = tpu.vector_load %arg13[%get3A_1210, %get3A_1211] {strides = array<i32>} : memref<512x64xf32, #tpu.memory_space<vmem>>, vector<16xf32>,
      %get3A_1213 = arith.index_cast %add3A_1171 : i32 to index
      %get3A_1214 = arith.constant 48 : index
      %get3A_1215 = tpu.vector_load %arg14[%get3A_1213, %get3A_1214] {strides = array<i32>} : memref<512x64xf32, #tpu.memory_space<vmem>>, vector<16xf32>,
      %add3A_1216 = arith.addf %get3A_1212, %get3A_1215 : vector<16xf32>
      %get3A_1217 = arith.index_cast %add3A_1171 : i32 to index
      %get3A_1218 = arith.constant 48 : index
      %get3A_1219 = tpu.vector_load %arg15[%get3A_1217, %get3A_1218] {strides = array<i32>} : memref<512x64xf32, #tpu.memory_space<vmem>>, vector<16xf32>,
      %sub3A_1220 = arith.subf %add3A_1216, %get3A_1219 : vector<16xf32>
      %mul3A_1221 = arith.mulf %sub3A_1220, %sub3A_1220 : vector<16xf32>
      %add3A_1222 = arith.addf %add3A_1209, %mul3A_1221 : vector<16xf32>
      %swap3A_1223 = arith.constant 192 : index
      %swap3A_1224 = tpu.vector_load %arg16[%swap3A_1223] {strides = array<i32>} : memref<256xf32, #tpu.memory_space<vmem>>, vector<16xf32>,
      tpu.vector_store %arg16[%swap3A_1223], %add3A_1222 {strides = array<i32>} : memref<256xf32, #tpu.memory_space<vmem>>, vector<16xf32>,
      %add3A_1225 = arith.constant 13 : i32
      %add3A_1226 = arith.addi %mul3A_512, %add3A_1225 : i32
      %get3A_1227 = arith.index_cast %add3A_1226 : i32 to index
      %get3A_1228 = arith.constant 0 : index
      %get3A_1229 = tpu.vector_load %arg13[%get3A_1227, %get3A_1228] {strides = array<i32>} : memref<512x64xf32, #tpu.memory_space<vmem>>, vector<16xf32>,
      %get3A_1230 = arith.index_cast %add3A_1226 : i32 to index
      %get3A_1231 = arith.constant 0 : index
      %get3A_1232 = tpu.vector_load %arg14[%get3A_1230, %get3A_1231] {strides = array<i32>} : memref<512x64xf32, #tpu.memory_space<vmem>>, vector<16xf32>,
      %add3A_1233 = arith.addf %get3A_1229, %get3A_1232 : vector<16xf32>
      %get3A_1234 = arith.index_cast %add3A_1226 : i32 to index
      %get3A_1235 = arith.constant 0 : index
      %get3A_1236 = tpu.vector_load %arg15[%get3A_1234, %get3A_1235] {strides = array<i32>} : memref<512x64xf32, #tpu.memory_space<vmem>>, vector<16xf32>,
      %sub3A_1237 = arith.subf %add3A_1233, %get3A_1236 : vector<16xf32>
      %mul3A_1238 = arith.mulf %sub3A_1237, %sub3A_1237 : vector<16xf32>
      %get3A_1239 = arith.index_cast %add3A_1226 : i32 to index
      %get3A_1240 = arith.constant 16 : index
      %get3A_1241 = tpu.vector_load %arg13[%get3A_1239, %get3A_1240] {strides = array<i32>} : memref<512x64xf32, #tpu.memory_space<vmem>>, vector<16xf32>,
      %get3A_1242 = arith.index_cast %add3A_1226 : i32 to index
      %get3A_1243 = arith.constant 16 : index
      %get3A_1244 = tpu.vector_load %arg14[%get3A_1242, %get3A_1243] {strides = array<i32>} : memref<512x64xf32, #tpu.memory_space<vmem>>, vector<16xf32>,
      %add3A_1245 = arith.addf %get3A_1241, %get3A_1244 : vector<16xf32>
      %get3A_1246 = arith.index_cast %add3A_1226 : i32 to index
      %get3A_1247 = arith.constant 16 : index
      %get3A_1248 = tpu.vector_load %arg15[%get3A_1246, %get3A_1247] {strides = array<i32>} : memref<512x64xf32, #tpu.memory_space<vmem>>, vector<16xf32>,
      %sub3A_1249 = arith.subf %add3A_1245, %get3A_1248 : vector<16xf32>
      %mul3A_1250 = arith.mulf %sub3A_1249, %sub3A_1249 : vector<16xf32>
      %add3A_1251 = arith.addf %mul3A_1238, %mul3A_1250 : vector<16xf32>
      %get3A_1252 = arith.index_cast %add3A_1226 : i32 to index
      %get3A_1253 = arith.constant 32 : index
      %get3A_1254 = tpu.vector_load %arg13[%get3A_1252, %get3A_1253] {strides = array<i32>} : memref<512x64xf32, #tpu.memory_space<vmem>>, vector<16xf32>,
      %get3A_1255 = arith.index_cast %add3A_1226 : i32 to index
      %get3A_1256 = arith.constant 32 : index
      %get3A_1257 = tpu.vector_load %arg14[%get3A_1255, %get3A_1256] {strides = array<i32>} : memref<512x64xf32, #tpu.memory_space<vmem>>, vector<16xf32>,
      %add3A_1258 = arith.addf %get3A_1254, %get3A_1257 : vector<16xf32>
      %get3A_1259 = arith.index_cast %add3A_1226 : i32 to index
      %get3A_1260 = arith.constant 32 : index
      %get3A_1261 = tpu.vector_load %arg15[%get3A_1259, %get3A_1260] {strides = array<i32>} : memref<512x64xf32, #tpu.memory_space<vmem>>, vector<16xf32>,
      %sub3A_1262 = arith.subf %add3A_1258, %get3A_1261 : vector<16xf32>
      %mul3A_1263 = arith.mulf %sub3A_1262, %sub3A_1262 : vector<16xf32>
      %add3A_1264 = arith.addf %add3A_1251, %mul3A_1263 : vector<16xf32>
      %get3A_1265 = arith.index_cast %add3A_1226 : i32 to index
      %get3A_1266 = arith.constant 48 : index
      %get3A_1267 = tpu.vector_load %arg13[%get3A_1265, %get3A_1266] {strides = array<i32>} : memref<512x64xf32, #tpu.memory_space<vmem>>, vector<16xf32>,
      %get3A_1268 = arith.index_cast %add3A_1226 : i32 to index
      %get3A_1269 = arith.constant 48 : index
      %get3A_1270 = tpu.vector_load %arg14[%get3A_1268, %get3A_1269] {strides = array<i32>} : memref<512x64xf32, #tpu.memory_space<vmem>>, vector<16xf32>,
      %add3A_1271 = arith.addf %get3A_1267, %get3A_1270 : vector<16xf32>
      %get3A_1272 = arith.index_cast %add3A_1226 : i32 to index
      %get3A_1273 = arith.constant 48 : index
      %get3A_1274 = tpu.vector_load %arg15[%get3A_1272, %get3A_1273] {strides = array<i32>} : memref<512x64xf32, #tpu.memory_space<vmem>>, vector<16xf32>,
      %sub3A_1275 = arith.subf %add3A_1271, %get3A_1274 : vector<16xf32>
      %mul3A_1276 = arith.mulf %sub3A_1275, %sub3A_1275 : vector<16xf32>
      %add3A_1277 = arith.addf %add3A_1264, %mul3A_1276 : vector<16xf32>
      %swap3A_1278 = arith.constant 208 : index
      %swap3A_1279 = tpu.vector_load %arg16[%swap3A_1278] {strides = array<i32>} : memref<256xf32, #tpu.memory_space<vmem>>, vector<16xf32>,
      tpu.vector_store %arg16[%swap3A_1278], %add3A_1277 {strides = array<i32>} : memref<256xf32, #tpu.memory_space<vmem>>, vector<16xf32>,
      %add3A_1280 = arith.constant 14 : i32
      %add3A_1281 = arith.addi %mul3A_512, %add3A_1280 : i32
      %get3A_1282 = arith.index_cast %add3A_1281 : i32 to index
      %get3A_1283 = arith.constant 0 : index
      %get3A_1284 = tpu.vector_load %arg13[%get3A_1282, %get3A_1283] {strides = array<i32>} : memref<512x64xf32, #tpu.memory_space<vmem>>, vector<16xf32>,
      %get3A_1285 = arith.index_cast %add3A_1281 : i32 to index
      %get3A_1286 = arith.constant 0 : index
      %get3A_1287 = tpu.vector_load %arg14[%get3A_1285, %get3A_1286] {strides = array<i32>} : memref<512x64xf32, #tpu.memory_space<vmem>>, vector<16xf32>,
      %add3A_1288 = arith.addf %get3A_1284, %get3A_1287 : vector<16xf32>
      %get3A_1289 = arith.index_cast %add3A_1281 : i32 to index
      %get3A_1290 = arith.constant 0 : index
      %get3A_1291 = tpu.vector_load %arg15[%get3A_1289, %get3A_1290] {strides = array<i32>} : memref<512x64xf32, #tpu.memory_space<vmem>>, vector<16xf32>,
      %sub3A_1292 = arith.subf %add3A_1288, %get3A_1291 : vector<16xf32>
      %mul3A_1293 = arith.mulf %sub3A_1292, %sub3A_1292 : vector<16xf32>
      %get3A_1294 = arith.index_cast %add3A_1281 : i32 to index
      %get3A_1295 = arith.constant 16 : index
      %get3A_1296 = tpu.vector_load %arg13[%get3A_1294, %get3A_1295] {strides = array<i32>} : memref<512x64xf32, #tpu.memory_space<vmem>>, vector<16xf32>,
      %get3A_1297 = arith.index_cast %add3A_1281 : i32 to index
      %get3A_1298 = arith.constant 16 : index
      %get3A_1299 = tpu.vector_load %arg14[%get3A_1297, %get3A_1298] {strides = array<i32>} : memref<512x64xf32, #tpu.memory_space<vmem>>, vector<16xf32>,
      %add3A_1300 = arith.addf %get3A_1296, %get3A_1299 : vector<16xf32>
      %get3A_1301 = arith.index_cast %add3A_1281 : i32 to index
      %get3A_1302 = arith.constant 16 : index
      %get3A_1303 = tpu.vector_load %arg15[%get3A_1301, %get3A_1302] {strides = array<i32>} : memref<512x64xf32, #tpu.memory_space<vmem>>, vector<16xf32>,
      %sub3A_1304 = arith.subf %add3A_1300, %get3A_1303 : vector<16xf32>
      %mul3A_1305 = arith.mulf %sub3A_1304, %sub3A_1304 : vector<16xf32>
      %add3A_1306 = arith.addf %mul3A_1293, %mul3A_1305 : vector<16xf32>
      %get3A_1307 = arith.index_cast %add3A_1281 : i32 to index
      %get3A_1308 = arith.constant 32 : index
      %get3A_1309 = tpu.vector_load %arg13[%get3A_1307, %get3A_1308] {strides = array<i32>} : memref<512x64xf32, #tpu.memory_space<vmem>>, vector<16xf32>,
      %get3A_1310 = arith.index_cast %add3A_1281 : i32 to index
      %get3A_1311 = arith.constant 32 : index
      %get3A_1312 = tpu.vector_load %arg14[%get3A_1310, %get3A_1311] {strides = array<i32>} : memref<512x64xf32, #tpu.memory_space<vmem>>, vector<16xf32>,
      %add3A_1313 = arith.addf %get3A_1309, %get3A_1312 : vector<16xf32>
      %get3A_1314 = arith.index_cast %add3A_1281 : i32 to index
      %get3A_1315 = arith.constant 32 : index
      %get3A_1316 = tpu.vector_load %arg15[%get3A_1314, %get3A_1315] {strides = array<i32>} : memref<512x64xf32, #tpu.memory_space<vmem>>, vector<16xf32>,
      %sub3A_1317 = arith.subf %add3A_1313, %get3A_1316 : vector<16xf32>
      %mul3A_1318 = arith.mulf %sub3A_1317, %sub3A_1317 : vector<16xf32>
      %add3A_1319 = arith.addf %add3A_1306, %mul3A_1318 : vector<16xf32>
      %get3A_1320 = arith.index_cast %add3A_1281 : i32 to index
      %get3A_1321 = arith.constant 48 : index
      %get3A_1322 = tpu.vector_load %arg13[%get3A_1320, %get3A_1321] {strides = array<i32>} : memref<512x64xf32, #tpu.memory_space<vmem>>, vector<16xf32>,
      %get3A_1323 = arith.index_cast %add3A_1281 : i32 to index
      %get3A_1324 = arith.constant 48 : index
      %get3A_1325 = tpu.vector_load %arg14[%get3A_1323, %get3A_1324] {strides = array<i32>} : memref<512x64xf32, #tpu.memory_space<vmem>>, vector<16xf32>,
      %add3A_1326 = arith.addf %get3A_1322, %get3A_1325 : vector<16xf32>
      %get3A_1327 = arith.index_cast %add3A_1281 : i32 to index
      %get3A_1328 = arith.constant 48 : index
      %get3A_1329 = tpu.vector_load %arg15[%get3A_1327, %get3A_1328] {strides = array<i32>} : memref<512x64xf32, #tpu.memory_space<vmem>>, vector<16xf32>,
      %sub3A_1330 = arith.subf %add3A_1326, %get3A_1329 : vector<16xf32>
      %mul3A_1331 = arith.mulf %sub3A_1330, %sub3A_1330 : vector<16xf32>
      %add3A_1332 = arith.addf %add3A_1319, %mul3A_1331 : vector<16xf32>
      %swap3A_1333 = arith.constant 224 : index
      %swap3A_1334 = tpu.vector_load %arg16[%swap3A_1333] {strides = array<i32>} : memref<256xf32, #tpu.memory_space<vmem>>, vector<16xf32>,
      tpu.vector_store %arg16[%swap3A_1333], %add3A_1332 {strides = array<i32>} : memref<256xf32, #tpu.memory_space<vmem>>, vector<16xf32>,
      %add3A_1335 = arith.constant 15 : i32
      %add3A_1336 = arith.addi %mul3A_512, %add3A_1335 : i32
      %get3A_1337 = arith.index_cast %add3A_1336 : i32 to index
      %get3A_1338 = arith.constant 0 : index
      %get3A_1339 = tpu.vector_load %arg13[%get3A_1337, %get3A_1338] {strides = array<i32>} : memref<512x64xf32, #tpu.memory_space<vmem>>, vector<16xf32>,
      %get3A_1340 = arith.index_cast %add3A_1336 : i32 to index
      %get3A_1341 = arith.constant 0 : index
      %get3A_1342 = tpu.vector_load %arg14[%get3A_1340, %get3A_1341] {strides = array<i32>} : memref<512x64xf32, #tpu.memory_space<vmem>>, vector<16xf32>,
      %add3A_1343 = arith.addf %get3A_1339, %get3A_1342 : vector<16xf32>
      %get3A_1344 = arith.index_cast %add3A_1336 : i32 to index
      %get3A_1345 = arith.constant 0 : index
      %get3A_1346 = tpu.vector_load %arg15[%get3A_1344, %get3A_1345] {strides = array<i32>} : memref<512x64xf32, #tpu.memory_space<vmem>>, vector<16xf32>,
      %sub3A_1347 = arith.subf %add3A_1343, %get3A_1346 : vector<16xf32>
      %mul3A_1348 = arith.mulf %sub3A_1347, %sub3A_1347 : vector<16xf32>
      %get3A_1349 = arith.index_cast %add3A_1336 : i32 to index
      %get3A_1350 = arith.constant 16 : index
      %get3A_1351 = tpu.vector_load %arg13[%get3A_1349, %get3A_1350] {strides = array<i32>} : memref<512x64xf32, #tpu.memory_space<vmem>>, vector<16xf32>,
      %get3A_1352 = arith.index_cast %add3A_1336 : i32 to index
      %get3A_1353 = arith.constant 16 : index
      %get3A_1354 = tpu.vector_load %arg14[%get3A_1352, %get3A_1353] {strides = array<i32>} : memref<512x64xf32, #tpu.memory_space<vmem>>, vector<16xf32>,
      %add3A_1355 = arith.addf %get3A_1351, %get3A_1354 : vector<16xf32>
      %get3A_1356 = arith.index_cast %add3A_1336 : i32 to index
      %get3A_1357 = arith.constant 16 : index
      %get3A_1358 = tpu.vector_load %arg15[%get3A_1356, %get3A_1357] {strides = array<i32>} : memref<512x64xf32, #tpu.memory_space<vmem>>, vector<16xf32>,
      %sub3A_1359 = arith.subf %add3A_1355, %get3A_1358 : vector<16xf32>
      %mul3A_1360 = arith.mulf %sub3A_1359, %sub3A_1359 : vector<16xf32>
      %add3A_1361 = arith.addf %mul3A_1348, %mul3A_1360 : vector<16xf32>
      %get3A_1362 = arith.index_cast %add3A_1336 : i32 to index
      %get3A_1363 = arith.constant 32 : index
      %get3A_1364 = tpu.vector_load %arg13[%get3A_1362, %get3A_1363] {strides = array<i32>} : memref<512x64xf32, #tpu.memory_space<vmem>>, vector<16xf32>,
      %get3A_1365 = arith.index_cast %add3A_1336 : i32 to index
      %get3A_1366 = arith.constant 32 : index
      %get3A_1367 = tpu.vector_load %arg14[%get3A_1365, %get3A_1366] {strides = array<i32>} : memref<512x64xf32, #tpu.memory_space<vmem>>, vector<16xf32>,
      %add3A_1368 = arith.addf %get3A_1364, %get3A_1367 : vector<16xf32>
      %get3A_1369 = arith.index_cast %add3A_1336 : i32 to index
      %get3A_1370 = arith.constant 32 : index
      %get3A_1371 = tpu.vector_load %arg15[%get3A_1369, %get3A_1370] {strides = array<i32>} : memref<512x64xf32, #tpu.memory_space<vmem>>, vector<16xf32>,
      %sub3A_1372 = arith.subf %add3A_1368, %get3A_1371 : vector<16xf32>
      %mul3A_1373 = arith.mulf %sub3A_1372, %sub3A_1372 : vector<16xf32>
      %add3A_1374 = arith.addf %add3A_1361, %mul3A_1373 : vector<16xf32>
      %get3A_1375 = arith.index_cast %add3A_1336 : i32 to index
      %get3A_1376 = arith.constant 48 : index
      %get3A_1377 = tpu.vector_load %arg13[%get3A_1375, %get3A_1376] {strides = array<i32>} : memref<512x64xf32, #tpu.memory_space<vmem>>, vector<16xf32>,
      %get3A_1378 = arith.index_cast %add3A_1336 : i32 to index
      %get3A_1379 = arith.constant 48 : index
      %get3A_1380 = tpu.vector_load %arg14[%get3A_1378, %get3A_1379] {strides = array<i32>} : memref<512x64xf32, #tpu.memory_space<vmem>>, vector<16xf32>,
      %add3A_1381 = arith.addf %get3A_1377, %get3A_1380 : vector<16xf32>
      %get3A_1382 = arith.index_cast %add3A_1336 : i32 to index
      %get3A_1383 = arith.constant 48 : index
      %get3A_1384 = tpu.vector_load %arg15[%get3A_1382, %get3A_1383] {strides = array<i32>} : memref<512x64xf32, #tpu.memory_space<vmem>>, vector<16xf32>,
      %sub3A_1385 = arith.subf %add3A_1381, %get3A_1384 : vector<16xf32>
      %mul3A_1386 = arith.mulf %sub3A_1385, %sub3A_1385 : vector<16xf32>
      %add3A_1387 = arith.addf %add3A_1374, %mul3A_1386 : vector<16xf32>
      %swap3A_1388 = arith.constant 240 : index
      %swap3A_1389 = tpu.vector_load %arg16[%swap3A_1388] {strides = array<i32>} : memref<256xf32, #tpu.memory_space<vmem>>, vector<16xf32>,
      tpu.vector_store %arg16[%swap3A_1388], %add3A_1387 {strides = array<i32>} : memref<256xf32, #tpu.memory_space<vmem>>, vector<16xf32>,
      %mul3A_1390 = arith.constant 16 : i32
      %mul3A_1391 = vector.broadcast %mul3A_1390 : i32 to vector<16xi32>
      %mul3A_1392 = arith.muli %iota3A, %mul3A_1391 : vector<16xi32>
      %add3A_1393 = arith.constant 0 : i32
      %add3A_1394 = vector.broadcast %add3A_1393 : i32 to vector<16xi32>
      %add3A_1395 = arith.addi %mul3A_1392, %add3A_1394 : vector<16xi32>
      %gather3A = tpu.vector_load_idx %arg16[%add3A_1395] : memref<256xf32, #tpu.memory_space<vmem>>[vector<16xi32>], vector<16xf32>,
      %mul3A_1396 = arith.constant 16 : i32
      %mul3A_1397 = vector.broadcast %mul3A_1396 : i32 to vector<16xi32>
      %mul3A_1398 = arith.muli %iota3A, %mul3A_1397 : vector<16xi32>
      %add3A_1399 = arith.constant 1 : i32
      %add3A_1400 = vector.broadcast %add3A_1399 : i32 to vector<16xi32>
      %add3A_1401 = arith.addi %mul3A_1398, %add3A_1400 : vector<16xi32>
      %gather3A_1402 = tpu.vector_load_idx %arg16[%add3A_1401] : memref<256xf32, #tpu.memory_space<vmem>>[vector<16xi32>], vector<16xf32>,
      %add3A_1403 = arith.addf %gather3A, %gather3A_1402 : vector<16xf32>
      %mul3A_1404 = arith.constant 16 : i32
      %mul3A_1405 = vector.broadcast %mul3A_1404 : i32 to vector<16xi32>
      %mul3A_1406 = arith.muli %iota3A, %mul3A_1405 : vector<16xi32>
      %add3A_1407 = arith.constant 2 : i32
      %add3A_1408 = vector.broadcast %add3A_1407 : i32 to vector<16xi32>
      %add3A_1409 = arith.addi %mul3A_1406, %add3A_1408 : vector<16xi32>
      %gather3A_1410 = tpu.vector_load_idx %arg16[%add3A_1409] : memref<256xf32, #tpu.memory_space<vmem>>[vector<16xi32>], vector<16xf32>,
      %add3A_1411 = arith.addf %add3A_1403, %gather3A_1410 : vector<16xf32>
      %mul3A_1412 = arith.constant 16 : i32
      %mul3A_1413 = vector.broadcast %mul3A_1412 : i32 to vector<16xi32>
      %mul3A_1414 = arith.muli %iota3A, %mul3A_1413 : vector<16xi32>
      %add3A_1415 = arith.constant 3 : i32
      %add3A_1416 = vector.broadcast %add3A_1415 : i32 to vector<16xi32>
      %add3A_1417 = arith.addi %mul3A_1414, %add3A_1416 : vector<16xi32>
      %gather3A_1418 = tpu.vector_load_idx %arg16[%add3A_1417] : memref<256xf32, #tpu.memory_space<vmem>>[vector<16xi32>], vector<16xf32>,
      %add3A_1419 = arith.addf %add3A_1411, %gather3A_1418 : vector<16xf32>
      %mul3A_1420 = arith.constant 16 : i32
      %mul3A_1421 = vector.broadcast %mul3A_1420 : i32 to vector<16xi32>
      %mul3A_1422 = arith.muli %iota3A, %mul3A_1421 : vector<16xi32>
      %add3A_1423 = arith.constant 4 : i32
      %add3A_1424 = vector.broadcast %add3A_1423 : i32 to vector<16xi32>
      %add3A_1425 = arith.addi %mul3A_1422, %add3A_1424 : vector<16xi32>
      %gather3A_1426 = tpu.vector_load_idx %arg16[%add3A_1425] : memref<256xf32, #tpu.memory_space<vmem>>[vector<16xi32>], vector<16xf32>,
      %add3A_1427 = arith.addf %add3A_1419, %gather3A_1426 : vector<16xf32>
      %mul3A_1428 = arith.constant 16 : i32
      %mul3A_1429 = vector.broadcast %mul3A_1428 : i32 to vector<16xi32>
      %mul3A_1430 = arith.muli %iota3A, %mul3A_1429 : vector<16xi32>
      %add3A_1431 = arith.constant 5 : i32
      %add3A_1432 = vector.broadcast %add3A_1431 : i32 to vector<16xi32>
      %add3A_1433 = arith.addi %mul3A_1430, %add3A_1432 : vector<16xi32>
      %gather3A_1434 = tpu.vector_load_idx %arg16[%add3A_1433] : memref<256xf32, #tpu.memory_space<vmem>>[vector<16xi32>], vector<16xf32>,
      %add3A_1435 = arith.addf %add3A_1427, %gather3A_1434 : vector<16xf32>
      %mul3A_1436 = arith.constant 16 : i32
      %mul3A_1437 = vector.broadcast %mul3A_1436 : i32 to vector<16xi32>
      %mul3A_1438 = arith.muli %iota3A, %mul3A_1437 : vector<16xi32>
      %add3A_1439 = arith.constant 6 : i32
      %add3A_1440 = vector.broadcast %add3A_1439 : i32 to vector<16xi32>
      %add3A_1441 = arith.addi %mul3A_1438, %add3A_1440 : vector<16xi32>
      %gather3A_1442 = tpu.vector_load_idx %arg16[%add3A_1441] : memref<256xf32, #tpu.memory_space<vmem>>[vector<16xi32>], vector<16xf32>,
      %add3A_1443 = arith.addf %add3A_1435, %gather3A_1442 : vector<16xf32>
      %mul3A_1444 = arith.constant 16 : i32
      %mul3A_1445 = vector.broadcast %mul3A_1444 : i32 to vector<16xi32>
      %mul3A_1446 = arith.muli %iota3A, %mul3A_1445 : vector<16xi32>
      %add3A_1447 = arith.constant 7 : i32
      %add3A_1448 = vector.broadcast %add3A_1447 : i32 to vector<16xi32>
      %add3A_1449 = arith.addi %mul3A_1446, %add3A_1448 : vector<16xi32>
      %gather3A_1450 = tpu.vector_load_idx %arg16[%add3A_1449] : memref<256xf32, #tpu.memory_space<vmem>>[vector<16xi32>], vector<16xf32>,
      %add3A_1451 = arith.addf %add3A_1443, %gather3A_1450 : vector<16xf32>
      %mul3A_1452 = arith.constant 16 : i32
      %mul3A_1453 = vector.broadcast %mul3A_1452 : i32 to vector<16xi32>
      %mul3A_1454 = arith.muli %iota3A, %mul3A_1453 : vector<16xi32>
      %add3A_1455 = arith.constant 8 : i32
      %add3A_1456 = vector.broadcast %add3A_1455 : i32 to vector<16xi32>
      %add3A_1457 = arith.addi %mul3A_1454, %add3A_1456 : vector<16xi32>
      %gather3A_1458 = tpu.vector_load_idx %arg16[%add3A_1457] : memref<256xf32, #tpu.memory_space<vmem>>[vector<16xi32>], vector<16xf32>,
      %add3A_1459 = arith.addf %add3A_1451, %gather3A_1458 : vector<16xf32>
      %mul3A_1460 = arith.constant 16 : i32
      %mul3A_1461 = vector.broadcast %mul3A_1460 : i32 to vector<16xi32>
      %mul3A_1462 = arith.muli %iota3A, %mul3A_1461 : vector<16xi32>
      %add3A_1463 = arith.constant 9 : i32
      %add3A_1464 = vector.broadcast %add3A_1463 : i32 to vector<16xi32>
      %add3A_1465 = arith.addi %mul3A_1462, %add3A_1464 : vector<16xi32>
      %gather3A_1466 = tpu.vector_load_idx %arg16[%add3A_1465] : memref<256xf32, #tpu.memory_space<vmem>>[vector<16xi32>], vector<16xf32>,
      %add3A_1467 = arith.addf %add3A_1459, %gather3A_1466 : vector<16xf32>
      %mul3A_1468 = arith.constant 16 : i32
      %mul3A_1469 = vector.broadcast %mul3A_1468 : i32 to vector<16xi32>
      %mul3A_1470 = arith.muli %iota3A, %mul3A_1469 : vector<16xi32>
      %add3A_1471 = arith.constant 10 : i32
      %add3A_1472 = vector.broadcast %add3A_1471 : i32 to vector<16xi32>
      %add3A_1473 = arith.addi %mul3A_1470, %add3A_1472 : vector<16xi32>
      %gather3A_1474 = tpu.vector_load_idx %arg16[%add3A_1473] : memref<256xf32, #tpu.memory_space<vmem>>[vector<16xi32>], vector<16xf32>,
      %add3A_1475 = arith.addf %add3A_1467, %gather3A_1474 : vector<16xf32>
      %mul3A_1476 = arith.constant 16 : i32
      %mul3A_1477 = vector.broadcast %mul3A_1476 : i32 to vector<16xi32>
      %mul3A_1478 = arith.muli %iota3A, %mul3A_1477 : vector<16xi32>
      %add3A_1479 = arith.constant 11 : i32
      %add3A_1480 = vector.broadcast %add3A_1479 : i32 to vector<16xi32>
      %add3A_1481 = arith.addi %mul3A_1478, %add3A_1480 : vector<16xi32>
      %gather3A_1482 = tpu.vector_load_idx %arg16[%add3A_1481] : memref<256xf32, #tpu.memory_space<vmem>>[vector<16xi32>], vector<16xf32>,
      %add3A_1483 = arith.addf %add3A_1475, %gather3A_1482 : vector<16xf32>
      %mul3A_1484 = arith.constant 16 : i32
      %mul3A_1485 = vector.broadcast %mul3A_1484 : i32 to vector<16xi32>
      %mul3A_1486 = arith.muli %iota3A, %mul3A_1485 : vector<16xi32>
      %add3A_1487 = arith.constant 12 : i32
      %add3A_1488 = vector.broadcast %add3A_1487 : i32 to vector<16xi32>
      %add3A_1489 = arith.addi %mul3A_1486, %add3A_1488 : vector<16xi32>
      %gather3A_1490 = tpu.vector_load_idx %arg16[%add3A_1489] : memref<256xf32, #tpu.memory_space<vmem>>[vector<16xi32>], vector<16xf32>,
      %add3A_1491 = arith.addf %add3A_1483, %gather3A_1490 : vector<16xf32>
      %mul3A_1492 = arith.constant 16 : i32
      %mul3A_1493 = vector.broadcast %mul3A_1492 : i32 to vector<16xi32>
      %mul3A_1494 = arith.muli %iota3A, %mul3A_1493 : vector<16xi32>
      %add3A_1495 = arith.constant 13 : i32
      %add3A_1496 = vector.broadcast %add3A_1495 : i32 to vector<16xi32>
      %add3A_1497 = arith.addi %mul3A_1494, %add3A_1496 : vector<16xi32>
      %gather3A_1498 = tpu.vector_load_idx %arg16[%add3A_1497] : memref<256xf32, #tpu.memory_space<vmem>>[vector<16xi32>], vector<16xf32>,
      %add3A_1499 = arith.addf %add3A_1491, %gather3A_1498 : vector<16xf32>
      %mul3A_1500 = arith.constant 16 : i32
      %mul3A_1501 = vector.broadcast %mul3A_1500 : i32 to vector<16xi32>
      %mul3A_1502 = arith.muli %iota3A, %mul3A_1501 : vector<16xi32>
      %add3A_1503 = arith.constant 14 : i32
      %add3A_1504 = vector.broadcast %add3A_1503 : i32 to vector<16xi32>
      %add3A_1505 = arith.addi %mul3A_1502, %add3A_1504 : vector<16xi32>
      %gather3A_1506 = tpu.vector_load_idx %arg16[%add3A_1505] : memref<256xf32, #tpu.memory_space<vmem>>[vector<16xi32>], vector<16xf32>,
      %add3A_1507 = arith.addf %add3A_1499, %gather3A_1506 : vector<16xf32>
      %mul3A_1508 = arith.constant 16 : i32
      %mul3A_1509 = vector.broadcast %mul3A_1508 : i32 to vector<16xi32>
      %mul3A_1510 = arith.muli %iota3A, %mul3A_1509 : vector<16xi32>
      %add3A_1511 = arith.constant 15 : i32
      %add3A_1512 = vector.broadcast %add3A_1511 : i32 to vector<16xi32>
      %add3A_1513 = arith.addi %mul3A_1510, %add3A_1512 : vector<16xi32>
      %gather3A_1514 = tpu.vector_load_idx %arg16[%add3A_1513] : memref<256xf32, #tpu.memory_space<vmem>>[vector<16xi32>], vector<16xf32>,
      %add3A_1515 = arith.addf %add3A_1507, %gather3A_1514 : vector<16xf32>
      %max3A = arith.constant 1.000000e-30 : f32
      %max3A_1516 = vector.broadcast %max3A : f32 to vector<16xf32>
      %max3A_1517 = arith.maximumf %add3A_1515, %max3A_1516 : vector<16xf32>
      %bitcast3A = vector.bitcast %max3A_1517 : vector<16xf32> to vector<16xi32>
      %shift_right_arithmetic3A = arith.constant 1 : i32
      %shift_right_arithmetic3A_1518 = vector.broadcast %shift_right_arithmetic3A : i32 to vector<16xi32>
      %shift_right_arithmetic3A_1519 = arith.shrsi %bitcast3A, %shift_right_arithmetic3A_1518 : vector<16xi32>
      %sub3A_1520 = arith.constant 1597463007 : i32
      %sub3A_1521 = vector.broadcast %sub3A_1520 : i32 to vector<16xi32>
      %sub3A_1522 = arith.subi %sub3A_1521, %shift_right_arithmetic3A_1519 : vector<16xi32>
      %bitcast3A_1523 = vector.bitcast %sub3A_1522 : vector<16xi32> to vector<16xf32>
      %mul3A_1524 = arith.constant 5.000000e-01 : f32
      %mul3A_1525 = vector.broadcast %mul3A_1524 : f32 to vector<16xf32>
      %mul3A_1526 = arith.mulf %mul3A_1525, %max3A_1517 : vector<16xf32>
      %mul3A_1527 = arith.mulf %mul3A_1526, %bitcast3A_1523 : vector<16xf32>
      %mul3A_1528 = arith.mulf %mul3A_1527, %bitcast3A_1523 : vector<16xf32>
      %sub3A_1529 = arith.constant 1.500000e+00 : f32
      %sub3A_1530 = vector.broadcast %sub3A_1529 : f32 to vector<16xf32>
      %sub3A_1531 = arith.subf %sub3A_1530, %mul3A_1528 : vector<16xf32>
      %mul3A_1532 = arith.mulf %bitcast3A_1523, %sub3A_1531 : vector<16xf32>
      %mul3A_1533 = arith.mulf %mul3A_1526, %mul3A_1532 : vector<16xf32>
      %mul3A_1534 = arith.mulf %mul3A_1533, %mul3A_1532 : vector<16xf32>
      %sub3A_1535 = arith.constant 1.500000e+00 : f32
      %sub3A_1536 = vector.broadcast %sub3A_1535 : f32 to vector<16xf32>
      %sub3A_1537 = arith.subf %sub3A_1536, %mul3A_1534 : vector<16xf32>
      %mul3A_1538 = arith.mulf %mul3A_1532, %sub3A_1537 : vector<16xf32>
      %mul3A_1539 = arith.mulf %mul3A_1526, %mul3A_1538 : vector<16xf32>
      %mul3A_1540 = arith.mulf %mul3A_1539, %mul3A_1538 : vector<16xf32>
      %sub3A_1541 = arith.constant 1.500000e+00 : f32
      %sub3A_1542 = vector.broadcast %sub3A_1541 : f32 to vector<16xf32>
      %sub3A_1543 = arith.subf %sub3A_1542, %mul3A_1540 : vector<16xf32>
      %mul3A_1544 = arith.mulf %mul3A_1538, %sub3A_1543 : vector<16xf32>
      %mul3A_1545 = arith.mulf %add3A_1515, %mul3A_1544 : vector<16xf32>
      %swap3A_1546 = arith.index_cast %mul3A_512 : i32 to index
      %swap3A_1547 = tpu.vector_load %arg17[%swap3A_1546] {strides = array<i32>} : memref<512xf32, #tpu.memory_space<vmem>>, vector<16xf32>,
      tpu.vector_store %arg17[%swap3A_1546], %mul3A_1545 {strides = array<i32>} : memref<512xf32, #tpu.memory_space<vmem>>, vector<16xf32>,
      %scan3A_1548 = arith.constant 0 : i32
      scf.yield %scan3A_1548 : i32
    }
    %scan3A_248 = arith.constant 32 : i32
    %mul3A_249 = arith.constant 4 : i32
    %mul3A_250 = arith.muli %add3A, %mul3A_249 : i32
    %add3A_251 = arith.constant 128 : i32
    %add3A_252 = arith.addi %add3A_251, %mul3A_250 : i32
    "tpu.region"() ({
      %run_scoped3A = tpu.sem_alloc : memref<!tpu.dma_semaphore, #tpu.memory_space<semaphore_mem>>
      %dma_start3A_509 = arith.constant 0 : i32
      %dma_start3A_510 = tpu.memref_slice %arg2[%add3A_252, %dma_start3A_509] : memref<256x128xi32, #tpu.memory_space<hbm>> -> memref<4x128xi32, #tpu.memory_space<hbm>>
      %dma_start3A_511 = arith.constant 0 : i32
      %dma_start3A_512 = tpu.memref_slice %arg2[%add3A_252, %dma_start3A_511] : memref<256x128xi32, #tpu.memory_space<hbm>> -> memref<4x128xi32, #tpu.memory_space<hbm>>
      tpu.enqueue_dma source(%dma_start3A_512 : memref<4x128xi32, #tpu.memory_space<hbm>>) target(%arg10 : memref<4x128xi32, #tpu.memory_space<vmem>>) target_semaphore(%run_scoped3A : memref<!tpu.dma_semaphore, #tpu.memory_space<semaphore_mem>>)
      %dma_wait3A_513 = arith.constant 0 : i32
      %dma_wait3A_514 = tpu.memref_slice %arg2[%add3A_252, %dma_wait3A_513] : memref<256x128xi32, #tpu.memory_space<hbm>> -> memref<4x128xi32, #tpu.memory_space<hbm>>
      %dma_wait3A_515 = arith.constant 0 : i32
      %dma_wait3A_516 = tpu.memref_slice %arg2[%add3A_252, %dma_wait3A_515] : memref<256x128xi32, #tpu.memory_space<hbm>> -> memref<4x128xi32, #tpu.memory_space<hbm>>
      tpu.wait_dma2 semaphore(%run_scoped3A : memref<!tpu.dma_semaphore, #tpu.memory_space<semaphore_mem>>) src(%dma_wait3A_516 : memref<4x128xi32, #tpu.memory_space<hbm>>) dst(%arg10 : memref<4x128xi32, #tpu.memory_space<vmem>>)
      tpu.yield
    }) : () -> ()
    "tpu.region"() ({
      %run_scoped3A = tpu.sem_alloc : memref<!tpu.dma_semaphore, #tpu.memory_space<semaphore_mem>>
      %dma_start3A_509 = arith.constant 0 : i32
      %dma_start3A_510 = tpu.memref_slice %arg3[%add3A_252, %dma_start3A_509] : memref<256x128xi32, #tpu.memory_space<hbm>> -> memref<4x128xi32, #tpu.memory_space<hbm>>
      %dma_start3A_511 = arith.constant 0 : i32
      %dma_start3A_512 = tpu.memref_slice %arg3[%add3A_252, %dma_start3A_511] : memref<256x128xi32, #tpu.memory_space<hbm>> -> memref<4x128xi32, #tpu.memory_space<hbm>>
      tpu.enqueue_dma source(%dma_start3A_512 : memref<4x128xi32, #tpu.memory_space<hbm>>) target(%arg11 : memref<4x128xi32, #tpu.memory_space<vmem>>) target_semaphore(%run_scoped3A : memref<!tpu.dma_semaphore, #tpu.memory_space<semaphore_mem>>)
      %dma_wait3A_513 = arith.constant 0 : i32
      %dma_wait3A_514 = tpu.memref_slice %arg3[%add3A_252, %dma_wait3A_513] : memref<256x128xi32, #tpu.memory_space<hbm>> -> memref<4x128xi32, #tpu.memory_space<hbm>>
      %dma_wait3A_515 = arith.constant 0 : i32
      %dma_wait3A_516 = tpu.memref_slice %arg3[%add3A_252, %dma_wait3A_515] : memref<256x128xi32, #tpu.memory_space<hbm>> -> memref<4x128xi32, #tpu.memory_space<hbm>>
      tpu.wait_dma2 semaphore(%run_scoped3A : memref<!tpu.dma_semaphore, #tpu.memory_space<semaphore_mem>>) src(%dma_wait3A_516 : memref<4x128xi32, #tpu.memory_space<hbm>>) dst(%arg11 : memref<4x128xi32, #tpu.memory_space<vmem>>)
      tpu.yield
    }) : () -> ()
    "tpu.region"() ({
      %run_scoped3A = tpu.sem_alloc : memref<!tpu.dma_semaphore, #tpu.memory_space<semaphore_mem>>
      %dma_start3A_509 = arith.constant 0 : i32
      %dma_start3A_510 = tpu.memref_slice %arg4[%add3A_252, %dma_start3A_509] : memref<256x128xi32, #tpu.memory_space<hbm>> -> memref<4x128xi32, #tpu.memory_space<hbm>>
      %dma_start3A_511 = arith.constant 0 : i32
      %dma_start3A_512 = tpu.memref_slice %arg4[%add3A_252, %dma_start3A_511] : memref<256x128xi32, #tpu.memory_space<hbm>> -> memref<4x128xi32, #tpu.memory_space<hbm>>
      tpu.enqueue_dma source(%dma_start3A_512 : memref<4x128xi32, #tpu.memory_space<hbm>>) target(%arg12 : memref<4x128xi32, #tpu.memory_space<vmem>>) target_semaphore(%run_scoped3A : memref<!tpu.dma_semaphore, #tpu.memory_space<semaphore_mem>>)
      %dma_wait3A_513 = arith.constant 0 : i32
      %dma_wait3A_514 = tpu.memref_slice %arg4[%add3A_252, %dma_wait3A_513] : memref<256x128xi32, #tpu.memory_space<hbm>> -> memref<4x128xi32, #tpu.memory_space<hbm>>
      %dma_wait3A_515 = arith.constant 0 : i32
      %dma_wait3A_516 = tpu.memref_slice %arg4[%add3A_252, %dma_wait3A_515] : memref<256x128xi32, #tpu.memory_space<hbm>> -> memref<4x128xi32, #tpu.memory_space<hbm>>
      tpu.wait_dma2 semaphore(%run_scoped3A : memref<!tpu.dma_semaphore, #tpu.memory_space<semaphore_mem>>) src(%dma_wait3A_516 : memref<4x128xi32, #tpu.memory_space<hbm>>) dst(%arg12 : memref<4x128xi32, #tpu.memory_space<vmem>>)
      tpu.yield
    }) : () -> ()
    %dma_start3A_253 = arith.constant 0 : i32
    %dma_start3A_254 = arith.constant 0 : i32
    %dma_start3A_255 = arith.constant 0 : i32
    %dma_start3A_256 = tpu.memref_slice %arg13[%dma_start3A_254, %dma_start3A_255] : memref<512x64xf32, #tpu.memory_space<vmem>> -> memref<128x64xf32, #tpu.memory_space<vmem>>
    %dma_start3A_257 = arith.constant 0 : i32
    %dma_start3A_258 = tpu.memref_slice %arg10[%dma_start3A_253, %dma_start3A_257] : memref<4x128xi32, #tpu.memory_space<vmem>> -> memref<1x128xi32, #tpu.memory_space<vmem>>
    %dma_start3A_259 = tpu.memref_squeeze %dma_start3A_258 : memref<1x128xi32, #tpu.memory_space<vmem>> -> memref<128xi32, #tpu.memory_space<vmem>>
    %dma_start3A_260 = arith.constant 0 : i32
    %dma_start3A_261 = arith.constant 0 : i32
    %dma_start3A_262 = tpu.memref_slice %arg5[%dma_start3A_260, %dma_start3A_261] : memref<1000000x64xf32, #tpu.memory_space<hbm>> -> memref<1000000x64xf32, #tpu.memory_space<hbm>>
    tpu.enqueue_indirect_dma source(%dma_start3A_262 : memref<1000000x64xf32, #tpu.memory_space<hbm>>) target(%dma_start3A_256 : memref<128x64xf32, #tpu.memory_space<vmem>>) offsets(%dma_start3A_259 : memref<128xi32, #tpu.memory_space<vmem>>) semaphore(%arg20 : memref<!tpu.dma_semaphore, #tpu.memory_space<semaphore_mem>>)
    %dma_start3A_263 = arith.constant 0 : i32
    %dma_start3A_264 = arith.constant 0 : i32
    %dma_start3A_265 = arith.constant 0 : i32
    %dma_start3A_266 = tpu.memref_slice %arg14[%dma_start3A_264, %dma_start3A_265] : memref<512x64xf32, #tpu.memory_space<vmem>> -> memref<128x64xf32, #tpu.memory_space<vmem>>
    %dma_start3A_267 = arith.constant 0 : i32
    %dma_start3A_268 = tpu.memref_slice %arg11[%dma_start3A_263, %dma_start3A_267] : memref<4x128xi32, #tpu.memory_space<vmem>> -> memref<1x128xi32, #tpu.memory_space<vmem>>
    %dma_start3A_269 = tpu.memref_squeeze %dma_start3A_268 : memref<1x128xi32, #tpu.memory_space<vmem>> -> memref<128xi32, #tpu.memory_space<vmem>>
    %dma_start3A_270 = arith.constant 0 : i32
    %dma_start3A_271 = arith.constant 0 : i32
    %dma_start3A_272 = tpu.memref_slice %arg6[%dma_start3A_270, %dma_start3A_271] : memref<1000000x64xf32, #tpu.memory_space<hbm>> -> memref<1000000x64xf32, #tpu.memory_space<hbm>>
    tpu.enqueue_indirect_dma source(%dma_start3A_272 : memref<1000000x64xf32, #tpu.memory_space<hbm>>) target(%dma_start3A_266 : memref<128x64xf32, #tpu.memory_space<vmem>>) offsets(%dma_start3A_269 : memref<128xi32, #tpu.memory_space<vmem>>) semaphore(%arg21 : memref<!tpu.dma_semaphore, #tpu.memory_space<semaphore_mem>>)
    %dma_start3A_273 = arith.constant 0 : i32
    %dma_start3A_274 = arith.constant 0 : i32
    %dma_start3A_275 = arith.constant 0 : i32
    %dma_start3A_276 = tpu.memref_slice %arg15[%dma_start3A_274, %dma_start3A_275] : memref<512x64xf32, #tpu.memory_space<vmem>> -> memref<128x64xf32, #tpu.memory_space<vmem>>
    %dma_start3A_277 = arith.constant 0 : i32
    %dma_start3A_278 = tpu.memref_slice %arg12[%dma_start3A_273, %dma_start3A_277] : memref<4x128xi32, #tpu.memory_space<vmem>> -> memref<1x128xi32, #tpu.memory_space<vmem>>
    %dma_start3A_279 = tpu.memref_squeeze %dma_start3A_278 : memref<1x128xi32, #tpu.memory_space<vmem>> -> memref<128xi32, #tpu.memory_space<vmem>>
    %dma_start3A_280 = arith.constant 0 : i32
    %dma_start3A_281 = arith.constant 0 : i32
    %dma_start3A_282 = tpu.memref_slice %arg5[%dma_start3A_280, %dma_start3A_281] : memref<1000000x64xf32, #tpu.memory_space<hbm>> -> memref<1000000x64xf32, #tpu.memory_space<hbm>>
    tpu.enqueue_indirect_dma source(%dma_start3A_282 : memref<1000000x64xf32, #tpu.memory_space<hbm>>) target(%dma_start3A_276 : memref<128x64xf32, #tpu.memory_space<vmem>>) offsets(%dma_start3A_279 : memref<128xi32, #tpu.memory_space<vmem>>) semaphore(%arg22 : memref<!tpu.dma_semaphore, #tpu.memory_space<semaphore_mem>>)
    %dma_start3A_283 = arith.constant 1 : i32
    %dma_start3A_284 = arith.constant 128 : i32
    %dma_start3A_285 = arith.constant 0 : i32
    %dma_start3A_286 = tpu.memref_slice %arg13[%dma_start3A_284, %dma_start3A_285] : memref<512x64xf32, #tpu.memory_space<vmem>> -> memref<128x64xf32, #tpu.memory_space<vmem>>
    %dma_start3A_287 = arith.constant 0 : i32
    %dma_start3A_288 = tpu.memref_slice %arg10[%dma_start3A_283, %dma_start3A_287] : memref<4x128xi32, #tpu.memory_space<vmem>> -> memref<1x128xi32, #tpu.memory_space<vmem>>
    %dma_start3A_289 = tpu.memref_squeeze %dma_start3A_288 : memref<1x128xi32, #tpu.memory_space<vmem>> -> memref<128xi32, #tpu.memory_space<vmem>>
    %dma_start3A_290 = arith.constant 0 : i32
    %dma_start3A_291 = arith.constant 0 : i32
    %dma_start3A_292 = tpu.memref_slice %arg5[%dma_start3A_290, %dma_start3A_291] : memref<1000000x64xf32, #tpu.memory_space<hbm>> -> memref<1000000x64xf32, #tpu.memory_space<hbm>>
    tpu.enqueue_indirect_dma source(%dma_start3A_292 : memref<1000000x64xf32, #tpu.memory_space<hbm>>) target(%dma_start3A_286 : memref<128x64xf32, #tpu.memory_space<vmem>>) offsets(%dma_start3A_289 : memref<128xi32, #tpu.memory_space<vmem>>) semaphore(%arg20 : memref<!tpu.dma_semaphore, #tpu.memory_space<semaphore_mem>>)
    %dma_start3A_293 = arith.constant 1 : i32
    %dma_start3A_294 = arith.constant 128 : i32
    %dma_start3A_295 = arith.constant 0 : i32
    %dma_start3A_296 = tpu.memref_slice %arg14[%dma_start3A_294, %dma_start3A_295] : memref<512x64xf32, #tpu.memory_space<vmem>> -> memref<128x64xf32, #tpu.memory_space<vmem>>
    %dma_start3A_297 = arith.constant 0 : i32
    %dma_start3A_298 = tpu.memref_slice %arg11[%dma_start3A_293, %dma_start3A_297] : memref<4x128xi32, #tpu.memory_space<vmem>> -> memref<1x128xi32, #tpu.memory_space<vmem>>
    %dma_start3A_299 = tpu.memref_squeeze %dma_start3A_298 : memref<1x128xi32, #tpu.memory_space<vmem>> -> memref<128xi32, #tpu.memory_space<vmem>>
    %dma_start3A_300 = arith.constant 0 : i32
    %dma_start3A_301 = arith.constant 0 : i32
    %dma_start3A_302 = tpu.memref_slice %arg6[%dma_start3A_300, %dma_start3A_301] : memref<1000000x64xf32, #tpu.memory_space<hbm>> -> memref<1000000x64xf32, #tpu.memory_space<hbm>>
    tpu.enqueue_indirect_dma source(%dma_start3A_302 : memref<1000000x64xf32, #tpu.memory_space<hbm>>) target(%dma_start3A_296 : memref<128x64xf32, #tpu.memory_space<vmem>>) offsets(%dma_start3A_299 : memref<128xi32, #tpu.memory_space<vmem>>) semaphore(%arg21 : memref<!tpu.dma_semaphore, #tpu.memory_space<semaphore_mem>>)
    %dma_start3A_303 = arith.constant 1 : i32
    %dma_start3A_304 = arith.constant 128 : i32
    %dma_start3A_305 = arith.constant 0 : i32
    %dma_start3A_306 = tpu.memref_slice %arg15[%dma_start3A_304, %dma_start3A_305] : memref<512x64xf32, #tpu.memory_space<vmem>> -> memref<128x64xf32, #tpu.memory_space<vmem>>
    %dma_start3A_307 = arith.constant 0 : i32
    %dma_start3A_308 = tpu.memref_slice %arg12[%dma_start3A_303, %dma_start3A_307] : memref<4x128xi32, #tpu.memory_space<vmem>> -> memref<1x128xi32, #tpu.memory_space<vmem>>
    %dma_start3A_309 = tpu.memref_squeeze %dma_start3A_308 : memref<1x128xi32, #tpu.memory_space<vmem>> -> memref<128xi32, #tpu.memory_space<vmem>>
    %dma_start3A_310 = arith.constant 0 : i32
    %dma_start3A_311 = arith.constant 0 : i32
    %dma_start3A_312 = tpu.memref_slice %arg5[%dma_start3A_310, %dma_start3A_311] : memref<1000000x64xf32, #tpu.memory_space<hbm>> -> memref<1000000x64xf32, #tpu.memory_space<hbm>>
    tpu.enqueue_indirect_dma source(%dma_start3A_312 : memref<1000000x64xf32, #tpu.memory_space<hbm>>) target(%dma_start3A_306 : memref<128x64xf32, #tpu.memory_space<vmem>>) offsets(%dma_start3A_309 : memref<128xi32, #tpu.memory_space<vmem>>) semaphore(%arg22 : memref<!tpu.dma_semaphore, #tpu.memory_space<semaphore_mem>>)
    %dma_start3A_313 = arith.constant 2 : i32
    %dma_start3A_314 = arith.constant 256 : i32
    %dma_start3A_315 = arith.constant 0 : i32
    %dma_start3A_316 = tpu.memref_slice %arg13[%dma_start3A_314, %dma_start3A_315] : memref<512x64xf32, #tpu.memory_space<vmem>> -> memref<128x64xf32, #tpu.memory_space<vmem>>
    %dma_start3A_317 = arith.constant 0 : i32
    %dma_start3A_318 = tpu.memref_slice %arg10[%dma_start3A_313, %dma_start3A_317] : memref<4x128xi32, #tpu.memory_space<vmem>> -> memref<1x128xi32, #tpu.memory_space<vmem>>
    %dma_start3A_319 = tpu.memref_squeeze %dma_start3A_318 : memref<1x128xi32, #tpu.memory_space<vmem>> -> memref<128xi32, #tpu.memory_space<vmem>>
    %dma_start3A_320 = arith.constant 0 : i32
    %dma_start3A_321 = arith.constant 0 : i32
    %dma_start3A_322 = tpu.memref_slice %arg5[%dma_start3A_320, %dma_start3A_321] : memref<1000000x64xf32, #tpu.memory_space<hbm>> -> memref<1000000x64xf32, #tpu.memory_space<hbm>>
    tpu.enqueue_indirect_dma source(%dma_start3A_322 : memref<1000000x64xf32, #tpu.memory_space<hbm>>) target(%dma_start3A_316 : memref<128x64xf32, #tpu.memory_space<vmem>>) offsets(%dma_start3A_319 : memref<128xi32, #tpu.memory_space<vmem>>) semaphore(%arg20 : memref<!tpu.dma_semaphore, #tpu.memory_space<semaphore_mem>>)
    %dma_start3A_323 = arith.constant 2 : i32
    %dma_start3A_324 = arith.constant 256 : i32
    %dma_start3A_325 = arith.constant 0 : i32
    %dma_start3A_326 = tpu.memref_slice %arg14[%dma_start3A_324, %dma_start3A_325] : memref<512x64xf32, #tpu.memory_space<vmem>> -> memref<128x64xf32, #tpu.memory_space<vmem>>
    %dma_start3A_327 = arith.constant 0 : i32
    %dma_start3A_328 = tpu.memref_slice %arg11[%dma_start3A_323, %dma_start3A_327] : memref<4x128xi32, #tpu.memory_space<vmem>> -> memref<1x128xi32, #tpu.memory_space<vmem>>
    %dma_start3A_329 = tpu.memref_squeeze %dma_start3A_328 : memref<1x128xi32, #tpu.memory_space<vmem>> -> memref<128xi32, #tpu.memory_space<vmem>>
    %dma_start3A_330 = arith.constant 0 : i32
    %dma_start3A_331 = arith.constant 0 : i32
    %dma_start3A_332 = tpu.memref_slice %arg6[%dma_start3A_330, %dma_start3A_331] : memref<1000000x64xf32, #tpu.memory_space<hbm>> -> memref<1000000x64xf32, #tpu.memory_space<hbm>>
    tpu.enqueue_indirect_dma source(%dma_start3A_332 : memref<1000000x64xf32, #tpu.memory_space<hbm>>) target(%dma_start3A_326 : memref<128x64xf32, #tpu.memory_space<vmem>>) offsets(%dma_start3A_329 : memref<128xi32, #tpu.memory_space<vmem>>) semaphore(%arg21 : memref<!tpu.dma_semaphore, #tpu.memory_space<semaphore_mem>>)
    %dma_start3A_333 = arith.constant 2 : i32
    %dma_start3A_334 = arith.constant 256 : i32
    %dma_start3A_335 = arith.constant 0 : i32
    %dma_start3A_336 = tpu.memref_slice %arg15[%dma_start3A_334, %dma_start3A_335] : memref<512x64xf32, #tpu.memory_space<vmem>> -> memref<128x64xf32, #tpu.memory_space<vmem>>
    %dma_start3A_337 = arith.constant 0 : i32
    %dma_start3A_338 = tpu.memref_slice %arg12[%dma_start3A_333, %dma_start3A_337] : memref<4x128xi32, #tpu.memory_space<vmem>> -> memref<1x128xi32, #tpu.memory_space<vmem>>
    %dma_start3A_339 = tpu.memref_squeeze %dma_start3A_338 : memref<1x128xi32, #tpu.memory_space<vmem>> -> memref<128xi32, #tpu.memory_space<vmem>>
    %dma_start3A_340 = arith.constant 0 : i32
    %dma_start3A_341 = arith.constant 0 : i32
    %dma_start3A_342 = tpu.memref_slice %arg5[%dma_start3A_340, %dma_start3A_341] : memref<1000000x64xf32, #tpu.memory_space<hbm>> -> memref<1000000x64xf32, #tpu.memory_space<hbm>>
    tpu.enqueue_indirect_dma source(%dma_start3A_342 : memref<1000000x64xf32, #tpu.memory_space<hbm>>) target(%dma_start3A_336 : memref<128x64xf32, #tpu.memory_space<vmem>>) offsets(%dma_start3A_339 : memref<128xi32, #tpu.memory_space<vmem>>) semaphore(%arg22 : memref<!tpu.dma_semaphore, #tpu.memory_space<semaphore_mem>>)
    %dma_start3A_343 = arith.constant 3 : i32
    %dma_start3A_344 = arith.constant 384 : i32
    %dma_start3A_345 = arith.constant 0 : i32
    %dma_start3A_346 = tpu.memref_slice %arg13[%dma_start3A_344, %dma_start3A_345] : memref<512x64xf32, #tpu.memory_space<vmem>> -> memref<128x64xf32, #tpu.memory_space<vmem>>
    %dma_start3A_347 = arith.constant 0 : i32
    %dma_start3A_348 = tpu.memref_slice %arg10[%dma_start3A_343, %dma_start3A_347] : memref<4x128xi32, #tpu.memory_space<vmem>> -> memref<1x128xi32, #tpu.memory_space<vmem>>
    %dma_start3A_349 = tpu.memref_squeeze %dma_start3A_348 : memref<1x128xi32, #tpu.memory_space<vmem>> -> memref<128xi32, #tpu.memory_space<vmem>>
    %dma_start3A_350 = arith.constant 0 : i32
    %dma_start3A_351 = arith.constant 0 : i32
    %dma_start3A_352 = tpu.memref_slice %arg5[%dma_start3A_350, %dma_start3A_351] : memref<1000000x64xf32, #tpu.memory_space<hbm>> -> memref<1000000x64xf32, #tpu.memory_space<hbm>>
    tpu.enqueue_indirect_dma source(%dma_start3A_352 : memref<1000000x64xf32, #tpu.memory_space<hbm>>) target(%dma_start3A_346 : memref<128x64xf32, #tpu.memory_space<vmem>>) offsets(%dma_start3A_349 : memref<128xi32, #tpu.memory_space<vmem>>) semaphore(%arg20 : memref<!tpu.dma_semaphore, #tpu.memory_space<semaphore_mem>>)
    %dma_start3A_353 = arith.constant 3 : i32
    %dma_start3A_354 = arith.constant 384 : i32
    %dma_start3A_355 = arith.constant 0 : i32
    %dma_start3A_356 = tpu.memref_slice %arg14[%dma_start3A_354, %dma_start3A_355] : memref<512x64xf32, #tpu.memory_space<vmem>> -> memref<128x64xf32, #tpu.memory_space<vmem>>
    %dma_start3A_357 = arith.constant 0 : i32
    %dma_start3A_358 = tpu.memref_slice %arg11[%dma_start3A_353, %dma_start3A_357] : memref<4x128xi32, #tpu.memory_space<vmem>> -> memref<1x128xi32, #tpu.memory_space<vmem>>
    %dma_start3A_359 = tpu.memref_squeeze %dma_start3A_358 : memref<1x128xi32, #tpu.memory_space<vmem>> -> memref<128xi32, #tpu.memory_space<vmem>>
    %dma_start3A_360 = arith.constant 0 : i32
    %dma_start3A_361 = arith.constant 0 : i32
    %dma_start3A_362 = tpu.memref_slice %arg6[%dma_start3A_360, %dma_start3A_361] : memref<1000000x64xf32, #tpu.memory_space<hbm>> -> memref<1000000x64xf32, #tpu.memory_space<hbm>>
    tpu.enqueue_indirect_dma source(%dma_start3A_362 : memref<1000000x64xf32, #tpu.memory_space<hbm>>) target(%dma_start3A_356 : memref<128x64xf32, #tpu.memory_space<vmem>>) offsets(%dma_start3A_359 : memref<128xi32, #tpu.memory_space<vmem>>) semaphore(%arg21 : memref<!tpu.dma_semaphore, #tpu.memory_space<semaphore_mem>>)
    %dma_start3A_363 = arith.constant 3 : i32
    %dma_start3A_364 = arith.constant 384 : i32
    %dma_start3A_365 = arith.constant 0 : i32
    %dma_start3A_366 = tpu.memref_slice %arg15[%dma_start3A_364, %dma_start3A_365] : memref<512x64xf32, #tpu.memory_space<vmem>> -> memref<128x64xf32, #tpu.memory_space<vmem>>
    %dma_start3A_367 = arith.constant 0 : i32
    %dma_start3A_368 = tpu.memref_slice %arg12[%dma_start3A_363, %dma_start3A_367] : memref<4x128xi32, #tpu.memory_space<vmem>> -> memref<1x128xi32, #tpu.memory_space<vmem>>
    %dma_start3A_369 = tpu.memref_squeeze %dma_start3A_368 : memref<1x128xi32, #tpu.memory_space<vmem>> -> memref<128xi32, #tpu.memory_space<vmem>>
    %dma_start3A_370 = arith.constant 0 : i32
    %dma_start3A_371 = arith.constant 0 : i32
    %dma_start3A_372 = tpu.memref_slice %arg5[%dma_start3A_370, %dma_start3A_371] : memref<1000000x64xf32, #tpu.memory_space<hbm>> -> memref<1000000x64xf32, #tpu.memory_space<hbm>>
    tpu.enqueue_indirect_dma source(%dma_start3A_372 : memref<1000000x64xf32, #tpu.memory_space<hbm>>) target(%dma_start3A_366 : memref<128x64xf32, #tpu.memory_space<vmem>>) offsets(%dma_start3A_369 : memref<128xi32, #tpu.memory_space<vmem>>) semaphore(%arg22 : memref<!tpu.dma_semaphore, #tpu.memory_space<semaphore_mem>>)
    %dma_wait3A_373 = arith.constant 0 : i32
    %dma_wait3A_374 = arith.constant 0 : i32
    %dma_wait3A_375 = arith.constant 0 : i32
    %dma_wait3A_376 = tpu.memref_slice %arg13[%dma_wait3A_374, %dma_wait3A_375] : memref<512x64xf32, #tpu.memory_space<vmem>> -> memref<128x64xf32, #tpu.memory_space<vmem>>
    %dma_wait3A_377 = arith.constant 0 : i32
    %dma_wait3A_378 = tpu.memref_slice %arg10[%dma_wait3A_373, %dma_wait3A_377] : memref<4x128xi32, #tpu.memory_space<vmem>> -> memref<1x128xi32, #tpu.memory_space<vmem>>
    %dma_wait3A_379 = tpu.memref_squeeze %dma_wait3A_378 : memref<1x128xi32, #tpu.memory_space<vmem>> -> memref<128xi32, #tpu.memory_space<vmem>>
    %dma_wait3A_380 = arith.constant 0 : i32
    %dma_wait3A_381 = arith.constant 0 : i32
    %dma_wait3A_382 = tpu.memref_slice %arg5[%dma_wait3A_380, %dma_wait3A_381] : memref<1000000x64xf32, #tpu.memory_space<hbm>> -> memref<1000000x64xf32, #tpu.memory_space<hbm>>
    tpu.wait_indirect_dma semaphore(%arg20 : memref<!tpu.dma_semaphore, #tpu.memory_space<semaphore_mem>>) src(%dma_wait3A_382 : memref<1000000x64xf32, #tpu.memory_space<hbm>>) dst(%dma_wait3A_376 : memref<128x64xf32, #tpu.memory_space<vmem>>)
    %dma_wait3A_383 = arith.constant 0 : i32
    %dma_wait3A_384 = arith.constant 0 : i32
    %dma_wait3A_385 = arith.constant 0 : i32
    %dma_wait3A_386 = tpu.memref_slice %arg14[%dma_wait3A_384, %dma_wait3A_385] : memref<512x64xf32, #tpu.memory_space<vmem>> -> memref<128x64xf32, #tpu.memory_space<vmem>>
    %dma_wait3A_387 = arith.constant 0 : i32
    %dma_wait3A_388 = tpu.memref_slice %arg11[%dma_wait3A_383, %dma_wait3A_387] : memref<4x128xi32, #tpu.memory_space<vmem>> -> memref<1x128xi32, #tpu.memory_space<vmem>>
    %dma_wait3A_389 = tpu.memref_squeeze %dma_wait3A_388 : memref<1x128xi32, #tpu.memory_space<vmem>> -> memref<128xi32, #tpu.memory_space<vmem>>
    %dma_wait3A_390 = arith.constant 0 : i32
    %dma_wait3A_391 = arith.constant 0 : i32
    %dma_wait3A_392 = tpu.memref_slice %arg6[%dma_wait3A_390, %dma_wait3A_391] : memref<1000000x64xf32, #tpu.memory_space<hbm>> -> memref<1000000x64xf32, #tpu.memory_space<hbm>>
    tpu.wait_indirect_dma semaphore(%arg21 : memref<!tpu.dma_semaphore, #tpu.memory_space<semaphore_mem>>) src(%dma_wait3A_392 : memref<1000000x64xf32, #tpu.memory_space<hbm>>) dst(%dma_wait3A_386 : memref<128x64xf32, #tpu.memory_space<vmem>>)
    %dma_wait3A_393 = arith.constant 0 : i32
    %dma_wait3A_394 = arith.constant 0 : i32
    %dma_wait3A_395 = arith.constant 0 : i32
    %dma_wait3A_396 = tpu.memref_slice %arg15[%dma_wait3A_394, %dma_wait3A_395] : memref<512x64xf32, #tpu.memory_space<vmem>> -> memref<128x64xf32, #tpu.memory_space<vmem>>
    %dma_wait3A_397 = arith.constant 0 : i32
    %dma_wait3A_398 = tpu.memref_slice %arg12[%dma_wait3A_393, %dma_wait3A_397] : memref<4x128xi32, #tpu.memory_space<vmem>> -> memref<1x128xi32, #tpu.memory_space<vmem>>
    %dma_wait3A_399 = tpu.memref_squeeze %dma_wait3A_398 : memref<1x128xi32, #tpu.memory_space<vmem>> -> memref<128xi32, #tpu.memory_space<vmem>>
    %dma_wait3A_400 = arith.constant 0 : i32
    %dma_wait3A_401 = arith.constant 0 : i32
    %dma_wait3A_402 = tpu.memref_slice %arg5[%dma_wait3A_400, %dma_wait3A_401] : memref<1000000x64xf32, #tpu.memory_space<hbm>> -> memref<1000000x64xf32, #tpu.memory_space<hbm>>
    tpu.wait_indirect_dma semaphore(%arg22 : memref<!tpu.dma_semaphore, #tpu.memory_space<semaphore_mem>>) src(%dma_wait3A_402 : memref<1000000x64xf32, #tpu.memory_space<hbm>>) dst(%dma_wait3A_396 : memref<128x64xf32, #tpu.memory_space<vmem>>)
    %dma_wait3A_403 = arith.constant 1 : i32
    %dma_wait3A_404 = arith.constant 128 : i32
    %dma_wait3A_405 = arith.constant 0 : i32
    %dma_wait3A_406 = tpu.memref_slice %arg13[%dma_wait3A_404, %dma_wait3A_405] : memref<512x64xf32, #tpu.memory_space<vmem>> -> memref<128x64xf32, #tpu.memory_space<vmem>>
    %dma_wait3A_407 = arith.constant 0 : i32
    %dma_wait3A_408 = tpu.memref_slice %arg10[%dma_wait3A_403, %dma_wait3A_407] : memref<4x128xi32, #tpu.memory_space<vmem>> -> memref<1x128xi32, #tpu.memory_space<vmem>>
    %dma_wait3A_409 = tpu.memref_squeeze %dma_wait3A_408 : memref<1x128xi32, #tpu.memory_space<vmem>> -> memref<128xi32, #tpu.memory_space<vmem>>
    %dma_wait3A_410 = arith.constant 0 : i32
    %dma_wait3A_411 = arith.constant 0 : i32
    %dma_wait3A_412 = tpu.memref_slice %arg5[%dma_wait3A_410, %dma_wait3A_411] : memref<1000000x64xf32, #tpu.memory_space<hbm>> -> memref<1000000x64xf32, #tpu.memory_space<hbm>>
    tpu.wait_indirect_dma semaphore(%arg20 : memref<!tpu.dma_semaphore, #tpu.memory_space<semaphore_mem>>) src(%dma_wait3A_412 : memref<1000000x64xf32, #tpu.memory_space<hbm>>) dst(%dma_wait3A_406 : memref<128x64xf32, #tpu.memory_space<vmem>>)
    %dma_wait3A_413 = arith.constant 1 : i32
    %dma_wait3A_414 = arith.constant 128 : i32
    %dma_wait3A_415 = arith.constant 0 : i32
    %dma_wait3A_416 = tpu.memref_slice %arg14[%dma_wait3A_414, %dma_wait3A_415] : memref<512x64xf32, #tpu.memory_space<vmem>> -> memref<128x64xf32, #tpu.memory_space<vmem>>
    %dma_wait3A_417 = arith.constant 0 : i32
    %dma_wait3A_418 = tpu.memref_slice %arg11[%dma_wait3A_413, %dma_wait3A_417] : memref<4x128xi32, #tpu.memory_space<vmem>> -> memref<1x128xi32, #tpu.memory_space<vmem>>
    %dma_wait3A_419 = tpu.memref_squeeze %dma_wait3A_418 : memref<1x128xi32, #tpu.memory_space<vmem>> -> memref<128xi32, #tpu.memory_space<vmem>>
    %dma_wait3A_420 = arith.constant 0 : i32
    %dma_wait3A_421 = arith.constant 0 : i32
    %dma_wait3A_422 = tpu.memref_slice %arg6[%dma_wait3A_420, %dma_wait3A_421] : memref<1000000x64xf32, #tpu.memory_space<hbm>> -> memref<1000000x64xf32, #tpu.memory_space<hbm>>
    tpu.wait_indirect_dma semaphore(%arg21 : memref<!tpu.dma_semaphore, #tpu.memory_space<semaphore_mem>>) src(%dma_wait3A_422 : memref<1000000x64xf32, #tpu.memory_space<hbm>>) dst(%dma_wait3A_416 : memref<128x64xf32, #tpu.memory_space<vmem>>)
    %dma_wait3A_423 = arith.constant 1 : i32
    %dma_wait3A_424 = arith.constant 128 : i32
    %dma_wait3A_425 = arith.constant 0 : i32
    %dma_wait3A_426 = tpu.memref_slice %arg15[%dma_wait3A_424, %dma_wait3A_425] : memref<512x64xf32, #tpu.memory_space<vmem>> -> memref<128x64xf32, #tpu.memory_space<vmem>>
    %dma_wait3A_427 = arith.constant 0 : i32
    %dma_wait3A_428 = tpu.memref_slice %arg12[%dma_wait3A_423, %dma_wait3A_427] : memref<4x128xi32, #tpu.memory_space<vmem>> -> memref<1x128xi32, #tpu.memory_space<vmem>>
    %dma_wait3A_429 = tpu.memref_squeeze %dma_wait3A_428 : memref<1x128xi32, #tpu.memory_space<vmem>> -> memref<128xi32, #tpu.memory_space<vmem>>
    %dma_wait3A_430 = arith.constant 0 : i32
    %dma_wait3A_431 = arith.constant 0 : i32
    %dma_wait3A_432 = tpu.memref_slice %arg5[%dma_wait3A_430, %dma_wait3A_431] : memref<1000000x64xf32, #tpu.memory_space<hbm>> -> memref<1000000x64xf32, #tpu.memory_space<hbm>>
    tpu.wait_indirect_dma semaphore(%arg22 : memref<!tpu.dma_semaphore, #tpu.memory_space<semaphore_mem>>) src(%dma_wait3A_432 : memref<1000000x64xf32, #tpu.memory_space<hbm>>) dst(%dma_wait3A_426 : memref<128x64xf32, #tpu.memory_space<vmem>>)
    %dma_wait3A_433 = arith.constant 2 : i32
    %dma_wait3A_434 = arith.constant 256 : i32
    %dma_wait3A_435 = arith.constant 0 : i32
    %dma_wait3A_436 = tpu.memref_slice %arg13[%dma_wait3A_434, %dma_wait3A_435] : memref<512x64xf32, #tpu.memory_space<vmem>> -> memref<128x64xf32, #tpu.memory_space<vmem>>
    %dma_wait3A_437 = arith.constant 0 : i32
    %dma_wait3A_438 = tpu.memref_slice %arg10[%dma_wait3A_433, %dma_wait3A_437] : memref<4x128xi32, #tpu.memory_space<vmem>> -> memref<1x128xi32, #tpu.memory_space<vmem>>
    %dma_wait3A_439 = tpu.memref_squeeze %dma_wait3A_438 : memref<1x128xi32, #tpu.memory_space<vmem>> -> memref<128xi32, #tpu.memory_space<vmem>>
    %dma_wait3A_440 = arith.constant 0 : i32
    %dma_wait3A_441 = arith.constant 0 : i32
    %dma_wait3A_442 = tpu.memref_slice %arg5[%dma_wait3A_440, %dma_wait3A_441] : memref<1000000x64xf32, #tpu.memory_space<hbm>> -> memref<1000000x64xf32, #tpu.memory_space<hbm>>
    tpu.wait_indirect_dma semaphore(%arg20 : memref<!tpu.dma_semaphore, #tpu.memory_space<semaphore_mem>>) src(%dma_wait3A_442 : memref<1000000x64xf32, #tpu.memory_space<hbm>>) dst(%dma_wait3A_436 : memref<128x64xf32, #tpu.memory_space<vmem>>)
    %dma_wait3A_443 = arith.constant 2 : i32
    %dma_wait3A_444 = arith.constant 256 : i32
    %dma_wait3A_445 = arith.constant 0 : i32
    %dma_wait3A_446 = tpu.memref_slice %arg14[%dma_wait3A_444, %dma_wait3A_445] : memref<512x64xf32, #tpu.memory_space<vmem>> -> memref<128x64xf32, #tpu.memory_space<vmem>>
    %dma_wait3A_447 = arith.constant 0 : i32
    %dma_wait3A_448 = tpu.memref_slice %arg11[%dma_wait3A_443, %dma_wait3A_447] : memref<4x128xi32, #tpu.memory_space<vmem>> -> memref<1x128xi32, #tpu.memory_space<vmem>>
    %dma_wait3A_449 = tpu.memref_squeeze %dma_wait3A_448 : memref<1x128xi32, #tpu.memory_space<vmem>> -> memref<128xi32, #tpu.memory_space<vmem>>
    %dma_wait3A_450 = arith.constant 0 : i32
    %dma_wait3A_451 = arith.constant 0 : i32
    %dma_wait3A_452 = tpu.memref_slice %arg6[%dma_wait3A_450, %dma_wait3A_451] : memref<1000000x64xf32, #tpu.memory_space<hbm>> -> memref<1000000x64xf32, #tpu.memory_space<hbm>>
    tpu.wait_indirect_dma semaphore(%arg21 : memref<!tpu.dma_semaphore, #tpu.memory_space<semaphore_mem>>) src(%dma_wait3A_452 : memref<1000000x64xf32, #tpu.memory_space<hbm>>) dst(%dma_wait3A_446 : memref<128x64xf32, #tpu.memory_space<vmem>>)
    %dma_wait3A_453 = arith.constant 2 : i32
    %dma_wait3A_454 = arith.constant 256 : i32
    %dma_wait3A_455 = arith.constant 0 : i32
    %dma_wait3A_456 = tpu.memref_slice %arg15[%dma_wait3A_454, %dma_wait3A_455] : memref<512x64xf32, #tpu.memory_space<vmem>> -> memref<128x64xf32, #tpu.memory_space<vmem>>
    %dma_wait3A_457 = arith.constant 0 : i32
    %dma_wait3A_458 = tpu.memref_slice %arg12[%dma_wait3A_453, %dma_wait3A_457] : memref<4x128xi32, #tpu.memory_space<vmem>> -> memref<1x128xi32, #tpu.memory_space<vmem>>
    %dma_wait3A_459 = tpu.memref_squeeze %dma_wait3A_458 : memref<1x128xi32, #tpu.memory_space<vmem>> -> memref<128xi32, #tpu.memory_space<vmem>>
    %dma_wait3A_460 = arith.constant 0 : i32
    %dma_wait3A_461 = arith.constant 0 : i32
    %dma_wait3A_462 = tpu.memref_slice %arg5[%dma_wait3A_460, %dma_wait3A_461] : memref<1000000x64xf32, #tpu.memory_space<hbm>> -> memref<1000000x64xf32, #tpu.memory_space<hbm>>
    tpu.wait_indirect_dma semaphore(%arg22 : memref<!tpu.dma_semaphore, #tpu.memory_space<semaphore_mem>>) src(%dma_wait3A_462 : memref<1000000x64xf32, #tpu.memory_space<hbm>>) dst(%dma_wait3A_456 : memref<128x64xf32, #tpu.memory_space<vmem>>)
    %dma_wait3A_463 = arith.constant 3 : i32
    %dma_wait3A_464 = arith.constant 384 : i32
    %dma_wait3A_465 = arith.constant 0 : i32
    %dma_wait3A_466 = tpu.memref_slice %arg13[%dma_wait3A_464, %dma_wait3A_465] : memref<512x64xf32, #tpu.memory_space<vmem>> -> memref<128x64xf32, #tpu.memory_space<vmem>>
    %dma_wait3A_467 = arith.constant 0 : i32
    %dma_wait3A_468 = tpu.memref_slice %arg10[%dma_wait3A_463, %dma_wait3A_467] : memref<4x128xi32, #tpu.memory_space<vmem>> -> memref<1x128xi32, #tpu.memory_space<vmem>>
    %dma_wait3A_469 = tpu.memref_squeeze %dma_wait3A_468 : memref<1x128xi32, #tpu.memory_space<vmem>> -> memref<128xi32, #tpu.memory_space<vmem>>
    %dma_wait3A_470 = arith.constant 0 : i32
    %dma_wait3A_471 = arith.constant 0 : i32
    %dma_wait3A_472 = tpu.memref_slice %arg5[%dma_wait3A_470, %dma_wait3A_471] : memref<1000000x64xf32, #tpu.memory_space<hbm>> -> memref<1000000x64xf32, #tpu.memory_space<hbm>>
    tpu.wait_indirect_dma semaphore(%arg20 : memref<!tpu.dma_semaphore, #tpu.memory_space<semaphore_mem>>) src(%dma_wait3A_472 : memref<1000000x64xf32, #tpu.memory_space<hbm>>) dst(%dma_wait3A_466 : memref<128x64xf32, #tpu.memory_space<vmem>>)
    %dma_wait3A_473 = arith.constant 3 : i32
    %dma_wait3A_474 = arith.constant 384 : i32
    %dma_wait3A_475 = arith.constant 0 : i32
    %dma_wait3A_476 = tpu.memref_slice %arg14[%dma_wait3A_474, %dma_wait3A_475] : memref<512x64xf32, #tpu.memory_space<vmem>> -> memref<128x64xf32, #tpu.memory_space<vmem>>
    %dma_wait3A_477 = arith.constant 0 : i32
    %dma_wait3A_478 = tpu.memref_slice %arg11[%dma_wait3A_473, %dma_wait3A_477] : memref<4x128xi32, #tpu.memory_space<vmem>> -> memref<1x128xi32, #tpu.memory_space<vmem>>
    %dma_wait3A_479 = tpu.memref_squeeze %dma_wait3A_478 : memref<1x128xi32, #tpu.memory_space<vmem>> -> memref<128xi32, #tpu.memory_space<vmem>>
    %dma_wait3A_480 = arith.constant 0 : i32
    %dma_wait3A_481 = arith.constant 0 : i32
    %dma_wait3A_482 = tpu.memref_slice %arg6[%dma_wait3A_480, %dma_wait3A_481] : memref<1000000x64xf32, #tpu.memory_space<hbm>> -> memref<1000000x64xf32, #tpu.memory_space<hbm>>
    tpu.wait_indirect_dma semaphore(%arg21 : memref<!tpu.dma_semaphore, #tpu.memory_space<semaphore_mem>>) src(%dma_wait3A_482 : memref<1000000x64xf32, #tpu.memory_space<hbm>>) dst(%dma_wait3A_476 : memref<128x64xf32, #tpu.memory_space<vmem>>)
    %dma_wait3A_483 = arith.constant 3 : i32
    %dma_wait3A_484 = arith.constant 384 : i32
    %dma_wait3A_485 = arith.constant 0 : i32
    %dma_wait3A_486 = tpu.memref_slice %arg15[%dma_wait3A_484, %dma_wait3A_485] : memref<512x64xf32, #tpu.memory_space<vmem>> -> memref<128x64xf32, #tpu.memory_space<vmem>>
    %dma_wait3A_487 = arith.constant 0 : i32
    %dma_wait3A_488 = tpu.memref_slice %arg12[%dma_wait3A_483, %dma_wait3A_487] : memref<4x128xi32, #tpu.memory_space<vmem>> -> memref<1x128xi32, #tpu.memory_space<vmem>>
    %dma_wait3A_489 = tpu.memref_squeeze %dma_wait3A_488 : memref<1x128xi32, #tpu.memory_space<vmem>> -> memref<128xi32, #tpu.memory_space<vmem>>
    %dma_wait3A_490 = arith.constant 0 : i32
    %dma_wait3A_491 = arith.constant 0 : i32
    %dma_wait3A_492 = tpu.memref_slice %arg5[%dma_wait3A_490, %dma_wait3A_491] : memref<1000000x64xf32, #tpu.memory_space<hbm>> -> memref<1000000x64xf32, #tpu.memory_space<hbm>>
    tpu.wait_indirect_dma semaphore(%arg22 : memref<!tpu.dma_semaphore, #tpu.memory_space<semaphore_mem>>) src(%dma_wait3A_492 : memref<1000000x64xf32, #tpu.memory_space<hbm>>) dst(%dma_wait3A_486 : memref<128x64xf32, #tpu.memory_space<vmem>>)
    %scan3A_493 = arith.constant 0 : i32
    %scan3A_494 = arith.constant 0 : i32
    %scan3A_495 = arith.constant 32 : i32
    %scan3A_496 = arith.addi %scan3A_494, %scan3A_495 : i32
    %scan3A_497 = arith.constant 1 : i32
    %scan3A_498 = scf.for %scan3A_509 = %scan3A_494 to %scan3A_496 step %scan3A_497 iter_args(%scan3A_510 = %scan3A_493) -> (i32)  : i32 {
      %mul3A_511 = arith.constant 16 : i32
      %mul3A_512 = arith.muli %scan3A_509, %mul3A_511 : i32
      %add3A_513 = arith.constant 0 : i32
      %add3A_514 = arith.addi %mul3A_512, %add3A_513 : i32
      %get3A = arith.index_cast %add3A_514 : i32 to index
      %get3A_515 = arith.constant 0 : index
      %get3A_516 = tpu.vector_load %arg13[%get3A, %get3A_515] {strides = array<i32>} : memref<512x64xf32, #tpu.memory_space<vmem>>, vector<16xf32>,
      %get3A_517 = arith.index_cast %add3A_514 : i32 to index
      %get3A_518 = arith.constant 0 : index
      %get3A_519 = tpu.vector_load %arg14[%get3A_517, %get3A_518] {strides = array<i32>} : memref<512x64xf32, #tpu.memory_space<vmem>>, vector<16xf32>,
      %add3A_520 = arith.addf %get3A_516, %get3A_519 : vector<16xf32>
      %get3A_521 = arith.index_cast %add3A_514 : i32 to index
      %get3A_522 = arith.constant 0 : index
      %get3A_523 = tpu.vector_load %arg15[%get3A_521, %get3A_522] {strides = array<i32>} : memref<512x64xf32, #tpu.memory_space<vmem>>, vector<16xf32>,
      %sub3A = arith.subf %add3A_520, %get3A_523 : vector<16xf32>
      %mul3A_524 = arith.mulf %sub3A, %sub3A : vector<16xf32>
      %get3A_525 = arith.index_cast %add3A_514 : i32 to index
      %get3A_526 = arith.constant 16 : index
      %get3A_527 = tpu.vector_load %arg13[%get3A_525, %get3A_526] {strides = array<i32>} : memref<512x64xf32, #tpu.memory_space<vmem>>, vector<16xf32>,
      %get3A_528 = arith.index_cast %add3A_514 : i32 to index
      %get3A_529 = arith.constant 16 : index
      %get3A_530 = tpu.vector_load %arg14[%get3A_528, %get3A_529] {strides = array<i32>} : memref<512x64xf32, #tpu.memory_space<vmem>>, vector<16xf32>,
      %add3A_531 = arith.addf %get3A_527, %get3A_530 : vector<16xf32>
      %get3A_532 = arith.index_cast %add3A_514 : i32 to index
      %get3A_533 = arith.constant 16 : index
      %get3A_534 = tpu.vector_load %arg15[%get3A_532, %get3A_533] {strides = array<i32>} : memref<512x64xf32, #tpu.memory_space<vmem>>, vector<16xf32>,
      %sub3A_535 = arith.subf %add3A_531, %get3A_534 : vector<16xf32>
      %mul3A_536 = arith.mulf %sub3A_535, %sub3A_535 : vector<16xf32>
      %add3A_537 = arith.addf %mul3A_524, %mul3A_536 : vector<16xf32>
      %get3A_538 = arith.index_cast %add3A_514 : i32 to index
      %get3A_539 = arith.constant 32 : index
      %get3A_540 = tpu.vector_load %arg13[%get3A_538, %get3A_539] {strides = array<i32>} : memref<512x64xf32, #tpu.memory_space<vmem>>, vector<16xf32>,
      %get3A_541 = arith.index_cast %add3A_514 : i32 to index
      %get3A_542 = arith.constant 32 : index
      %get3A_543 = tpu.vector_load %arg14[%get3A_541, %get3A_542] {strides = array<i32>} : memref<512x64xf32, #tpu.memory_space<vmem>>, vector<16xf32>,
      %add3A_544 = arith.addf %get3A_540, %get3A_543 : vector<16xf32>
      %get3A_545 = arith.index_cast %add3A_514 : i32 to index
      %get3A_546 = arith.constant 32 : index
      %get3A_547 = tpu.vector_load %arg15[%get3A_545, %get3A_546] {strides = array<i32>} : memref<512x64xf32, #tpu.memory_space<vmem>>, vector<16xf32>,
      %sub3A_548 = arith.subf %add3A_544, %get3A_547 : vector<16xf32>
      %mul3A_549 = arith.mulf %sub3A_548, %sub3A_548 : vector<16xf32>
      %add3A_550 = arith.addf %add3A_537, %mul3A_549 : vector<16xf32>
      %get3A_551 = arith.index_cast %add3A_514 : i32 to index
      %get3A_552 = arith.constant 48 : index
      %get3A_553 = tpu.vector_load %arg13[%get3A_551, %get3A_552] {strides = array<i32>} : memref<512x64xf32, #tpu.memory_space<vmem>>, vector<16xf32>,
      %get3A_554 = arith.index_cast %add3A_514 : i32 to index
      %get3A_555 = arith.constant 48 : index
      %get3A_556 = tpu.vector_load %arg14[%get3A_554, %get3A_555] {strides = array<i32>} : memref<512x64xf32, #tpu.memory_space<vmem>>, vector<16xf32>,
      %add3A_557 = arith.addf %get3A_553, %get3A_556 : vector<16xf32>
      %get3A_558 = arith.index_cast %add3A_514 : i32 to index
      %get3A_559 = arith.constant 48 : index
      %get3A_560 = tpu.vector_load %arg15[%get3A_558, %get3A_559] {strides = array<i32>} : memref<512x64xf32, #tpu.memory_space<vmem>>, vector<16xf32>,
      %sub3A_561 = arith.subf %add3A_557, %get3A_560 : vector<16xf32>
      %mul3A_562 = arith.mulf %sub3A_561, %sub3A_561 : vector<16xf32>
      %add3A_563 = arith.addf %add3A_550, %mul3A_562 : vector<16xf32>
      %swap3A = arith.constant 0 : index
      %swap3A_564 = tpu.vector_load %arg16[%swap3A] {strides = array<i32>} : memref<256xf32, #tpu.memory_space<vmem>>, vector<16xf32>,
      tpu.vector_store %arg16[%swap3A], %add3A_563 {strides = array<i32>} : memref<256xf32, #tpu.memory_space<vmem>>, vector<16xf32>,
      %add3A_565 = arith.constant 1 : i32
      %add3A_566 = arith.addi %mul3A_512, %add3A_565 : i32
      %get3A_567 = arith.index_cast %add3A_566 : i32 to index
      %get3A_568 = arith.constant 0 : index
      %get3A_569 = tpu.vector_load %arg13[%get3A_567, %get3A_568] {strides = array<i32>} : memref<512x64xf32, #tpu.memory_space<vmem>>, vector<16xf32>,
      %get3A_570 = arith.index_cast %add3A_566 : i32 to index
      %get3A_571 = arith.constant 0 : index
      %get3A_572 = tpu.vector_load %arg14[%get3A_570, %get3A_571] {strides = array<i32>} : memref<512x64xf32, #tpu.memory_space<vmem>>, vector<16xf32>,
      %add3A_573 = arith.addf %get3A_569, %get3A_572 : vector<16xf32>
      %get3A_574 = arith.index_cast %add3A_566 : i32 to index
      %get3A_575 = arith.constant 0 : index
      %get3A_576 = tpu.vector_load %arg15[%get3A_574, %get3A_575] {strides = array<i32>} : memref<512x64xf32, #tpu.memory_space<vmem>>, vector<16xf32>,
      %sub3A_577 = arith.subf %add3A_573, %get3A_576 : vector<16xf32>
      %mul3A_578 = arith.mulf %sub3A_577, %sub3A_577 : vector<16xf32>
      %get3A_579 = arith.index_cast %add3A_566 : i32 to index
      %get3A_580 = arith.constant 16 : index
      %get3A_581 = tpu.vector_load %arg13[%get3A_579, %get3A_580] {strides = array<i32>} : memref<512x64xf32, #tpu.memory_space<vmem>>, vector<16xf32>,
      %get3A_582 = arith.index_cast %add3A_566 : i32 to index
      %get3A_583 = arith.constant 16 : index
      %get3A_584 = tpu.vector_load %arg14[%get3A_582, %get3A_583] {strides = array<i32>} : memref<512x64xf32, #tpu.memory_space<vmem>>, vector<16xf32>,
      %add3A_585 = arith.addf %get3A_581, %get3A_584 : vector<16xf32>
      %get3A_586 = arith.index_cast %add3A_566 : i32 to index
      %get3A_587 = arith.constant 16 : index
      %get3A_588 = tpu.vector_load %arg15[%get3A_586, %get3A_587] {strides = array<i32>} : memref<512x64xf32, #tpu.memory_space<vmem>>, vector<16xf32>,
      %sub3A_589 = arith.subf %add3A_585, %get3A_588 : vector<16xf32>
      %mul3A_590 = arith.mulf %sub3A_589, %sub3A_589 : vector<16xf32>
      %add3A_591 = arith.addf %mul3A_578, %mul3A_590 : vector<16xf32>
      %get3A_592 = arith.index_cast %add3A_566 : i32 to index
      %get3A_593 = arith.constant 32 : index
      %get3A_594 = tpu.vector_load %arg13[%get3A_592, %get3A_593] {strides = array<i32>} : memref<512x64xf32, #tpu.memory_space<vmem>>, vector<16xf32>,
      %get3A_595 = arith.index_cast %add3A_566 : i32 to index
      %get3A_596 = arith.constant 32 : index
      %get3A_597 = tpu.vector_load %arg14[%get3A_595, %get3A_596] {strides = array<i32>} : memref<512x64xf32, #tpu.memory_space<vmem>>, vector<16xf32>,
      %add3A_598 = arith.addf %get3A_594, %get3A_597 : vector<16xf32>
      %get3A_599 = arith.index_cast %add3A_566 : i32 to index
      %get3A_600 = arith.constant 32 : index
      %get3A_601 = tpu.vector_load %arg15[%get3A_599, %get3A_600] {strides = array<i32>} : memref<512x64xf32, #tpu.memory_space<vmem>>, vector<16xf32>,
      %sub3A_602 = arith.subf %add3A_598, %get3A_601 : vector<16xf32>
      %mul3A_603 = arith.mulf %sub3A_602, %sub3A_602 : vector<16xf32>
      %add3A_604 = arith.addf %add3A_591, %mul3A_603 : vector<16xf32>
      %get3A_605 = arith.index_cast %add3A_566 : i32 to index
      %get3A_606 = arith.constant 48 : index
      %get3A_607 = tpu.vector_load %arg13[%get3A_605, %get3A_606] {strides = array<i32>} : memref<512x64xf32, #tpu.memory_space<vmem>>, vector<16xf32>,
      %get3A_608 = arith.index_cast %add3A_566 : i32 to index
      %get3A_609 = arith.constant 48 : index
      %get3A_610 = tpu.vector_load %arg14[%get3A_608, %get3A_609] {strides = array<i32>} : memref<512x64xf32, #tpu.memory_space<vmem>>, vector<16xf32>,
      %add3A_611 = arith.addf %get3A_607, %get3A_610 : vector<16xf32>
      %get3A_612 = arith.index_cast %add3A_566 : i32 to index
      %get3A_613 = arith.constant 48 : index
      %get3A_614 = tpu.vector_load %arg15[%get3A_612, %get3A_613] {strides = array<i32>} : memref<512x64xf32, #tpu.memory_space<vmem>>, vector<16xf32>,
      %sub3A_615 = arith.subf %add3A_611, %get3A_614 : vector<16xf32>
      %mul3A_616 = arith.mulf %sub3A_615, %sub3A_615 : vector<16xf32>
      %add3A_617 = arith.addf %add3A_604, %mul3A_616 : vector<16xf32>
      %swap3A_618 = arith.constant 16 : index
      %swap3A_619 = tpu.vector_load %arg16[%swap3A_618] {strides = array<i32>} : memref<256xf32, #tpu.memory_space<vmem>>, vector<16xf32>,
      tpu.vector_store %arg16[%swap3A_618], %add3A_617 {strides = array<i32>} : memref<256xf32, #tpu.memory_space<vmem>>, vector<16xf32>,
      %add3A_620 = arith.constant 2 : i32
      %add3A_621 = arith.addi %mul3A_512, %add3A_620 : i32
      %get3A_622 = arith.index_cast %add3A_621 : i32 to index
      %get3A_623 = arith.constant 0 : index
      %get3A_624 = tpu.vector_load %arg13[%get3A_622, %get3A_623] {strides = array<i32>} : memref<512x64xf32, #tpu.memory_space<vmem>>, vector<16xf32>,
      %get3A_625 = arith.index_cast %add3A_621 : i32 to index
      %get3A_626 = arith.constant 0 : index
      %get3A_627 = tpu.vector_load %arg14[%get3A_625, %get3A_626] {strides = array<i32>} : memref<512x64xf32, #tpu.memory_space<vmem>>, vector<16xf32>,
      %add3A_628 = arith.addf %get3A_624, %get3A_627 : vector<16xf32>
      %get3A_629 = arith.index_cast %add3A_621 : i32 to index
      %get3A_630 = arith.constant 0 : index
      %get3A_631 = tpu.vector_load %arg15[%get3A_629, %get3A_630] {strides = array<i32>} : memref<512x64xf32, #tpu.memory_space<vmem>>, vector<16xf32>,
      %sub3A_632 = arith.subf %add3A_628, %get3A_631 : vector<16xf32>
      %mul3A_633 = arith.mulf %sub3A_632, %sub3A_632 : vector<16xf32>
      %get3A_634 = arith.index_cast %add3A_621 : i32 to index
      %get3A_635 = arith.constant 16 : index
      %get3A_636 = tpu.vector_load %arg13[%get3A_634, %get3A_635] {strides = array<i32>} : memref<512x64xf32, #tpu.memory_space<vmem>>, vector<16xf32>,
      %get3A_637 = arith.index_cast %add3A_621 : i32 to index
      %get3A_638 = arith.constant 16 : index
      %get3A_639 = tpu.vector_load %arg14[%get3A_637, %get3A_638] {strides = array<i32>} : memref<512x64xf32, #tpu.memory_space<vmem>>, vector<16xf32>,
      %add3A_640 = arith.addf %get3A_636, %get3A_639 : vector<16xf32>
      %get3A_641 = arith.index_cast %add3A_621 : i32 to index
      %get3A_642 = arith.constant 16 : index
      %get3A_643 = tpu.vector_load %arg15[%get3A_641, %get3A_642] {strides = array<i32>} : memref<512x64xf32, #tpu.memory_space<vmem>>, vector<16xf32>,
      %sub3A_644 = arith.subf %add3A_640, %get3A_643 : vector<16xf32>
      %mul3A_645 = arith.mulf %sub3A_644, %sub3A_644 : vector<16xf32>
      %add3A_646 = arith.addf %mul3A_633, %mul3A_645 : vector<16xf32>
      %get3A_647 = arith.index_cast %add3A_621 : i32 to index
      %get3A_648 = arith.constant 32 : index
      %get3A_649 = tpu.vector_load %arg13[%get3A_647, %get3A_648] {strides = array<i32>} : memref<512x64xf32, #tpu.memory_space<vmem>>, vector<16xf32>,
      %get3A_650 = arith.index_cast %add3A_621 : i32 to index
      %get3A_651 = arith.constant 32 : index
      %get3A_652 = tpu.vector_load %arg14[%get3A_650, %get3A_651] {strides = array<i32>} : memref<512x64xf32, #tpu.memory_space<vmem>>, vector<16xf32>,
      %add3A_653 = arith.addf %get3A_649, %get3A_652 : vector<16xf32>
      %get3A_654 = arith.index_cast %add3A_621 : i32 to index
      %get3A_655 = arith.constant 32 : index
      %get3A_656 = tpu.vector_load %arg15[%get3A_654, %get3A_655] {strides = array<i32>} : memref<512x64xf32, #tpu.memory_space<vmem>>, vector<16xf32>,
      %sub3A_657 = arith.subf %add3A_653, %get3A_656 : vector<16xf32>
      %mul3A_658 = arith.mulf %sub3A_657, %sub3A_657 : vector<16xf32>
      %add3A_659 = arith.addf %add3A_646, %mul3A_658 : vector<16xf32>
      %get3A_660 = arith.index_cast %add3A_621 : i32 to index
      %get3A_661 = arith.constant 48 : index
      %get3A_662 = tpu.vector_load %arg13[%get3A_660, %get3A_661] {strides = array<i32>} : memref<512x64xf32, #tpu.memory_space<vmem>>, vector<16xf32>,
      %get3A_663 = arith.index_cast %add3A_621 : i32 to index
      %get3A_664 = arith.constant 48 : index
      %get3A_665 = tpu.vector_load %arg14[%get3A_663, %get3A_664] {strides = array<i32>} : memref<512x64xf32, #tpu.memory_space<vmem>>, vector<16xf32>,
      %add3A_666 = arith.addf %get3A_662, %get3A_665 : vector<16xf32>
      %get3A_667 = arith.index_cast %add3A_621 : i32 to index
      %get3A_668 = arith.constant 48 : index
      %get3A_669 = tpu.vector_load %arg15[%get3A_667, %get3A_668] {strides = array<i32>} : memref<512x64xf32, #tpu.memory_space<vmem>>, vector<16xf32>,
      %sub3A_670 = arith.subf %add3A_666, %get3A_669 : vector<16xf32>
      %mul3A_671 = arith.mulf %sub3A_670, %sub3A_670 : vector<16xf32>
      %add3A_672 = arith.addf %add3A_659, %mul3A_671 : vector<16xf32>
      %swap3A_673 = arith.constant 32 : index
      %swap3A_674 = tpu.vector_load %arg16[%swap3A_673] {strides = array<i32>} : memref<256xf32, #tpu.memory_space<vmem>>, vector<16xf32>,
      tpu.vector_store %arg16[%swap3A_673], %add3A_672 {strides = array<i32>} : memref<256xf32, #tpu.memory_space<vmem>>, vector<16xf32>,
      %add3A_675 = arith.constant 3 : i32
      %add3A_676 = arith.addi %mul3A_512, %add3A_675 : i32
      %get3A_677 = arith.index_cast %add3A_676 : i32 to index
      %get3A_678 = arith.constant 0 : index
      %get3A_679 = tpu.vector_load %arg13[%get3A_677, %get3A_678] {strides = array<i32>} : memref<512x64xf32, #tpu.memory_space<vmem>>, vector<16xf32>,
      %get3A_680 = arith.index_cast %add3A_676 : i32 to index
      %get3A_681 = arith.constant 0 : index
      %get3A_682 = tpu.vector_load %arg14[%get3A_680, %get3A_681] {strides = array<i32>} : memref<512x64xf32, #tpu.memory_space<vmem>>, vector<16xf32>,
      %add3A_683 = arith.addf %get3A_679, %get3A_682 : vector<16xf32>
      %get3A_684 = arith.index_cast %add3A_676 : i32 to index
      %get3A_685 = arith.constant 0 : index
      %get3A_686 = tpu.vector_load %arg15[%get3A_684, %get3A_685] {strides = array<i32>} : memref<512x64xf32, #tpu.memory_space<vmem>>, vector<16xf32>,
      %sub3A_687 = arith.subf %add3A_683, %get3A_686 : vector<16xf32>
      %mul3A_688 = arith.mulf %sub3A_687, %sub3A_687 : vector<16xf32>
      %get3A_689 = arith.index_cast %add3A_676 : i32 to index
      %get3A_690 = arith.constant 16 : index
      %get3A_691 = tpu.vector_load %arg13[%get3A_689, %get3A_690] {strides = array<i32>} : memref<512x64xf32, #tpu.memory_space<vmem>>, vector<16xf32>,
      %get3A_692 = arith.index_cast %add3A_676 : i32 to index
      %get3A_693 = arith.constant 16 : index
      %get3A_694 = tpu.vector_load %arg14[%get3A_692, %get3A_693] {strides = array<i32>} : memref<512x64xf32, #tpu.memory_space<vmem>>, vector<16xf32>,
      %add3A_695 = arith.addf %get3A_691, %get3A_694 : vector<16xf32>
      %get3A_696 = arith.index_cast %add3A_676 : i32 to index
      %get3A_697 = arith.constant 16 : index
      %get3A_698 = tpu.vector_load %arg15[%get3A_696, %get3A_697] {strides = array<i32>} : memref<512x64xf32, #tpu.memory_space<vmem>>, vector<16xf32>,
      %sub3A_699 = arith.subf %add3A_695, %get3A_698 : vector<16xf32>
      %mul3A_700 = arith.mulf %sub3A_699, %sub3A_699 : vector<16xf32>
      %add3A_701 = arith.addf %mul3A_688, %mul3A_700 : vector<16xf32>
      %get3A_702 = arith.index_cast %add3A_676 : i32 to index
      %get3A_703 = arith.constant 32 : index
      %get3A_704 = tpu.vector_load %arg13[%get3A_702, %get3A_703] {strides = array<i32>} : memref<512x64xf32, #tpu.memory_space<vmem>>, vector<16xf32>,
      %get3A_705 = arith.index_cast %add3A_676 : i32 to index
      %get3A_706 = arith.constant 32 : index
      %get3A_707 = tpu.vector_load %arg14[%get3A_705, %get3A_706] {strides = array<i32>} : memref<512x64xf32, #tpu.memory_space<vmem>>, vector<16xf32>,
      %add3A_708 = arith.addf %get3A_704, %get3A_707 : vector<16xf32>
      %get3A_709 = arith.index_cast %add3A_676 : i32 to index
      %get3A_710 = arith.constant 32 : index
      %get3A_711 = tpu.vector_load %arg15[%get3A_709, %get3A_710] {strides = array<i32>} : memref<512x64xf32, #tpu.memory_space<vmem>>, vector<16xf32>,
      %sub3A_712 = arith.subf %add3A_708, %get3A_711 : vector<16xf32>
      %mul3A_713 = arith.mulf %sub3A_712, %sub3A_712 : vector<16xf32>
      %add3A_714 = arith.addf %add3A_701, %mul3A_713 : vector<16xf32>
      %get3A_715 = arith.index_cast %add3A_676 : i32 to index
      %get3A_716 = arith.constant 48 : index
      %get3A_717 = tpu.vector_load %arg13[%get3A_715, %get3A_716] {strides = array<i32>} : memref<512x64xf32, #tpu.memory_space<vmem>>, vector<16xf32>,
      %get3A_718 = arith.index_cast %add3A_676 : i32 to index
      %get3A_719 = arith.constant 48 : index
      %get3A_720 = tpu.vector_load %arg14[%get3A_718, %get3A_719] {strides = array<i32>} : memref<512x64xf32, #tpu.memory_space<vmem>>, vector<16xf32>,
      %add3A_721 = arith.addf %get3A_717, %get3A_720 : vector<16xf32>
      %get3A_722 = arith.index_cast %add3A_676 : i32 to index
      %get3A_723 = arith.constant 48 : index
      %get3A_724 = tpu.vector_load %arg15[%get3A_722, %get3A_723] {strides = array<i32>} : memref<512x64xf32, #tpu.memory_space<vmem>>, vector<16xf32>,
      %sub3A_725 = arith.subf %add3A_721, %get3A_724 : vector<16xf32>
      %mul3A_726 = arith.mulf %sub3A_725, %sub3A_725 : vector<16xf32>
      %add3A_727 = arith.addf %add3A_714, %mul3A_726 : vector<16xf32>
      %swap3A_728 = arith.constant 48 : index
      %swap3A_729 = tpu.vector_load %arg16[%swap3A_728] {strides = array<i32>} : memref<256xf32, #tpu.memory_space<vmem>>, vector<16xf32>,
      tpu.vector_store %arg16[%swap3A_728], %add3A_727 {strides = array<i32>} : memref<256xf32, #tpu.memory_space<vmem>>, vector<16xf32>,
      %add3A_730 = arith.constant 4 : i32
      %add3A_731 = arith.addi %mul3A_512, %add3A_730 : i32
      %get3A_732 = arith.index_cast %add3A_731 : i32 to index
      %get3A_733 = arith.constant 0 : index
      %get3A_734 = tpu.vector_load %arg13[%get3A_732, %get3A_733] {strides = array<i32>} : memref<512x64xf32, #tpu.memory_space<vmem>>, vector<16xf32>,
      %get3A_735 = arith.index_cast %add3A_731 : i32 to index
      %get3A_736 = arith.constant 0 : index
      %get3A_737 = tpu.vector_load %arg14[%get3A_735, %get3A_736] {strides = array<i32>} : memref<512x64xf32, #tpu.memory_space<vmem>>, vector<16xf32>,
      %add3A_738 = arith.addf %get3A_734, %get3A_737 : vector<16xf32>
      %get3A_739 = arith.index_cast %add3A_731 : i32 to index
      %get3A_740 = arith.constant 0 : index
      %get3A_741 = tpu.vector_load %arg15[%get3A_739, %get3A_740] {strides = array<i32>} : memref<512x64xf32, #tpu.memory_space<vmem>>, vector<16xf32>,
      %sub3A_742 = arith.subf %add3A_738, %get3A_741 : vector<16xf32>
      %mul3A_743 = arith.mulf %sub3A_742, %sub3A_742 : vector<16xf32>
      %get3A_744 = arith.index_cast %add3A_731 : i32 to index
      %get3A_745 = arith.constant 16 : index
      %get3A_746 = tpu.vector_load %arg13[%get3A_744, %get3A_745] {strides = array<i32>} : memref<512x64xf32, #tpu.memory_space<vmem>>, vector<16xf32>,
      %get3A_747 = arith.index_cast %add3A_731 : i32 to index
      %get3A_748 = arith.constant 16 : index
      %get3A_749 = tpu.vector_load %arg14[%get3A_747, %get3A_748] {strides = array<i32>} : memref<512x64xf32, #tpu.memory_space<vmem>>, vector<16xf32>,
      %add3A_750 = arith.addf %get3A_746, %get3A_749 : vector<16xf32>
      %get3A_751 = arith.index_cast %add3A_731 : i32 to index
      %get3A_752 = arith.constant 16 : index
      %get3A_753 = tpu.vector_load %arg15[%get3A_751, %get3A_752] {strides = array<i32>} : memref<512x64xf32, #tpu.memory_space<vmem>>, vector<16xf32>,
      %sub3A_754 = arith.subf %add3A_750, %get3A_753 : vector<16xf32>
      %mul3A_755 = arith.mulf %sub3A_754, %sub3A_754 : vector<16xf32>
      %add3A_756 = arith.addf %mul3A_743, %mul3A_755 : vector<16xf32>
      %get3A_757 = arith.index_cast %add3A_731 : i32 to index
      %get3A_758 = arith.constant 32 : index
      %get3A_759 = tpu.vector_load %arg13[%get3A_757, %get3A_758] {strides = array<i32>} : memref<512x64xf32, #tpu.memory_space<vmem>>, vector<16xf32>,
      %get3A_760 = arith.index_cast %add3A_731 : i32 to index
      %get3A_761 = arith.constant 32 : index
      %get3A_762 = tpu.vector_load %arg14[%get3A_760, %get3A_761] {strides = array<i32>} : memref<512x64xf32, #tpu.memory_space<vmem>>, vector<16xf32>,
      %add3A_763 = arith.addf %get3A_759, %get3A_762 : vector<16xf32>
      %get3A_764 = arith.index_cast %add3A_731 : i32 to index
      %get3A_765 = arith.constant 32 : index
      %get3A_766 = tpu.vector_load %arg15[%get3A_764, %get3A_765] {strides = array<i32>} : memref<512x64xf32, #tpu.memory_space<vmem>>, vector<16xf32>,
      %sub3A_767 = arith.subf %add3A_763, %get3A_766 : vector<16xf32>
      %mul3A_768 = arith.mulf %sub3A_767, %sub3A_767 : vector<16xf32>
      %add3A_769 = arith.addf %add3A_756, %mul3A_768 : vector<16xf32>
      %get3A_770 = arith.index_cast %add3A_731 : i32 to index
      %get3A_771 = arith.constant 48 : index
      %get3A_772 = tpu.vector_load %arg13[%get3A_770, %get3A_771] {strides = array<i32>} : memref<512x64xf32, #tpu.memory_space<vmem>>, vector<16xf32>,
      %get3A_773 = arith.index_cast %add3A_731 : i32 to index
      %get3A_774 = arith.constant 48 : index
      %get3A_775 = tpu.vector_load %arg14[%get3A_773, %get3A_774] {strides = array<i32>} : memref<512x64xf32, #tpu.memory_space<vmem>>, vector<16xf32>,
      %add3A_776 = arith.addf %get3A_772, %get3A_775 : vector<16xf32>
      %get3A_777 = arith.index_cast %add3A_731 : i32 to index
      %get3A_778 = arith.constant 48 : index
      %get3A_779 = tpu.vector_load %arg15[%get3A_777, %get3A_778] {strides = array<i32>} : memref<512x64xf32, #tpu.memory_space<vmem>>, vector<16xf32>,
      %sub3A_780 = arith.subf %add3A_776, %get3A_779 : vector<16xf32>
      %mul3A_781 = arith.mulf %sub3A_780, %sub3A_780 : vector<16xf32>
      %add3A_782 = arith.addf %add3A_769, %mul3A_781 : vector<16xf32>
      %swap3A_783 = arith.constant 64 : index
      %swap3A_784 = tpu.vector_load %arg16[%swap3A_783] {strides = array<i32>} : memref<256xf32, #tpu.memory_space<vmem>>, vector<16xf32>,
      tpu.vector_store %arg16[%swap3A_783], %add3A_782 {strides = array<i32>} : memref<256xf32, #tpu.memory_space<vmem>>, vector<16xf32>,
      %add3A_785 = arith.constant 5 : i32
      %add3A_786 = arith.addi %mul3A_512, %add3A_785 : i32
      %get3A_787 = arith.index_cast %add3A_786 : i32 to index
      %get3A_788 = arith.constant 0 : index
      %get3A_789 = tpu.vector_load %arg13[%get3A_787, %get3A_788] {strides = array<i32>} : memref<512x64xf32, #tpu.memory_space<vmem>>, vector<16xf32>,
      %get3A_790 = arith.index_cast %add3A_786 : i32 to index
      %get3A_791 = arith.constant 0 : index
      %get3A_792 = tpu.vector_load %arg14[%get3A_790, %get3A_791] {strides = array<i32>} : memref<512x64xf32, #tpu.memory_space<vmem>>, vector<16xf32>,
      %add3A_793 = arith.addf %get3A_789, %get3A_792 : vector<16xf32>
      %get3A_794 = arith.index_cast %add3A_786 : i32 to index
      %get3A_795 = arith.constant 0 : index
      %get3A_796 = tpu.vector_load %arg15[%get3A_794, %get3A_795] {strides = array<i32>} : memref<512x64xf32, #tpu.memory_space<vmem>>, vector<16xf32>,
      %sub3A_797 = arith.subf %add3A_793, %get3A_796 : vector<16xf32>
      %mul3A_798 = arith.mulf %sub3A_797, %sub3A_797 : vector<16xf32>
      %get3A_799 = arith.index_cast %add3A_786 : i32 to index
      %get3A_800 = arith.constant 16 : index
      %get3A_801 = tpu.vector_load %arg13[%get3A_799, %get3A_800] {strides = array<i32>} : memref<512x64xf32, #tpu.memory_space<vmem>>, vector<16xf32>,
      %get3A_802 = arith.index_cast %add3A_786 : i32 to index
      %get3A_803 = arith.constant 16 : index
      %get3A_804 = tpu.vector_load %arg14[%get3A_802, %get3A_803] {strides = array<i32>} : memref<512x64xf32, #tpu.memory_space<vmem>>, vector<16xf32>,
      %add3A_805 = arith.addf %get3A_801, %get3A_804 : vector<16xf32>
      %get3A_806 = arith.index_cast %add3A_786 : i32 to index
      %get3A_807 = arith.constant 16 : index
      %get3A_808 = tpu.vector_load %arg15[%get3A_806, %get3A_807] {strides = array<i32>} : memref<512x64xf32, #tpu.memory_space<vmem>>, vector<16xf32>,
      %sub3A_809 = arith.subf %add3A_805, %get3A_808 : vector<16xf32>
      %mul3A_810 = arith.mulf %sub3A_809, %sub3A_809 : vector<16xf32>
      %add3A_811 = arith.addf %mul3A_798, %mul3A_810 : vector<16xf32>
      %get3A_812 = arith.index_cast %add3A_786 : i32 to index
      %get3A_813 = arith.constant 32 : index
      %get3A_814 = tpu.vector_load %arg13[%get3A_812, %get3A_813] {strides = array<i32>} : memref<512x64xf32, #tpu.memory_space<vmem>>, vector<16xf32>,
      %get3A_815 = arith.index_cast %add3A_786 : i32 to index
      %get3A_816 = arith.constant 32 : index
      %get3A_817 = tpu.vector_load %arg14[%get3A_815, %get3A_816] {strides = array<i32>} : memref<512x64xf32, #tpu.memory_space<vmem>>, vector<16xf32>,
      %add3A_818 = arith.addf %get3A_814, %get3A_817 : vector<16xf32>
      %get3A_819 = arith.index_cast %add3A_786 : i32 to index
      %get3A_820 = arith.constant 32 : index
      %get3A_821 = tpu.vector_load %arg15[%get3A_819, %get3A_820] {strides = array<i32>} : memref<512x64xf32, #tpu.memory_space<vmem>>, vector<16xf32>,
      %sub3A_822 = arith.subf %add3A_818, %get3A_821 : vector<16xf32>
      %mul3A_823 = arith.mulf %sub3A_822, %sub3A_822 : vector<16xf32>
      %add3A_824 = arith.addf %add3A_811, %mul3A_823 : vector<16xf32>
      %get3A_825 = arith.index_cast %add3A_786 : i32 to index
      %get3A_826 = arith.constant 48 : index
      %get3A_827 = tpu.vector_load %arg13[%get3A_825, %get3A_826] {strides = array<i32>} : memref<512x64xf32, #tpu.memory_space<vmem>>, vector<16xf32>,
      %get3A_828 = arith.index_cast %add3A_786 : i32 to index
      %get3A_829 = arith.constant 48 : index
      %get3A_830 = tpu.vector_load %arg14[%get3A_828, %get3A_829] {strides = array<i32>} : memref<512x64xf32, #tpu.memory_space<vmem>>, vector<16xf32>,
      %add3A_831 = arith.addf %get3A_827, %get3A_830 : vector<16xf32>
      %get3A_832 = arith.index_cast %add3A_786 : i32 to index
      %get3A_833 = arith.constant 48 : index
      %get3A_834 = tpu.vector_load %arg15[%get3A_832, %get3A_833] {strides = array<i32>} : memref<512x64xf32, #tpu.memory_space<vmem>>, vector<16xf32>,
      %sub3A_835 = arith.subf %add3A_831, %get3A_834 : vector<16xf32>
      %mul3A_836 = arith.mulf %sub3A_835, %sub3A_835 : vector<16xf32>
      %add3A_837 = arith.addf %add3A_824, %mul3A_836 : vector<16xf32>
      %swap3A_838 = arith.constant 80 : index
      %swap3A_839 = tpu.vector_load %arg16[%swap3A_838] {strides = array<i32>} : memref<256xf32, #tpu.memory_space<vmem>>, vector<16xf32>,
      tpu.vector_store %arg16[%swap3A_838], %add3A_837 {strides = array<i32>} : memref<256xf32, #tpu.memory_space<vmem>>, vector<16xf32>,
      %add3A_840 = arith.constant 6 : i32
      %add3A_841 = arith.addi %mul3A_512, %add3A_840 : i32
      %get3A_842 = arith.index_cast %add3A_841 : i32 to index
      %get3A_843 = arith.constant 0 : index
      %get3A_844 = tpu.vector_load %arg13[%get3A_842, %get3A_843] {strides = array<i32>} : memref<512x64xf32, #tpu.memory_space<vmem>>, vector<16xf32>,
      %get3A_845 = arith.index_cast %add3A_841 : i32 to index
      %get3A_846 = arith.constant 0 : index
      %get3A_847 = tpu.vector_load %arg14[%get3A_845, %get3A_846] {strides = array<i32>} : memref<512x64xf32, #tpu.memory_space<vmem>>, vector<16xf32>,
      %add3A_848 = arith.addf %get3A_844, %get3A_847 : vector<16xf32>
      %get3A_849 = arith.index_cast %add3A_841 : i32 to index
      %get3A_850 = arith.constant 0 : index
      %get3A_851 = tpu.vector_load %arg15[%get3A_849, %get3A_850] {strides = array<i32>} : memref<512x64xf32, #tpu.memory_space<vmem>>, vector<16xf32>,
      %sub3A_852 = arith.subf %add3A_848, %get3A_851 : vector<16xf32>
      %mul3A_853 = arith.mulf %sub3A_852, %sub3A_852 : vector<16xf32>
      %get3A_854 = arith.index_cast %add3A_841 : i32 to index
      %get3A_855 = arith.constant 16 : index
      %get3A_856 = tpu.vector_load %arg13[%get3A_854, %get3A_855] {strides = array<i32>} : memref<512x64xf32, #tpu.memory_space<vmem>>, vector<16xf32>,
      %get3A_857 = arith.index_cast %add3A_841 : i32 to index
      %get3A_858 = arith.constant 16 : index
      %get3A_859 = tpu.vector_load %arg14[%get3A_857, %get3A_858] {strides = array<i32>} : memref<512x64xf32, #tpu.memory_space<vmem>>, vector<16xf32>,
      %add3A_860 = arith.addf %get3A_856, %get3A_859 : vector<16xf32>
      %get3A_861 = arith.index_cast %add3A_841 : i32 to index
      %get3A_862 = arith.constant 16 : index
      %get3A_863 = tpu.vector_load %arg15[%get3A_861, %get3A_862] {strides = array<i32>} : memref<512x64xf32, #tpu.memory_space<vmem>>, vector<16xf32>,
      %sub3A_864 = arith.subf %add3A_860, %get3A_863 : vector<16xf32>
      %mul3A_865 = arith.mulf %sub3A_864, %sub3A_864 : vector<16xf32>
      %add3A_866 = arith.addf %mul3A_853, %mul3A_865 : vector<16xf32>
      %get3A_867 = arith.index_cast %add3A_841 : i32 to index
      %get3A_868 = arith.constant 32 : index
      %get3A_869 = tpu.vector_load %arg13[%get3A_867, %get3A_868] {strides = array<i32>} : memref<512x64xf32, #tpu.memory_space<vmem>>, vector<16xf32>,
      %get3A_870 = arith.index_cast %add3A_841 : i32 to index
      %get3A_871 = arith.constant 32 : index
      %get3A_872 = tpu.vector_load %arg14[%get3A_870, %get3A_871] {strides = array<i32>} : memref<512x64xf32, #tpu.memory_space<vmem>>, vector<16xf32>,
      %add3A_873 = arith.addf %get3A_869, %get3A_872 : vector<16xf32>
      %get3A_874 = arith.index_cast %add3A_841 : i32 to index
      %get3A_875 = arith.constant 32 : index
      %get3A_876 = tpu.vector_load %arg15[%get3A_874, %get3A_875] {strides = array<i32>} : memref<512x64xf32, #tpu.memory_space<vmem>>, vector<16xf32>,
      %sub3A_877 = arith.subf %add3A_873, %get3A_876 : vector<16xf32>
      %mul3A_878 = arith.mulf %sub3A_877, %sub3A_877 : vector<16xf32>
      %add3A_879 = arith.addf %add3A_866, %mul3A_878 : vector<16xf32>
      %get3A_880 = arith.index_cast %add3A_841 : i32 to index
      %get3A_881 = arith.constant 48 : index
      %get3A_882 = tpu.vector_load %arg13[%get3A_880, %get3A_881] {strides = array<i32>} : memref<512x64xf32, #tpu.memory_space<vmem>>, vector<16xf32>,
      %get3A_883 = arith.index_cast %add3A_841 : i32 to index
      %get3A_884 = arith.constant 48 : index
      %get3A_885 = tpu.vector_load %arg14[%get3A_883, %get3A_884] {strides = array<i32>} : memref<512x64xf32, #tpu.memory_space<vmem>>, vector<16xf32>,
      %add3A_886 = arith.addf %get3A_882, %get3A_885 : vector<16xf32>
      %get3A_887 = arith.index_cast %add3A_841 : i32 to index
      %get3A_888 = arith.constant 48 : index
      %get3A_889 = tpu.vector_load %arg15[%get3A_887, %get3A_888] {strides = array<i32>} : memref<512x64xf32, #tpu.memory_space<vmem>>, vector<16xf32>,
      %sub3A_890 = arith.subf %add3A_886, %get3A_889 : vector<16xf32>
      %mul3A_891 = arith.mulf %sub3A_890, %sub3A_890 : vector<16xf32>
      %add3A_892 = arith.addf %add3A_879, %mul3A_891 : vector<16xf32>
      %swap3A_893 = arith.constant 96 : index
      %swap3A_894 = tpu.vector_load %arg16[%swap3A_893] {strides = array<i32>} : memref<256xf32, #tpu.memory_space<vmem>>, vector<16xf32>,
      tpu.vector_store %arg16[%swap3A_893], %add3A_892 {strides = array<i32>} : memref<256xf32, #tpu.memory_space<vmem>>, vector<16xf32>,
      %add3A_895 = arith.constant 7 : i32
      %add3A_896 = arith.addi %mul3A_512, %add3A_895 : i32
      %get3A_897 = arith.index_cast %add3A_896 : i32 to index
      %get3A_898 = arith.constant 0 : index
      %get3A_899 = tpu.vector_load %arg13[%get3A_897, %get3A_898] {strides = array<i32>} : memref<512x64xf32, #tpu.memory_space<vmem>>, vector<16xf32>,
      %get3A_900 = arith.index_cast %add3A_896 : i32 to index
      %get3A_901 = arith.constant 0 : index
      %get3A_902 = tpu.vector_load %arg14[%get3A_900, %get3A_901] {strides = array<i32>} : memref<512x64xf32, #tpu.memory_space<vmem>>, vector<16xf32>,
      %add3A_903 = arith.addf %get3A_899, %get3A_902 : vector<16xf32>
      %get3A_904 = arith.index_cast %add3A_896 : i32 to index
      %get3A_905 = arith.constant 0 : index
      %get3A_906 = tpu.vector_load %arg15[%get3A_904, %get3A_905] {strides = array<i32>} : memref<512x64xf32, #tpu.memory_space<vmem>>, vector<16xf32>,
      %sub3A_907 = arith.subf %add3A_903, %get3A_906 : vector<16xf32>
      %mul3A_908 = arith.mulf %sub3A_907, %sub3A_907 : vector<16xf32>
      %get3A_909 = arith.index_cast %add3A_896 : i32 to index
      %get3A_910 = arith.constant 16 : index
      %get3A_911 = tpu.vector_load %arg13[%get3A_909, %get3A_910] {strides = array<i32>} : memref<512x64xf32, #tpu.memory_space<vmem>>, vector<16xf32>,
      %get3A_912 = arith.index_cast %add3A_896 : i32 to index
      %get3A_913 = arith.constant 16 : index
      %get3A_914 = tpu.vector_load %arg14[%get3A_912, %get3A_913] {strides = array<i32>} : memref<512x64xf32, #tpu.memory_space<vmem>>, vector<16xf32>,
      %add3A_915 = arith.addf %get3A_911, %get3A_914 : vector<16xf32>
      %get3A_916 = arith.index_cast %add3A_896 : i32 to index
      %get3A_917 = arith.constant 16 : index
      %get3A_918 = tpu.vector_load %arg15[%get3A_916, %get3A_917] {strides = array<i32>} : memref<512x64xf32, #tpu.memory_space<vmem>>, vector<16xf32>,
      %sub3A_919 = arith.subf %add3A_915, %get3A_918 : vector<16xf32>
      %mul3A_920 = arith.mulf %sub3A_919, %sub3A_919 : vector<16xf32>
      %add3A_921 = arith.addf %mul3A_908, %mul3A_920 : vector<16xf32>
      %get3A_922 = arith.index_cast %add3A_896 : i32 to index
      %get3A_923 = arith.constant 32 : index
      %get3A_924 = tpu.vector_load %arg13[%get3A_922, %get3A_923] {strides = array<i32>} : memref<512x64xf32, #tpu.memory_space<vmem>>, vector<16xf32>,
      %get3A_925 = arith.index_cast %add3A_896 : i32 to index
      %get3A_926 = arith.constant 32 : index
      %get3A_927 = tpu.vector_load %arg14[%get3A_925, %get3A_926] {strides = array<i32>} : memref<512x64xf32, #tpu.memory_space<vmem>>, vector<16xf32>,
      %add3A_928 = arith.addf %get3A_924, %get3A_927 : vector<16xf32>
      %get3A_929 = arith.index_cast %add3A_896 : i32 to index
      %get3A_930 = arith.constant 32 : index
      %get3A_931 = tpu.vector_load %arg15[%get3A_929, %get3A_930] {strides = array<i32>} : memref<512x64xf32, #tpu.memory_space<vmem>>, vector<16xf32>,
      %sub3A_932 = arith.subf %add3A_928, %get3A_931 : vector<16xf32>
      %mul3A_933 = arith.mulf %sub3A_932, %sub3A_932 : vector<16xf32>
      %add3A_934 = arith.addf %add3A_921, %mul3A_933 : vector<16xf32>
      %get3A_935 = arith.index_cast %add3A_896 : i32 to index
      %get3A_936 = arith.constant 48 : index
      %get3A_937 = tpu.vector_load %arg13[%get3A_935, %get3A_936] {strides = array<i32>} : memref<512x64xf32, #tpu.memory_space<vmem>>, vector<16xf32>,
      %get3A_938 = arith.index_cast %add3A_896 : i32 to index
      %get3A_939 = arith.constant 48 : index
      %get3A_940 = tpu.vector_load %arg14[%get3A_938, %get3A_939] {strides = array<i32>} : memref<512x64xf32, #tpu.memory_space<vmem>>, vector<16xf32>,
      %add3A_941 = arith.addf %get3A_937, %get3A_940 : vector<16xf32>
      %get3A_942 = arith.index_cast %add3A_896 : i32 to index
      %get3A_943 = arith.constant 48 : index
      %get3A_944 = tpu.vector_load %arg15[%get3A_942, %get3A_943] {strides = array<i32>} : memref<512x64xf32, #tpu.memory_space<vmem>>, vector<16xf32>,
      %sub3A_945 = arith.subf %add3A_941, %get3A_944 : vector<16xf32>
      %mul3A_946 = arith.mulf %sub3A_945, %sub3A_945 : vector<16xf32>
      %add3A_947 = arith.addf %add3A_934, %mul3A_946 : vector<16xf32>
      %swap3A_948 = arith.constant 112 : index
      %swap3A_949 = tpu.vector_load %arg16[%swap3A_948] {strides = array<i32>} : memref<256xf32, #tpu.memory_space<vmem>>, vector<16xf32>,
      tpu.vector_store %arg16[%swap3A_948], %add3A_947 {strides = array<i32>} : memref<256xf32, #tpu.memory_space<vmem>>, vector<16xf32>,
      %add3A_950 = arith.constant 8 : i32
      %add3A_951 = arith.addi %mul3A_512, %add3A_950 : i32
      %get3A_952 = arith.index_cast %add3A_951 : i32 to index
      %get3A_953 = arith.constant 0 : index
      %get3A_954 = tpu.vector_load %arg13[%get3A_952, %get3A_953] {strides = array<i32>} : memref<512x64xf32, #tpu.memory_space<vmem>>, vector<16xf32>,
      %get3A_955 = arith.index_cast %add3A_951 : i32 to index
      %get3A_956 = arith.constant 0 : index
      %get3A_957 = tpu.vector_load %arg14[%get3A_955, %get3A_956] {strides = array<i32>} : memref<512x64xf32, #tpu.memory_space<vmem>>, vector<16xf32>,
      %add3A_958 = arith.addf %get3A_954, %get3A_957 : vector<16xf32>
      %get3A_959 = arith.index_cast %add3A_951 : i32 to index
      %get3A_960 = arith.constant 0 : index
      %get3A_961 = tpu.vector_load %arg15[%get3A_959, %get3A_960] {strides = array<i32>} : memref<512x64xf32, #tpu.memory_space<vmem>>, vector<16xf32>,
      %sub3A_962 = arith.subf %add3A_958, %get3A_961 : vector<16xf32>
      %mul3A_963 = arith.mulf %sub3A_962, %sub3A_962 : vector<16xf32>
      %get3A_964 = arith.index_cast %add3A_951 : i32 to index
      %get3A_965 = arith.constant 16 : index
      %get3A_966 = tpu.vector_load %arg13[%get3A_964, %get3A_965] {strides = array<i32>} : memref<512x64xf32, #tpu.memory_space<vmem>>, vector<16xf32>,
      %get3A_967 = arith.index_cast %add3A_951 : i32 to index
      %get3A_968 = arith.constant 16 : index
      %get3A_969 = tpu.vector_load %arg14[%get3A_967, %get3A_968] {strides = array<i32>} : memref<512x64xf32, #tpu.memory_space<vmem>>, vector<16xf32>,
      %add3A_970 = arith.addf %get3A_966, %get3A_969 : vector<16xf32>
      %get3A_971 = arith.index_cast %add3A_951 : i32 to index
      %get3A_972 = arith.constant 16 : index
      %get3A_973 = tpu.vector_load %arg15[%get3A_971, %get3A_972] {strides = array<i32>} : memref<512x64xf32, #tpu.memory_space<vmem>>, vector<16xf32>,
      %sub3A_974 = arith.subf %add3A_970, %get3A_973 : vector<16xf32>
      %mul3A_975 = arith.mulf %sub3A_974, %sub3A_974 : vector<16xf32>
      %add3A_976 = arith.addf %mul3A_963, %mul3A_975 : vector<16xf32>
      %get3A_977 = arith.index_cast %add3A_951 : i32 to index
      %get3A_978 = arith.constant 32 : index
      %get3A_979 = tpu.vector_load %arg13[%get3A_977, %get3A_978] {strides = array<i32>} : memref<512x64xf32, #tpu.memory_space<vmem>>, vector<16xf32>,
      %get3A_980 = arith.index_cast %add3A_951 : i32 to index
      %get3A_981 = arith.constant 32 : index
      %get3A_982 = tpu.vector_load %arg14[%get3A_980, %get3A_981] {strides = array<i32>} : memref<512x64xf32, #tpu.memory_space<vmem>>, vector<16xf32>,
      %add3A_983 = arith.addf %get3A_979, %get3A_982 : vector<16xf32>
      %get3A_984 = arith.index_cast %add3A_951 : i32 to index
      %get3A_985 = arith.constant 32 : index
      %get3A_986 = tpu.vector_load %arg15[%get3A_984, %get3A_985] {strides = array<i32>} : memref<512x64xf32, #tpu.memory_space<vmem>>, vector<16xf32>,
      %sub3A_987 = arith.subf %add3A_983, %get3A_986 : vector<16xf32>
      %mul3A_988 = arith.mulf %sub3A_987, %sub3A_987 : vector<16xf32>
      %add3A_989 = arith.addf %add3A_976, %mul3A_988 : vector<16xf32>
      %get3A_990 = arith.index_cast %add3A_951 : i32 to index
      %get3A_991 = arith.constant 48 : index
      %get3A_992 = tpu.vector_load %arg13[%get3A_990, %get3A_991] {strides = array<i32>} : memref<512x64xf32, #tpu.memory_space<vmem>>, vector<16xf32>,
      %get3A_993 = arith.index_cast %add3A_951 : i32 to index
      %get3A_994 = arith.constant 48 : index
      %get3A_995 = tpu.vector_load %arg14[%get3A_993, %get3A_994] {strides = array<i32>} : memref<512x64xf32, #tpu.memory_space<vmem>>, vector<16xf32>,
      %add3A_996 = arith.addf %get3A_992, %get3A_995 : vector<16xf32>
      %get3A_997 = arith.index_cast %add3A_951 : i32 to index
      %get3A_998 = arith.constant 48 : index
      %get3A_999 = tpu.vector_load %arg15[%get3A_997, %get3A_998] {strides = array<i32>} : memref<512x64xf32, #tpu.memory_space<vmem>>, vector<16xf32>,
      %sub3A_1000 = arith.subf %add3A_996, %get3A_999 : vector<16xf32>
      %mul3A_1001 = arith.mulf %sub3A_1000, %sub3A_1000 : vector<16xf32>
      %add3A_1002 = arith.addf %add3A_989, %mul3A_1001 : vector<16xf32>
      %swap3A_1003 = arith.constant 128 : index
      %swap3A_1004 = tpu.vector_load %arg16[%swap3A_1003] {strides = array<i32>} : memref<256xf32, #tpu.memory_space<vmem>>, vector<16xf32>,
      tpu.vector_store %arg16[%swap3A_1003], %add3A_1002 {strides = array<i32>} : memref<256xf32, #tpu.memory_space<vmem>>, vector<16xf32>,
      %add3A_1005 = arith.constant 9 : i32
      %add3A_1006 = arith.addi %mul3A_512, %add3A_1005 : i32
      %get3A_1007 = arith.index_cast %add3A_1006 : i32 to index
      %get3A_1008 = arith.constant 0 : index
      %get3A_1009 = tpu.vector_load %arg13[%get3A_1007, %get3A_1008] {strides = array<i32>} : memref<512x64xf32, #tpu.memory_space<vmem>>, vector<16xf32>,
      %get3A_1010 = arith.index_cast %add3A_1006 : i32 to index
      %get3A_1011 = arith.constant 0 : index
      %get3A_1012 = tpu.vector_load %arg14[%get3A_1010, %get3A_1011] {strides = array<i32>} : memref<512x64xf32, #tpu.memory_space<vmem>>, vector<16xf32>,
      %add3A_1013 = arith.addf %get3A_1009, %get3A_1012 : vector<16xf32>
      %get3A_1014 = arith.index_cast %add3A_1006 : i32 to index
      %get3A_1015 = arith.constant 0 : index
      %get3A_1016 = tpu.vector_load %arg15[%get3A_1014, %get3A_1015] {strides = array<i32>} : memref<512x64xf32, #tpu.memory_space<vmem>>, vector<16xf32>,
      %sub3A_1017 = arith.subf %add3A_1013, %get3A_1016 : vector<16xf32>
      %mul3A_1018 = arith.mulf %sub3A_1017, %sub3A_1017 : vector<16xf32>
      %get3A_1019 = arith.index_cast %add3A_1006 : i32 to index
      %get3A_1020 = arith.constant 16 : index
      %get3A_1021 = tpu.vector_load %arg13[%get3A_1019, %get3A_1020] {strides = array<i32>} : memref<512x64xf32, #tpu.memory_space<vmem>>, vector<16xf32>,
      %get3A_1022 = arith.index_cast %add3A_1006 : i32 to index
      %get3A_1023 = arith.constant 16 : index
      %get3A_1024 = tpu.vector_load %arg14[%get3A_1022, %get3A_1023] {strides = array<i32>} : memref<512x64xf32, #tpu.memory_space<vmem>>, vector<16xf32>,
      %add3A_1025 = arith.addf %get3A_1021, %get3A_1024 : vector<16xf32>
      %get3A_1026 = arith.index_cast %add3A_1006 : i32 to index
      %get3A_1027 = arith.constant 16 : index
      %get3A_1028 = tpu.vector_load %arg15[%get3A_1026, %get3A_1027] {strides = array<i32>} : memref<512x64xf32, #tpu.memory_space<vmem>>, vector<16xf32>,
      %sub3A_1029 = arith.subf %add3A_1025, %get3A_1028 : vector<16xf32>
      %mul3A_1030 = arith.mulf %sub3A_1029, %sub3A_1029 : vector<16xf32>
      %add3A_1031 = arith.addf %mul3A_1018, %mul3A_1030 : vector<16xf32>
      %get3A_1032 = arith.index_cast %add3A_1006 : i32 to index
      %get3A_1033 = arith.constant 32 : index
      %get3A_1034 = tpu.vector_load %arg13[%get3A_1032, %get3A_1033] {strides = array<i32>} : memref<512x64xf32, #tpu.memory_space<vmem>>, vector<16xf32>,
      %get3A_1035 = arith.index_cast %add3A_1006 : i32 to index
      %get3A_1036 = arith.constant 32 : index
      %get3A_1037 = tpu.vector_load %arg14[%get3A_1035, %get3A_1036] {strides = array<i32>} : memref<512x64xf32, #tpu.memory_space<vmem>>, vector<16xf32>,
      %add3A_1038 = arith.addf %get3A_1034, %get3A_1037 : vector<16xf32>
      %get3A_1039 = arith.index_cast %add3A_1006 : i32 to index
      %get3A_1040 = arith.constant 32 : index
      %get3A_1041 = tpu.vector_load %arg15[%get3A_1039, %get3A_1040] {strides = array<i32>} : memref<512x64xf32, #tpu.memory_space<vmem>>, vector<16xf32>,
      %sub3A_1042 = arith.subf %add3A_1038, %get3A_1041 : vector<16xf32>
      %mul3A_1043 = arith.mulf %sub3A_1042, %sub3A_1042 : vector<16xf32>
      %add3A_1044 = arith.addf %add3A_1031, %mul3A_1043 : vector<16xf32>
      %get3A_1045 = arith.index_cast %add3A_1006 : i32 to index
      %get3A_1046 = arith.constant 48 : index
      %get3A_1047 = tpu.vector_load %arg13[%get3A_1045, %get3A_1046] {strides = array<i32>} : memref<512x64xf32, #tpu.memory_space<vmem>>, vector<16xf32>,
      %get3A_1048 = arith.index_cast %add3A_1006 : i32 to index
      %get3A_1049 = arith.constant 48 : index
      %get3A_1050 = tpu.vector_load %arg14[%get3A_1048, %get3A_1049] {strides = array<i32>} : memref<512x64xf32, #tpu.memory_space<vmem>>, vector<16xf32>,
      %add3A_1051 = arith.addf %get3A_1047, %get3A_1050 : vector<16xf32>
      %get3A_1052 = arith.index_cast %add3A_1006 : i32 to index
      %get3A_1053 = arith.constant 48 : index
      %get3A_1054 = tpu.vector_load %arg15[%get3A_1052, %get3A_1053] {strides = array<i32>} : memref<512x64xf32, #tpu.memory_space<vmem>>, vector<16xf32>,
      %sub3A_1055 = arith.subf %add3A_1051, %get3A_1054 : vector<16xf32>
      %mul3A_1056 = arith.mulf %sub3A_1055, %sub3A_1055 : vector<16xf32>
      %add3A_1057 = arith.addf %add3A_1044, %mul3A_1056 : vector<16xf32>
      %swap3A_1058 = arith.constant 144 : index
      %swap3A_1059 = tpu.vector_load %arg16[%swap3A_1058] {strides = array<i32>} : memref<256xf32, #tpu.memory_space<vmem>>, vector<16xf32>,
      tpu.vector_store %arg16[%swap3A_1058], %add3A_1057 {strides = array<i32>} : memref<256xf32, #tpu.memory_space<vmem>>, vector<16xf32>,
      %add3A_1060 = arith.constant 10 : i32
      %add3A_1061 = arith.addi %mul3A_512, %add3A_1060 : i32
      %get3A_1062 = arith.index_cast %add3A_1061 : i32 to index
      %get3A_1063 = arith.constant 0 : index
      %get3A_1064 = tpu.vector_load %arg13[%get3A_1062, %get3A_1063] {strides = array<i32>} : memref<512x64xf32, #tpu.memory_space<vmem>>, vector<16xf32>,
      %get3A_1065 = arith.index_cast %add3A_1061 : i32 to index
      %get3A_1066 = arith.constant 0 : index
      %get3A_1067 = tpu.vector_load %arg14[%get3A_1065, %get3A_1066] {strides = array<i32>} : memref<512x64xf32, #tpu.memory_space<vmem>>, vector<16xf32>,
      %add3A_1068 = arith.addf %get3A_1064, %get3A_1067 : vector<16xf32>
      %get3A_1069 = arith.index_cast %add3A_1061 : i32 to index
      %get3A_1070 = arith.constant 0 : index
      %get3A_1071 = tpu.vector_load %arg15[%get3A_1069, %get3A_1070] {strides = array<i32>} : memref<512x64xf32, #tpu.memory_space<vmem>>, vector<16xf32>,
      %sub3A_1072 = arith.subf %add3A_1068, %get3A_1071 : vector<16xf32>
      %mul3A_1073 = arith.mulf %sub3A_1072, %sub3A_1072 : vector<16xf32>
      %get3A_1074 = arith.index_cast %add3A_1061 : i32 to index
      %get3A_1075 = arith.constant 16 : index
      %get3A_1076 = tpu.vector_load %arg13[%get3A_1074, %get3A_1075] {strides = array<i32>} : memref<512x64xf32, #tpu.memory_space<vmem>>, vector<16xf32>,
      %get3A_1077 = arith.index_cast %add3A_1061 : i32 to index
      %get3A_1078 = arith.constant 16 : index
      %get3A_1079 = tpu.vector_load %arg14[%get3A_1077, %get3A_1078] {strides = array<i32>} : memref<512x64xf32, #tpu.memory_space<vmem>>, vector<16xf32>,
      %add3A_1080 = arith.addf %get3A_1076, %get3A_1079 : vector<16xf32>
      %get3A_1081 = arith.index_cast %add3A_1061 : i32 to index
      %get3A_1082 = arith.constant 16 : index
      %get3A_1083 = tpu.vector_load %arg15[%get3A_1081, %get3A_1082] {strides = array<i32>} : memref<512x64xf32, #tpu.memory_space<vmem>>, vector<16xf32>,
      %sub3A_1084 = arith.subf %add3A_1080, %get3A_1083 : vector<16xf32>
      %mul3A_1085 = arith.mulf %sub3A_1084, %sub3A_1084 : vector<16xf32>
      %add3A_1086 = arith.addf %mul3A_1073, %mul3A_1085 : vector<16xf32>
      %get3A_1087 = arith.index_cast %add3A_1061 : i32 to index
      %get3A_1088 = arith.constant 32 : index
      %get3A_1089 = tpu.vector_load %arg13[%get3A_1087, %get3A_1088] {strides = array<i32>} : memref<512x64xf32, #tpu.memory_space<vmem>>, vector<16xf32>,
      %get3A_1090 = arith.index_cast %add3A_1061 : i32 to index
      %get3A_1091 = arith.constant 32 : index
      %get3A_1092 = tpu.vector_load %arg14[%get3A_1090, %get3A_1091] {strides = array<i32>} : memref<512x64xf32, #tpu.memory_space<vmem>>, vector<16xf32>,
      %add3A_1093 = arith.addf %get3A_1089, %get3A_1092 : vector<16xf32>
      %get3A_1094 = arith.index_cast %add3A_1061 : i32 to index
      %get3A_1095 = arith.constant 32 : index
      %get3A_1096 = tpu.vector_load %arg15[%get3A_1094, %get3A_1095] {strides = array<i32>} : memref<512x64xf32, #tpu.memory_space<vmem>>, vector<16xf32>,
      %sub3A_1097 = arith.subf %add3A_1093, %get3A_1096 : vector<16xf32>
      %mul3A_1098 = arith.mulf %sub3A_1097, %sub3A_1097 : vector<16xf32>
      %add3A_1099 = arith.addf %add3A_1086, %mul3A_1098 : vector<16xf32>
      %get3A_1100 = arith.index_cast %add3A_1061 : i32 to index
      %get3A_1101 = arith.constant 48 : index
      %get3A_1102 = tpu.vector_load %arg13[%get3A_1100, %get3A_1101] {strides = array<i32>} : memref<512x64xf32, #tpu.memory_space<vmem>>, vector<16xf32>,
      %get3A_1103 = arith.index_cast %add3A_1061 : i32 to index
      %get3A_1104 = arith.constant 48 : index
      %get3A_1105 = tpu.vector_load %arg14[%get3A_1103, %get3A_1104] {strides = array<i32>} : memref<512x64xf32, #tpu.memory_space<vmem>>, vector<16xf32>,
      %add3A_1106 = arith.addf %get3A_1102, %get3A_1105 : vector<16xf32>
      %get3A_1107 = arith.index_cast %add3A_1061 : i32 to index
      %get3A_1108 = arith.constant 48 : index
      %get3A_1109 = tpu.vector_load %arg15[%get3A_1107, %get3A_1108] {strides = array<i32>} : memref<512x64xf32, #tpu.memory_space<vmem>>, vector<16xf32>,
      %sub3A_1110 = arith.subf %add3A_1106, %get3A_1109 : vector<16xf32>
      %mul3A_1111 = arith.mulf %sub3A_1110, %sub3A_1110 : vector<16xf32>
      %add3A_1112 = arith.addf %add3A_1099, %mul3A_1111 : vector<16xf32>
      %swap3A_1113 = arith.constant 160 : index
      %swap3A_1114 = tpu.vector_load %arg16[%swap3A_1113] {strides = array<i32>} : memref<256xf32, #tpu.memory_space<vmem>>, vector<16xf32>,
      tpu.vector_store %arg16[%swap3A_1113], %add3A_1112 {strides = array<i32>} : memref<256xf32, #tpu.memory_space<vmem>>, vector<16xf32>,
      %add3A_1115 = arith.constant 11 : i32
      %add3A_1116 = arith.addi %mul3A_512, %add3A_1115 : i32
      %get3A_1117 = arith.index_cast %add3A_1116 : i32 to index
      %get3A_1118 = arith.constant 0 : index
      %get3A_1119 = tpu.vector_load %arg13[%get3A_1117, %get3A_1118] {strides = array<i32>} : memref<512x64xf32, #tpu.memory_space<vmem>>, vector<16xf32>,
      %get3A_1120 = arith.index_cast %add3A_1116 : i32 to index
      %get3A_1121 = arith.constant 0 : index
      %get3A_1122 = tpu.vector_load %arg14[%get3A_1120, %get3A_1121] {strides = array<i32>} : memref<512x64xf32, #tpu.memory_space<vmem>>, vector<16xf32>,
      %add3A_1123 = arith.addf %get3A_1119, %get3A_1122 : vector<16xf32>
      %get3A_1124 = arith.index_cast %add3A_1116 : i32 to index
      %get3A_1125 = arith.constant 0 : index
      %get3A_1126 = tpu.vector_load %arg15[%get3A_1124, %get3A_1125] {strides = array<i32>} : memref<512x64xf32, #tpu.memory_space<vmem>>, vector<16xf32>,
      %sub3A_1127 = arith.subf %add3A_1123, %get3A_1126 : vector<16xf32>
      %mul3A_1128 = arith.mulf %sub3A_1127, %sub3A_1127 : vector<16xf32>
      %get3A_1129 = arith.index_cast %add3A_1116 : i32 to index
      %get3A_1130 = arith.constant 16 : index
      %get3A_1131 = tpu.vector_load %arg13[%get3A_1129, %get3A_1130] {strides = array<i32>} : memref<512x64xf32, #tpu.memory_space<vmem>>, vector<16xf32>,
      %get3A_1132 = arith.index_cast %add3A_1116 : i32 to index
      %get3A_1133 = arith.constant 16 : index
      %get3A_1134 = tpu.vector_load %arg14[%get3A_1132, %get3A_1133] {strides = array<i32>} : memref<512x64xf32, #tpu.memory_space<vmem>>, vector<16xf32>,
      %add3A_1135 = arith.addf %get3A_1131, %get3A_1134 : vector<16xf32>
      %get3A_1136 = arith.index_cast %add3A_1116 : i32 to index
      %get3A_1137 = arith.constant 16 : index
      %get3A_1138 = tpu.vector_load %arg15[%get3A_1136, %get3A_1137] {strides = array<i32>} : memref<512x64xf32, #tpu.memory_space<vmem>>, vector<16xf32>,
      %sub3A_1139 = arith.subf %add3A_1135, %get3A_1138 : vector<16xf32>
      %mul3A_1140 = arith.mulf %sub3A_1139, %sub3A_1139 : vector<16xf32>
      %add3A_1141 = arith.addf %mul3A_1128, %mul3A_1140 : vector<16xf32>
      %get3A_1142 = arith.index_cast %add3A_1116 : i32 to index
      %get3A_1143 = arith.constant 32 : index
      %get3A_1144 = tpu.vector_load %arg13[%get3A_1142, %get3A_1143] {strides = array<i32>} : memref<512x64xf32, #tpu.memory_space<vmem>>, vector<16xf32>,
      %get3A_1145 = arith.index_cast %add3A_1116 : i32 to index
      %get3A_1146 = arith.constant 32 : index
      %get3A_1147 = tpu.vector_load %arg14[%get3A_1145, %get3A_1146] {strides = array<i32>} : memref<512x64xf32, #tpu.memory_space<vmem>>, vector<16xf32>,
      %add3A_1148 = arith.addf %get3A_1144, %get3A_1147 : vector<16xf32>
      %get3A_1149 = arith.index_cast %add3A_1116 : i32 to index
      %get3A_1150 = arith.constant 32 : index
      %get3A_1151 = tpu.vector_load %arg15[%get3A_1149, %get3A_1150] {strides = array<i32>} : memref<512x64xf32, #tpu.memory_space<vmem>>, vector<16xf32>,
      %sub3A_1152 = arith.subf %add3A_1148, %get3A_1151 : vector<16xf32>
      %mul3A_1153 = arith.mulf %sub3A_1152, %sub3A_1152 : vector<16xf32>
      %add3A_1154 = arith.addf %add3A_1141, %mul3A_1153 : vector<16xf32>
      %get3A_1155 = arith.index_cast %add3A_1116 : i32 to index
      %get3A_1156 = arith.constant 48 : index
      %get3A_1157 = tpu.vector_load %arg13[%get3A_1155, %get3A_1156] {strides = array<i32>} : memref<512x64xf32, #tpu.memory_space<vmem>>, vector<16xf32>,
      %get3A_1158 = arith.index_cast %add3A_1116 : i32 to index
      %get3A_1159 = arith.constant 48 : index
      %get3A_1160 = tpu.vector_load %arg14[%get3A_1158, %get3A_1159] {strides = array<i32>} : memref<512x64xf32, #tpu.memory_space<vmem>>, vector<16xf32>,
      %add3A_1161 = arith.addf %get3A_1157, %get3A_1160 : vector<16xf32>
      %get3A_1162 = arith.index_cast %add3A_1116 : i32 to index
      %get3A_1163 = arith.constant 48 : index
      %get3A_1164 = tpu.vector_load %arg15[%get3A_1162, %get3A_1163] {strides = array<i32>} : memref<512x64xf32, #tpu.memory_space<vmem>>, vector<16xf32>,
      %sub3A_1165 = arith.subf %add3A_1161, %get3A_1164 : vector<16xf32>
      %mul3A_1166 = arith.mulf %sub3A_1165, %sub3A_1165 : vector<16xf32>
      %add3A_1167 = arith.addf %add3A_1154, %mul3A_1166 : vector<16xf32>
      %swap3A_1168 = arith.constant 176 : index
      %swap3A_1169 = tpu.vector_load %arg16[%swap3A_1168] {strides = array<i32>} : memref<256xf32, #tpu.memory_space<vmem>>, vector<16xf32>,
      tpu.vector_store %arg16[%swap3A_1168], %add3A_1167 {strides = array<i32>} : memref<256xf32, #tpu.memory_space<vmem>>, vector<16xf32>,
      %add3A_1170 = arith.constant 12 : i32
      %add3A_1171 = arith.addi %mul3A_512, %add3A_1170 : i32
      %get3A_1172 = arith.index_cast %add3A_1171 : i32 to index
      %get3A_1173 = arith.constant 0 : index
      %get3A_1174 = tpu.vector_load %arg13[%get3A_1172, %get3A_1173] {strides = array<i32>} : memref<512x64xf32, #tpu.memory_space<vmem>>, vector<16xf32>,
      %get3A_1175 = arith.index_cast %add3A_1171 : i32 to index
      %get3A_1176 = arith.constant 0 : index
      %get3A_1177 = tpu.vector_load %arg14[%get3A_1175, %get3A_1176] {strides = array<i32>} : memref<512x64xf32, #tpu.memory_space<vmem>>, vector<16xf32>,
      %add3A_1178 = arith.addf %get3A_1174, %get3A_1177 : vector<16xf32>
      %get3A_1179 = arith.index_cast %add3A_1171 : i32 to index
      %get3A_1180 = arith.constant 0 : index
      %get3A_1181 = tpu.vector_load %arg15[%get3A_1179, %get3A_1180] {strides = array<i32>} : memref<512x64xf32, #tpu.memory_space<vmem>>, vector<16xf32>,
      %sub3A_1182 = arith.subf %add3A_1178, %get3A_1181 : vector<16xf32>
      %mul3A_1183 = arith.mulf %sub3A_1182, %sub3A_1182 : vector<16xf32>
      %get3A_1184 = arith.index_cast %add3A_1171 : i32 to index
      %get3A_1185 = arith.constant 16 : index
      %get3A_1186 = tpu.vector_load %arg13[%get3A_1184, %get3A_1185] {strides = array<i32>} : memref<512x64xf32, #tpu.memory_space<vmem>>, vector<16xf32>,
      %get3A_1187 = arith.index_cast %add3A_1171 : i32 to index
      %get3A_1188 = arith.constant 16 : index
      %get3A_1189 = tpu.vector_load %arg14[%get3A_1187, %get3A_1188] {strides = array<i32>} : memref<512x64xf32, #tpu.memory_space<vmem>>, vector<16xf32>,
      %add3A_1190 = arith.addf %get3A_1186, %get3A_1189 : vector<16xf32>
      %get3A_1191 = arith.index_cast %add3A_1171 : i32 to index
      %get3A_1192 = arith.constant 16 : index
      %get3A_1193 = tpu.vector_load %arg15[%get3A_1191, %get3A_1192] {strides = array<i32>} : memref<512x64xf32, #tpu.memory_space<vmem>>, vector<16xf32>,
      %sub3A_1194 = arith.subf %add3A_1190, %get3A_1193 : vector<16xf32>
      %mul3A_1195 = arith.mulf %sub3A_1194, %sub3A_1194 : vector<16xf32>
      %add3A_1196 = arith.addf %mul3A_1183, %mul3A_1195 : vector<16xf32>
      %get3A_1197 = arith.index_cast %add3A_1171 : i32 to index
      %get3A_1198 = arith.constant 32 : index
      %get3A_1199 = tpu.vector_load %arg13[%get3A_1197, %get3A_1198] {strides = array<i32>} : memref<512x64xf32, #tpu.memory_space<vmem>>, vector<16xf32>,
      %get3A_1200 = arith.index_cast %add3A_1171 : i32 to index
      %get3A_1201 = arith.constant 32 : index
      %get3A_1202 = tpu.vector_load %arg14[%get3A_1200, %get3A_1201] {strides = array<i32>} : memref<512x64xf32, #tpu.memory_space<vmem>>, vector<16xf32>,
      %add3A_1203 = arith.addf %get3A_1199, %get3A_1202 : vector<16xf32>
      %get3A_1204 = arith.index_cast %add3A_1171 : i32 to index
      %get3A_1205 = arith.constant 32 : index
      %get3A_1206 = tpu.vector_load %arg15[%get3A_1204, %get3A_1205] {strides = array<i32>} : memref<512x64xf32, #tpu.memory_space<vmem>>, vector<16xf32>,
      %sub3A_1207 = arith.subf %add3A_1203, %get3A_1206 : vector<16xf32>
      %mul3A_1208 = arith.mulf %sub3A_1207, %sub3A_1207 : vector<16xf32>
      %add3A_1209 = arith.addf %add3A_1196, %mul3A_1208 : vector<16xf32>
      %get3A_1210 = arith.index_cast %add3A_1171 : i32 to index
      %get3A_1211 = arith.constant 48 : index
      %get3A_1212 = tpu.vector_load %arg13[%get3A_1210, %get3A_1211] {strides = array<i32>} : memref<512x64xf32, #tpu.memory_space<vmem>>, vector<16xf32>,
      %get3A_1213 = arith.index_cast %add3A_1171 : i32 to index
      %get3A_1214 = arith.constant 48 : index
      %get3A_1215 = tpu.vector_load %arg14[%get3A_1213, %get3A_1214] {strides = array<i32>} : memref<512x64xf32, #tpu.memory_space<vmem>>, vector<16xf32>,
      %add3A_1216 = arith.addf %get3A_1212, %get3A_1215 : vector<16xf32>
      %get3A_1217 = arith.index_cast %add3A_1171 : i32 to index
      %get3A_1218 = arith.constant 48 : index
      %get3A_1219 = tpu.vector_load %arg15[%get3A_1217, %get3A_1218] {strides = array<i32>} : memref<512x64xf32, #tpu.memory_space<vmem>>, vector<16xf32>,
      %sub3A_1220 = arith.subf %add3A_1216, %get3A_1219 : vector<16xf32>
      %mul3A_1221 = arith.mulf %sub3A_1220, %sub3A_1220 : vector<16xf32>
      %add3A_1222 = arith.addf %add3A_1209, %mul3A_1221 : vector<16xf32>
      %swap3A_1223 = arith.constant 192 : index
      %swap3A_1224 = tpu.vector_load %arg16[%swap3A_1223] {strides = array<i32>} : memref<256xf32, #tpu.memory_space<vmem>>, vector<16xf32>,
      tpu.vector_store %arg16[%swap3A_1223], %add3A_1222 {strides = array<i32>} : memref<256xf32, #tpu.memory_space<vmem>>, vector<16xf32>,
      %add3A_1225 = arith.constant 13 : i32
      %add3A_1226 = arith.addi %mul3A_512, %add3A_1225 : i32
      %get3A_1227 = arith.index_cast %add3A_1226 : i32 to index
      %get3A_1228 = arith.constant 0 : index
      %get3A_1229 = tpu.vector_load %arg13[%get3A_1227, %get3A_1228] {strides = array<i32>} : memref<512x64xf32, #tpu.memory_space<vmem>>, vector<16xf32>,
      %get3A_1230 = arith.index_cast %add3A_1226 : i32 to index
      %get3A_1231 = arith.constant 0 : index
      %get3A_1232 = tpu.vector_load %arg14[%get3A_1230, %get3A_1231] {strides = array<i32>} : memref<512x64xf32, #tpu.memory_space<vmem>>, vector<16xf32>,
      %add3A_1233 = arith.addf %get3A_1229, %get3A_1232 : vector<16xf32>
      %get3A_1234 = arith.index_cast %add3A_1226 : i32 to index
      %get3A_1235 = arith.constant 0 : index
      %get3A_1236 = tpu.vector_load %arg15[%get3A_1234, %get3A_1235] {strides = array<i32>} : memref<512x64xf32, #tpu.memory_space<vmem>>, vector<16xf32>,
      %sub3A_1237 = arith.subf %add3A_1233, %get3A_1236 : vector<16xf32>
      %mul3A_1238 = arith.mulf %sub3A_1237, %sub3A_1237 : vector<16xf32>
      %get3A_1239 = arith.index_cast %add3A_1226 : i32 to index
      %get3A_1240 = arith.constant 16 : index
      %get3A_1241 = tpu.vector_load %arg13[%get3A_1239, %get3A_1240] {strides = array<i32>} : memref<512x64xf32, #tpu.memory_space<vmem>>, vector<16xf32>,
      %get3A_1242 = arith.index_cast %add3A_1226 : i32 to index
      %get3A_1243 = arith.constant 16 : index
      %get3A_1244 = tpu.vector_load %arg14[%get3A_1242, %get3A_1243] {strides = array<i32>} : memref<512x64xf32, #tpu.memory_space<vmem>>, vector<16xf32>,
      %add3A_1245 = arith.addf %get3A_1241, %get3A_1244 : vector<16xf32>
      %get3A_1246 = arith.index_cast %add3A_1226 : i32 to index
      %get3A_1247 = arith.constant 16 : index
      %get3A_1248 = tpu.vector_load %arg15[%get3A_1246, %get3A_1247] {strides = array<i32>} : memref<512x64xf32, #tpu.memory_space<vmem>>, vector<16xf32>,
      %sub3A_1249 = arith.subf %add3A_1245, %get3A_1248 : vector<16xf32>
      %mul3A_1250 = arith.mulf %sub3A_1249, %sub3A_1249 : vector<16xf32>
      %add3A_1251 = arith.addf %mul3A_1238, %mul3A_1250 : vector<16xf32>
      %get3A_1252 = arith.index_cast %add3A_1226 : i32 to index
      %get3A_1253 = arith.constant 32 : index
      %get3A_1254 = tpu.vector_load %arg13[%get3A_1252, %get3A_1253] {strides = array<i32>} : memref<512x64xf32, #tpu.memory_space<vmem>>, vector<16xf32>,
      %get3A_1255 = arith.index_cast %add3A_1226 : i32 to index
      %get3A_1256 = arith.constant 32 : index
      %get3A_1257 = tpu.vector_load %arg14[%get3A_1255, %get3A_1256] {strides = array<i32>} : memref<512x64xf32, #tpu.memory_space<vmem>>, vector<16xf32>,
      %add3A_1258 = arith.addf %get3A_1254, %get3A_1257 : vector<16xf32>
      %get3A_1259 = arith.index_cast %add3A_1226 : i32 to index
      %get3A_1260 = arith.constant 32 : index
      %get3A_1261 = tpu.vector_load %arg15[%get3A_1259, %get3A_1260] {strides = array<i32>} : memref<512x64xf32, #tpu.memory_space<vmem>>, vector<16xf32>,
      %sub3A_1262 = arith.subf %add3A_1258, %get3A_1261 : vector<16xf32>
      %mul3A_1263 = arith.mulf %sub3A_1262, %sub3A_1262 : vector<16xf32>
      %add3A_1264 = arith.addf %add3A_1251, %mul3A_1263 : vector<16xf32>
      %get3A_1265 = arith.index_cast %add3A_1226 : i32 to index
      %get3A_1266 = arith.constant 48 : index
      %get3A_1267 = tpu.vector_load %arg13[%get3A_1265, %get3A_1266] {strides = array<i32>} : memref<512x64xf32, #tpu.memory_space<vmem>>, vector<16xf32>,
      %get3A_1268 = arith.index_cast %add3A_1226 : i32 to index
      %get3A_1269 = arith.constant 48 : index
      %get3A_1270 = tpu.vector_load %arg14[%get3A_1268, %get3A_1269] {strides = array<i32>} : memref<512x64xf32, #tpu.memory_space<vmem>>, vector<16xf32>,
      %add3A_1271 = arith.addf %get3A_1267, %get3A_1270 : vector<16xf32>
      %get3A_1272 = arith.index_cast %add3A_1226 : i32 to index
      %get3A_1273 = arith.constant 48 : index
      %get3A_1274 = tpu.vector_load %arg15[%get3A_1272, %get3A_1273] {strides = array<i32>} : memref<512x64xf32, #tpu.memory_space<vmem>>, vector<16xf32>,
      %sub3A_1275 = arith.subf %add3A_1271, %get3A_1274 : vector<16xf32>
      %mul3A_1276 = arith.mulf %sub3A_1275, %sub3A_1275 : vector<16xf32>
      %add3A_1277 = arith.addf %add3A_1264, %mul3A_1276 : vector<16xf32>
      %swap3A_1278 = arith.constant 208 : index
      %swap3A_1279 = tpu.vector_load %arg16[%swap3A_1278] {strides = array<i32>} : memref<256xf32, #tpu.memory_space<vmem>>, vector<16xf32>,
      tpu.vector_store %arg16[%swap3A_1278], %add3A_1277 {strides = array<i32>} : memref<256xf32, #tpu.memory_space<vmem>>, vector<16xf32>,
      %add3A_1280 = arith.constant 14 : i32
      %add3A_1281 = arith.addi %mul3A_512, %add3A_1280 : i32
      %get3A_1282 = arith.index_cast %add3A_1281 : i32 to index
      %get3A_1283 = arith.constant 0 : index
      %get3A_1284 = tpu.vector_load %arg13[%get3A_1282, %get3A_1283] {strides = array<i32>} : memref<512x64xf32, #tpu.memory_space<vmem>>, vector<16xf32>,
      %get3A_1285 = arith.index_cast %add3A_1281 : i32 to index
      %get3A_1286 = arith.constant 0 : index
      %get3A_1287 = tpu.vector_load %arg14[%get3A_1285, %get3A_1286] {strides = array<i32>} : memref<512x64xf32, #tpu.memory_space<vmem>>, vector<16xf32>,
      %add3A_1288 = arith.addf %get3A_1284, %get3A_1287 : vector<16xf32>
      %get3A_1289 = arith.index_cast %add3A_1281 : i32 to index
      %get3A_1290 = arith.constant 0 : index
      %get3A_1291 = tpu.vector_load %arg15[%get3A_1289, %get3A_1290] {strides = array<i32>} : memref<512x64xf32, #tpu.memory_space<vmem>>, vector<16xf32>,
      %sub3A_1292 = arith.subf %add3A_1288, %get3A_1291 : vector<16xf32>
      %mul3A_1293 = arith.mulf %sub3A_1292, %sub3A_1292 : vector<16xf32>
      %get3A_1294 = arith.index_cast %add3A_1281 : i32 to index
      %get3A_1295 = arith.constant 16 : index
      %get3A_1296 = tpu.vector_load %arg13[%get3A_1294, %get3A_1295] {strides = array<i32>} : memref<512x64xf32, #tpu.memory_space<vmem>>, vector<16xf32>,
      %get3A_1297 = arith.index_cast %add3A_1281 : i32 to index
      %get3A_1298 = arith.constant 16 : index
      %get3A_1299 = tpu.vector_load %arg14[%get3A_1297, %get3A_1298] {strides = array<i32>} : memref<512x64xf32, #tpu.memory_space<vmem>>, vector<16xf32>,
      %add3A_1300 = arith.addf %get3A_1296, %get3A_1299 : vector<16xf32>
      %get3A_1301 = arith.index_cast %add3A_1281 : i32 to index
      %get3A_1302 = arith.constant 16 : index
      %get3A_1303 = tpu.vector_load %arg15[%get3A_1301, %get3A_1302] {strides = array<i32>} : memref<512x64xf32, #tpu.memory_space<vmem>>, vector<16xf32>,
      %sub3A_1304 = arith.subf %add3A_1300, %get3A_1303 : vector<16xf32>
      %mul3A_1305 = arith.mulf %sub3A_1304, %sub3A_1304 : vector<16xf32>
      %add3A_1306 = arith.addf %mul3A_1293, %mul3A_1305 : vector<16xf32>
      %get3A_1307 = arith.index_cast %add3A_1281 : i32 to index
      %get3A_1308 = arith.constant 32 : index
      %get3A_1309 = tpu.vector_load %arg13[%get3A_1307, %get3A_1308] {strides = array<i32>} : memref<512x64xf32, #tpu.memory_space<vmem>>, vector<16xf32>,
      %get3A_1310 = arith.index_cast %add3A_1281 : i32 to index
      %get3A_1311 = arith.constant 32 : index
      %get3A_1312 = tpu.vector_load %arg14[%get3A_1310, %get3A_1311] {strides = array<i32>} : memref<512x64xf32, #tpu.memory_space<vmem>>, vector<16xf32>,
      %add3A_1313 = arith.addf %get3A_1309, %get3A_1312 : vector<16xf32>
      %get3A_1314 = arith.index_cast %add3A_1281 : i32 to index
      %get3A_1315 = arith.constant 32 : index
      %get3A_1316 = tpu.vector_load %arg15[%get3A_1314, %get3A_1315] {strides = array<i32>} : memref<512x64xf32, #tpu.memory_space<vmem>>, vector<16xf32>,
      %sub3A_1317 = arith.subf %add3A_1313, %get3A_1316 : vector<16xf32>
      %mul3A_1318 = arith.mulf %sub3A_1317, %sub3A_1317 : vector<16xf32>
      %add3A_1319 = arith.addf %add3A_1306, %mul3A_1318 : vector<16xf32>
      %get3A_1320 = arith.index_cast %add3A_1281 : i32 to index
      %get3A_1321 = arith.constant 48 : index
      %get3A_1322 = tpu.vector_load %arg13[%get3A_1320, %get3A_1321] {strides = array<i32>} : memref<512x64xf32, #tpu.memory_space<vmem>>, vector<16xf32>,
      %get3A_1323 = arith.index_cast %add3A_1281 : i32 to index
      %get3A_1324 = arith.constant 48 : index
      %get3A_1325 = tpu.vector_load %arg14[%get3A_1323, %get3A_1324] {strides = array<i32>} : memref<512x64xf32, #tpu.memory_space<vmem>>, vector<16xf32>,
      %add3A_1326 = arith.addf %get3A_1322, %get3A_1325 : vector<16xf32>
      %get3A_1327 = arith.index_cast %add3A_1281 : i32 to index
      %get3A_1328 = arith.constant 48 : index
      %get3A_1329 = tpu.vector_load %arg15[%get3A_1327, %get3A_1328] {strides = array<i32>} : memref<512x64xf32, #tpu.memory_space<vmem>>, vector<16xf32>,
      %sub3A_1330 = arith.subf %add3A_1326, %get3A_1329 : vector<16xf32>
      %mul3A_1331 = arith.mulf %sub3A_1330, %sub3A_1330 : vector<16xf32>
      %add3A_1332 = arith.addf %add3A_1319, %mul3A_1331 : vector<16xf32>
      %swap3A_1333 = arith.constant 224 : index
      %swap3A_1334 = tpu.vector_load %arg16[%swap3A_1333] {strides = array<i32>} : memref<256xf32, #tpu.memory_space<vmem>>, vector<16xf32>,
      tpu.vector_store %arg16[%swap3A_1333], %add3A_1332 {strides = array<i32>} : memref<256xf32, #tpu.memory_space<vmem>>, vector<16xf32>,
      %add3A_1335 = arith.constant 15 : i32
      %add3A_1336 = arith.addi %mul3A_512, %add3A_1335 : i32
      %get3A_1337 = arith.index_cast %add3A_1336 : i32 to index
      %get3A_1338 = arith.constant 0 : index
      %get3A_1339 = tpu.vector_load %arg13[%get3A_1337, %get3A_1338] {strides = array<i32>} : memref<512x64xf32, #tpu.memory_space<vmem>>, vector<16xf32>,
      %get3A_1340 = arith.index_cast %add3A_1336 : i32 to index
      %get3A_1341 = arith.constant 0 : index
      %get3A_1342 = tpu.vector_load %arg14[%get3A_1340, %get3A_1341] {strides = array<i32>} : memref<512x64xf32, #tpu.memory_space<vmem>>, vector<16xf32>,
      %add3A_1343 = arith.addf %get3A_1339, %get3A_1342 : vector<16xf32>
      %get3A_1344 = arith.index_cast %add3A_1336 : i32 to index
      %get3A_1345 = arith.constant 0 : index
      %get3A_1346 = tpu.vector_load %arg15[%get3A_1344, %get3A_1345] {strides = array<i32>} : memref<512x64xf32, #tpu.memory_space<vmem>>, vector<16xf32>,
      %sub3A_1347 = arith.subf %add3A_1343, %get3A_1346 : vector<16xf32>
      %mul3A_1348 = arith.mulf %sub3A_1347, %sub3A_1347 : vector<16xf32>
      %get3A_1349 = arith.index_cast %add3A_1336 : i32 to index
      %get3A_1350 = arith.constant 16 : index
      %get3A_1351 = tpu.vector_load %arg13[%get3A_1349, %get3A_1350] {strides = array<i32>} : memref<512x64xf32, #tpu.memory_space<vmem>>, vector<16xf32>,
      %get3A_1352 = arith.index_cast %add3A_1336 : i32 to index
      %get3A_1353 = arith.constant 16 : index
      %get3A_1354 = tpu.vector_load %arg14[%get3A_1352, %get3A_1353] {strides = array<i32>} : memref<512x64xf32, #tpu.memory_space<vmem>>, vector<16xf32>,
      %add3A_1355 = arith.addf %get3A_1351, %get3A_1354 : vector<16xf32>
      %get3A_1356 = arith.index_cast %add3A_1336 : i32 to index
      %get3A_1357 = arith.constant 16 : index
      %get3A_1358 = tpu.vector_load %arg15[%get3A_1356, %get3A_1357] {strides = array<i32>} : memref<512x64xf32, #tpu.memory_space<vmem>>, vector<16xf32>,
      %sub3A_1359 = arith.subf %add3A_1355, %get3A_1358 : vector<16xf32>
      %mul3A_1360 = arith.mulf %sub3A_1359, %sub3A_1359 : vector<16xf32>
      %add3A_1361 = arith.addf %mul3A_1348, %mul3A_1360 : vector<16xf32>
      %get3A_1362 = arith.index_cast %add3A_1336 : i32 to index
      %get3A_1363 = arith.constant 32 : index
      %get3A_1364 = tpu.vector_load %arg13[%get3A_1362, %get3A_1363] {strides = array<i32>} : memref<512x64xf32, #tpu.memory_space<vmem>>, vector<16xf32>,
      %get3A_1365 = arith.index_cast %add3A_1336 : i32 to index
      %get3A_1366 = arith.constant 32 : index
      %get3A_1367 = tpu.vector_load %arg14[%get3A_1365, %get3A_1366] {strides = array<i32>} : memref<512x64xf32, #tpu.memory_space<vmem>>, vector<16xf32>,
      %add3A_1368 = arith.addf %get3A_1364, %get3A_1367 : vector<16xf32>
      %get3A_1369 = arith.index_cast %add3A_1336 : i32 to index
      %get3A_1370 = arith.constant 32 : index
      %get3A_1371 = tpu.vector_load %arg15[%get3A_1369, %get3A_1370] {strides = array<i32>} : memref<512x64xf32, #tpu.memory_space<vmem>>, vector<16xf32>,
      %sub3A_1372 = arith.subf %add3A_1368, %get3A_1371 : vector<16xf32>
      %mul3A_1373 = arith.mulf %sub3A_1372, %sub3A_1372 : vector<16xf32>
      %add3A_1374 = arith.addf %add3A_1361, %mul3A_1373 : vector<16xf32>
      %get3A_1375 = arith.index_cast %add3A_1336 : i32 to index
      %get3A_1376 = arith.constant 48 : index
      %get3A_1377 = tpu.vector_load %arg13[%get3A_1375, %get3A_1376] {strides = array<i32>} : memref<512x64xf32, #tpu.memory_space<vmem>>, vector<16xf32>,
      %get3A_1378 = arith.index_cast %add3A_1336 : i32 to index
      %get3A_1379 = arith.constant 48 : index
      %get3A_1380 = tpu.vector_load %arg14[%get3A_1378, %get3A_1379] {strides = array<i32>} : memref<512x64xf32, #tpu.memory_space<vmem>>, vector<16xf32>,
      %add3A_1381 = arith.addf %get3A_1377, %get3A_1380 : vector<16xf32>
      %get3A_1382 = arith.index_cast %add3A_1336 : i32 to index
      %get3A_1383 = arith.constant 48 : index
      %get3A_1384 = tpu.vector_load %arg15[%get3A_1382, %get3A_1383] {strides = array<i32>} : memref<512x64xf32, #tpu.memory_space<vmem>>, vector<16xf32>,
      %sub3A_1385 = arith.subf %add3A_1381, %get3A_1384 : vector<16xf32>
      %mul3A_1386 = arith.mulf %sub3A_1385, %sub3A_1385 : vector<16xf32>
      %add3A_1387 = arith.addf %add3A_1374, %mul3A_1386 : vector<16xf32>
      %swap3A_1388 = arith.constant 240 : index
      %swap3A_1389 = tpu.vector_load %arg16[%swap3A_1388] {strides = array<i32>} : memref<256xf32, #tpu.memory_space<vmem>>, vector<16xf32>,
      tpu.vector_store %arg16[%swap3A_1388], %add3A_1387 {strides = array<i32>} : memref<256xf32, #tpu.memory_space<vmem>>, vector<16xf32>,
      %mul3A_1390 = arith.constant 16 : i32
      %mul3A_1391 = vector.broadcast %mul3A_1390 : i32 to vector<16xi32>
      %mul3A_1392 = arith.muli %iota3A, %mul3A_1391 : vector<16xi32>
      %add3A_1393 = arith.constant 0 : i32
      %add3A_1394 = vector.broadcast %add3A_1393 : i32 to vector<16xi32>
      %add3A_1395 = arith.addi %mul3A_1392, %add3A_1394 : vector<16xi32>
      %gather3A = tpu.vector_load_idx %arg16[%add3A_1395] : memref<256xf32, #tpu.memory_space<vmem>>[vector<16xi32>], vector<16xf32>,
      %mul3A_1396 = arith.constant 16 : i32
      %mul3A_1397 = vector.broadcast %mul3A_1396 : i32 to vector<16xi32>
      %mul3A_1398 = arith.muli %iota3A, %mul3A_1397 : vector<16xi32>
      %add3A_1399 = arith.constant 1 : i32
      %add3A_1400 = vector.broadcast %add3A_1399 : i32 to vector<16xi32>
      %add3A_1401 = arith.addi %mul3A_1398, %add3A_1400 : vector<16xi32>
      %gather3A_1402 = tpu.vector_load_idx %arg16[%add3A_1401] : memref<256xf32, #tpu.memory_space<vmem>>[vector<16xi32>], vector<16xf32>,
      %add3A_1403 = arith.addf %gather3A, %gather3A_1402 : vector<16xf32>
      %mul3A_1404 = arith.constant 16 : i32
      %mul3A_1405 = vector.broadcast %mul3A_1404 : i32 to vector<16xi32>
      %mul3A_1406 = arith.muli %iota3A, %mul3A_1405 : vector<16xi32>
      %add3A_1407 = arith.constant 2 : i32
      %add3A_1408 = vector.broadcast %add3A_1407 : i32 to vector<16xi32>
      %add3A_1409 = arith.addi %mul3A_1406, %add3A_1408 : vector<16xi32>
      %gather3A_1410 = tpu.vector_load_idx %arg16[%add3A_1409] : memref<256xf32, #tpu.memory_space<vmem>>[vector<16xi32>], vector<16xf32>,
      %add3A_1411 = arith.addf %add3A_1403, %gather3A_1410 : vector<16xf32>
      %mul3A_1412 = arith.constant 16 : i32
      %mul3A_1413 = vector.broadcast %mul3A_1412 : i32 to vector<16xi32>
      %mul3A_1414 = arith.muli %iota3A, %mul3A_1413 : vector<16xi32>
      %add3A_1415 = arith.constant 3 : i32
      %add3A_1416 = vector.broadcast %add3A_1415 : i32 to vector<16xi32>
      %add3A_1417 = arith.addi %mul3A_1414, %add3A_1416 : vector<16xi32>
      %gather3A_1418 = tpu.vector_load_idx %arg16[%add3A_1417] : memref<256xf32, #tpu.memory_space<vmem>>[vector<16xi32>], vector<16xf32>,
      %add3A_1419 = arith.addf %add3A_1411, %gather3A_1418 : vector<16xf32>
      %mul3A_1420 = arith.constant 16 : i32
      %mul3A_1421 = vector.broadcast %mul3A_1420 : i32 to vector<16xi32>
      %mul3A_1422 = arith.muli %iota3A, %mul3A_1421 : vector<16xi32>
      %add3A_1423 = arith.constant 4 : i32
      %add3A_1424 = vector.broadcast %add3A_1423 : i32 to vector<16xi32>
      %add3A_1425 = arith.addi %mul3A_1422, %add3A_1424 : vector<16xi32>
      %gather3A_1426 = tpu.vector_load_idx %arg16[%add3A_1425] : memref<256xf32, #tpu.memory_space<vmem>>[vector<16xi32>], vector<16xf32>,
      %add3A_1427 = arith.addf %add3A_1419, %gather3A_1426 : vector<16xf32>
      %mul3A_1428 = arith.constant 16 : i32
      %mul3A_1429 = vector.broadcast %mul3A_1428 : i32 to vector<16xi32>
      %mul3A_1430 = arith.muli %iota3A, %mul3A_1429 : vector<16xi32>
      %add3A_1431 = arith.constant 5 : i32
      %add3A_1432 = vector.broadcast %add3A_1431 : i32 to vector<16xi32>
      %add3A_1433 = arith.addi %mul3A_1430, %add3A_1432 : vector<16xi32>
      %gather3A_1434 = tpu.vector_load_idx %arg16[%add3A_1433] : memref<256xf32, #tpu.memory_space<vmem>>[vector<16xi32>], vector<16xf32>,
      %add3A_1435 = arith.addf %add3A_1427, %gather3A_1434 : vector<16xf32>
      %mul3A_1436 = arith.constant 16 : i32
      %mul3A_1437 = vector.broadcast %mul3A_1436 : i32 to vector<16xi32>
      %mul3A_1438 = arith.muli %iota3A, %mul3A_1437 : vector<16xi32>
      %add3A_1439 = arith.constant 6 : i32
      %add3A_1440 = vector.broadcast %add3A_1439 : i32 to vector<16xi32>
      %add3A_1441 = arith.addi %mul3A_1438, %add3A_1440 : vector<16xi32>
      %gather3A_1442 = tpu.vector_load_idx %arg16[%add3A_1441] : memref<256xf32, #tpu.memory_space<vmem>>[vector<16xi32>], vector<16xf32>,
      %add3A_1443 = arith.addf %add3A_1435, %gather3A_1442 : vector<16xf32>
      %mul3A_1444 = arith.constant 16 : i32
      %mul3A_1445 = vector.broadcast %mul3A_1444 : i32 to vector<16xi32>
      %mul3A_1446 = arith.muli %iota3A, %mul3A_1445 : vector<16xi32>
      %add3A_1447 = arith.constant 7 : i32
      %add3A_1448 = vector.broadcast %add3A_1447 : i32 to vector<16xi32>
      %add3A_1449 = arith.addi %mul3A_1446, %add3A_1448 : vector<16xi32>
      %gather3A_1450 = tpu.vector_load_idx %arg16[%add3A_1449] : memref<256xf32, #tpu.memory_space<vmem>>[vector<16xi32>], vector<16xf32>,
      %add3A_1451 = arith.addf %add3A_1443, %gather3A_1450 : vector<16xf32>
      %mul3A_1452 = arith.constant 16 : i32
      %mul3A_1453 = vector.broadcast %mul3A_1452 : i32 to vector<16xi32>
      %mul3A_1454 = arith.muli %iota3A, %mul3A_1453 : vector<16xi32>
      %add3A_1455 = arith.constant 8 : i32
      %add3A_1456 = vector.broadcast %add3A_1455 : i32 to vector<16xi32>
      %add3A_1457 = arith.addi %mul3A_1454, %add3A_1456 : vector<16xi32>
      %gather3A_1458 = tpu.vector_load_idx %arg16[%add3A_1457] : memref<256xf32, #tpu.memory_space<vmem>>[vector<16xi32>], vector<16xf32>,
      %add3A_1459 = arith.addf %add3A_1451, %gather3A_1458 : vector<16xf32>
      %mul3A_1460 = arith.constant 16 : i32
      %mul3A_1461 = vector.broadcast %mul3A_1460 : i32 to vector<16xi32>
      %mul3A_1462 = arith.muli %iota3A, %mul3A_1461 : vector<16xi32>
      %add3A_1463 = arith.constant 9 : i32
      %add3A_1464 = vector.broadcast %add3A_1463 : i32 to vector<16xi32>
      %add3A_1465 = arith.addi %mul3A_1462, %add3A_1464 : vector<16xi32>
      %gather3A_1466 = tpu.vector_load_idx %arg16[%add3A_1465] : memref<256xf32, #tpu.memory_space<vmem>>[vector<16xi32>], vector<16xf32>,
      %add3A_1467 = arith.addf %add3A_1459, %gather3A_1466 : vector<16xf32>
      %mul3A_1468 = arith.constant 16 : i32
      %mul3A_1469 = vector.broadcast %mul3A_1468 : i32 to vector<16xi32>
      %mul3A_1470 = arith.muli %iota3A, %mul3A_1469 : vector<16xi32>
      %add3A_1471 = arith.constant 10 : i32
      %add3A_1472 = vector.broadcast %add3A_1471 : i32 to vector<16xi32>
      %add3A_1473 = arith.addi %mul3A_1470, %add3A_1472 : vector<16xi32>
      %gather3A_1474 = tpu.vector_load_idx %arg16[%add3A_1473] : memref<256xf32, #tpu.memory_space<vmem>>[vector<16xi32>], vector<16xf32>,
      %add3A_1475 = arith.addf %add3A_1467, %gather3A_1474 : vector<16xf32>
      %mul3A_1476 = arith.constant 16 : i32
      %mul3A_1477 = vector.broadcast %mul3A_1476 : i32 to vector<16xi32>
      %mul3A_1478 = arith.muli %iota3A, %mul3A_1477 : vector<16xi32>
      %add3A_1479 = arith.constant 11 : i32
      %add3A_1480 = vector.broadcast %add3A_1479 : i32 to vector<16xi32>
      %add3A_1481 = arith.addi %mul3A_1478, %add3A_1480 : vector<16xi32>
      %gather3A_1482 = tpu.vector_load_idx %arg16[%add3A_1481] : memref<256xf32, #tpu.memory_space<vmem>>[vector<16xi32>], vector<16xf32>,
      %add3A_1483 = arith.addf %add3A_1475, %gather3A_1482 : vector<16xf32>
      %mul3A_1484 = arith.constant 16 : i32
      %mul3A_1485 = vector.broadcast %mul3A_1484 : i32 to vector<16xi32>
      %mul3A_1486 = arith.muli %iota3A, %mul3A_1485 : vector<16xi32>
      %add3A_1487 = arith.constant 12 : i32
      %add3A_1488 = vector.broadcast %add3A_1487 : i32 to vector<16xi32>
      %add3A_1489 = arith.addi %mul3A_1486, %add3A_1488 : vector<16xi32>
      %gather3A_1490 = tpu.vector_load_idx %arg16[%add3A_1489] : memref<256xf32, #tpu.memory_space<vmem>>[vector<16xi32>], vector<16xf32>,
      %add3A_1491 = arith.addf %add3A_1483, %gather3A_1490 : vector<16xf32>
      %mul3A_1492 = arith.constant 16 : i32
      %mul3A_1493 = vector.broadcast %mul3A_1492 : i32 to vector<16xi32>
      %mul3A_1494 = arith.muli %iota3A, %mul3A_1493 : vector<16xi32>
      %add3A_1495 = arith.constant 13 : i32
      %add3A_1496 = vector.broadcast %add3A_1495 : i32 to vector<16xi32>
      %add3A_1497 = arith.addi %mul3A_1494, %add3A_1496 : vector<16xi32>
      %gather3A_1498 = tpu.vector_load_idx %arg16[%add3A_1497] : memref<256xf32, #tpu.memory_space<vmem>>[vector<16xi32>], vector<16xf32>,
      %add3A_1499 = arith.addf %add3A_1491, %gather3A_1498 : vector<16xf32>
      %mul3A_1500 = arith.constant 16 : i32
      %mul3A_1501 = vector.broadcast %mul3A_1500 : i32 to vector<16xi32>
      %mul3A_1502 = arith.muli %iota3A, %mul3A_1501 : vector<16xi32>
      %add3A_1503 = arith.constant 14 : i32
      %add3A_1504 = vector.broadcast %add3A_1503 : i32 to vector<16xi32>
      %add3A_1505 = arith.addi %mul3A_1502, %add3A_1504 : vector<16xi32>
      %gather3A_1506 = tpu.vector_load_idx %arg16[%add3A_1505] : memref<256xf32, #tpu.memory_space<vmem>>[vector<16xi32>], vector<16xf32>,
      %add3A_1507 = arith.addf %add3A_1499, %gather3A_1506 : vector<16xf32>
      %mul3A_1508 = arith.constant 16 : i32
      %mul3A_1509 = vector.broadcast %mul3A_1508 : i32 to vector<16xi32>
      %mul3A_1510 = arith.muli %iota3A, %mul3A_1509 : vector<16xi32>
      %add3A_1511 = arith.constant 15 : i32
      %add3A_1512 = vector.broadcast %add3A_1511 : i32 to vector<16xi32>
      %add3A_1513 = arith.addi %mul3A_1510, %add3A_1512 : vector<16xi32>
      %gather3A_1514 = tpu.vector_load_idx %arg16[%add3A_1513] : memref<256xf32, #tpu.memory_space<vmem>>[vector<16xi32>], vector<16xf32>,
      %add3A_1515 = arith.addf %add3A_1507, %gather3A_1514 : vector<16xf32>
      %max3A = arith.constant 1.000000e-30 : f32
      %max3A_1516 = vector.broadcast %max3A : f32 to vector<16xf32>
      %max3A_1517 = arith.maximumf %add3A_1515, %max3A_1516 : vector<16xf32>
      %bitcast3A = vector.bitcast %max3A_1517 : vector<16xf32> to vector<16xi32>
      %shift_right_arithmetic3A = arith.constant 1 : i32
      %shift_right_arithmetic3A_1518 = vector.broadcast %shift_right_arithmetic3A : i32 to vector<16xi32>
      %shift_right_arithmetic3A_1519 = arith.shrsi %bitcast3A, %shift_right_arithmetic3A_1518 : vector<16xi32>
      %sub3A_1520 = arith.constant 1597463007 : i32
      %sub3A_1521 = vector.broadcast %sub3A_1520 : i32 to vector<16xi32>
      %sub3A_1522 = arith.subi %sub3A_1521, %shift_right_arithmetic3A_1519 : vector<16xi32>
      %bitcast3A_1523 = vector.bitcast %sub3A_1522 : vector<16xi32> to vector<16xf32>
      %mul3A_1524 = arith.constant 5.000000e-01 : f32
      %mul3A_1525 = vector.broadcast %mul3A_1524 : f32 to vector<16xf32>
      %mul3A_1526 = arith.mulf %mul3A_1525, %max3A_1517 : vector<16xf32>
      %mul3A_1527 = arith.mulf %mul3A_1526, %bitcast3A_1523 : vector<16xf32>
      %mul3A_1528 = arith.mulf %mul3A_1527, %bitcast3A_1523 : vector<16xf32>
      %sub3A_1529 = arith.constant 1.500000e+00 : f32
      %sub3A_1530 = vector.broadcast %sub3A_1529 : f32 to vector<16xf32>
      %sub3A_1531 = arith.subf %sub3A_1530, %mul3A_1528 : vector<16xf32>
      %mul3A_1532 = arith.mulf %bitcast3A_1523, %sub3A_1531 : vector<16xf32>
      %mul3A_1533 = arith.mulf %mul3A_1526, %mul3A_1532 : vector<16xf32>
      %mul3A_1534 = arith.mulf %mul3A_1533, %mul3A_1532 : vector<16xf32>
      %sub3A_1535 = arith.constant 1.500000e+00 : f32
      %sub3A_1536 = vector.broadcast %sub3A_1535 : f32 to vector<16xf32>
      %sub3A_1537 = arith.subf %sub3A_1536, %mul3A_1534 : vector<16xf32>
      %mul3A_1538 = arith.mulf %mul3A_1532, %sub3A_1537 : vector<16xf32>
      %mul3A_1539 = arith.mulf %mul3A_1526, %mul3A_1538 : vector<16xf32>
      %mul3A_1540 = arith.mulf %mul3A_1539, %mul3A_1538 : vector<16xf32>
      %sub3A_1541 = arith.constant 1.500000e+00 : f32
      %sub3A_1542 = vector.broadcast %sub3A_1541 : f32 to vector<16xf32>
      %sub3A_1543 = arith.subf %sub3A_1542, %mul3A_1540 : vector<16xf32>
      %mul3A_1544 = arith.mulf %mul3A_1538, %sub3A_1543 : vector<16xf32>
      %mul3A_1545 = arith.mulf %add3A_1515, %mul3A_1544 : vector<16xf32>
      %swap3A_1546 = arith.index_cast %mul3A_512 : i32 to index
      %swap3A_1547 = tpu.vector_load %arg18[%swap3A_1546] {strides = array<i32>} : memref<512xf32, #tpu.memory_space<vmem>>, vector<16xf32>,
      tpu.vector_store %arg18[%swap3A_1546], %mul3A_1545 {strides = array<i32>} : memref<512xf32, #tpu.memory_space<vmem>>, vector<16xf32>,
      %scan3A_1548 = arith.constant 0 : i32
      scf.yield %scan3A_1548 : i32
    }
    %scan3A_499 = arith.constant 32 : i32
    %scan3A_500 = arith.constant 0 : i32
    %scan3A_501 = arith.constant 0 : i32
    %scan3A_502 = arith.constant 32 : i32
    %scan3A_503 = arith.addi %scan3A_501, %scan3A_502 : i32
    %scan3A_504 = arith.constant 1 : i32
    %scan3A_505 = scf.for %scan3A_509 = %scan3A_501 to %scan3A_503 step %scan3A_504 iter_args(%scan3A_510 = %scan3A_500) -> (i32)  : i32 {
      %mul3A_511 = arith.constant 16 : i32
      %mul3A_512 = arith.muli %scan3A_509, %mul3A_511 : i32
      %get3A = arith.index_cast %mul3A_512 : i32 to index
      %get3A_513 = tpu.vector_load %arg17[%get3A] {strides = array<i32>} : memref<512xf32, #tpu.memory_space<vmem>>, vector<16xf32>,
      %get3A_514 = arith.index_cast %mul3A_512 : i32 to index
      %get3A_515 = tpu.vector_load %arg18[%get3A_514] {strides = array<i32>} : memref<512xf32, #tpu.memory_space<vmem>>, vector<16xf32>,
      %sub3A = arith.subf %get3A_513, %get3A_515 : vector<16xf32>
      %add3A_516 = arith.constant 1.000000e+00 : f32
      %add3A_517 = vector.broadcast %add3A_516 : f32 to vector<16xf32>
      %add3A_518 = arith.addf %sub3A, %add3A_517 : vector<16xf32>
      %max3A = arith.constant 0.000000e+00 : f32
      %max3A_519 = vector.broadcast %max3A : f32 to vector<16xf32>
      %max3A_520 = arith.maximumf %max3A_519, %add3A_518 : vector<16xf32>
      %swap3A = arith.index_cast %mul3A_512 : i32 to index
      %swap3A_521 = tpu.vector_load %arg19[%swap3A] {strides = array<i32>} : memref<512xf32, #tpu.memory_space<vmem>>, vector<16xf32>,
      tpu.vector_store %arg19[%swap3A], %max3A_520 {strides = array<i32>} : memref<512xf32, #tpu.memory_space<vmem>>, vector<16xf32>,
      %scan3A_522 = arith.constant 0 : i32
      scf.yield %scan3A_522 : i32
    }
    %scan3A_506 = arith.constant 32 : i32
    %mul3A_507 = arith.constant 512 : i32
    %mul3A_508 = arith.muli %add3A, %mul3A_507 : i32
    "tpu.region"() ({
      %run_scoped3A = tpu.sem_alloc : memref<!tpu.dma_semaphore, #tpu.memory_space<semaphore_mem>>
      %dma_start3A_509 = tpu.memref_slice %arg7[%mul3A_508] : memref<16384xf32, #tpu.memory_space<hbm>> -> memref<512xf32, #tpu.memory_space<hbm>>
      %dma_start3A_510 = tpu.memref_slice %arg7[%mul3A_508] : memref<16384xf32, #tpu.memory_space<hbm>> -> memref<512xf32, #tpu.memory_space<hbm>>
      tpu.enqueue_dma source(%arg19 : memref<512xf32, #tpu.memory_space<vmem>>) target(%dma_start3A_510 : memref<512xf32, #tpu.memory_space<hbm>>) target_semaphore(%run_scoped3A : memref<!tpu.dma_semaphore, #tpu.memory_space<semaphore_mem>>)
      %dma_wait3A_511 = tpu.memref_slice %arg7[%mul3A_508] : memref<16384xf32, #tpu.memory_space<hbm>> -> memref<512xf32, #tpu.memory_space<hbm>>
      %dma_wait3A_512 = tpu.memref_slice %arg7[%mul3A_508] : memref<16384xf32, #tpu.memory_space<hbm>> -> memref<512xf32, #tpu.memory_space<hbm>>
      tpu.wait_dma2 semaphore(%run_scoped3A : memref<!tpu.dma_semaphore, #tpu.memory_space<semaphore_mem>>) src(%arg19 : memref<512xf32, #tpu.memory_space<vmem>>) dst(%dma_wait3A_512 : memref<512xf32, #tpu.memory_space<hbm>>)
      tpu.yield
    }) : () -> ()
    "tpu.region"() ({
      %run_scoped3A = tpu.sem_alloc : memref<!tpu.dma_semaphore, #tpu.memory_space<semaphore_mem>>
      %dma_start3A_509 = tpu.memref_slice %arg8[%mul3A_508] : memref<16384xf32, #tpu.memory_space<hbm>> -> memref<512xf32, #tpu.memory_space<hbm>>
      %dma_start3A_510 = tpu.memref_slice %arg8[%mul3A_508] : memref<16384xf32, #tpu.memory_space<hbm>> -> memref<512xf32, #tpu.memory_space<hbm>>
      tpu.enqueue_dma source(%arg17 : memref<512xf32, #tpu.memory_space<vmem>>) target(%dma_start3A_510 : memref<512xf32, #tpu.memory_space<hbm>>) target_semaphore(%run_scoped3A : memref<!tpu.dma_semaphore, #tpu.memory_space<semaphore_mem>>)
      %dma_wait3A_511 = tpu.memref_slice %arg8[%mul3A_508] : memref<16384xf32, #tpu.memory_space<hbm>> -> memref<512xf32, #tpu.memory_space<hbm>>
      %dma_wait3A_512 = tpu.memref_slice %arg8[%mul3A_508] : memref<16384xf32, #tpu.memory_space<hbm>> -> memref<512xf32, #tpu.memory_space<hbm>>
      tpu.wait_dma2 semaphore(%run_scoped3A : memref<!tpu.dma_semaphore, #tpu.memory_space<semaphore_mem>>) src(%arg17 : memref<512xf32, #tpu.memory_space<vmem>>) dst(%dma_wait3A_512 : memref<512xf32, #tpu.memory_space<hbm>>)
      tpu.yield
    }) : () -> ()
    "tpu.region"() ({
      %run_scoped3A = tpu.sem_alloc : memref<!tpu.dma_semaphore, #tpu.memory_space<semaphore_mem>>
      %dma_start3A_509 = tpu.memref_slice %arg9[%mul3A_508] : memref<16384xf32, #tpu.memory_space<hbm>> -> memref<512xf32, #tpu.memory_space<hbm>>
      %dma_start3A_510 = tpu.memref_slice %arg9[%mul3A_508] : memref<16384xf32, #tpu.memory_space<hbm>> -> memref<512xf32, #tpu.memory_space<hbm>>
      tpu.enqueue_dma source(%arg18 : memref<512xf32, #tpu.memory_space<vmem>>) target(%dma_start3A_510 : memref<512xf32, #tpu.memory_space<hbm>>) target_semaphore(%run_scoped3A : memref<!tpu.dma_semaphore, #tpu.memory_space<semaphore_mem>>)
      %dma_wait3A_511 = tpu.memref_slice %arg9[%mul3A_508] : memref<16384xf32, #tpu.memory_space<hbm>> -> memref<512xf32, #tpu.memory_space<hbm>>
      %dma_wait3A_512 = tpu.memref_slice %arg9[%mul3A_508] : memref<16384xf32, #tpu.memory_space<hbm>> -> memref<512xf32, #tpu.memory_space<hbm>>
      tpu.wait_dma2 semaphore(%run_scoped3A : memref<!tpu.dma_semaphore, #tpu.memory_space<semaphore_mem>>) src(%arg18 : memref<512xf32, #tpu.memory_space<vmem>>) dst(%dma_wait3A_512 : memref<512xf32, #tpu.memory_space<hbm>>)
      tpu.yield
    }) : () -> ()
    return
  }
}

</mosaic_0001>

<sc_bundles>
// kernel: kernel.3.cloned.1.call-start
scs
__scs_entry_jumppad:
0x0: {  	(pc) =	sbr.rel $0x88, $3  }
0x1: {  	(tag) =	ssettag $0x0;
	lr =	simm.s32 $0x1  }
0x2: {  	[smem:$0x3F9D] =	sst lr;
	_ =	strace $0xD0000000  }
0x3: {  	_ = 	snop  }
0x4: {  	_ = 	snop  }
0x5: {  	_ = 	snop  }
0x6: {  	_ = 	snop  }
0x7: {  	_ = 	snop  }
__scs_overlays_trampoline_lowered:
0x8: {  	[smem:$0x3FAC] =	sst s0  }
0x9: {  	[smem:$0x3FAD] =	sst s1  }
0xa: {  	[smem:$0x3FAE] =	sst s2  }
0xb: {  	[smem:$0x3FAF] =	sst s3  }
0xc: {  	[smem:$0x3FB0] =	sst s4  }
0xd: {  	[smem:$0x3FB1] =	sst s5  }
0xe: {  	[smem:$0x3FB2] =	sst s6  }
0xf: {  	[smem:$0x3FB3] =	sst s7  }
0x10: {  	[smem:$0x3FB4] =	sst s8  }
0x11: {  	[smem:$0x3FB5] =	sst s9;
	s0 =	simm.s32 @!p0 $0x0  }
0x12: {  	s1 =	sld [smem:$0x3F9B];
	s0 =	simm.s32 @p0 $0x1  }
0x13: {  	[smem:$0x3FB6] =	sst s0;
	s0 =	simm.s32 @!p1 $0x0  }
0x14: {  	s2 =	sld [smem:$0x3F9A];
	s0 =	simm.s32 @p1 $0x1  }
0x15: {  	[smem:$0x3FB7] =	sst s0;
	s0 =	simm.s32 @!p2 $0x0  }
0x16: {  	s3 =	sld [smem:$0x3FDB];
	s0 =	simm.s32 @p2 $0x1  }
0x17: {  	s4 =	simm.s32 $0x1BF5;
	[smem:$0x3FB9] =	sst s0  }
0x18: {  	s0 =	sld [smem:$0x3F9C];
	_ =	swait.ge [sflag:s4], $0x0  }
0x19: {  	s7 =	sld [smem:$0x3F9D]  }
0x1a: {  	s8 =	sadd.s32 $0xFFFFE003, lr  }
0x1b: {  	s9 =	sadd.s32 $0xFFFFFEF7, lr;
	s5 =	simm.s32 $0xFFFFFFFF;
	p2 =	slt.u32 s8, $0xFFFFF086  }
0x1c: {  	p1 =	slt.u32 s9, $0xF7A;
	s5 =	simm.s32 @!p2 $0x0  }
0x1d: {  	s5 =	simm.s32 @p1 $0x1;
	p0 =	seq.s32 s7, s2  }
0x1e: {  	s7 =	smul.u32 @!p0 $0xF7A, s2;
	p2 =	seq.s32 @!p0 s5, $0x0  }
0x1f: {  	s9 =	smul.u32 $0xF7A, s1;
	s8 =	simm.s32 @!p0 $0x1BF5;
	p2 =	por !p2, p0  }
0x20: {  	[sflag:s8] =	ssyncset.s32 @!p0 $0xFFFFF086;
	s6 =	sadd.s32 @!p0 s3, s7;
	s7 =	simm.s32 @!p0 $0x108  }
0x21: {  	s3 =	sadd.s32 s3, s9;
	s6 =	sadd.s32 @!p0 $0x88, s6;
	s7 =	simm.s32 @p2 $0x1082  }
0x22: {  	[simem:s7], [sflag:s8] =	dma.local @!p0 [hbm:s6], $0xF7A  }
0x23: {  	s9 =	sor.u32 $0xD0000000, s2;
	s6 =	simm.s32 $0x108;
	_ =	swait.ge @!p0 [sflag:s8], $0x0  }
0x24: {  	s3 =	sadd.s32 $0x88, s3;
	s6 =	simm.s32 @!p1 $0x1082;
	[sflag:s4] =	ssyncset.s32 $0xFFFFF086  }
0x25: {  	[simem:s6], [sflag:s4] =	dma.local [hbm:s3], $0xF7A  }
0x26: {  	[smem:$0x3F9D] =	sst s1;
	(tag) =	ssettag s2;
	_ =	strace s9  }
0x27: {  	s1 =	sld [smem:$0x3FAD]  }
0x28: {  	s2 =	sld [smem:$0x3FAE]  }
0x29: {  	s4 =	sld [smem:$0x3FB0]  }
0x2a: {  	p0 =	seq.s32 s5, $0x0;
	s5 =	sld [smem:$0x3FB1]  }
0x2b: {  	s6 =	sld [smem:$0x3FB2]  }
0x2c: {  	s7 =	sld [smem:$0x3FB3]  }
0x2d: {  	s3 =	simm.s32 $0x108;
	s8 =	sld [smem:$0x3FB4]  }
0x2e: {  	s3 =	simm.s32 @!p0 $0x1082;
	s9 =	sld [smem:$0x3FB5]  }
0x2f: {  	lr =	sadd.s32 s0, s3;
	s0 =	sld [smem:$0x3FAC]  }
0x30: {  	s3 =	sld [smem:$0x3FAF]  }
0x31: {  	[smem:$0x3FB8] =	sst s10  }
0x32: {  	s10 =	sld [smem:$0x3FB6];
	_ =	sdelay $0x3  }
0x33: {  	p0 =	seq.s32 s10, $0x1;
	s10 =	sld [smem:$0x3FB8];
	_ =	sdelay $0x3  }
0x34: {  	[smem:$0x3FB8] =	sst s10  }
0x35: {  	s10 =	sld [smem:$0x3FB7];
	_ =	sdelay $0x3  }
0x36: {  	p1 =	seq.s32 s10, $0x1;
	s10 =	sld [smem:$0x3FB8];
	_ =	sdelay $0x3  }
0x37: {  	[smem:$0x3FB8] =	sst s10  }
0x38: {  	s10 =	sld [smem:$0x3FB9]  }
0x39: {  	_ = 	snop;
	(pc) =	sbr.ind lr, $3  }
0x3a: {  	_ = 	snop  }
0x3b: {  	_ = 	snop  }
0x3c: {  	p2 =	seq.s32 s10, $0x1;
	s10 =	sld [smem:$0x3FB8]  }
0x3d: {  	_ =	shalt  }
0x3e: {  	_ =	shalt  }
0x3f: {  	_ =	shalt  }
0x40: {  	_ =	shalt  }
0x41: {  	_ =	shalt  }
0x42: {  	_ =	shalt  }
0x43: {  	_ =	shalt  }
0x44: {  	_ =	shalt  }
0x45: {  	_ =	shalt  }
0x46: {  	_ =	shalt  }
0x47: {  	_ =	shalt  }
0x48: {  	_ =	shalt  }
0x49: {  	_ =	shalt  }
0x4a: {  	_ =	shalt  }
0x4b: {  	_ =	shalt  }
0x4c: {  	_ =	shalt  }
0x4d: {  	_ =	shalt  }
0x4e: {  	_ =	shalt  }
0x4f: {  	_ =	shalt  }
0x50: {  	_ =	shalt  }
0x51: {  	_ =	shalt  }
0x52: {  	_ =	shalt  }
0x53: {  	_ =	shalt  }
0x54: {  	_ =	shalt  }
0x55: {  	_ =	shalt  }
0x56: {  	_ =	shalt  }
0x57: {  	_ =	shalt  }
0x58: {  	_ =	shalt  }
0x59: {  	_ =	shalt  }
0x5a: {  	_ =	shalt  }
0x5b: {  	_ =	shalt  }
0x5c: {  	_ =	shalt  }
0x5d: {  	_ =	shalt  }
0x5e: {  	_ =	shalt  }
0x5f: {  	_ =	shalt  }
0x60: {  	_ =	shalt  }
0x61: {  	_ =	shalt  }
0x62: {  	_ =	shalt  }
0x63: {  	_ =	shalt  }
0x64: {  	_ =	shalt  }
0x65: {  	_ =	shalt  }
0x66: {  	_ =	shalt  }
0x67: {  	_ =	shalt  }
0x68: {  	_ =	shalt  }
0x69: {  	_ =	shalt  }
0x6a: {  	_ =	shalt  }
0x6b: {  	_ =	shalt  }
0x6c: {  	_ =	shalt  }
0x6d: {  	_ =	shalt  }
0x6e: {  	_ =	shalt  }
0x6f: {  	_ =	shalt  }
0x70: {  	_ =	shalt  }
0x71: {  	_ =	shalt  }
0x72: {  	_ =	shalt  }
0x73: {  	_ =	shalt  }
0x74: {  	_ =	shalt  }
0x75: {  	_ =	shalt  }
0x76: {  	_ =	shalt  }
0x77: {  	_ =	shalt  }
0x78: {  	_ =	shalt  }
0x79: {  	_ =	shalt  }
0x7a: {  	_ =	shalt  }
0x7b: {  	_ =	shalt  }
0x7c: {  	_ =	shalt  }
0x7d: {  	_ =	shalt  }
0x7e: {  	_ =	shalt  }
0x7f: {  	_ =	shalt  }
0x80: {  	_ =	shalt  }
0x81: {  	_ =	shalt  }
0x82: {  	_ =	shalt  }
0x83: {  	_ =	shalt  }
0x84: {  	_ =	shalt  }
0x85: {  	_ =	shalt  }
0x86: {  	_ =	shalt  }
0x87: {  	_ =	shalt  }
.Lfunc_end0:
.L_simem_size_0:
called_computation_lowered:
.L_overlay_start_0:
0x88: {  	s2 =	sld [smem:$0x3FD9]  }
0x89: {  	s3 =	sld [smem:$0x3FFE];
	_ =	sdelay $0x1  }
0x8a: {  	s1 =	srdreg.scid  }
0x8b: {  	s0 =	sand.u32 $0x1, s1  }
0x8c: {  	s14 =	sshll.u32 s0, $0xA;
	s2 =	sadd.s32 s3, s2  }
0x8d: {  	s2 =	sadd.s32 s2, s14  }
0x8e: {  	[smem:$0x3FC4] =	sst s2  }
0x8f: {  	_ = 	snop  }
0x90: {  	s2 =	sld [smem:$0x3FD0];
	_ =	sdelay $0x2  }
0x91: {  	s15 =	simm.s32 $0xA;
	s4 =	simm.s32 $0x10  }
0x92: {  	[smem:s4], [sflag:s15] =	dma.local [hbm:s2], $0x1  }
0x93: {  	_ =	swait.eq [sflag:s15], $0x1  }
0x94: {  	s16 =	sld [smem:$0x10];
	[sflag:s15] =	ssyncset.done $0x0  }
0x95: {  	s17 =	sld [smem:$0x11];
	[sflag:s15] =	ssyncadd.s32 $0xFFFFFFFF  }
0x96: {  	s18 =	sld [smem:$0x12];
	(tm) =	ssettm $0x1  }
0x97: {  	s5 =	sld [smem:$0x3FFB];
	_ =	sdelay $0x3  }
0x98: {  	_ =	strace s5  }
0x99: {  	s5 =	sld [smem:$0x3FFC];
	_ =	sdelay $0x3  }
0x9a: {  	_ =	strace s5  }
0x9b: {  	s5 =	sld [smem:$0x3FFD];
	_ =	sdelay $0x3  }
0x9c: {  	_ =	strace s5  }
0x9d: {  	_ =	strace $0x8FFFFFFF  }
0x9e: {  	s19 =	sld [smem:$0x3FDB];
	_ =	sdelay $0x1  }
0x9f: {  	s6 =	simm.s32 $_scs_section_size  }
0xa0: {  	s7 =	simm.s32 $_size__tile_overlayer_lowered;
	s8 =	simm.s32 $_tile_overlayer_lowered  }
0xa1: {  	s22 =	simm.s32 $0x1BFF;
	s21 =	sshll.u32 s8, $0x1;
	s5 =	sadd.s32 s6, s19  }
0xa2: {  	s9 =	simm.s32 $0x0;
	s20 =	sshll.u32 s7, $0x1;
	s7 =	sadd.s32 s21, s5  }
0xa3: {  	[timem:s9], [sflag:s22] =	dma.local [hbm:s7], s20  }
0xa4: {  	_ =	swait.ge [sflag:s22], s20  }
0xa5: {  	s6 =	ssub.s32 $0x0, s20;
	[sflag:s22] =	ssyncset.done $0x0  }
0xa6: {  	[sflag:s22] =	ssyncadd.s32 s6;
	_ =	sdelay $0x1  }
0xa7: {  	s23 =	simm.s32 $0x1B8B  }
0xa8: {  	_ =	swait.ge [sflag:s23], $0x1  }
0xa9: {  	[sflag:s23] =	ssyncset.done $0x0  }
0xaa: {  	s25 =	simm.s32 $0x1B8E;
	s24 =	sld [smem:$0x3FFE];
	[sflag:s23] =	ssyncadd.s32 $0xFFFFFFFF  }
0xab: {  	s26 =	simm.s32 $execute0_lowered;
	[smem:$0x3FD2] =	sst s25  }
0xac: {  	s7 =	sshll.u32 s26, $0x1;
	_ =	strace $0x80000046;
	[dreg:$0x1] =	wrdreg $0xFFFFFFFF  }
0xad: {  	s28 =	simm.s32 $_size_execute0_lowered;
	s5 =	sadd.s32 s5, s7;
	[dreg:$0x0] =	wrdreg $0x0  }
0xae: {  	s7 =	sshll.u32 s28, $0x1;
	[dreg:$0x2] =	wrdreg s5  }
0xaf: {  	[dreg:$0x3] =	wrdreg s7  }
0xb0: {  	[dreg:$0x4] =	wrdreg $0xC0  }
0xb1: {  	_ =	task [dreg:s9], $0x5FFFF  }
0xb2: {  	[dreg:$0x1] =	wrdreg $0xFFFFFFFF  }
0xb3: {  	[dreg:$0x0] =	wrdreg $0x60  }
0xb4: {  	[dreg:$0x2] =	wrdreg s24  }
0xb5: {  	[dreg:$0x3] =	wrdreg s16  }
0xb6: {  	[dreg:$0x4] =	wrdreg s17  }
0xb7: {  	[dreg:$0x5] =	wrdreg s18  }
0xb8: {  	[dreg:$0x6] =	wrdreg $0x9  }
0xb9: {  	_ =	task.clear_ibuf [dreg:s9], $0x7FFFF;
	_ =	strace $0x90000046  }
0xba: {  	s29 =	simm.s32 $0x9;
	_ =	strace $0x80000048  }
0xbb: {  	_ =	swait.ge [sflag:s29], $0x1  }
0xbc: {  	[sflag:s29] =	ssyncadd.s32 $0xFFFFFFFF  }
0xbd: {  	_ =	strace $0x90000048  }
0xbe: {  	_ =	sfence  }
0xbf: {  	s30 =	sld [smem:$0x0];
	_ =	sdelay $0x2  }
0xc0: {  	s31 =	sshll.u32 s1, $0xD;
	s1 =	sshrl.u32 s1, $0x2  }
0xc1: {  	s3 =	sand.u32 $0x4000, s31;
	s1 =	sadd.s32 s1, s30  }
0xc2: {  	s0 =	sor.u32 s3, s0;
	s1 =	sshll.u32 s1, $0x11  }
0xc3: {  	s0 =	sor.u32 s1, s0  }
0xc4: {  	s0 =	sadd.s32 $0x8F2B, s0  }
0xc5: {  	[sflag:s0] =	ssyncadd.remote.s32 $0x1  }
0xc6: {  	_ =	sfence.sel $0xFFFF  }
0xc7: {  	[dreg:$0x0] =	wrdreg $0xFFFFFFFF;
	(pc) =	sbr.abs _section_cstart, $3  }
0xc8: {  	[dreg:$0x1] =	wrdreg $0xFFFFFFFF  }
0xc9: {  	_ =	task.clear_ibuf [dreg:s9], $0x2FFFF;
	_ =	strace $0x9FFFFFFF  }
0xca: {  	(tm) =	ssettm $0x7FFFFFFF  }
0xcb: {  	_ =	shalt  }
tec
execute0_lowered:
.L_overlay_start_1:
0x0: {  	(tag) =	ssettag $0x1  }
0x1: {  	s0 =	rddreg [dreg:$0x0]  }
0x2: {  	s2 =	rddreg [dreg:$0x1]  }
0x3: {  	s5 =	rddreg [dreg:$0x2]  }
0x4: {  	s6 =	rddreg [dreg:$0x3];
	s1 =	simm.s32 $0x0;
	s3 =	srdreg.scid  }
0x5: {  	s4 =	stileid.u32;
	s15 =	simm.s32 $0x4;
	s16 =	simm.s32 $0x200  }
0x6: {  	s17 =	simm.s32 $0x400;
	s18 =	simm.s32 $0x80;
	s29 =	simm.s32 $0x4600  }
0x7: {  	s30 =	simm.s32 $0x300;
	s31 =	simm.s32 $0xC600;
	s19 =	simm.s32 $0x180  }
0x8: {  	s20 =	simm.s32 $0x6600;
	s21 =	simm.s32 $0x380;
	[smem:$0x7FF] =	sst s1  }
0x9: {  	s7 =	sadd.s32 $0x4000, s0;
	s8 =	sadd.s32 $0x1800, s0;
	s9 =	sadd.s32 $0x3000, s0  }
0xa: {  	s3 =	sand.u32 $0x1, s3;
	s4 =	sshll.u32 s4, $0x7;
	_ =	strace $0x80000047  }
0xb: {  	s10 =	ssub.s32 $0x2, s3;
	s11 =	sshll.u32 s3, $0x6;
	s3 =	sadd.s32 $0xF45400, s0  }
0xc: {  	s12 =	sshrl.u32 s10, $0x1;
	s13 =	sor.u32 s11, s4;
	s4 =	sadd.s32 $0x16E6600, s0  }
0xd: {  	s0 =	simm.s32 $0x500;
	s22 =	ssub.s32 s10, s12;
	s23 =	sadd.s32 s7, s13  }
0xe: {  	v0 =	vlaneseq.u32;
	s24 =	sadd.s32 s8, s13;
	s25 =	sadd.s32 s9, s13;
	s26 =	sor.u32 $0x800, s13  }
0xf: {  	v0 =	vmul.u32 $0x10, v0;
	s11 =	sadd.s32 s2, s13;
	s12 =	sadd.s32 s5, s13;
	[dreg:$0x5] =	wrdreg s23  }
0x10: {  	s13 =	sadd.s32 s6, s13;
	s2 =	simm.s32 $0x14600;
	[dreg:$0x6] =	wrdreg s24  }
0x11: {  	v1 =	vor.u32 $0x1, v0;
	v2 =	vor.u32 $0x2, v0;
	v3 =	vor.u32 $0x3, v0;
	s5 =	simm.s32 $0x16600;
	s6 =	simm.s32 $0x2;
	[dreg:$0x7] =	wrdreg s25  }
0x12: {  	v4 =	vor.u32 $0x4, v0;
	v5 =	vor.u32 $0x5, v0;
	v6 =	vor.u32 $0x6, v0;
	s7 =	sadd.s32 s7, s26;
	s28 =	sadd.s32 s8, s26;
	s10 =	sadd.s32 s9, s26  }
0x13: {  	v7 =	vor.u32 $0x7, v0;
	v8 =	vor.u32 $0x8, v0;
	v9 =	vor.u32 $0x9, v0;
	s14 =	smax.u32 s22, $0x1;
	s22 =	simm.s32 $0xE600;
	s23 =	simm.s32 $0x580  }
0x14: {  	v10 =	vor.u32 $0xA, v0;
	v11 =	vor.u32 $0xB, v0;
	v12 =	vor.u32 $0xC, v0;
	s24 =	simm.s32 $0x1;
	s25 =	simm.s32 $0x3;
	[dreg:$0x8] =	wrdreg s7  }
0x15: {  	v13 =	vor.u32 $0xD, v0;
	v14 =	vor.u32 $0xE, v0;
	v15 =	vor.u32 $0xF, v0;
	s8 =	simm.s32 $0x0;
	[dreg:$0x9] =	wrdreg s28;
	s7 =	simm.s32 $0x18600  }
.LBB2_1:
0x16: {  	s9 =	rddreg [dreg:$0x5]  }
0x17: {  	[tilespmem:s1], [sflag:$0x4] =	stream.linear.gather [hbm4b:s9+s1], $0x200, $0x38;
	[tilespmem:$0x18D00] =	vst v63  }
0x18: {  	_ =	swait.ge [sflag:s15], $0x200  }
0x19: {  	[sflag:s15] =	ssyncset.done $0x0  }
0x1a: {  	s28 =	rddreg [dreg:$0x6];
	[sflag:s15] =	ssyncadd.s32 $0xFFFFFE00  }
0x1b: {  	[tilespmem:s16], [sflag:$0x4] =	stream.linear.gather [hbm4b:s28+s1], $0x200, $0x38;
	[tilespmem:$0x18D00] =	vst v63  }
0x1c: {  	_ =	swait.ge [sflag:s15], $0x200  }
0x1d: {  	[sflag:s15] =	ssyncset.done $0x0  }
0x1e: {  	s26 =	rddreg [dreg:$0x7];
	[sflag:s15] =	ssyncadd.s32 $0xFFFFFE00  }
0x1f: {  	[tilespmem:s17], [sflag:$0x4] =	stream.linear.gather [hbm4b:s26+s1], $0x200, $0x38;
	[tilespmem:$0x18D00] =	vst v63  }
0x20: {  	_ =	swait.ge [sflag:s15], $0x200  }
0x21: {  	[sflag:s15] =	ssyncset.done $0x0  }
0x22: {  	s28 =	simm.s32 $0x600;
	[sflag:s15] =	ssyncadd.s32 $0xFFFFFE00  }
0x23: {  	[tilespmem:s28], [sflag:$0x1] =	stream.indirect.gather [hbm4b:s3+s18], $0x40, s1, s18, $0xb8;
	[tilespmem:$0x18D00] =	vst v63  }
0x24: {  	s26 =	simm.s32 $0x8600  }
0x25: {  	[tilespmem:s26], [sflag:$0x2] =	stream.indirect.gather [hbm4b:s4+s18], $0x40, s16, s18, $0xb8;
	[tilespmem:$0x18D00] =	vst v63  }
0x26: {  	s28 =	simm.s32 $0x10600  }
0x27: {  	[tilespmem:s28], [sflag:$0x3] =	stream.indirect.gather [hbm4b:s3+s18], $0x40, s17, s18, $0xb8;
	[tilespmem:$0x18D00] =	vst v63  }
0x28: {  	s26 =	simm.s32 $0x2600  }
0x29: {  	[tilespmem:s26], [sflag:$0x1] =	stream.indirect.gather [hbm4b:s3+s18], $0x40, s18, s18, $0xb8;
	[tilespmem:$0x18D00] =	vst v63  }
0x2a: {  	s28 =	simm.s32 $0x280;
	s26 =	simm.s32 $0xA600  }
0x2b: {  	[tilespmem:s26], [sflag:$0x2] =	stream.indirect.gather [hbm4b:s4+s18], $0x40, s28, s18, $0xb8;
	[tilespmem:$0x18D00] =	vst v63  }
0x2c: {  	s26 =	simm.s32 $0x480;
	s28 =	simm.s32 $0x12600  }
0x2d: {  	[tilespmem:s28], [sflag:$0x3] =	stream.indirect.gather [hbm4b:s3+s18], $0x40, s26, s18, $0xb8;
	[tilespmem:$0x18D00] =	vst v63  }
0x2e: {  	s28 =	simm.s32 $0x100  }
0x2f: {  	[tilespmem:s29], [sflag:$0x1] =	stream.indirect.gather [hbm4b:s3+s18], $0x40, s28, s18, $0xb8;
	[tilespmem:$0x18D00] =	vst v63  }
0x30: {  	_ = 	snop  }
0x31: {  	[tilespmem:s31], [sflag:$0x2] =	stream.indirect.gather [hbm4b:s4+s18], $0x40, s30, s18, $0xb8;
	[tilespmem:$0x18D00] =	vst v63  }
0x32: {  	_ = 	snop  }
0x33: {  	[tilespmem:s2], [sflag:$0x3] =	stream.indirect.gather [hbm4b:s3+s18], $0x40, s0, s18, $0xb8;
	[tilespmem:$0x18D00] =	vst v63  }
0x34: {  	_ = 	snop  }
0x35: {  	[tilespmem:s20], [sflag:$0x1] =	stream.indirect.gather [hbm4b:s3+s18], $0x40, s19, s18, $0xb8;
	[tilespmem:$0x18D00] =	vst v63  }
0x36: {  	_ = 	snop  }
0x37: {  	[tilespmem:s22], [sflag:$0x2] =	stream.indirect.gather [hbm4b:s4+s18], $0x40, s21, s18, $0xb8;
	[tilespmem:$0x18D00] =	vst v63  }
0x38: {  	_ = 	snop  }
0x39: {  	[tilespmem:s5], [sflag:$0x3] =	stream.indirect.gather [hbm4b:s3+s18], $0x40, s23, s18, $0xb8;
	[tilespmem:$0x18D00] =	vst v63  }
0x3a: {  	_ =	swait.ge [sflag:s24], $0x2000  }
0x3b: {  	[sflag:s24] =	ssyncset.done $0x0  }
0x3c: {  	[sflag:s24] =	ssyncadd.s32 $0xFFFFE000  }
0x3d: {  	_ =	swait.ge [sflag:s6], $0x2000  }
0x3e: {  	[sflag:s6] =	ssyncset.done $0x0  }
0x3f: {  	[sflag:s6] =	ssyncadd.s32 $0xFFFFE000  }
0x40: {  	_ =	swait.ge [sflag:s25], $0x2000  }
0x41: {  	[sflag:s25] =	ssyncset.done $0x0  }
0x42: {  	[sflag:s25] =	ssyncadd.s32 $0xFFFFE000  }
0x43: {  	_ =	swait.ge [sflag:s24], $0x2000  }
0x44: {  	[sflag:s24] =	ssyncset.done $0x0  }
0x45: {  	[sflag:s24] =	ssyncadd.s32 $0xFFFFE000  }
0x46: {  	_ =	swait.ge [sflag:s6], $0x2000  }
0x47: {  	[sflag:s6] =	ssyncset.done $0x0  }
0x48: {  	[sflag:s6] =	ssyncadd.s32 $0xFFFFE000  }
0x49: {  	_ =	swait.ge [sflag:s25], $0x2000  }
0x4a: {  	[sflag:s25] =	ssyncset.done $0x0  }
0x4b: {  	[sflag:s25] =	ssyncadd.s32 $0xFFFFE000  }
0x4c: {  	_ =	swait.ge [sflag:s24], $0x2000  }
0x4d: {  	[sflag:s24] =	ssyncset.done $0x0  }
0x4e: {  	[sflag:s24] =	ssyncadd.s32 $0xFFFFE000  }
0x4f: {  	_ =	swait.ge [sflag:s6], $0x2000  }
0x50: {  	[sflag:s6] =	ssyncset.done $0x0  }
0x51: {  	[sflag:s6] =	ssyncadd.s32 $0xFFFFE000  }
0x52: {  	_ =	swait.ge [sflag:s25], $0x2000  }
0x53: {  	[sflag:s25] =	ssyncset.done $0x0  }
0x54: {  	[sflag:s25] =	ssyncadd.s32 $0xFFFFE000  }
0x55: {  	_ =	swait.ge [sflag:s24], $0x2000  }
0x56: {  	[sflag:s24] =	ssyncset.done $0x0  }
0x57: {  	[sflag:s24] =	ssyncadd.s32 $0xFFFFE000  }
0x58: {  	_ =	swait.ge [sflag:s6], $0x2000  }
0x59: {  	[sflag:s6] =	ssyncset.done $0x0  }
0x5a: {  	[sflag:s6] =	ssyncadd.s32 $0xFFFFE000  }
0x5b: {  	_ =	swait.ge [sflag:s25], $0x2000  }
0x5c: {  	[sflag:s25] =	ssyncset.done $0x0  }
0x5d: {  	s9 =	simm.s32 $0x0;
	s26 =	simm.s32 $0x18700;
	[sflag:s25] =	ssyncadd.s32 $0xFFFFE000  }
.LBB2_2:
0x5e: {  	s28 =	sshra.s32 s9, $0x2  }
0x5f: {  	v16 =	vld [tilespmem:s28+$0x600]  }
0x60: {  	v17 =	vld [tilespmem:s28+$0x8600]  }
0x61: {  	v18 =	vld [tilespmem:s28+$0x10600]  }
0x62: {  	v19 =	vld [tilespmem:s28+$0x610]  }
0x63: {  	v20 =	vld [tilespmem:s28+$0x8610]  }
0x64: {  	v21 =	vld [tilespmem:s28+$0x10610]  }
0x65: {  	v22 =	vld [tilespmem:s28+$0x620]  }
0x66: {  	v23 =	vld [tilespmem:s28+$0x8620]  }
0x67: {  	v24 =	vld [tilespmem:s28+$0x10620]  }
0x68: {  	v25 =	vld [tilespmem:s28+$0x630]  }
0x69: {  	v16 =	vadd.f32 v17, v16;
	v17 =	vld [tilespmem:s28+$0x8630]  }
0x6a: {  	v19 =	vadd.f32 v20, v19  }
0x6b: {  	v30 =	vld [tilespmem:s28+$0x10630];
	v31 =	vadd.f32 v23, v22  }
0x6c: {  	v16 =	vsub.f32 v16, v18;
	v19 =	vsub.f32 v19, v21  }
0x6d: {  	v20 =	vsub.f32 v31, v24  }
0x6e: {  	v16 =	vmul.f32 v16, v16;
	v19 =	vmul.f32 v19, v19;
	v17 =	vadd.f32 v17, v25;
	_ =	sdelay $0x1  }
0x6f: {  	v32 =	vmul.f32 v20, v20;
	v16 =	vadd.f32 v19, v16;
	v17 =	vsub.f32 v17, v30;
	_ =	sdelay $0x1  }
0x70: {  	v16 =	vadd.f32 v32, v16;
	v17 =	vmul.f32 v17, v17;
	_ =	sdelay $0x1  }
0x71: {  	v16 =	vadd.f32 v17, v16;
	_ =	sdelay $0x1  }
0x72: {  	[tilespmem:$0x18600] =	vst v16  }
0x73: {  	v16 =	vld [tilespmem:s28+$0x640]  }
0x74: {  	v17 =	vld [tilespmem:s28+$0x8640]  }
0x75: {  	v33 =	vld [tilespmem:s28+$0x10640]  }
0x76: {  	v34 =	vld [tilespmem:s28+$0x650]  }
0x77: {  	v35 =	vld [tilespmem:s28+$0x8650]  }
0x78: {  	v36 =	vld [tilespmem:s28+$0x10650]  }
0x79: {  	v37 =	vld [tilespmem:s28+$0x660]  }
0x7a: {  	v38 =	vld [tilespmem:s28+$0x8660]  }
0x7b: {  	v39 =	vld [tilespmem:s28+$0x10660]  }
0x7c: {  	v40 =	vld [tilespmem:s28+$0x670]  }
0x7d: {  	v16 =	vadd.f32 v17, v16;
	v17 =	vld [tilespmem:s28+$0x8670]  }
0x7e: {  	v19 =	vadd.f32 v35, v34  }
0x7f: {  	v41 =	vld [tilespmem:s28+$0x10670];
	v42 =	vadd.f32 v38, v37  }
0x80: {  	v16 =	vsub.f32 v16, v33;
	v19 =	vsub.f32 v19, v36  }
0x81: {  	v20 =	vsub.f32 v42, v39  }
0x82: {  	v16 =	vmul.f32 v16, v16;
	v19 =	vmul.f32 v19, v19;
	v17 =	vadd.f32 v17, v40;
	_ =	sdelay $0x1  }
0x83: {  	v43 =	vmul.f32 v20, v20;
	v16 =	vadd.f32 v19, v16;
	v17 =	vsub.f32 v17, v41;
	_ =	sdelay $0x1  }
0x84: {  	v16 =	vadd.f32 v43, v16;
	v17 =	vmul.f32 v17, v17;
	_ =	sdelay $0x1  }
0x85: {  	v16 =	vadd.f32 v17, v16;
	_ =	sdelay $0x1  }
0x86: {  	[tilespmem:$0x18610] =	vst v16  }
0x87: {  	v16 =	vld [tilespmem:s28+$0x680]  }
0x88: {  	v17 =	vld [tilespmem:s28+$0x8680]  }
0x89: {  	v44 =	vld [tilespmem:s28+$0x10680]  }
0x8a: {  	v45 =	vld [tilespmem:s28+$0x690]  }
0x8b: {  	v46 =	vld [tilespmem:s28+$0x8690]  }
0x8c: {  	v47 =	vld [tilespmem:s28+$0x10690]  }
0x8d: {  	v48 =	vld [tilespmem:s28+$0x6A0]  }
0x8e: {  	v49 =	vld [tilespmem:s28+$0x86A0]  }
0x8f: {  	v50 =	vld [tilespmem:s28+$0x106A0]  }
0x90: {  	v51 =	vld [tilespmem:s28+$0x6B0]  }
0x91: {  	v16 =	vadd.f32 v17, v16;
	v17 =	vld [tilespmem:s28+$0x86B0]  }
0x92: {  	v19 =	vadd.f32 v46, v45  }
0x93: {  	v52 =	vld [tilespmem:s28+$0x106B0];
	v53 =	vadd.f32 v49, v48  }
0x94: {  	v16 =	vsub.f32 v16, v44;
	v19 =	vsub.f32 v19, v47  }
0x95: {  	v20 =	vsub.f32 v53, v50  }
0x96: {  	v16 =	vmul.f32 v16, v16;
	v19 =	vmul.f32 v19, v19;
	v17 =	vadd.f32 v17, v51;
	_ =	sdelay $0x1  }
0x97: {  	v54 =	vmul.f32 v20, v20;
	v16 =	vadd.f32 v19, v16;
	v17 =	vsub.f32 v17, v52;
	_ =	sdelay $0x1  }
0x98: {  	v16 =	vadd.f32 v54, v16;
	v17 =	vmul.f32 v17, v17;
	_ =	sdelay $0x1  }
0x99: {  	v16 =	vadd.f32 v17, v16;
	_ =	sdelay $0x1  }
0x9a: {  	[tilespmem:$0x18620] =	vst v16  }
0x9b: {  	v16 =	vld [tilespmem:s28+$0x6C0]  }
0x9c: {  	v17 =	vld [tilespmem:s28+$0x86C0]  }
0x9d: {  	v55 =	vld [tilespmem:s28+$0x106C0]  }
0x9e: {  	v56 =	vld [tilespmem:s28+$0x6D0]  }
0x9f: {  	v57 =	vld [tilespmem:s28+$0x86D0]  }
0xa0: {  	v58 =	vld [tilespmem:s28+$0x106D0]  }
0xa1: {  	v59 =	vld [tilespmem:s28+$0x6E0]  }
0xa2: {  	v60 =	vld [tilespmem:s28+$0x86E0]  }
0xa3: {  	v61 =	vld [tilespmem:s28+$0x106E0]  }
0xa4: {  	v62 =	vld [tilespmem:s28+$0x6F0]  }
0xa5: {  	v16 =	vadd.f32 v17, v16;
	v17 =	vld [tilespmem:s28+$0x86F0]  }
0xa6: {  	v19 =	vadd.f32 v57, v56  }
0xa7: {  	v63 =	vld [tilespmem:s28+$0x106F0];
	v26 =	vadd.f32 v60, v59  }
0xa8: {  	v16 =	vsub.f32 v16, v55;
	v19 =	vsub.f32 v19, v58  }
0xa9: {  	v20 =	vsub.f32 v26, v61  }
0xaa: {  	v16 =	vmul.f32 v16, v16;
	v19 =	vmul.f32 v19, v19;
	v17 =	vadd.f32 v17, v62;
	_ =	sdelay $0x1  }
0xab: {  	v27 =	vmul.f32 v20, v20;
	v16 =	vadd.f32 v19, v16;
	v17 =	vsub.f32 v17, v63;
	_ =	sdelay $0x1  }
0xac: {  	v16 =	vadd.f32 v27, v16;
	v17 =	vmul.f32 v17, v17;
	_ =	sdelay $0x1  }
0xad: {  	v16 =	vadd.f32 v17, v16;
	_ =	sdelay $0x1  }
0xae: {  	[tilespmem:$0x18630] =	vst v16  }
0xaf: {  	v16 =	vld [tilespmem:s28+$0x700]  }
0xb0: {  	v17 =	vld [tilespmem:s28+$0x8700]  }
0xb1: {  	v28 =	vld [tilespmem:s28+$0x10700]  }
0xb2: {  	v29 =	vld [tilespmem:s28+$0x710]  }
0xb3: {  	v30 =	vld [tilespmem:s28+$0x8710]  }
0xb4: {  	v31 =	vld [tilespmem:s28+$0x10710]  }
0xb5: {  	v32 =	vld [tilespmem:s28+$0x720]  }
0xb6: {  	v33 =	vld [tilespmem:s28+$0x8720]  }
0xb7: {  	v34 =	vld [tilespmem:s28+$0x10720]  }
0xb8: {  	v35 =	vld [tilespmem:s28+$0x730]  }
0xb9: {  	v16 =	vadd.f32 v17, v16;
	v17 =	vld [tilespmem:s28+$0x8730]  }
0xba: {  	v19 =	vadd.f32 v30, v29  }
0xbb: {  	v36 =	vld [tilespmem:s28+$0x10730];
	v37 =	vadd.f32 v33, v32  }
0xbc: {  	v16 =	vsub.f32 v16, v28;
	v19 =	vsub.f32 v19, v31  }
0xbd: {  	v20 =	vsub.f32 v37, v34  }
0xbe: {  	v16 =	vmul.f32 v16, v16;
	v19 =	vmul.f32 v19, v19;
	v17 =	vadd.f32 v17, v35;
	_ =	sdelay $0x1  }
0xbf: {  	v38 =	vmul.f32 v20, v20;
	v16 =	vadd.f32 v19, v16;
	v17 =	vsub.f32 v17, v36;
	_ =	sdelay $0x1  }
0xc0: {  	v16 =	vadd.f32 v38, v16;
	v17 =	vmul.f32 v17, v17;
	_ =	sdelay $0x1  }
0xc1: {  	v16 =	vadd.f32 v17, v16;
	_ =	sdelay $0x1  }
0xc2: {  	[tilespmem:$0x18640] =	vst v16  }
0xc3: {  	v16 =	vld [tilespmem:s28+$0x740]  }
0xc4: {  	v17 =	vld [tilespmem:s28+$0x8740]  }
0xc5: {  	v39 =	vld [tilespmem:s28+$0x10740]  }
0xc6: {  	v40 =	vld [tilespmem:s28+$0x750]  }
0xc7: {  	v41 =	vld [tilespmem:s28+$0x8750]  }
0xc8: {  	v42 =	vld [tilespmem:s28+$0x10750]  }
0xc9: {  	v43 =	vld [tilespmem:s28+$0x760]  }
0xca: {  	v44 =	vld [tilespmem:s28+$0x8760]  }
0xcb: {  	v45 =	vld [tilespmem:s28+$0x10760]  }
0xcc: {  	v46 =	vld [tilespmem:s28+$0x770]  }
0xcd: {  	v16 =	vadd.f32 v17, v16;
	v17 =	vld [tilespmem:s28+$0x8770]  }
0xce: {  	v19 =	vadd.f32 v41, v40  }
0xcf: {  	v47 =	vld [tilespmem:s28+$0x10770];
	v48 =	vadd.f32 v44, v43  }
0xd0: {  	v16 =	vsub.f32 v16, v39;
	v19 =	vsub.f32 v19, v42  }
0xd1: {  	v20 =	vsub.f32 v48, v45  }
0xd2: {  	v16 =	vmul.f32 v16, v16;
	v19 =	vmul.f32 v19, v19;
	v17 =	vadd.f32 v17, v46;
	_ =	sdelay $0x1  }
0xd3: {  	v49 =	vmul.f32 v20, v20;
	v16 =	vadd.f32 v19, v16;
	v17 =	vsub.f32 v17, v47;
	_ =	sdelay $0x1  }
0xd4: {  	v16 =	vadd.f32 v49, v16;
	v17 =	vmul.f32 v17, v17;
	_ =	sdelay $0x1  }
0xd5: {  	v16 =	vadd.f32 v17, v16;
	_ =	sdelay $0x1  }
0xd6: {  	[tilespmem:$0x18650] =	vst v16  }
0xd7: {  	v16 =	vld [tilespmem:s28+$0x780]  }
0xd8: {  	v17 =	vld [tilespmem:s28+$0x8780]  }
0xd9: {  	v50 =	vld [tilespmem:s28+$0x10780]  }
0xda: {  	v51 =	vld [tilespmem:s28+$0x790]  }
0xdb: {  	v52 =	vld [tilespmem:s28+$0x8790]  }
0xdc: {  	v53 =	vld [tilespmem:s28+$0x10790]  }
0xdd: {  	v54 =	vld [tilespmem:s28+$0x7A0]  }
0xde: {  	v55 =	vld [tilespmem:s28+$0x87A0]  }
0xdf: {  	v56 =	vld [tilespmem:s28+$0x107A0]  }
0xe0: {  	v57 =	vld [tilespmem:s28+$0x7B0]  }
0xe1: {  	v16 =	vadd.f32 v17, v16;
	v17 =	vld [tilespmem:s28+$0x87B0]  }
0xe2: {  	v19 =	vadd.f32 v52, v51  }
0xe3: {  	v58 =	vld [tilespmem:s28+$0x107B0];
	v59 =	vadd.f32 v55, v54  }
0xe4: {  	v16 =	vsub.f32 v16, v50;
	v19 =	vsub.f32 v19, v53  }
0xe5: {  	v20 =	vsub.f32 v59, v56  }
0xe6: {  	v16 =	vmul.f32 v16, v16;
	v19 =	vmul.f32 v19, v19;
	v17 =	vadd.f32 v17, v57;
	_ =	sdelay $0x1  }
0xe7: {  	v60 =	vmul.f32 v20, v20;
	v16 =	vadd.f32 v19, v16;
	v17 =	vsub.f32 v17, v58;
	_ =	sdelay $0x1  }
0xe8: {  	v16 =	vadd.f32 v60, v16;
	v17 =	vmul.f32 v17, v17;
	_ =	sdelay $0x1  }
0xe9: {  	v16 =	vadd.f32 v17, v16;
	_ =	sdelay $0x1  }
0xea: {  	[tilespmem:$0x18660] =	vst v16  }
0xeb: {  	v16 =	vld [tilespmem:s28+$0x7C0]  }
0xec: {  	v17 =	vld [tilespmem:s28+$0x87C0]  }
0xed: {  	v61 =	vld [tilespmem:s28+$0x107C0]  }
0xee: {  	v62 =	vld [tilespmem:s28+$0x7D0]  }
0xef: {  	v63 =	vld [tilespmem:s28+$0x87D0]  }
0xf0: {  	v28 =	vld [tilespmem:s28+$0x107D0]  }
0xf1: {  	v29 =	vld [tilespmem:s28+$0x7E0]  }
0xf2: {  	v30 =	vld [tilespmem:s28+$0x87E0]  }
0xf3: {  	v31 =	vld [tilespmem:s28+$0x107E0]  }
0xf4: {  	v32 =	vld [tilespmem:s28+$0x7F0]  }
0xf5: {  	v16 =	vadd.f32 v17, v16;
	v17 =	vld [tilespmem:s28+$0x87F0]  }
0xf6: {  	v19 =	vadd.f32 v63, v62  }
0xf7: {  	v33 =	vld [tilespmem:s28+$0x107F0];
	v34 =	vadd.f32 v30, v29  }
0xf8: {  	v16 =	vsub.f32 v16, v61;
	v19 =	vsub.f32 v19, v28  }
0xf9: {  	v20 =	vsub.f32 v34, v31  }
0xfa: {  	v16 =	vmul.f32 v16, v16;
	v19 =	vmul.f32 v19, v19;
	v17 =	vadd.f32 v17, v32;
	_ =	sdelay $0x1  }
0xfb: {  	v35 =	vmul.f32 v20, v20;
	v16 =	vadd.f32 v19, v16;
	v17 =	vsub.f32 v17, v33;
	_ =	sdelay $0x1  }
0xfc: {  	v16 =	vadd.f32 v35, v16;
	v17 =	vmul.f32 v17, v17;
	_ =	sdelay $0x1  }
0xfd: {  	v16 =	vadd.f32 v17, v16;
	_ =	sdelay $0x1  }
0xfe: {  	[tilespmem:$0x18670] =	vst v16  }
0xff: {  	v16 =	vld [tilespmem:s28+$0x800]  }
0x100: {  	v17 =	vld [tilespmem:s28+$0x8800]  }
0x101: {  	v36 =	vld [tilespmem:s28+$0x10800]  }
0x102: {  	v37 =	vld [tilespmem:s28+$0x810]  }
0x103: {  	v38 =	vld [tilespmem:s28+$0x8810]  }
0x104: {  	v39 =	vld [tilespmem:s28+$0x10810]  }
0x105: {  	v40 =	vld [tilespmem:s28+$0x820]  }
0x106: {  	v41 =	vld [tilespmem:s28+$0x8820]  }
0x107: {  	v42 =	vld [tilespmem:s28+$0x10820]  }
0x108: {  	v43 =	vld [tilespmem:s28+$0x830]  }
0x109: {  	v16 =	vadd.f32 v17, v16;
	v17 =	vld [tilespmem:s28+$0x8830]  }
0x10a: {  	v19 =	vadd.f32 v38, v37  }
0x10b: {  	v44 =	vld [tilespmem:s28+$0x10830];
	v45 =	vadd.f32 v41, v40  }
0x10c: {  	v16 =	vsub.f32 v16, v36;
	v19 =	vsub.f32 v19, v39  }
0x10d: {  	v20 =	vsub.f32 v45, v42  }
0x10e: {  	v16 =	vmul.f32 v16, v16;
	v19 =	vmul.f32 v19, v19;
	v17 =	vadd.f32 v17, v43;
	_ =	sdelay $0x1  }
0x10f: {  	v46 =	vmul.f32 v20, v20;
	v16 =	vadd.f32 v19, v16;
	v17 =	vsub.f32 v17, v44;
	_ =	sdelay $0x1  }
0x110: {  	v16 =	vadd.f32 v46, v16;
	v17 =	vmul.f32 v17, v17;
	_ =	sdelay $0x1  }
0x111: {  	v16 =	vadd.f32 v17, v16;
	_ =	sdelay $0x1  }
0x112: {  	[tilespmem:$0x18680] =	vst v16  }
0x113: {  	v16 =	vld [tilespmem:s28+$0x840]  }
0x114: {  	v17 =	vld [tilespmem:s28+$0x8840]  }
0x115: {  	v47 =	vld [tilespmem:s28+$0x10840]  }
0x116: {  	v48 =	vld [tilespmem:s28+$0x850]  }
0x117: {  	v49 =	vld [tilespmem:s28+$0x8850]  }
0x118: {  	v50 =	vld [tilespmem:s28+$0x10850]  }
0x119: {  	v51 =	vld [tilespmem:s28+$0x860]  }
0x11a: {  	v52 =	vld [tilespmem:s28+$0x8860]  }
0x11b: {  	v53 =	vld [tilespmem:s28+$0x10860]  }
0x11c: {  	v54 =	vld [tilespmem:s28+$0x870]  }
0x11d: {  	v16 =	vadd.f32 v17, v16;
	v17 =	vld [tilespmem:s28+$0x8870]  }
0x11e: {  	v19 =	vadd.f32 v49, v48  }
0x11f: {  	v55 =	vld [tilespmem:s28+$0x10870];
	v56 =	vadd.f32 v52, v51  }
0x120: {  	v16 =	vsub.f32 v16, v47;
	v19 =	vsub.f32 v19, v50  }
0x121: {  	v20 =	vsub.f32 v56, v53  }
0x122: {  	v16 =	vmul.f32 v16, v16;
	v19 =	vmul.f32 v19, v19;
	v17 =	vadd.f32 v17, v54;
	_ =	sdelay $0x1  }
0x123: {  	v57 =	vmul.f32 v20, v20;
	v16 =	vadd.f32 v19, v16;
	v17 =	vsub.f32 v17, v55;
	_ =	sdelay $0x1  }
0x124: {  	v16 =	vadd.f32 v57, v16;
	v17 =	vmul.f32 v17, v17;
	_ =	sdelay $0x1  }
0x125: {  	v16 =	vadd.f32 v17, v16;
	_ =	sdelay $0x1  }
0x126: {  	[tilespmem:$0x18690] =	vst v16  }
0x127: {  	v16 =	vld [tilespmem:s28+$0x880]  }
0x128: {  	v17 =	vld [tilespmem:s28+$0x8880]  }
0x129: {  	v58 =	vld [tilespmem:s28+$0x10880]  }
0x12a: {  	v59 =	vld [tilespmem:s28+$0x890]  }
0x12b: {  	v60 =	vld [tilespmem:s28+$0x8890]  }
0x12c: {  	v61 =	vld [tilespmem:s28+$0x10890]  }
0x12d: {  	v62 =	vld [tilespmem:s28+$0x8A0]  }
0x12e: {  	v63 =	vld [tilespmem:s28+$0x88A0]  }
0x12f: {  	v28 =	vld [tilespmem:s28+$0x108A0]  }
0x130: {  	v29 =	vld [tilespmem:s28+$0x8B0]  }
0x131: {  	v16 =	vadd.f32 v17, v16;
	v17 =	vld [tilespmem:s28+$0x88B0]  }
0x132: {  	v19 =	vadd.f32 v60, v59  }
0x133: {  	v30 =	vld [tilespmem:s28+$0x108B0];
	v31 =	vadd.f32 v63, v62  }
0x134: {  	v16 =	vsub.f32 v16, v58;
	v19 =	vsub.f32 v19, v61  }
0x135: {  	v20 =	vsub.f32 v31, v28  }
0x136: {  	v16 =	vmul.f32 v16, v16;
	v19 =	vmul.f32 v19, v19;
	v17 =	vadd.f32 v17, v29;
	_ =	sdelay $0x1  }
0x137: {  	v32 =	vmul.f32 v20, v20;
	v16 =	vadd.f32 v19, v16;
	v17 =	vsub.f32 v17, v30;
	_ =	sdelay $0x1  }
0x138: {  	v16 =	vadd.f32 v32, v16;
	v17 =	vmul.f32 v17, v17;
	_ =	sdelay $0x1  }
0x139: {  	v16 =	vadd.f32 v17, v16;
	_ =	sdelay $0x1  }
0x13a: {  	[tilespmem:$0x186A0] =	vst v16  }
0x13b: {  	v16 =	vld [tilespmem:s28+$0x8C0]  }
0x13c: {  	v17 =	vld [tilespmem:s28+$0x88C0]  }
0x13d: {  	v33 =	vld [tilespmem:s28+$0x108C0]  }
0x13e: {  	v34 =	vld [tilespmem:s28+$0x8D0]  }
0x13f: {  	v35 =	vld [tilespmem:s28+$0x88D0]  }
0x140: {  	v36 =	vld [tilespmem:s28+$0x108D0]  }
0x141: {  	v37 =	vld [tilespmem:s28+$0x8E0]  }
0x142: {  	v38 =	vld [tilespmem:s28+$0x88E0]  }
0x143: {  	v39 =	vld [tilespmem:s28+$0x108E0]  }
0x144: {  	v40 =	vld [tilespmem:s28+$0x8F0]  }
0x145: {  	v16 =	vadd.f32 v17, v16;
	v17 =	vld [tilespmem:s28+$0x88F0]  }
0x146: {  	v19 =	vadd.f32 v35, v34  }
0x147: {  	v41 =	vld [tilespmem:s28+$0x108F0];
	v42 =	vadd.f32 v38, v37  }
0x148: {  	v16 =	vsub.f32 v16, v33;
	v19 =	vsub.f32 v19, v36  }
0x149: {  	v20 =	vsub.f32 v42, v39  }
0x14a: {  	v16 =	vmul.f32 v16, v16;
	v19 =	vmul.f32 v19, v19;
	v17 =	vadd.f32 v17, v40;
	_ =	sdelay $0x1  }
0x14b: {  	v43 =	vmul.f32 v20, v20;
	v16 =	vadd.f32 v19, v16;
	v17 =	vsub.f32 v17, v41;
	_ =	sdelay $0x1  }
0x14c: {  	v16 =	vadd.f32 v43, v16;
	v17 =	vmul.f32 v17, v17;
	_ =	sdelay $0x1  }
0x14d: {  	v16 =	vadd.f32 v17, v16;
	_ =	sdelay $0x1  }
0x14e: {  	[tilespmem:$0x186B0] =	vst v16  }
0x14f: {  	v16 =	vld [tilespmem:s28+$0x900]  }
0x150: {  	v17 =	vld [tilespmem:s28+$0x8900]  }
0x151: {  	v44 =	vld [tilespmem:s28+$0x10900]  }
0x152: {  	v45 =	vld [tilespmem:s28+$0x910]  }
0x153: {  	v46 =	vld [tilespmem:s28+$0x8910]  }
0x154: {  	v47 =	vld [tilespmem:s28+$0x10910]  }
0x155: {  	v48 =	vld [tilespmem:s28+$0x920]  }
0x156: {  	v49 =	vld [tilespmem:s28+$0x8920]  }
0x157: {  	v50 =	vld [tilespmem:s28+$0x10920]  }
0x158: {  	v51 =	vld [tilespmem:s28+$0x930]  }
0x159: {  	v16 =	vadd.f32 v17, v16;
	v17 =	vld [tilespmem:s28+$0x8930]  }
0x15a: {  	v19 =	vadd.f32 v46, v45  }
0x15b: {  	v52 =	vld [tilespmem:s28+$0x10930];
	v53 =	vadd.f32 v49, v48  }
0x15c: {  	v16 =	vsub.f32 v16, v44;
	v19 =	vsub.f32 v19, v47  }
0x15d: {  	v20 =	vsub.f32 v53, v50  }
0x15e: {  	v16 =	vmul.f32 v16, v16;
	v19 =	vmul.f32 v19, v19;
	v17 =	vadd.f32 v17, v51;
	_ =	sdelay $0x1  }
0x15f: {  	v54 =	vmul.f32 v20, v20;
	v16 =	vadd.f32 v19, v16;
	v17 =	vsub.f32 v17, v52;
	_ =	sdelay $0x1  }
0x160: {  	v16 =	vadd.f32 v54, v16;
	v17 =	vmul.f32 v17, v17;
	_ =	sdelay $0x1  }
0x161: {  	v16 =	vadd.f32 v17, v16;
	_ =	sdelay $0x1  }
0x162: {  	[tilespmem:$0x186C0] =	vst v16  }
0x163: {  	v16 =	vld [tilespmem:s28+$0x940]  }
0x164: {  	v17 =	vld [tilespmem:s28+$0x8940]  }
0x165: {  	v55 =	vld [tilespmem:s28+$0x10940]  }
0x166: {  	v56 =	vld [tilespmem:s28+$0x950]  }
0x167: {  	v57 =	vld [tilespmem:s28+$0x8950]  }
0x168: {  	v58 =	vld [tilespmem:s28+$0x10950]  }
0x169: {  	v59 =	vld [tilespmem:s28+$0x960]  }
0x16a: {  	v60 =	vld [tilespmem:s28+$0x8960]  }
0x16b: {  	v61 =	vld [tilespmem:s28+$0x10960]  }
0x16c: {  	v62 =	vld [tilespmem:s28+$0x970]  }
0x16d: {  	v16 =	vadd.f32 v17, v16;
	v17 =	vld [tilespmem:s28+$0x8970]  }
0x16e: {  	v19 =	vadd.f32 v57, v56  }
0x16f: {  	v63 =	vld [tilespmem:s28+$0x10970];
	v26 =	vadd.f32 v60, v59  }
0x170: {  	v16 =	vsub.f32 v16, v55;
	v19 =	vsub.f32 v19, v58  }
0x171: {  	v20 =	vsub.f32 v26, v61  }
0x172: {  	v16 =	vmul.f32 v16, v16;
	v19 =	vmul.f32 v19, v19;
	v17 =	vadd.f32 v17, v62;
	_ =	sdelay $0x1  }
0x173: {  	v27 =	vmul.f32 v20, v20;
	v16 =	vadd.f32 v19, v16;
	v17 =	vsub.f32 v17, v63;
	_ =	sdelay $0x1  }
0x174: {  	v16 =	vadd.f32 v27, v16;
	v17 =	vmul.f32 v17, v17;
	_ =	sdelay $0x1  }
0x175: {  	v16 =	vadd.f32 v17, v16;
	_ =	sdelay $0x1  }
0x176: {  	[tilespmem:$0x186D0] =	vst v16  }
0x177: {  	v16 =	vld [tilespmem:s28+$0x980]  }
0x178: {  	v17 =	vld [tilespmem:s28+$0x8980]  }
0x179: {  	v28 =	vld [tilespmem:s28+$0x10980]  }
0x17a: {  	v29 =	vld [tilespmem:s28+$0x990]  }
0x17b: {  	v30 =	vld [tilespmem:s28+$0x8990]  }
0x17c: {  	v31 =	vld [tilespmem:s28+$0x10990]  }
0x17d: {  	v32 =	vld [tilespmem:s28+$0x9A0]  }
0x17e: {  	v33 =	vld [tilespmem:s28+$0x89A0]  }
0x17f: {  	v34 =	vld [tilespmem:s28+$0x109A0]  }
0x180: {  	v35 =	vld [tilespmem:s28+$0x9B0]  }
0x181: {  	v16 =	vadd.f32 v17, v16;
	v17 =	vld [tilespmem:s28+$0x89B0]  }
0x182: {  	v19 =	vadd.f32 v30, v29  }
0x183: {  	v36 =	vld [tilespmem:s28+$0x109B0];
	v37 =	vadd.f32 v33, v32  }
0x184: {  	v16 =	vsub.f32 v16, v28;
	v19 =	vsub.f32 v19, v31  }
0x185: {  	v20 =	vsub.f32 v37, v34  }
0x186: {  	v16 =	vmul.f32 v16, v16;
	v19 =	vmul.f32 v19, v19;
	v17 =	vadd.f32 v17, v35;
	_ =	sdelay $0x1  }
0x187: {  	v38 =	vmul.f32 v20, v20;
	v16 =	vadd.f32 v19, v16;
	v17 =	vsub.f32 v17, v36;
	_ =	sdelay $0x1  }
0x188: {  	v16 =	vadd.f32 v38, v16;
	v17 =	vmul.f32 v17, v17;
	_ =	sdelay $0x1  }
0x189: {  	v16 =	vadd.f32 v17, v16;
	_ =	sdelay $0x1  }
0x18a: {  	[tilespmem:$0x186E0] =	vst v16  }
0x18b: {  	v16 =	vld [tilespmem:s28+$0x9C0]  }
0x18c: {  	v17 =	vld [tilespmem:s28+$0x89C0]  }
0x18d: {  	v39 =	vld [tilespmem:s28+$0x109C0]  }
0x18e: {  	v40 =	vld [tilespmem:s28+$0x9D0]  }
0x18f: {  	v41 =	vld [tilespmem:s28+$0x89D0]  }
0x190: {  	v42 =	vld [tilespmem:s28+$0x109D0]  }
0x191: {  	v43 =	vld [tilespmem:s28+$0x9E0]  }
0x192: {  	v44 =	vld [tilespmem:s28+$0x89E0]  }
0x193: {  	v46 =	vld [tilespmem:s28+$0x9F0]  }
0x194: {  	v26 =	vld [tilespmem:s28+$0x89F0]  }
0x195: {  	v45 =	vld [tilespmem:s28+$0x109E0]  }
0x196: {  	v16 =	vadd.f32 v17, v16;
	v17 =	vadd.f32 v41, v40  }
0x197: {  	v48 =	vld [tilespmem:s28+$0x109F0];
	v47 =	vadd.f32 v44, v43  }
0x198: {  	v16 =	vsub.f32 v16, v39;
	v17 =	vsub.f32 v17, v42  }
0x199: {  	v50 =	vadd.f32 v26, v46  }
0x19a: {  	v49 =	vsub.f32 v47, v45;
	v16 =	vmul.f32 v16, v16;
	v17 =	vmul.f32 v17, v17;
	_ =	sdelay $0x1  }
0x19b: {  	v51 =	vsub.f32 v50, v48;
	v16 =	vadd.f32 v17, v16;
	v17 =	vmul.f32 v49, v49;
	_ =	sdelay $0x1  }
0x19c: {  	v16 =	vadd.f32 v17, v16;
	v17 =	vmul.f32 v51, v51;
	_ =	sdelay $0x1  }
0x19d: {  	v16 =	vadd.f32 v17, v16;
	_ =	sdelay $0x1  }
0x19e: {  	[tilespmem:$0x186F0] =	vst v16  }
0x19f: {  	v16 =	vld.idx.msk [tilespmem:v0+s7+$0x0], $0xffff  }
0x1a0: {  	v17 =	vld.idx.msk [tilespmem:v1+s7+$0x0], $0xffff;
	_ =	sdelay $0x1  }
0x1a1: {  	v52 =	vld.idx.msk [tilespmem:v2+s7+$0x0], $0xffff;
	_ =	sdelay $0x1  }
0x1a2: {  	v53 =	vld.idx.msk [tilespmem:v3+s7+$0x0], $0xffff  }
0x1a3: {  	v16 =	vadd.f32 v17, v16  }
0x1a4: {  	v17 =	vld.idx.msk [tilespmem:v4+s7+$0x0], $0xffff  }
0x1a5: {  	v16 =	vadd.f32 v52, v16  }
0x1a6: {  	v54 =	vld.idx.msk [tilespmem:v5+s7+$0x0], $0xffff  }
0x1a7: {  	v16 =	vadd.f32 v53, v16  }
0x1a8: {  	v55 =	vld.idx.msk [tilespmem:v6+s7+$0x0], $0xffff  }
0x1a9: {  	v16 =	vadd.f32 v17, v16  }
0x1aa: {  	v17 =	vld.idx.msk [tilespmem:v7+s7+$0x0], $0xffff  }
0x1ab: {  	v16 =	vadd.f32 v54, v16  }
0x1ac: {  	v56 =	vld.idx.msk [tilespmem:v8+s7+$0x0], $0xffff  }
0x1ad: {  	v16 =	vadd.f32 v55, v16  }
0x1ae: {  	v57 =	vld.idx.msk [tilespmem:v9+s7+$0x0], $0xffff  }
0x1af: {  	v16 =	vadd.f32 v17, v16  }
0x1b0: {  	v17 =	vld.idx.msk [tilespmem:v10+s7+$0x0], $0xffff  }
0x1b1: {  	v16 =	vadd.f32 v56, v16  }
0x1b2: {  	v58 =	vld.idx.msk [tilespmem:v11+s7+$0x0], $0xffff  }
0x1b3: {  	v16 =	vadd.f32 v57, v16  }
0x1b4: {  	v59 =	vld.idx.msk [tilespmem:v12+s7+$0x0], $0xffff  }
0x1b5: {  	v16 =	vadd.f32 v17, v16  }
0x1b6: {  	v17 =	vld.idx.msk [tilespmem:v13+s7+$0x0], $0xffff  }
0x1b7: {  	v16 =	vadd.f32 v58, v16  }
0x1b8: {  	v60 =	vld.idx.msk [tilespmem:v14+s7+$0x0], $0xffff  }
0x1b9: {  	v16 =	vadd.f32 v59, v16  }
0x1ba: {  	v61 =	vld.idx.msk [tilespmem:v15+s7+$0x0], $0xffff  }
0x1bb: {  	v16 =	vadd.f32 v17, v16;
	_ =	sdelay $0x1  }
0x1bc: {  	v16 =	vadd.f32 v60, v16;
	_ =	sdelay $0x1  }
0x1bd: {  	v16 =	vadd.f32 v61, v16;
	_ =	sdelay $0x1  }
0x1be: {  	v17 =	vmax.f32 v16, $1.000000000e-30  }
0x1bf: {  	v62 =	vshra.s32 v17, $0x1;
	v17 =	vmul.f32 $5.000000000e-01, v17  }
0x1c0: {  	v18 =	vsub.s32 $0x5F3759DF, v62  }
0x1c1: {  	v63 =	vmul.f32 v18, v17;
	_ =	sdelay $0x1  }
0x1c2: {  	v19 =	vmul.f32 v18, v63;
	_ =	sdelay $0x1  }
0x1c3: {  	v19 =	vsub.f32 $1.500000000e+00, v19;
	_ =	sdelay $0x1  }
0x1c4: {  	v18 =	vmul.f32 v18, v19;
	_ =	sdelay $0x1  }
0x1c5: {  	v19 =	vmul.f32 v18, v17;
	_ =	sdelay $0x1  }
0x1c6: {  	v19 =	vmul.f32 v19, v18;
	_ =	sdelay $0x1  }
0x1c7: {  	v19 =	vsub.f32 $1.500000000e+00, v19;
	_ =	sdelay $0x1  }
0x1c8: {  	v18 =	vmul.f32 v19, v18;
	_ =	sdelay $0x1  }
0x1c9: {  	v17 =	vmul.f32 v18, v17;
	_ =	sdelay $0x1  }
0x1ca: {  	v17 =	vmul.f32 v17, v18;
	_ =	sdelay $0x1  }
0x1cb: {  	v17 =	vsub.f32 $1.500000000e+00, v17  }
0x1cc: {  	p0 =	sne.s32 s9, $0x1F000  }
.Ltmp0:
0x1cd: {  	v17 =	vmul.f32 v17, v18;
	(pc) =	sbr.rel @p0 .LBB2_2-.Ltmp0, $3  }
0x1ce: {  	_ = 	snop  }
0x1cf: {  	v16 =	vmul.f32 v17, v16;
	_ =	sdelay $0x1  }
0x1d0: {  	s9 =	sadd.s32 $0x1000, s9;
	[tilespmem:s26+$0x0] =	vst v16;
	s26 =	sadd.s32 $0x10, s26  }
0x1d1: {  	s26 =	simm.s32 $0x0;
	s9 =	rddreg [dreg:$0x8]  }
0x1d2: {  	[tilespmem:s26], [sflag:$0x4] =	stream.linear.gather [hbm4b:s9+s26], $0x200, $0x38;
	[tilespmem:$0x18D00] =	vst v63  }
0x1d3: {  	_ =	swait.ge [sflag:s15], $0x200  }
0x1d4: {  	[sflag:s15] =	ssyncset.done $0x0  }
0x1d5: {  	s28 =	rddreg [dreg:$0x9];
	[sflag:s15] =	ssyncadd.s32 $0xFFFFFE00  }
0x1d6: {  	[tilespmem:s16], [sflag:$0x4] =	stream.linear.gather [hbm4b:s28+s26], $0x200, $0x38;
	[tilespmem:$0x18D00] =	vst v63  }
0x1d7: {  	_ =	swait.ge [sflag:s15], $0x200  }
0x1d8: {  	[sflag:s15] =	ssyncset.done $0x0  }
0x1d9: {  	[sflag:s15] =	ssyncadd.s32 $0xFFFFFE00  }
0x1da: {  	[tilespmem:s17], [sflag:$0x4] =	stream.linear.gather [hbm4b:s10+s26], $0x200, $0x38;
	[tilespmem:$0x18D00] =	vst v63  }
0x1db: {  	_ =	swait.ge [sflag:s15], $0x200  }
0x1dc: {  	[sflag:s15] =	ssyncset.done $0x0  }
0x1dd: {  	s28 =	simm.s32 $0x600;
	[sflag:s15] =	ssyncadd.s32 $0xFFFFFE00  }
0x1de: {  	[tilespmem:s28], [sflag:$0x1] =	stream.indirect.gather [hbm4b:s3+s18], $0x40, s26, s18, $0xb8;
	[tilespmem:$0x18D00] =	vst v63  }
0x1df: {  	s28 =	simm.s32 $0x8600  }
0x1e0: {  	[tilespmem:s28], [sflag:$0x2] =	stream.indirect.gather [hbm4b:s4+s18], $0x40, s16, s18, $0xb8;
	[tilespmem:$0x18D00] =	vst v63  }
0x1e1: {  	s28 =	simm.s32 $0x10600  }
0x1e2: {  	[tilespmem:s28], [sflag:$0x3] =	stream.indirect.gather [hbm4b:s3+s18], $0x40, s17, s18, $0xb8;
	[tilespmem:$0x18D00] =	vst v63  }
0x1e3: {  	s28 =	simm.s32 $0x2600  }
0x1e4: {  	[tilespmem:s28], [sflag:$0x1] =	stream.indirect.gather [hbm4b:s3+s18], $0x40, s18, s18, $0xb8;
	[tilespmem:$0x18D00] =	vst v63  }
0x1e5: {  	s9 =	simm.s32 $0x280;
	s28 =	simm.s32 $0xA600  }
0x1e6: {  	[tilespmem:s28], [sflag:$0x2] =	stream.indirect.gather [hbm4b:s4+s18], $0x40, s9, s18, $0xb8;
	[tilespmem:$0x18D00] =	vst v63  }
0x1e7: {  	s9 =	simm.s32 $0x480;
	s28 =	simm.s32 $0x12600  }
0x1e8: {  	[tilespmem:s28], [sflag:$0x3] =	stream.indirect.gather [hbm4b:s3+s18], $0x40, s9, s18, $0xb8;
	[tilespmem:$0x18D00] =	vst v63  }
0x1e9: {  	s28 =	simm.s32 $0x100  }
0x1ea: {  	[tilespmem:s29], [sflag:$0x1] =	stream.indirect.gather [hbm4b:s3+s18], $0x40, s28, s18, $0xb8;
	[tilespmem:$0x18D00] =	vst v63  }
0x1eb: {  	_ = 	snop  }
0x1ec: {  	[tilespmem:s31], [sflag:$0x2] =	stream.indirect.gather [hbm4b:s4+s18], $0x40, s30, s18, $0xb8;
	[tilespmem:$0x18D00] =	vst v63  }
0x1ed: {  	_ = 	snop  }
0x1ee: {  	[tilespmem:s2], [sflag:$0x3] =	stream.indirect.gather [hbm4b:s3+s18], $0x40, s0, s18, $0xb8;
	[tilespmem:$0x18D00] =	vst v63  }
0x1ef: {  	_ = 	snop  }
0x1f0: {  	[tilespmem:s20], [sflag:$0x1] =	stream.indirect.gather [hbm4b:s3+s18], $0x40, s19, s18, $0xb8;
	[tilespmem:$0x18D00] =	vst v63  }
0x1f1: {  	_ = 	snop  }
0x1f2: {  	[tilespmem:s22], [sflag:$0x2] =	stream.indirect.gather [hbm4b:s4+s18], $0x40, s21, s18, $0xb8;
	[tilespmem:$0x18D00] =	vst v63  }
0x1f3: {  	_ = 	snop  }
0x1f4: {  	[tilespmem:s5], [sflag:$0x3] =	stream.indirect.gather [hbm4b:s3+s18], $0x40, s23, s18, $0xb8;
	[tilespmem:$0x18D00] =	vst v63  }
0x1f5: {  	_ =	swait.ge [sflag:s24], $0x2000  }
0x1f6: {  	[sflag:s24] =	ssyncset.done $0x0  }
0x1f7: {  	[sflag:s24] =	ssyncadd.s32 $0xFFFFE000  }
0x1f8: {  	_ =	swait.ge [sflag:s6], $0x2000  }
0x1f9: {  	[sflag:s6] =	ssyncset.done $0x0  }
0x1fa: {  	[sflag:s6] =	ssyncadd.s32 $0xFFFFE000  }
0x1fb: {  	_ =	swait.ge [sflag:s25], $0x2000  }
0x1fc: {  	[sflag:s25] =	ssyncset.done $0x0  }
0x1fd: {  	[sflag:s25] =	ssyncadd.s32 $0xFFFFE000  }
0x1fe: {  	_ =	swait.ge [sflag:s24], $0x2000  }
0x1ff: {  	[sflag:s24] =	ssyncset.done $0x0  }
0x200: {  	[sflag:s24] =	ssyncadd.s32 $0xFFFFE000  }
0x201: {  	_ =	swait.ge [sflag:s6], $0x2000  }
0x202: {  	[sflag:s6] =	ssyncset.done $0x0  }
0x203: {  	[sflag:s6] =	ssyncadd.s32 $0xFFFFE000  }
0x204: {  	_ =	swait.ge [sflag:s25], $0x2000  }
0x205: {  	[sflag:s25] =	ssyncset.done $0x0  }
0x206: {  	[sflag:s25] =	ssyncadd.s32 $0xFFFFE000  }
0x207: {  	_ =	swait.ge [sflag:s24], $0x2000  }
0x208: {  	[sflag:s24] =	ssyncset.done $0x0  }
0x209: {  	[sflag:s24] =	ssyncadd.s32 $0xFFFFE000  }
0x20a: {  	_ =	swait.ge [sflag:s6], $0x2000  }
0x20b: {  	[sflag:s6] =	ssyncset.done $0x0  }
0x20c: {  	[sflag:s6] =	ssyncadd.s32 $0xFFFFE000  }
0x20d: {  	_ =	swait.ge [sflag:s25], $0x2000  }
0x20e: {  	[sflag:s25] =	ssyncset.done $0x0  }
0x20f: {  	[sflag:s25] =	ssyncadd.s32 $0xFFFFE000  }
0x210: {  	_ =	swait.ge [sflag:s24], $0x2000  }
0x211: {  	[sflag:s24] =	ssyncset.done $0x0  }
0x212: {  	[sflag:s24] =	ssyncadd.s32 $0xFFFFE000  }
0x213: {  	_ =	swait.ge [sflag:s6], $0x2000  }
0x214: {  	[sflag:s6] =	ssyncset.done $0x0  }
0x215: {  	[sflag:s6] =	ssyncadd.s32 $0xFFFFE000  }
0x216: {  	_ =	swait.ge [sflag:s25], $0x2000  }
0x217: {  	[sflag:s25] =	ssyncset.done $0x0  }
0x218: {  	s9 =	simm.s32 $0x18900;
	[sflag:s25] =	ssyncadd.s32 $0xFFFFE000  }
.LBB2_4:
0x219: {  	s28 =	sshra.s32 s26, $0x2  }
0x21a: {  	v16 =	vld [tilespmem:s28+$0x600]  }
0x21b: {  	v17 =	vld [tilespmem:s28+$0x8600]  }
0x21c: {  	v18 =	vld [tilespmem:s28+$0x10600]  }
0x21d: {  	v19 =	vld [tilespmem:s28+$0x610]  }
0x21e: {  	v20 =	vld [tilespmem:s28+$0x8610]  }
0x21f: {  	v21 =	vld [tilespmem:s28+$0x10610]  }
0x220: {  	v22 =	vld [tilespmem:s28+$0x620]  }
0x221: {  	v23 =	vld [tilespmem:s28+$0x8620]  }
0x222: {  	v24 =	vld [tilespmem:s28+$0x10620]  }
0x223: {  	v25 =	vld [tilespmem:s28+$0x630]  }
0x224: {  	v16 =	vadd.f32 v17, v16;
	v17 =	vld [tilespmem:s28+$0x8630]  }
0x225: {  	v19 =	vadd.f32 v20, v19  }
0x226: {  	v30 =	vld [tilespmem:s28+$0x10630];
	v31 =	vadd.f32 v23, v22  }
0x227: {  	v16 =	vsub.f32 v16, v18;
	v19 =	vsub.f32 v19, v21  }
0x228: {  	v20 =	vsub.f32 v31, v24  }
0x229: {  	v16 =	vmul.f32 v16, v16;
	v19 =	vmul.f32 v19, v19;
	v17 =	vadd.f32 v17, v25;
	_ =	sdelay $0x1  }
0x22a: {  	v32 =	vmul.f32 v20, v20;
	v16 =	vadd.f32 v19, v16;
	v17 =	vsub.f32 v17, v30;
	_ =	sdelay $0x1  }
0x22b: {  	v16 =	vadd.f32 v32, v16;
	v17 =	vmul.f32 v17, v17;
	_ =	sdelay $0x1  }
0x22c: {  	v16 =	vadd.f32 v17, v16;
	_ =	sdelay $0x1  }
0x22d: {  	[tilespmem:$0x18600] =	vst v16  }
0x22e: {  	v16 =	vld [tilespmem:s28+$0x640]  }
0x22f: {  	v17 =	vld [tilespmem:s28+$0x8640]  }
0x230: {  	v33 =	vld [tilespmem:s28+$0x10640]  }
0x231: {  	v34 =	vld [tilespmem:s28+$0x650]  }
0x232: {  	v35 =	vld [tilespmem:s28+$0x8650]  }
0x233: {  	v36 =	vld [tilespmem:s28+$0x10650]  }
0x234: {  	v37 =	vld [tilespmem:s28+$0x660]  }
0x235: {  	v38 =	vld [tilespmem:s28+$0x8660]  }
0x236: {  	v39 =	vld [tilespmem:s28+$0x10660]  }
0x237: {  	v40 =	vld [tilespmem:s28+$0x670]  }
0x238: {  	v16 =	vadd.f32 v17, v16;
	v17 =	vld [tilespmem:s28+$0x8670]  }
0x239: {  	v19 =	vadd.f32 v35, v34  }
0x23a: {  	v41 =	vld [tilespmem:s28+$0x10670];
	v42 =	vadd.f32 v38, v37  }
0x23b: {  	v16 =	vsub.f32 v16, v33;
	v19 =	vsub.f32 v19, v36  }
0x23c: {  	v20 =	vsub.f32 v42, v39  }
0x23d: {  	v16 =	vmul.f32 v16, v16;
	v19 =	vmul.f32 v19, v19;
	v17 =	vadd.f32 v17, v40;
	_ =	sdelay $0x1  }
0x23e: {  	v43 =	vmul.f32 v20, v20;
	v16 =	vadd.f32 v19, v16;
	v17 =	vsub.f32 v17, v41;
	_ =	sdelay $0x1  }
0x23f: {  	v16 =	vadd.f32 v43, v16;
	v17 =	vmul.f32 v17, v17;
	_ =	sdelay $0x1  }
0x240: {  	v16 =	vadd.f32 v17, v16;
	_ =	sdelay $0x1  }
0x241: {  	[tilespmem:$0x18610] =	vst v16  }
0x242: {  	v16 =	vld [tilespmem:s28+$0x680]  }
0x243: {  	v17 =	vld [tilespmem:s28+$0x8680]  }
0x244: {  	v44 =	vld [tilespmem:s28+$0x10680]  }
0x245: {  	v45 =	vld [tilespmem:s28+$0x690]  }
0x246: {  	v46 =	vld [tilespmem:s28+$0x8690]  }
0x247: {  	v47 =	vld [tilespmem:s28+$0x10690]  }
0x248: {  	v48 =	vld [tilespmem:s28+$0x6A0]  }
0x249: {  	v49 =	vld [tilespmem:s28+$0x86A0]  }
0x24a: {  	v50 =	vld [tilespmem:s28+$0x106A0]  }
0x24b: {  	v51 =	vld [tilespmem:s28+$0x6B0]  }
0x24c: {  	v16 =	vadd.f32 v17, v16;
	v17 =	vld [tilespmem:s28+$0x86B0]  }
0x24d: {  	v19 =	vadd.f32 v46, v45  }
0x24e: {  	v52 =	vld [tilespmem:s28+$0x106B0];
	v53 =	vadd.f32 v49, v48  }
0x24f: {  	v16 =	vsub.f32 v16, v44;
	v19 =	vsub.f32 v19, v47  }
0x250: {  	v20 =	vsub.f32 v53, v50  }
0x251: {  	v16 =	vmul.f32 v16, v16;
	v19 =	vmul.f32 v19, v19;
	v17 =	vadd.f32 v17, v51;
	_ =	sdelay $0x1  }
0x252: {  	v54 =	vmul.f32 v20, v20;
	v16 =	vadd.f32 v19, v16;
	v17 =	vsub.f32 v17, v52;
	_ =	sdelay $0x1  }
0x253: {  	v16 =	vadd.f32 v54, v16;
	v17 =	vmul.f32 v17, v17;
	_ =	sdelay $0x1  }
0x254: {  	v16 =	vadd.f32 v17, v16;
	_ =	sdelay $0x1  }
0x255: {  	[tilespmem:$0x18620] =	vst v16  }
0x256: {  	v16 =	vld [tilespmem:s28+$0x6C0]  }
0x257: {  	v17 =	vld [tilespmem:s28+$0x86C0]  }
0x258: {  	v55 =	vld [tilespmem:s28+$0x106C0]  }
0x259: {  	v56 =	vld [tilespmem:s28+$0x6D0]  }
0x25a: {  	v57 =	vld [tilespmem:s28+$0x86D0]  }
0x25b: {  	v58 =	vld [tilespmem:s28+$0x106D0]  }
0x25c: {  	v59 =	vld [tilespmem:s28+$0x6E0]  }
0x25d: {  	v60 =	vld [tilespmem:s28+$0x86E0]  }
0x25e: {  	v61 =	vld [tilespmem:s28+$0x106E0]  }
0x25f: {  	v62 =	vld [tilespmem:s28+$0x6F0]  }
0x260: {  	v16 =	vadd.f32 v17, v16;
	v17 =	vld [tilespmem:s28+$0x86F0]  }
0x261: {  	v19 =	vadd.f32 v57, v56  }
0x262: {  	v63 =	vld [tilespmem:s28+$0x106F0];
	v26 =	vadd.f32 v60, v59  }
0x263: {  	v16 =	vsub.f32 v16, v55;
	v19 =	vsub.f32 v19, v58  }
0x264: {  	v20 =	vsub.f32 v26, v61  }
0x265: {  	v16 =	vmul.f32 v16, v16;
	v19 =	vmul.f32 v19, v19;
	v17 =	vadd.f32 v17, v62;
	_ =	sdelay $0x1  }
0x266: {  	v27 =	vmul.f32 v20, v20;
	v16 =	vadd.f32 v19, v16;
	v17 =	vsub.f32 v17, v63;
	_ =	sdelay $0x1  }
0x267: {  	v16 =	vadd.f32 v27, v16;
	v17 =	vmul.f32 v17, v17;
	_ =	sdelay $0x1  }
0x268: {  	v16 =	vadd.f32 v17, v16;
	_ =	sdelay $0x1  }
0x269: {  	[tilespmem:$0x18630] =	vst v16  }
0x26a: {  	v16 =	vld [tilespmem:s28+$0x700]  }
0x26b: {  	v17 =	vld [tilespmem:s28+$0x8700]  }
0x26c: {  	v28 =	vld [tilespmem:s28+$0x10700]  }
0x26d: {  	v29 =	vld [tilespmem:s28+$0x710]  }
0x26e: {  	v30 =	vld [tilespmem:s28+$0x8710]  }
0x26f: {  	v31 =	vld [tilespmem:s28+$0x10710]  }
0x270: {  	v32 =	vld [tilespmem:s28+$0x720]  }
0x271: {  	v33 =	vld [tilespmem:s28+$0x8720]  }
0x272: {  	v34 =	vld [tilespmem:s28+$0x10720]  }
0x273: {  	v35 =	vld [tilespmem:s28+$0x730]  }
0x274: {  	v16 =	vadd.f32 v17, v16;
	v17 =	vld [tilespmem:s28+$0x8730]  }
0x275: {  	v19 =	vadd.f32 v30, v29  }
0x276: {  	v36 =	vld [tilespmem:s28+$0x10730];
	v37 =	vadd.f32 v33, v32  }
0x277: {  	v16 =	vsub.f32 v16, v28;
	v19 =	vsub.f32 v19, v31  }
0x278: {  	v20 =	vsub.f32 v37, v34  }
0x279: {  	v16 =	vmul.f32 v16, v16;
	v19 =	vmul.f32 v19, v19;
	v17 =	vadd.f32 v17, v35;
	_ =	sdelay $0x1  }
0x27a: {  	v38 =	vmul.f32 v20, v20;
	v16 =	vadd.f32 v19, v16;
	v17 =	vsub.f32 v17, v36;
	_ =	sdelay $0x1  }
0x27b: {  	v16 =	vadd.f32 v38, v16;
	v17 =	vmul.f32 v17, v17;
	_ =	sdelay $0x1  }
0x27c: {  	v16 =	vadd.f32 v17, v16;
	_ =	sdelay $0x1  }
0x27d: {  	[tilespmem:$0x18640] =	vst v16  }
0x27e: {  	v16 =	vld [tilespmem:s28+$0x740]  }
0x27f: {  	v17 =	vld [tilespmem:s28+$0x8740]  }
0x280: {  	v39 =	vld [tilespmem:s28+$0x10740]  }
0x281: {  	v40 =	vld [tilespmem:s28+$0x750]  }
0x282: {  	v41 =	vld [tilespmem:s28+$0x8750]  }
0x283: {  	v42 =	vld [tilespmem:s28+$0x10750]  }
0x284: {  	v43 =	vld [tilespmem:s28+$0x760]  }
0x285: {  	v44 =	vld [tilespmem:s28+$0x8760]  }
0x286: {  	v45 =	vld [tilespmem:s28+$0x10760]  }
0x287: {  	v46 =	vld [tilespmem:s28+$0x770]  }
0x288: {  	v16 =	vadd.f32 v17, v16;
	v17 =	vld [tilespmem:s28+$0x8770]  }
0x289: {  	v19 =	vadd.f32 v41, v40  }
0x28a: {  	v47 =	vld [tilespmem:s28+$0x10770];
	v48 =	vadd.f32 v44, v43  }
0x28b: {  	v16 =	vsub.f32 v16, v39;
	v19 =	vsub.f32 v19, v42  }
0x28c: {  	v20 =	vsub.f32 v48, v45  }
0x28d: {  	v16 =	vmul.f32 v16, v16;
	v19 =	vmul.f32 v19, v19;
	v17 =	vadd.f32 v17, v46;
	_ =	sdelay $0x1  }
0x28e: {  	v49 =	vmul.f32 v20, v20;
	v16 =	vadd.f32 v19, v16;
	v17 =	vsub.f32 v17, v47;
	_ =	sdelay $0x1  }
0x28f: {  	v16 =	vadd.f32 v49, v16;
	v17 =	vmul.f32 v17, v17;
	_ =	sdelay $0x1  }
0x290: {  	v16 =	vadd.f32 v17, v16;
	_ =	sdelay $0x1  }
0x291: {  	[tilespmem:$0x18650] =	vst v16  }
0x292: {  	v16 =	vld [tilespmem:s28+$0x780]  }
0x293: {  	v17 =	vld [tilespmem:s28+$0x8780]  }
0x294: {  	v50 =	vld [tilespmem:s28+$0x10780]  }
0x295: {  	v51 =	vld [tilespmem:s28+$0x790]  }
0x296: {  	v52 =	vld [tilespmem:s28+$0x8790]  }
0x297: {  	v53 =	vld [tilespmem:s28+$0x10790]  }
0x298: {  	v54 =	vld [tilespmem:s28+$0x7A0]  }
0x299: {  	v55 =	vld [tilespmem:s28+$0x87A0]  }
0x29a: {  	v56 =	vld [tilespmem:s28+$0x107A0]  }
0x29b: {  	v57 =	vld [tilespmem:s28+$0x7B0]  }
0x29c: {  	v16 =	vadd.f32 v17, v16;
	v17 =	vld [tilespmem:s28+$0x87B0]  }
0x29d: {  	v19 =	vadd.f32 v52, v51  }
0x29e: {  	v58 =	vld [tilespmem:s28+$0x107B0];
	v59 =	vadd.f32 v55, v54  }
0x29f: {  	v16 =	vsub.f32 v16, v50;
	v19 =	vsub.f32 v19, v53  }
0x2a0: {  	v20 =	vsub.f32 v59, v56  }
0x2a1: {  	v16 =	vmul.f32 v16, v16;
	v19 =	vmul.f32 v19, v19;
	v17 =	vadd.f32 v17, v57;
	_ =	sdelay $0x1  }
0x2a2: {  	v60 =	vmul.f32 v20, v20;
	v16 =	vadd.f32 v19, v16;
	v17 =	vsub.f32 v17, v58;
	_ =	sdelay $0x1  }
0x2a3: {  	v16 =	vadd.f32 v60, v16;
	v17 =	vmul.f32 v17, v17;
	_ =	sdelay $0x1  }
0x2a4: {  	v16 =	vadd.f32 v17, v16;
	_ =	sdelay $0x1  }
0x2a5: {  	[tilespmem:$0x18660] =	vst v16  }
0x2a6: {  	v16 =	vld [tilespmem:s28+$0x7C0]  }
0x2a7: {  	v17 =	vld [tilespmem:s28+$0x87C0]  }
0x2a8: {  	v61 =	vld [tilespmem:s28+$0x107C0]  }
0x2a9: {  	v62 =	vld [tilespmem:s28+$0x7D0]  }
0x2aa: {  	v63 =	vld [tilespmem:s28+$0x87D0]  }
0x2ab: {  	v28 =	vld [tilespmem:s28+$0x107D0]  }
0x2ac: {  	v29 =	vld [tilespmem:s28+$0x7E0]  }
0x2ad: {  	v30 =	vld [tilespmem:s28+$0x87E0]  }
0x2ae: {  	v31 =	vld [tilespmem:s28+$0x107E0]  }
0x2af: {  	v32 =	vld [tilespmem:s28+$0x7F0]  }
0x2b0: {  	v16 =	vadd.f32 v17, v16;
	v17 =	vld [tilespmem:s28+$0x87F0]  }
0x2b1: {  	v19 =	vadd.f32 v63, v62  }
0x2b2: {  	v33 =	vld [tilespmem:s28+$0x107F0];
	v34 =	vadd.f32 v30, v29  }
0x2b3: {  	v16 =	vsub.f32 v16, v61;
	v19 =	vsub.f32 v19, v28  }
0x2b4: {  	v20 =	vsub.f32 v34, v31  }
0x2b5: {  	v16 =	vmul.f32 v16, v16;
	v19 =	vmul.f32 v19, v19;
	v17 =	vadd.f32 v17, v32;
	_ =	sdelay $0x1  }
0x2b6: {  	v35 =	vmul.f32 v20, v20;
	v16 =	vadd.f32 v19, v16;
	v17 =	vsub.f32 v17, v33;
	_ =	sdelay $0x1  }
0x2b7: {  	v16 =	vadd.f32 v35, v16;
	v17 =	vmul.f32 v17, v17;
	_ =	sdelay $0x1  }
0x2b8: {  	v16 =	vadd.f32 v17, v16;
	_ =	sdelay $0x1  }
0x2b9: {  	[tilespmem:$0x18670] =	vst v16  }
0x2ba: {  	v16 =	vld [tilespmem:s28+$0x800]  }
0x2bb: {  	v17 =	vld [tilespmem:s28+$0x8800]  }
0x2bc: {  	v36 =	vld [tilespmem:s28+$0x10800]  }
0x2bd: {  	v37 =	vld [tilespmem:s28+$0x810]  }
0x2be: {  	v38 =	vld [tilespmem:s28+$0x8810]  }
0x2bf: {  	v39 =	vld [tilespmem:s28+$0x10810]  }
0x2c0: {  	v40 =	vld [tilespmem:s28+$0x820]  }
0x2c1: {  	v41 =	vld [tilespmem:s28+$0x8820]  }
0x2c2: {  	v42 =	vld [tilespmem:s28+$0x10820]  }
0x2c3: {  	v43 =	vld [tilespmem:s28+$0x830]  }
0x2c4: {  	v16 =	vadd.f32 v17, v16;
	v17 =	vld [tilespmem:s28+$0x8830]  }
0x2c5: {  	v19 =	vadd.f32 v38, v37  }
0x2c6: {  	v44 =	vld [tilespmem:s28+$0x10830];
	v45 =	vadd.f32 v41, v40  }
0x2c7: {  	v16 =	vsub.f32 v16, v36;
	v19 =	vsub.f32 v19, v39  }
0x2c8: {  	v20 =	vsub.f32 v45, v42  }
0x2c9: {  	v16 =	vmul.f32 v16, v16;
	v19 =	vmul.f32 v19, v19;
	v17 =	vadd.f32 v17, v43;
	_ =	sdelay $0x1  }
0x2ca: {  	v46 =	vmul.f32 v20, v20;
	v16 =	vadd.f32 v19, v16;
	v17 =	vsub.f32 v17, v44;
	_ =	sdelay $0x1  }
0x2cb: {  	v16 =	vadd.f32 v46, v16;
	v17 =	vmul.f32 v17, v17;
	_ =	sdelay $0x1  }
0x2cc: {  	v16 =	vadd.f32 v17, v16;
	_ =	sdelay $0x1  }
0x2cd: {  	[tilespmem:$0x18680] =	vst v16  }
0x2ce: {  	v16 =	vld [tilespmem:s28+$0x840]  }
0x2cf: {  	v17 =	vld [tilespmem:s28+$0x8840]  }
0x2d0: {  	v47 =	vld [tilespmem:s28+$0x10840]  }
0x2d1: {  	v48 =	vld [tilespmem:s28+$0x850]  }
0x2d2: {  	v49 =	vld [tilespmem:s28+$0x8850]  }
0x2d3: {  	v50 =	vld [tilespmem:s28+$0x10850]  }
0x2d4: {  	v51 =	vld [tilespmem:s28+$0x860]  }
0x2d5: {  	v52 =	vld [tilespmem:s28+$0x8860]  }
0x2d6: {  	v53 =	vld [tilespmem:s28+$0x10860]  }
0x2d7: {  	v54 =	vld [tilespmem:s28+$0x870]  }
0x2d8: {  	v16 =	vadd.f32 v17, v16;
	v17 =	vld [tilespmem:s28+$0x8870]  }
0x2d9: {  	v19 =	vadd.f32 v49, v48  }
0x2da: {  	v55 =	vld [tilespmem:s28+$0x10870];
	v56 =	vadd.f32 v52, v51  }
0x2db: {  	v16 =	vsub.f32 v16, v47;
	v19 =	vsub.f32 v19, v50  }
0x2dc: {  	v20 =	vsub.f32 v56, v53  }
0x2dd: {  	v16 =	vmul.f32 v16, v16;
	v19 =	vmul.f32 v19, v19;
	v17 =	vadd.f32 v17, v54;
	_ =	sdelay $0x1  }
0x2de: {  	v57 =	vmul.f32 v20, v20;
	v16 =	vadd.f32 v19, v16;
	v17 =	vsub.f32 v17, v55;
	_ =	sdelay $0x1  }
0x2df: {  	v16 =	vadd.f32 v57, v16;
	v17 =	vmul.f32 v17, v17;
	_ =	sdelay $0x1  }
0x2e0: {  	v16 =	vadd.f32 v17, v16;
	_ =	sdelay $0x1  }
0x2e1: {  	[tilespmem:$0x18690] =	vst v16  }
0x2e2: {  	v16 =	vld [tilespmem:s28+$0x880]  }
0x2e3: {  	v17 =	vld [tilespmem:s28+$0x8880]  }
0x2e4: {  	v58 =	vld [tilespmem:s28+$0x10880]  }
0x2e5: {  	v59 =	vld [tilespmem:s28+$0x890]  }
0x2e6: {  	v60 =	vld [tilespmem:s28+$0x8890]  }
0x2e7: {  	v61 =	vld [tilespmem:s28+$0x10890]  }
0x2e8: {  	v62 =	vld [tilespmem:s28+$0x8A0]  }
0x2e9: {  	v63 =	vld [tilespmem:s28+$0x88A0]  }
0x2ea: {  	v28 =	vld [tilespmem:s28+$0x108A0]  }
0x2eb: {  	v29 =	vld [tilespmem:s28+$0x8B0]  }
0x2ec: {  	v16 =	vadd.f32 v17, v16;
	v17 =	vld [tilespmem:s28+$0x88B0]  }
0x2ed: {  	v19 =	vadd.f32 v60, v59  }
0x2ee: {  	v30 =	vld [tilespmem:s28+$0x108B0];
	v31 =	vadd.f32 v63, v62  }
0x2ef: {  	v16 =	vsub.f32 v16, v58;
	v19 =	vsub.f32 v19, v61  }
0x2f0: {  	v20 =	vsub.f32 v31, v28  }
0x2f1: {  	v16 =	vmul.f32 v16, v16;
	v19 =	vmul.f32 v19, v19;
	v17 =	vadd.f32 v17, v29;
	_ =	sdelay $0x1  }
0x2f2: {  	v32 =	vmul.f32 v20, v20;
	v16 =	vadd.f32 v19, v16;
	v17 =	vsub.f32 v17, v30;
	_ =	sdelay $0x1  }
0x2f3: {  	v16 =	vadd.f32 v32, v16;
	v17 =	vmul.f32 v17, v17;
	_ =	sdelay $0x1  }
0x2f4: {  	v16 =	vadd.f32 v17, v16;
	_ =	sdelay $0x1  }
0x2f5: {  	[tilespmem:$0x186A0] =	vst v16  }
0x2f6: {  	v16 =	vld [tilespmem:s28+$0x8C0]  }
0x2f7: {  	v17 =	vld [tilespmem:s28+$0x88C0]  }
0x2f8: {  	v33 =	vld [tilespmem:s28+$0x108C0]  }
0x2f9: {  	v34 =	vld [tilespmem:s28+$0x8D0]  }
0x2fa: {  	v35 =	vld [tilespmem:s28+$0x88D0]  }
0x2fb: {  	v36 =	vld [tilespmem:s28+$0x108D0]  }
0x2fc: {  	v37 =	vld [tilespmem:s28+$0x8E0]  }
0x2fd: {  	v38 =	vld [tilespmem:s28+$0x88E0]  }
0x2fe: {  	v39 =	vld [tilespmem:s28+$0x108E0]  }
0x2ff: {  	v40 =	vld [tilespmem:s28+$0x8F0]  }
0x300: {  	v16 =	vadd.f32 v17, v16;
	v17 =	vld [tilespmem:s28+$0x88F0]  }
0x301: {  	v19 =	vadd.f32 v35, v34  }
0x302: {  	v41 =	vld [tilespmem:s28+$0x108F0];
	v42 =	vadd.f32 v38, v37  }
0x303: {  	v16 =	vsub.f32 v16, v33;
	v19 =	vsub.f32 v19, v36  }
0x304: {  	v20 =	vsub.f32 v42, v39  }
0x305: {  	v16 =	vmul.f32 v16, v16;
	v19 =	vmul.f32 v19, v19;
	v17 =	vadd.f32 v17, v40;
	_ =	sdelay $0x1  }
0x306: {  	v43 =	vmul.f32 v20, v20;
	v16 =	vadd.f32 v19, v16;
	v17 =	vsub.f32 v17, v41;
	_ =	sdelay $0x1  }
0x307: {  	v16 =	vadd.f32 v43, v16;
	v17 =	vmul.f32 v17, v17;
	_ =	sdelay $0x1  }
0x308: {  	v16 =	vadd.f32 v17, v16;
	_ =	sdelay $0x1  }
0x309: {  	[tilespmem:$0x186B0] =	vst v16  }
0x30a: {  	v16 =	vld [tilespmem:s28+$0x900]  }
0x30b: {  	v17 =	vld [tilespmem:s28+$0x8900]  }
0x30c: {  	v44 =	vld [tilespmem:s28+$0x10900]  }
0x30d: {  	v45 =	vld [tilespmem:s28+$0x910]  }
0x30e: {  	v46 =	vld [tilespmem:s28+$0x8910]  }
0x30f: {  	v47 =	vld [tilespmem:s28+$0x10910]  }
0x310: {  	v48 =	vld [tilespmem:s28+$0x920]  }
0x311: {  	v49 =	vld [tilespmem:s28+$0x8920]  }
0x312: {  	v50 =	vld [tilespmem:s28+$0x10920]  }
0x313: {  	v51 =	vld [tilespmem:s28+$0x930]  }
0x314: {  	v16 =	vadd.f32 v17, v16;
	v17 =	vld [tilespmem:s28+$0x8930]  }
0x315: {  	v19 =	vadd.f32 v46, v45  }
0x316: {  	v52 =	vld [tilespmem:s28+$0x10930];
	v53 =	vadd.f32 v49, v48  }
0x317: {  	v16 =	vsub.f32 v16, v44;
	v19 =	vsub.f32 v19, v47  }
0x318: {  	v20 =	vsub.f32 v53, v50  }
0x319: {  	v16 =	vmul.f32 v16, v16;
	v19 =	vmul.f32 v19, v19;
	v17 =	vadd.f32 v17, v51;
	_ =	sdelay $0x1  }
0x31a: {  	v54 =	vmul.f32 v20, v20;
	v16 =	vadd.f32 v19, v16;
	v17 =	vsub.f32 v17, v52;
	_ =	sdelay $0x1  }
0x31b: {  	v16 =	vadd.f32 v54, v16;
	v17 =	vmul.f32 v17, v17;
	_ =	sdelay $0x1  }
0x31c: {  	v16 =	vadd.f32 v17, v16;
	_ =	sdelay $0x1  }
0x31d: {  	[tilespmem:$0x186C0] =	vst v16  }
0x31e: {  	v16 =	vld [tilespmem:s28+$0x940]  }
0x31f: {  	v17 =	vld [tilespmem:s28+$0x8940]  }
0x320: {  	v55 =	vld [tilespmem:s28+$0x10940]  }
0x321: {  	v56 =	vld [tilespmem:s28+$0x950]  }
0x322: {  	v57 =	vld [tilespmem:s28+$0x8950]  }
0x323: {  	v58 =	vld [tilespmem:s28+$0x10950]  }
0x324: {  	v59 =	vld [tilespmem:s28+$0x960]  }
0x325: {  	v60 =	vld [tilespmem:s28+$0x8960]  }
0x326: {  	v61 =	vld [tilespmem:s28+$0x10960]  }
0x327: {  	v62 =	vld [tilespmem:s28+$0x970]  }
0x328: {  	v16 =	vadd.f32 v17, v16;
	v17 =	vld [tilespmem:s28+$0x8970]  }
0x329: {  	v19 =	vadd.f32 v57, v56  }
0x32a: {  	v63 =	vld [tilespmem:s28+$0x10970];
	v26 =	vadd.f32 v60, v59  }
0x32b: {  	v16 =	vsub.f32 v16, v55;
	v19 =	vsub.f32 v19, v58  }
0x32c: {  	v20 =	vsub.f32 v26, v61  }
0x32d: {  	v16 =	vmul.f32 v16, v16;
	v19 =	vmul.f32 v19, v19;
	v17 =	vadd.f32 v17, v62;
	_ =	sdelay $0x1  }
0x32e: {  	v27 =	vmul.f32 v20, v20;
	v16 =	vadd.f32 v19, v16;
	v17 =	vsub.f32 v17, v63;
	_ =	sdelay $0x1  }
0x32f: {  	v16 =	vadd.f32 v27, v16;
	v17 =	vmul.f32 v17, v17;
	_ =	sdelay $0x1  }
0x330: {  	v16 =	vadd.f32 v17, v16;
	_ =	sdelay $0x1  }
0x331: {  	[tilespmem:$0x186D0] =	vst v16  }
0x332: {  	v16 =	vld [tilespmem:s28+$0x980]  }
0x333: {  	v17 =	vld [tilespmem:s28+$0x8980]  }
0x334: {  	v28 =	vld [tilespmem:s28+$0x10980]  }
0x335: {  	v29 =	vld [tilespmem:s28+$0x990]  }
0x336: {  	v30 =	vld [tilespmem:s28+$0x8990]  }
0x337: {  	v31 =	vld [tilespmem:s28+$0x10990]  }
0x338: {  	v32 =	vld [tilespmem:s28+$0x9A0]  }
0x339: {  	v33 =	vld [tilespmem:s28+$0x89A0]  }
0x33a: {  	v34 =	vld [tilespmem:s28+$0x109A0]  }
0x33b: {  	v35 =	vld [tilespmem:s28+$0x9B0]  }
0x33c: {  	v16 =	vadd.f32 v17, v16;
	v17 =	vld [tilespmem:s28+$0x89B0]  }
0x33d: {  	v19 =	vadd.f32 v30, v29  }
0x33e: {  	v36 =	vld [tilespmem:s28+$0x109B0];
	v37 =	vadd.f32 v33, v32  }
0x33f: {  	v16 =	vsub.f32 v16, v28;
	v19 =	vsub.f32 v19, v31  }
0x340: {  	v20 =	vsub.f32 v37, v34  }
0x341: {  	v16 =	vmul.f32 v16, v16;
	v19 =	vmul.f32 v19, v19;
	v17 =	vadd.f32 v17, v35;
	_ =	sdelay $0x1  }
0x342: {  	v38 =	vmul.f32 v20, v20;
	v16 =	vadd.f32 v19, v16;
	v17 =	vsub.f32 v17, v36;
	_ =	sdelay $0x1  }
0x343: {  	v16 =	vadd.f32 v38, v16;
	v17 =	vmul.f32 v17, v17;
	_ =	sdelay $0x1  }
0x344: {  	v16 =	vadd.f32 v17, v16;
	_ =	sdelay $0x1  }
0x345: {  	[tilespmem:$0x186E0] =	vst v16  }
0x346: {  	v16 =	vld [tilespmem:s28+$0x9C0]  }
0x347: {  	v17 =	vld [tilespmem:s28+$0x89C0]  }
0x348: {  	v39 =	vld [tilespmem:s28+$0x109C0]  }
0x349: {  	v40 =	vld [tilespmem:s28+$0x9D0]  }
0x34a: {  	v41 =	vld [tilespmem:s28+$0x89D0]  }
0x34b: {  	v42 =	vld [tilespmem:s28+$0x109D0]  }
0x34c: {  	v43 =	vld [tilespmem:s28+$0x9E0]  }
0x34d: {  	v44 =	vld [tilespmem:s28+$0x89E0]  }
0x34e: {  	v46 =	vld [tilespmem:s28+$0x9F0]  }
0x34f: {  	v26 =	vld [tilespmem:s28+$0x89F0]  }
0x350: {  	v45 =	vld [tilespmem:s28+$0x109E0]  }
0x351: {  	v16 =	vadd.f32 v17, v16;
	v17 =	vadd.f32 v41, v40  }
0x352: {  	v48 =	vld [tilespmem:s28+$0x109F0];
	v47 =	vadd.f32 v44, v43  }
0x353: {  	v16 =	vsub.f32 v16, v39;
	v17 =	vsub.f32 v17, v42  }
0x354: {  	v50 =	vadd.f32 v26, v46  }
0x355: {  	v49 =	vsub.f32 v47, v45;
	v16 =	vmul.f32 v16, v16;
	v17 =	vmul.f32 v17, v17;
	_ =	sdelay $0x1  }
0x356: {  	v51 =	vsub.f32 v50, v48;
	v16 =	vadd.f32 v17, v16;
	v17 =	vmul.f32 v49, v49;
	_ =	sdelay $0x1  }
0x357: {  	v16 =	vadd.f32 v17, v16;
	v17 =	vmul.f32 v51, v51;
	_ =	sdelay $0x1  }
0x358: {  	v16 =	vadd.f32 v17, v16;
	_ =	sdelay $0x1  }
0x359: {  	[tilespmem:$0x186F0] =	vst v16  }
0x35a: {  	v16 =	vld.idx.msk [tilespmem:v0+s7+$0x0], $0xffff  }
0x35b: {  	v17 =	vld.idx.msk [tilespmem:v1+s7+$0x0], $0xffff;
	_ =	sdelay $0x1  }
0x35c: {  	v52 =	vld.idx.msk [tilespmem:v2+s7+$0x0], $0xffff;
	_ =	sdelay $0x1  }
0x35d: {  	v53 =	vld.idx.msk [tilespmem:v3+s7+$0x0], $0xffff  }
0x35e: {  	v16 =	vadd.f32 v17, v16  }
0x35f: {  	v17 =	vld.idx.msk [tilespmem:v4+s7+$0x0], $0xffff  }
0x360: {  	v16 =	vadd.f32 v52, v16  }
0x361: {  	v54 =	vld.idx.msk [tilespmem:v5+s7+$0x0], $0xffff  }
0x362: {  	v16 =	vadd.f32 v53, v16  }
0x363: {  	v55 =	vld.idx.msk [tilespmem:v6+s7+$0x0], $0xffff  }
0x364: {  	v16 =	vadd.f32 v17, v16  }
0x365: {  	v17 =	vld.idx.msk [tilespmem:v7+s7+$0x0], $0xffff  }
0x366: {  	v16 =	vadd.f32 v54, v16  }
0x367: {  	v56 =	vld.idx.msk [tilespmem:v8+s7+$0x0], $0xffff  }
0x368: {  	v16 =	vadd.f32 v55, v16  }
0x369: {  	v57 =	vld.idx.msk [tilespmem:v9+s7+$0x0], $0xffff  }
0x36a: {  	v16 =	vadd.f32 v17, v16  }
0x36b: {  	v17 =	vld.idx.msk [tilespmem:v10+s7+$0x0], $0xffff  }
0x36c: {  	v16 =	vadd.f32 v56, v16  }
0x36d: {  	v58 =	vld.idx.msk [tilespmem:v11+s7+$0x0], $0xffff  }
0x36e: {  	v16 =	vadd.f32 v57, v16  }
0x36f: {  	v59 =	vld.idx.msk [tilespmem:v12+s7+$0x0], $0xffff  }
0x370: {  	v16 =	vadd.f32 v17, v16  }
0x371: {  	v17 =	vld.idx.msk [tilespmem:v13+s7+$0x0], $0xffff  }
0x372: {  	v16 =	vadd.f32 v58, v16  }
0x373: {  	v60 =	vld.idx.msk [tilespmem:v14+s7+$0x0], $0xffff  }
0x374: {  	v16 =	vadd.f32 v59, v16  }
0x375: {  	v61 =	vld.idx.msk [tilespmem:v15+s7+$0x0], $0xffff  }
0x376: {  	v16 =	vadd.f32 v17, v16;
	_ =	sdelay $0x1  }
0x377: {  	v16 =	vadd.f32 v60, v16;
	_ =	sdelay $0x1  }
0x378: {  	v16 =	vadd.f32 v61, v16;
	_ =	sdelay $0x1  }
0x379: {  	v17 =	vmax.f32 v16, $1.000000000e-30  }
0x37a: {  	v62 =	vshra.s32 v17, $0x1;
	v17 =	vmul.f32 $5.000000000e-01, v17  }
0x37b: {  	v18 =	vsub.s32 $0x5F3759DF, v62  }
0x37c: {  	v63 =	vmul.f32 v18, v17;
	_ =	sdelay $0x1  }
0x37d: {  	v19 =	vmul.f32 v18, v63;
	_ =	sdelay $0x1  }
0x37e: {  	v19 =	vsub.f32 $1.500000000e+00, v19;
	_ =	sdelay $0x1  }
0x37f: {  	v18 =	vmul.f32 v18, v19;
	_ =	sdelay $0x1  }
0x380: {  	v19 =	vmul.f32 v18, v17;
	_ =	sdelay $0x1  }
0x381: {  	v19 =	vmul.f32 v19, v18;
	_ =	sdelay $0x1  }
0x382: {  	v19 =	vsub.f32 $1.500000000e+00, v19;
	_ =	sdelay $0x1  }
0x383: {  	v18 =	vmul.f32 v19, v18;
	_ =	sdelay $0x1  }
0x384: {  	v17 =	vmul.f32 v18, v17;
	_ =	sdelay $0x1  }
0x385: {  	v17 =	vmul.f32 v17, v18;
	_ =	sdelay $0x1  }
0x386: {  	v17 =	vsub.f32 $1.500000000e+00, v17  }
0x387: {  	p0 =	sne.s32 s26, $0x1F000  }
.Ltmp1:
0x388: {  	v17 =	vmul.f32 v17, v18;
	(pc) =	sbr.rel @p0 .LBB2_4-.Ltmp1, $3  }
0x389: {  	_ = 	snop  }
0x38a: {  	v16 =	vmul.f32 v17, v16;
	_ =	sdelay $0x1  }
0x38b: {  	s26 =	sadd.s32 $0x1000, s26;
	[tilespmem:s9+$0x0] =	vst v16;
	s9 =	sadd.s32 $0x10, s9  }
0x38c: {  	s9 =	simm.s32 $0x0  }
0x38d: {  	v16 =	vld [tilespmem:s9+$0x18700]  }
0x38e: {  	v17 =	vld [tilespmem:s9+$0x18900];
	_ =	sdelay $0x4  }
0x38f: {  	s26 =	simm.s32 $0x10;
	v16 =	vsub.f32 v16, v17  }
0x390: {  	v17 =	vld [tilespmem:s26+$0x18900]  }
0x391: {  	v18 =	vadd.f32 $1.000000000e+00, v16;
	v16 =	vld [tilespmem:s26+$0x18700];
	_ =	sdelay $0x2  }
0x392: {  	s28 =	simm.s32 $0x80;
	v18 =	vmax.f32 v18, $0.0e+00  }
.LBB2_6:
0x393: {  	[tilespmem:s9+$0x18B00] =	vst v18;
	s9 =	smov.u32 s26;
	s26 =	sshra.s32 s28, $0x2;
	p0 =	sne.s32 s28, $0x7C0  }
.Ltmp2:
0x394: {  	s28 =	sadd.s32 $0x40, s28;
	v18 =	vsub.f32 v16, v17;
	v16 =	vld [tilespmem:s26+$0x18700];
	(pc) =	sbr.rel @p0 .LBB2_6-.Ltmp2, $3  }
0x395: {  	v17 =	vld [tilespmem:s26+$0x18900]  }
0x396: {  	v18 =	vadd.f32 $1.000000000e+00, v18;
	_ =	sdelay $0x1  }
0x397: {  	v18 =	vmax.f32 v18, $0.0e+00  }
0x398: {  	_ = 	snop  }
0x399: {  	v16 =	vsub.f32 v16, v17;
	_ =	sdelay $0x1  }
0x39a: {  	v16 =	vadd.f32 $1.000000000e+00, v16;
	_ =	sdelay $0x1  }
0x39b: {  	[tilespmem:s9+$0x18B00] =	vst v18;
	v16 =	vmax.f32 v16, $0.0e+00  }
0x39c: {  	s28 =	simm.s32 $0x18B00;
	[tilespmem:s26+$0x18B00] =	vst v16  }
0x39d: {  	[hbm4b:s11+s1] =	stream.linear.scatter [tilespmem:s28], [sflag:$0x4], $0x200, $0x38;
	[tilespmem:$0x18D00] =	vst v63  }
0x39e: {  	_ =	swait.ge [sflag:s15], $0x200  }
0x39f: {  	[sflag:s15] =	ssyncset.done $0x0  }
0x3a0: {  	s26 =	simm.s32 $0x18700;
	[sflag:s15] =	ssyncadd.s32 $0xFFFFFE00  }
0x3a1: {  	[hbm4b:s12+s1] =	stream.linear.scatter [tilespmem:s26], [sflag:$0x4], $0x200, $0x38;
	[tilespmem:$0x18D00] =	vst v63  }
0x3a2: {  	s8 =	sadd.s32 $0x1, s8;
	_ =	swait.ge [sflag:s15], $0x200  }
0x3a3: {  	p0 =	sne.s32 s8, s14;
	[sflag:s15] =	ssyncset.done $0x0  }
.Ltmp3:
0x3a4: {  	s28 =	simm.s32 $0x18900;
	[sflag:s15] =	ssyncadd.s32 $0xFFFFFE00;
	(pc) =	sbr.rel @p0 .LBB2_1-.Ltmp3, $4  }
0x3a5: {  	[hbm4b:s13+s1] =	stream.linear.scatter [tilespmem:s28], [sflag:$0x4], $0x200, $0x38;
	[tilespmem:$0x18D00] =	vst v63  }
0x3a6: {  	_ =	swait.ge [sflag:s15], $0x200  }
0x3a7: {  	[sflag:s15] =	ssyncset.done $0x0  }
0x3a8: {  	[sflag:s15] =	ssyncadd.s32 $0xFFFFFE00  }
0x3a9: {  	_ =	sfence.sel $0x180000  }
0x3aa: {  	[bflag:$0x0] =	sbarrier.arrive $0xFFFF  }
0x3ab: {  	_ =	strace $0x90000047  }
0x3ac: {  	s0 =	stileid.u32;
	[bflag:$0x2] =	sbarrier.arrive $0xFFFF  }
0x3ad: {  	p0 =	sne.s32 s0, $0x0;
	s0 =	rddreg [dreg:$0x4]  }
0x3ae: {  	s0 =	sadd.s32 @!p0 $0x100000, s0  }
0x3af: {  	[sflag:s0] =	ssyncadd.tile.s32 @!p0 $0x1;
	_ =	shalt  }
.Lfunc_end2:
_tile_overlayer_lowered:
.L_overlay_start_2:
0x3b0: {  	(tag) =	ssettag $0x2  }
0x3b1: {  	s0 =	rddreg [dreg:$0x0];
	s2 =	stileid.u32  }
0x3b2: {  	s1 =	rddreg [dreg:$0x1];
	p0 =	sne.s32 s2, $0x0  }
0x3b3: {  	s3 =	rddreg [dreg:$0x2];
	[bflag:$0x3] =	sbarrier.arrive $0xFFFF;
	s2 =	simm.s32 @!p0 $0x1C04  }
0x3b4: {  	[timem:s3], [sflag:s2] =	dma.local @!p0 [hbm:s0], s1  }
0x3b5: {  	s0 =	simm.s32 @!p0 $0x4  }
0x3b6: {  	_ =	swait.ge @!p0 [sflag:s0], s1  }
0x3b7: {  	s1 =	ssub.s32 @!p0 $0x0, s1;
	[sflag:s0] =	ssyncset.done @!p0 $0x0  }
0x3b8: {  	[sflag:s0] =	ssyncadd.s32 @!p0 s1  }
0x3b9: {  	[bflag:$0x3] =	sbarrier.arrive $0xFFFF  }
0x3ba: {  	_ =	shalt  }

</sc_bundles>
